<compile_context>
chip_gen: v7x
topology: tpu7x:2x2x1
jax: 0.10.2.dev20260603
libtpu: 0.0.44.dev20260713+nightly
codegen_flags: <defaults>
</compile_context>

<pallas_src>
import functools

import jax
import jax.numpy as jnp
from jax import lax
from jax.experimental import pallas as pl
from jax.experimental.pallas import tpu as pltpu
from jax.experimental.pallas import tpu_sc as plsc

N = 50000
NS = 16
CH = 64
EPS = 1e-5
M = N * NS

NCHUNK = N // 8
NWORK = 32
BASE_C = NCHUNK // NWORK
EXTRA = NCHUNK - BASE_C * NWORK
MAXC = BASE_C + 1
NPAD = 50048

BR = 2000
GRID = N // BR
BRS = BR * NS

_f32 = jnp.float32
_bf16 = jnp.bfloat16


def _k0_body(x_ref, wq_ref, bq_ref, wk_ref, bk_ref, wv_ref, bv_ref,
             xq_ref, xk_ref, xv_ref):
    xb = x_ref[...]
    xq_ref[...] = jnp.dot(xb, wq_ref[...], preferred_element_type=_f32) + bq_ref[...]
    xk_ref[...] = (jnp.dot(xb, wk_ref[...], preferred_element_type=_f32)
                   + bk_ref[...]).astype(_bf16)
    xv_ref[...] = (jnp.dot(xb, wv_ref[...], preferred_element_type=_f32)
                   + bv_ref[...]).astype(_bf16)


def _proj(x, Wq, bq, Wk, bk, Wv, bv):
    blk = 2000
    grid = (N // blk,)
    row_spec = pl.BlockSpec((blk, CH), lambda i: (i, 0))
    w_spec = pl.BlockSpec((CH, CH), lambda i: (0, 0))
    b_spec = pl.BlockSpec((1, CH), lambda i: (0, 0))
    return pl.pallas_call(
        _k0_body,
        grid=grid,
        in_specs=[row_spec, w_spec, b_spec, w_spec, b_spec, w_spec, b_spec],
        out_specs=[row_spec, row_spec, row_spec],
        out_shape=[jax.ShapeDtypeStruct((N, CH), _f32),
                   jax.ShapeDtypeStruct((N, CH), _bf16),
                   jax.ShapeDtypeStruct((N, CH), _bf16)],
    )(x, Wq, bq.reshape(1, CH), Wk, bk.reshape(1, CH), Wv, bv.reshape(1, CH))


def _sc_work_split(wid):
    nc = BASE_C + jnp.where(wid < EXTRA, 1, 0)
    base = wid * BASE_C + jnp.minimum(wid, EXTRA)
    return nc, base


def _sc_idx_gxyz(p_pad, edges, boundary):
    mesh = plsc.VectorSubcoreMesh(core_axis_name="c", subcore_axis_name="s")

    @functools.partial(
        pl.kernel,
        mesh=mesh,
        compiler_params=pltpu.CompilerParams(
            needs_layout_passes=False, use_tc_tiling_on_sc=False),
        out_type=[
            jax.ShapeDtypeStruct((NCHUNK, 128), jnp.int32),
            jax.ShapeDtypeStruct((M, 16), _f32),
        ],
        scratch_types=[
            pltpu.VMEM((NPAD,), jnp.int32),
            pltpu.VMEM((MAXC, 128), jnp.int32),
            pltpu.VMEM((8, NS), jnp.int32),
            pltpu.VMEM((128, 16), _f32),
            pltpu.VMEM((8, 16), _f32),
            pltpu.VMEM((128, 16), _f32),
            pltpu.SemaphoreType.DMA,
        ],
    )
    def sc_kernel(p_hbm, edges_hbm, bnd_hbm,
                  idx_out, gxyz_out,
                  bnd_v, idx_v, edg_v, pg_v, selfp_v, gx_v, semp):
        wid = lax.axis_index("s") * 2 + lax.axis_index("c")
        nc, base = _sc_work_split(wid)

        pltpu.sync_copy(bnd_hbm, bnd_v.at[pl.ds(0, N)])

        def phase1(k, carry):
            g = base + k
            pltpu.sync_copy(edges_hbm.at[pl.ds(g * 8, 8)], edg_v)
            for pt in range(8):
                i = g * 8 + pt
                erow = edg_v[pt, :]
                self_vec = jnp.full((16,), i, jnp.int32)
                nb = plsc.load_gather(bnd_v, [erow])
                sb = plsc.load_gather(bnd_v, [self_vec])
                sel = jnp.where(nb == sb, erow, self_vec)
                idx_v[k, pl.ds(pt * 16, 16)] = sel
            return carry

        lax.fori_loop(0, nc, phase1, 0)
        pltpu.sync_copy(idx_v.at[pl.ds(0, BASE_C)],
                        idx_out.at[pl.ds(base, BASE_C)])

        @pl.when(wid < EXTRA)
        def _():
            pltpu.sync_copy(idx_v.at[pl.ds(BASE_C, 1)],
                            idx_out.at[pl.ds(base + BASE_C, 1)])

        def phase2(k, carry):
            g = base + k
            cp = pltpu.async_copy(p_hbm.at[idx_v.at[k]], pg_v, semp)
            pltpu.sync_copy(p_hbm.at[pl.ds(g * 8, 8)], selfp_v)
            cp.wait()
            for pt in range(8):
                srow = selfp_v[pt, :]
                for j in range(NS):
                    r = pt * NS + j
                    gx_v[r, :] = pg_v[r, :] - srow
            pltpu.sync_copy(gx_v, gxyz_out.at[pl.ds(g * 128, 128)])
            return carry

        lax.fori_loop(0, nc, phase2, 0)

    return sc_kernel(p_pad, edges, boundary)


def _sc_kv_gather(xk, xv, idx):
    mesh = plsc.VectorSubcoreMesh(core_axis_name="c", subcore_axis_name="s")

    @functools.partial(
        pl.kernel,
        mesh=mesh,
        compiler_params=pltpu.CompilerParams(
            needs_layout_passes=False, use_tc_tiling_on_sc=False),
        out_type=[
            jax.ShapeDtypeStruct((M, CH), _bf16),
            jax.ShapeDtypeStruct((M, CH), _bf16),
        ],
        scratch_types=[
            pltpu.VMEM((MAXC, 128), jnp.int32),
            pltpu.VMEM((128, CH), _bf16),
            pltpu.VMEM((128, CH), _bf16),
            pltpu.SemaphoreType.DMA,
            pltpu.SemaphoreType.DMA,
        ],
    )
    def sc_kernel(xk_hbm, xv_hbm, idx_hbm,
                  xkg_out, xvg_out,
                  idx_v, xkr_v, xvr_v, semk, semv):
        wid = lax.axis_index("s") * 2 + lax.axis_index("c")
        nc, base = _sc_work_split(wid)
        pltpu.sync_copy(idx_hbm.at[pl.ds(base, BASE_C)],
                        idx_v.at[pl.ds(0, BASE_C)])

        @pl.when(wid < EXTRA)
        def _():
            pltpu.sync_copy(idx_hbm.at[pl.ds(base + BASE_C, 1)],
                            idx_v.at[pl.ds(BASE_C, 1)])

        def phase2(k, carry):
            g = base + k
            ck = pltpu.async_copy(xk_hbm.at[idx_v.at[k]], xkr_v, semk)
            cv = pltpu.async_copy(xv_hbm.at[idx_v.at[k]], xvr_v, semv)
            ck.wait()
            pltpu.sync_copy(xkr_v, xkg_out.at[pl.ds(g * 128, 128)])
            cv.wait()
            pltpu.sync_copy(xvr_v, xvg_out.at[pl.ds(g * 128, 128)])
            return carry

        lax.fori_loop(0, nc, phase2, 0)

    return sc_kernel(xk, xv, idx)


def _acc(o_ref, blk):
    i = pl.program_id(0)

    @pl.when(i == 0)
    def _():
        o_ref[...] = blk

    @pl.when(i > 0)
    def _():
        o_ref[...] += blk


def _pr1024(g_ref, kp1_ref, a1_ref, c1_ref, kp2_ref, pb2_ref):
    r1 = jnp.dot(g_ref[...], kp1_ref[...], preferred_element_type=_f32)
    h1 = jnp.maximum(r1 * a1_ref[...] + c1_ref[...], 0.0)
    return jnp.dot(h1, kp2_ref[...], preferred_element_type=_f32) + pb2_ref[...]


def _w1024(g_ref, xk_ref, xq_ref, kp1_ref, a1_ref, c1_ref, kp2_ref, pb2_ref,
           t2_ref):
    pr = _pr1024(g_ref, kp1_ref, a1_ref, c1_ref, kp2_ref, pb2_ref)
    xqt = jnp.dot(xq_ref[...], t2_ref[...], preferred_element_type=_f32)
    return xk_ref[...].astype(_f32) - xqt + pr


def _k1_body(g_ref, kp1_ref, pb1_ref, f16_ref, o_ref):
    r1 = jnp.dot(g_ref[...], kp1_ref[...], preferred_element_type=_f32) + pb1_ref[...]
    s = jnp.dot(jnp.sum(r1, axis=0, keepdims=True), f16_ref[...],
                preferred_element_type=_f32)
    ss = jnp.dot(jnp.sum(r1 * r1, axis=0, keepdims=True), f16_ref[...],
                 preferred_element_type=_f32)
    _acc(o_ref, jnp.concatenate([s, ss, jnp.zeros((6, 16), _f32)], axis=0))


def _bn1_stats(g256, KP1, pb1t, F16):
    return pl.pallas_call(
        _k1_body,
        grid=(GRID,),
        in_specs=[
            pl.BlockSpec((BR, 256), lambda i: (i, 0)),
            pl.BlockSpec((256, 256), lambda i: (0, 0)),
            pl.BlockSpec((1, 256), lambda i: (0, 0)),
            pl.BlockSpec((256, 16), lambda i: (0, 0)),
        ],
        out_specs=pl.BlockSpec((8, 16), lambda i: (0, 0)),
        out_shape=jax.ShapeDtypeStruct((8, 16), _f32),
    )(g256, KP1, pb1t, F16)


def _k2_body(g_ref, xk_ref, xq_ref, kp1_ref, a1_ref, c1_ref, kp2_ref, pb2_ref,
             t2_ref, gm_ref, o_ref):
    w = _w1024(g_ref, xk_ref, xq_ref, kp1_ref, a1_ref, c1_ref, kp2_ref,
               pb2_ref, t2_ref)
    s = jnp.dot(jnp.sum(w, axis=0, keepdims=True), gm_ref[...],
                preferred_element_type=_f32)
    ss = jnp.dot(jnp.sum(w * w, axis=0, keepdims=True), gm_ref[...],
                 preferred_element_type=_f32)
    _acc(o_ref, jnp.concatenate([s, ss, jnp.zeros((6, CH), _f32)], axis=0))


def _bn2_stats(g256, xk1024, xq, KP1, A1t, C1t, KP2, pb2t, T2, GM):
    return pl.pallas_call(
        _k2_body,
        grid=(GRID,),
        in_specs=[
            pl.BlockSpec((BR, 256), lambda i: (i, 0)),
            pl.BlockSpec((BR, 1024), lambda i: (i, 0)),
            pl.BlockSpec((BR, CH), lambda i: (i, 0)),
            pl.BlockSpec((256, 256), lambda i: (0, 0)),
            pl.BlockSpec((1, 256), lambda i: (0, 0)),
            pl.BlockSpec((1, 256), lambda i: (0, 0)),
            pl.BlockSpec((256, 1024), lambda i: (0, 0)),
            pl.BlockSpec((1, 1024), lambda i: (0, 0)),
            pl.BlockSpec((CH, 1024), lambda i: (0, 0)),
            pl.BlockSpec((1024, CH), lambda i: (0, 0)),
        ],
        out_specs=pl.BlockSpec((8, CH), lambda i: (0, 0)),
        out_shape=jax.ShapeDtypeStruct((8, CH), _f32),
    )(g256, xk1024, xq, KP1, A1t, C1t, KP2, pb2t, T2, GM)


def _k3_body(g_ref, xk_ref, xq_ref, kp1_ref, a1_ref, c1_ref, kp2_ref, pb2_ref,
             t2_ref, a2_ref, c2_ref, kw1_ref, wb1_ref, f8_ref, h_ref, o_ref):
    w = _w1024(g_ref, xk_ref, xq_ref, kp1_ref, a1_ref, c1_ref, kp2_ref,
               pb2_ref, t2_ref)
    h2 = jnp.maximum(w * a2_ref[...] + c2_ref[...], 0.0)
    hp = jnp.dot(h2, kw1_ref[...], preferred_element_type=_f32) + wb1_ref[...]
    h_ref[...] = hp
    s = jnp.dot(jnp.sum(hp, axis=0, keepdims=True), f8_ref[...],
                preferred_element_type=_f32)
    ss = jnp.dot(jnp.sum(hp * hp, axis=0, keepdims=True), f8_ref[...],
                 preferred_element_type=_f32)
    _acc(o_ref, jnp.concatenate([s, ss, jnp.zeros((6, 8), _f32)], axis=0))


def _k3(g256, xk1024, xq, KP1, A1t, C1t, KP2, pb2t, T2, A2t, C2t, KW1, wb1t, F8):
    return pl.pallas_call(
        _k3_body,
        grid=(GRID,),
        in_specs=[
            pl.BlockSpec((BR, 256), lambda i: (i, 0)),
            pl.BlockSpec((BR, 1024), lambda i: (i, 0)),
            pl.BlockSpec((BR, CH), lambda i: (i, 0)),
            pl.BlockSpec((256, 256), lambda i: (0, 0)),
            pl.BlockSpec((1, 256), lambda i: (0, 0)),
            pl.BlockSpec((1, 256), lambda i: (0, 0)),
            pl.BlockSpec((256, 1024), lambda i: (0, 0)),
            pl.BlockSpec((1, 1024), lambda i: (0, 0)),
            pl.BlockSpec((CH, 1024), lambda i: (0, 0)),
            pl.BlockSpec((1, 1024), lambda i: (0, 0)),
            pl.BlockSpec((1, 1024), lambda i: (0, 0)),
            pl.BlockSpec((1024, 128), lambda i: (0, 0)),
            pl.BlockSpec((1, 128), lambda i: (0, 0)),
            pl.BlockSpec((128, 8), lambda i: (0, 0)),
        ],
        out_specs=[
            pl.BlockSpec((BR, 128), lambda i: (i, 0)),
            pl.BlockSpec((8, 8), lambda i: (0, 0)),
        ],
        out_shape=[
            jax.ShapeDtypeStruct((N, 128), _f32),
            jax.ShapeDtypeStruct((8, 8), _f32),
        ],
    )(g256, xk1024, xq, KP1, A1t, C1t, KP2, pb2t, T2, A2t, C2t, KW1, wb1t, F8)


def _k4_body(h_ref, g_ref, xv_ref, kp1_ref, a1_ref, c1_ref, kp2_ref, pb2_ref,
             a3_ref, c3_ref, wblk_ref, wb2_ref, dm_ref, em_ref, gm_ref, o_ref):
    h3 = jnp.maximum(h_ref[...] * a3_ref[...] + c3_ref[...], 0.0)
    lg = jnp.dot(h3, wblk_ref[...], preferred_element_type=_f32) + wb2_ref[...]
    mx = jnp.max(lg, axis=1, keepdims=True)
    e = jnp.exp(lg - mx)
    den = jnp.dot(e, dm_ref[...], preferred_element_type=_f32)
    sm = e / den
    wt = jnp.dot(sm, em_ref[...], preferred_element_type=_f32)
    pr = _pr1024(g_ref, kp1_ref, a1_ref, c1_ref, kp2_ref, pb2_ref)
    vw = (xv_ref[...].astype(_f32) + pr) * wt
    o_ref[...] = jnp.dot(vw, gm_ref[...], preferred_element_type=_f32)


def _k4(hpre, g256, xv1024, KP1, A1t, C1t, KP2, pb2t, a3t, c3t,
        Wblk, wb2t, DM, EM, GM):
    return pl.pallas_call(
        _k4_body,
        grid=(GRID,),
        in_specs=[
            pl.BlockSpec((BR, 128), lambda i: (i, 0)),
            pl.BlockSpec((BR, 256), lambda i: (i, 0)),
            pl.BlockSpec((BR, 1024), lambda i: (i, 0)),
            pl.BlockSpec((256, 256), lambda i: (0, 0)),
            pl.BlockSpec((1, 256), lambda i: (0, 0)),
            pl.BlockSpec((1, 256), lambda i: (0, 0)),
            pl.BlockSpec((256, 1024), lambda i: (0, 0)),
            pl.BlockSpec((1, 1024), lambda i: (0, 0)),
            pl.BlockSpec((1, 128), lambda i: (0, 0)),
            pl.BlockSpec((1, 128), lambda i: (0, 0)),
            pl.BlockSpec((128, 128), lambda i: (0, 0)),
            pl.BlockSpec((1, 128), lambda i: (0, 0)),
            pl.BlockSpec((128, 128), lambda i: (0, 0)),
            pl.BlockSpec((128, 1024), lambda i: (0, 0)),
            pl.BlockSpec((1024, CH), lambda i: (0, 0)),
        ],
        out_specs=pl.BlockSpec((BR, CH), lambda i: (i, 0)),
        out_shape=jax.ShapeDtypeStruct((N, CH), _f32),
    )(hpre, g256, xv1024, KP1, A1t, C1t, KP2, pb2t, a3t, c3t,
      Wblk, wb2t, DM, EM, GM)


def kernel(p, x, o, edges, boundary, Wq, bq, Wk, bk, Wv, bv, pW1, pb1, pg,
           pbeta, pW2, pb2, wg1, wbeta1, wW1, wb1, wg2, wbeta2, wW2, wb2):
    p_pad = jnp.pad(p, ((0, 0), (0, 13)))
    edges = edges.astype(jnp.int32)
    boundary = boundary.astype(jnp.int32)

    xq, xk, xv = _proj(x, Wq, bq, Wk, bk, Wv, bv)
    idx, gxyz2 = _sc_idx_gxyz(p_pad, edges, boundary)
    xkg2, xvg2 = _sc_kv_gather(xk, xv, idx)
    g256 = gxyz2.reshape(N, 256)
    xk1024 = xkg2.reshape(N, NS * CH)
    xv1024 = xvg2.reshape(N, NS * CH)

    pW1p = jnp.zeros((16, 16), _f32).at[:3, :3].set(pW1)
    pb1p = jnp.zeros((16,), _f32).at[:3].set(pb1)
    pW2p = jnp.zeros((16, CH), _f32).at[:3].set(pW2)
    pgp = jnp.ones((16,), _f32).at[:3].set(pg)
    pbp = jnp.zeros((16,), _f32).at[:3].set(pbeta)

    I8 = jnp.eye(8, dtype=_f32)
    I16 = jnp.eye(16, dtype=_f32)
    I64 = jnp.eye(CH, dtype=_f32)
    KP1 = jnp.kron(I16, pW1p)
    KP2 = jnp.kron(I16, pW2p)
    T2 = jnp.kron(jnp.ones((1, 16), _f32), I64)
    GM = jnp.kron(jnp.ones((16, 1), _f32), I64)
    F8 = jnp.kron(jnp.ones((16, 1), _f32), I8)
    F16 = jnp.kron(jnp.ones((16, 1), _f32), I16)
    KW1 = jnp.kron(I16, wW1)
    Wblk = jnp.kron(I16, wW2)
    DM = jnp.kron(jnp.ones((16, 16), _f32), I8)
    EM = jnp.kron(I16, jnp.kron(jnp.ones((1, 8), _f32), I8))
    pb1t = jnp.tile(pb1p, 16).reshape(1, 256)

    st1 = _bn1_stats(g256, KP1, pb1t, F16)
    m1 = st1[0] / M
    v1 = st1[1] / M - m1 * m1
    a1 = pgp / jnp.sqrt(v1 + EPS)
    c1 = pbp - m1 * a1
    C1 = c1 + a1 * pb1p
    A1t = jnp.tile(a1, 16).reshape(1, 256)
    C1t = jnp.tile(C1, 16).reshape(1, 256)
    pb2t = jnp.tile(pb2, 16).reshape(1, 1024)

    st2 = _bn2_stats(g256, xk1024, xq, KP1, A1t, C1t, KP2, pb2t, T2, GM)
    m2 = st2[0] / M
    v2 = st2[1] / M - m2 * m2
    a2 = wg1 / jnp.sqrt(v2 + EPS)
    c2 = wbeta1 - m2 * a2
    A2t = jnp.tile(a2, 16).reshape(1, 1024)
    C2t = jnp.tile(c2, 16).reshape(1, 1024)

    hpre, st3 = _k3(g256, xk1024, xq, KP1, A1t, C1t, KP2, pb2t, T2,
                    A2t, C2t, KW1, jnp.tile(wb1, 16).reshape(1, 128), F8)
    m3 = st3[0] / M
    v3 = st3[1] / M - m3 * m3
    a3 = wg2 / jnp.sqrt(v3 + EPS)
    c3 = wbeta2 - m3 * a3
    a3t = jnp.tile(a3, 16).reshape(1, 128)
    c3t = jnp.tile(c3, 16).reshape(1, 128)
    wb2t = jnp.tile(wb2, 16).reshape(1, 128)

    return _k4(hpre, g256, xv1024, KP1, A1t, C1t, KP2, pb2t, a3t, c3t,
               Wblk, wb2t, DM, EM, GM)

# --- scband reference (transcript-rebuilt; emitter-appended) ---
"""Pipeline reference for scband-boundary-transformer-layer-1623497638699 (READ-ONLY COPY).

The authoritative reference and input builder live on the scoring server;
editing this copy changes nothing except your own understanding.
"""

import jax, jax.numpy as jnp
import numpy as np

N = 50000
C_IN = 64
C_OUT = 64
MID = 64
SHARE = 8
NSAMPLE = 16


def _bn(t, gamma, beta, eps=1e-5):
    # BatchNorm1d in training mode over (N, C, L): stats over axes (0, 2)
    mean = jnp.mean(t, axis=(0, 2), keepdims=True)
    var = jnp.var(t, axis=(0, 2), keepdims=True)
    tn = (t - mean) / jnp.sqrt(var + eps)
    return gamma.reshape(1, -1, 1) * tn + beta.reshape(1, -1, 1)


def _forward(p, x, Wq, bq, Wk, bk, Wv, bv, pW1, pb1, pg, pbeta, pW2, pb2, wg1, wbeta1, wW1, wb1, wg2, wbeta2, wW2, wb2, edges, boundary):
    n = x.shape[0]
    x_q = x @ Wq + bq
    x_k = x @ Wk + bk
    x_v = x @ Wv + bv
    # boundary-aware neighbor query: keep candidate edge j for point i only if
    # boundary labels match; otherwise fall back to the point itself (self-loop)
    self_idx = jnp.arange(n, dtype=edges.dtype)[:, None]
    same = boundary[edges] == boundary[:, None]
    idx = jnp.where(same, edges, self_idx)  # (n, nsample)
    grouped_xyz = jnp.take(p, idx, axis=0) - p[:, None, :]  # (n, ns, 3)
    xk_g = jnp.take(x_k, idx, axis=0)  # (n, ns, mid)
    xv_g = jnp.take(x_v, idx, axis=0)  # (n, ns, out)
    # linear_p: Linear(3,3) -> BN(3) (transposed) -> ReLU -> Linear(3,out)
    p_r = grouped_xyz @ pW1 + pb1
    p_r = jnp.transpose(_bn(jnp.transpose(p_r, (0, 2, 1)), pg, pbeta), (0, 2, 1))
    p_r = jax.nn.relu(p_r)
    p_r = p_r @ pW2 + pb2  # (n, ns, out)
    w = xk_g - x_q[:, None, :] + p_r.reshape(n, NSAMPLE, C_OUT // MID, MID).sum(2)
    # linear_w: BN(mid) -> ReLU -> Linear(mid, mid//s) -> BN(mid//s) -> ReLU -> Linear(out//s, out//s)
    w = jnp.transpose(_bn(jnp.transpose(w, (0, 2, 1)), wg1, wbeta1), (0, 2, 1))
    w = jax.nn.relu(w)
    w = w @ wW1 + wb1
    w = jnp.transpose(_bn(jnp.transpose(w, (0, 2, 1)), wg2, wbeta2), (0, 2, 1))
    w = jax.nn.relu(w)
    w = w @ wW2 + wb2
    w = jax.nn.softmax(w, axis=1)  # softmax over nsample
    out = ((xv_g + p_r).reshape(n, NSAMPLE, SHARE, C_OUT // SHARE) * w[:, :, None, :]).sum(1).reshape(n, C_OUT)
    return out


def setup_inputs(seed: int = 0):
    key = jax.random.key(seed)
    ks = jax.random.split(key, 16)

    def rn(k, shape, scale=0.05):
        return jax.random.normal(k, shape, dtype=jnp.float32) * scale

    inp = {}
    inp["p"] = jax.random.uniform(ks[0], (N, 3), dtype=jnp.float32)
    inp["x"] = jax.random.normal(ks[1], (N, C_IN), dtype=jnp.float32)
    inp["o"] = jnp.array([N], dtype=jnp.int32)
    inp["edges"] = jax.random.randint(ks[2], (N, NSAMPLE), 0, N)
    inp["boundary"] = jax.random.randint(ks[3], (N,), 0, 2)
    inp["Wq"] = rn(ks[4], (C_IN, MID)); inp["bq"] = jnp.zeros((MID,), jnp.float32)
    inp["Wk"] = rn(ks[5], (C_IN, MID)); inp["bk"] = jnp.zeros((MID,), jnp.float32)
    inp["Wv"] = rn(ks[6], (C_IN, C_OUT)); inp["bv"] = jnp.zeros((C_OUT,), jnp.float32)
    inp["pW1"] = rn(ks[7], (3, 3)); inp["pb1"] = jnp.zeros((3,), jnp.float32)
    inp["pg"] = jnp.ones((3,), jnp.float32); inp["pbeta"] = jnp.zeros((3,), jnp.float32)
    inp["pW2"] = rn(ks[8], (3, C_OUT)); inp["pb2"] = jnp.zeros((C_OUT,), jnp.float32)
    inp["wg1"] = jnp.ones((MID,), jnp.float32); inp["wbeta1"] = jnp.zeros((MID,), jnp.float32)
    inp["wW1"] = rn(ks[9], (MID, MID // SHARE)); inp["wb1"] = jnp.zeros((MID // SHARE,), jnp.float32)
    inp["wg2"] = jnp.ones((MID // SHARE,), jnp.float32); inp["wbeta2"] = jnp.zeros((MID // SHARE,), jnp.float32)
    inp["wW2"] = rn(ks[10], (C_OUT // SHARE, C_OUT // SHARE)); inp["wb2"] = jnp.zeros((C_OUT // SHARE,), jnp.float32)
    return inp


def reference(p, x, o, edges, boundary, Wq, bq, Wk, bk, Wv, bv, pW1, pb1, pg, pbeta, pW2, pb2, wg1, wbeta1, wW1, wb1, wg2, wbeta2, wW2, wb2):
    # o (batch offsets) only affects the native boundaryquery CUDA op; single batch here
    return _forward(p, x, Wq, bq, Wk, bk, Wv, bv, pW1, pb1, pg, pbeta, pW2, pb2, wg1, wbeta1, wW1, wb1, wg2, wbeta2, wW2, wb2, edges, boundary)

if __name__ == "__main__":
    import jax
    _d = setup_inputs()
    print(jax.jit(kernel)(*tuple(_d.values())))

</pallas_src>

<mosaic_0001>
#map = affine_map<(d0, d1) -> (0, 0)>
module attributes {stable_mosaic.version = 14 : i64} {
  func.func @sc_kernel(%arg0: i32, %arg1: i32, %arg2: memref<50000x64xbf16, #tpu.memory_space<hbm>>, %arg3: memref<50000x64xbf16, #tpu.memory_space<hbm>>, %arg4: memref<6250x128xi32, #tpu.memory_space<hbm>>, %arg5: memref<800000x64xbf16, #tpu.memory_space<hbm>>, %arg6: memref<800000x64xbf16, #tpu.memory_space<hbm>>, %arg7: memref<196x128xi32, #tpu.memory_space<vmem>>, %arg8: memref<128x64xbf16, #tpu.memory_space<vmem>>, %arg9: memref<128x64xbf16, #tpu.memory_space<vmem>>, %arg10: memref<!tpu.dma_semaphore, #tpu.memory_space<semaphore_mem>>, %arg11: memref<!tpu.dma_semaphore, #tpu.memory_space<semaphore_mem>>) attributes {dimension_semantics = [#tpu.dimension_semantics<core_parallel>, #tpu.dimension_semantics<subcore_parallel>], iteration_bounds = array<i64: 2, 16>, scalar_prefetch = 0 : i64, scratch_operands = 5 : i64, tpu.core_type = #tpu.core_type<sc_vector_subcore>, window_params = [{transform_indices = #map}, {transform_indices = #map}, {transform_indices = #map}, {transform_indices = #map}, {transform_indices = #map}]} {
    %mul3A = arith.constant 2 : i32
    %mul3A_0 = arith.muli %arg1, %mul3A : i32
    %add3A = arith.addi %mul3A_0, %arg0 : i32
    %lt3A = arith.constant 10 : i32
    %lt3A_1 = arith.cmpi slt, %add3A, %lt3A : i32
    %jit3A = arith.constant 1 : i32
    %jit3A_2 = arith.constant 0 : i32
    %select_n3A = arith.select %lt3A_1, %jit3A, %jit3A_2 : i32
    %add3A_3 = arith.constant 195 : i32
    %add3A_4 = arith.addi %add3A_3, %select_n3A : i32
    %mul3A_5 = arith.constant 195 : i32
    %mul3A_6 = arith.muli %add3A, %mul3A_5 : i32
    %min3A = arith.constant 10 : i32
    %min3A_7 = arith.minsi %add3A, %min3A : i32
    %add3A_8 = arith.addi %mul3A_6, %min3A_7 : i32
    "tpu.region"() ({
      %run_scoped3A = tpu.sem_alloc : memref<!tpu.dma_semaphore, #tpu.memory_space<semaphore_mem>>
      %dma_start3A = arith.constant 0 : i32
      %dma_start3A_21 = arith.constant 0 : i32
      %dma_start3A_22 = tpu.memref_slice %arg7[%dma_start3A, %dma_start3A_21] : memref<196x128xi32, #tpu.memory_space<vmem>> -> memref<195x128xi32, #tpu.memory_space<vmem>>
      %dma_start3A_23 = arith.constant 0 : i32
      %dma_start3A_24 = tpu.memref_slice %arg4[%add3A_8, %dma_start3A_23] : memref<6250x128xi32, #tpu.memory_space<hbm>> -> memref<195x128xi32, #tpu.memory_space<hbm>>
      %dma_start3A_25 = arith.constant 0 : i32
      %dma_start3A_26 = arith.constant 0 : i32
      %dma_start3A_27 = tpu.memref_slice %arg7[%dma_start3A_25, %dma_start3A_26] : memref<196x128xi32, #tpu.memory_space<vmem>> -> memref<195x128xi32, #tpu.memory_space<vmem>>
      %dma_start3A_28 = arith.constant 0 : i32
      %dma_start3A_29 = tpu.memref_slice %arg4[%add3A_8, %dma_start3A_28] : memref<6250x128xi32, #tpu.memory_space<hbm>> -> memref<195x128xi32, #tpu.memory_space<hbm>>
      tpu.enqueue_dma source(%dma_start3A_29 : memref<195x128xi32, #tpu.memory_space<hbm>>) target(%dma_start3A_27 : memref<195x128xi32, #tpu.memory_space<vmem>>) target_semaphore(%run_scoped3A : memref<!tpu.dma_semaphore, #tpu.memory_space<semaphore_mem>>)
      %dma_wait3A = arith.constant 0 : i32
      %dma_wait3A_30 = arith.constant 0 : i32
      %dma_wait3A_31 = tpu.memref_slice %arg7[%dma_wait3A, %dma_wait3A_30] : memref<196x128xi32, #tpu.memory_space<vmem>> -> memref<195x128xi32, #tpu.memory_space<vmem>>
      %dma_wait3A_32 = arith.constant 0 : i32
      %dma_wait3A_33 = tpu.memref_slice %arg4[%add3A_8, %dma_wait3A_32] : memref<6250x128xi32, #tpu.memory_space<hbm>> -> memref<195x128xi32, #tpu.memory_space<hbm>>
      %dma_wait3A_34 = arith.constant 0 : i32
      %dma_wait3A_35 = arith.constant 0 : i32
      %dma_wait3A_36 = tpu.memref_slice %arg7[%dma_wait3A_34, %dma_wait3A_35] : memref<196x128xi32, #tpu.memory_space<vmem>> -> memref<195x128xi32, #tpu.memory_space<vmem>>
      %dma_wait3A_37 = arith.constant 0 : i32
      %dma_wait3A_38 = tpu.memref_slice %arg4[%add3A_8, %dma_wait3A_37] : memref<6250x128xi32, #tpu.memory_space<hbm>> -> memref<195x128xi32, #tpu.memory_space<hbm>>
      tpu.wait_dma2 semaphore(%run_scoped3A : memref<!tpu.dma_semaphore, #tpu.memory_space<semaphore_mem>>) src(%dma_wait3A_38 : memref<195x128xi32, #tpu.memory_space<hbm>>) dst(%dma_wait3A_36 : memref<195x128xi32, #tpu.memory_space<vmem>>)
      tpu.yield
    }) : () -> ()
    %lt3A_9 = arith.constant 10 : i32
    %lt3A_10 = arith.cmpi slt, %add3A, %lt3A_9 : i32
    %convert_element_type3A = arith.extui %lt3A_10 : i1 to i32
    %cond3A = arith.constant 0 : i32
    %cond3A_11 = arith.cmpi ne, %convert_element_type3A, %cond3A : i32
    scf.if %cond3A_11 {
      %add3A_21 = arith.constant 195 : i32
      %add3A_22 = arith.addi %add3A_8, %add3A_21 : i32
      "tpu.region"() ({
        %run_scoped3A = tpu.sem_alloc : memref<!tpu.dma_semaphore, #tpu.memory_space<semaphore_mem>>
        %dma_start3A = arith.constant 195 : i32
        %dma_start3A_23 = arith.constant 0 : i32
        %dma_start3A_24 = tpu.memref_slice %arg7[%dma_start3A, %dma_start3A_23] : memref<196x128xi32, #tpu.memory_space<vmem>> -> memref<1x128xi32, #tpu.memory_space<vmem>>
        %dma_start3A_25 = arith.constant 0 : i32
        %dma_start3A_26 = tpu.memref_slice %arg4[%add3A_22, %dma_start3A_25] : memref<6250x128xi32, #tpu.memory_space<hbm>> -> memref<1x128xi32, #tpu.memory_space<hbm>>
        %dma_start3A_27 = arith.constant 195 : i32
        %dma_start3A_28 = arith.constant 0 : i32
        %dma_start3A_29 = tpu.memref_slice %arg7[%dma_start3A_27, %dma_start3A_28] : memref<196x128xi32, #tpu.memory_space<vmem>> -> memref<1x128xi32, #tpu.memory_space<vmem>>
        %dma_start3A_30 = arith.constant 0 : i32
        %dma_start3A_31 = tpu.memref_slice %arg4[%add3A_22, %dma_start3A_30] : memref<6250x128xi32, #tpu.memory_space<hbm>> -> memref<1x128xi32, #tpu.memory_space<hbm>>
        tpu.enqueue_dma source(%dma_start3A_31 : memref<1x128xi32, #tpu.memory_space<hbm>>) target(%dma_start3A_29 : memref<1x128xi32, #tpu.memory_space<vmem>>) target_semaphore(%run_scoped3A : memref<!tpu.dma_semaphore, #tpu.memory_space<semaphore_mem>>)
        %dma_wait3A = arith.constant 195 : i32
        %dma_wait3A_32 = arith.constant 0 : i32
        %dma_wait3A_33 = tpu.memref_slice %arg7[%dma_wait3A, %dma_wait3A_32] : memref<196x128xi32, #tpu.memory_space<vmem>> -> memref<1x128xi32, #tpu.memory_space<vmem>>
        %dma_wait3A_34 = arith.constant 0 : i32
        %dma_wait3A_35 = tpu.memref_slice %arg4[%add3A_22, %dma_wait3A_34] : memref<6250x128xi32, #tpu.memory_space<hbm>> -> memref<1x128xi32, #tpu.memory_space<hbm>>
        %dma_wait3A_36 = arith.constant 195 : i32
        %dma_wait3A_37 = arith.constant 0 : i32
        %dma_wait3A_38 = tpu.memref_slice %arg7[%dma_wait3A_36, %dma_wait3A_37] : memref<196x128xi32, #tpu.memory_space<vmem>> -> memref<1x128xi32, #tpu.memory_space<vmem>>
        %dma_wait3A_39 = arith.constant 0 : i32
        %dma_wait3A_40 = tpu.memref_slice %arg4[%add3A_22, %dma_wait3A_39] : memref<6250x128xi32, #tpu.memory_space<hbm>> -> memref<1x128xi32, #tpu.memory_space<hbm>>
        tpu.wait_dma2 semaphore(%run_scoped3A : memref<!tpu.dma_semaphore, #tpu.memory_space<semaphore_mem>>) src(%dma_wait3A_40 : memref<1x128xi32, #tpu.memory_space<hbm>>) dst(%dma_wait3A_38 : memref<1x128xi32, #tpu.memory_space<vmem>>)
        tpu.yield
      }) : () -> ()
    } else {
    }
    %while3A = arith.constant 0 : i32
    %while3A_12 = arith.constant 0 : i32
    %while3A_13 = arith.subi %add3A_4, %while3A_12 : i32
    %while3A_14 = arith.addi %while3A_12, %while3A_13 : i32
    %while3A_15 = arith.constant 1 : i32
    %while3A_16 = arith.divsi %while3A_13, %while3A_15 : i32
    %while3A_17 = arith.muli %while3A_16, %while3A_15 : i32
    %while3A_18 = arith.addi %while3A_12, %while3A_17 : i32
    %while3A_19 = arith.constant 1 : i32
    scf.for %while3A_21 = %while3A_12 to %while3A_18 step %while3A_19  : i32 {
      %add3A_22 = arith.addi %add3A_8, %while3A_21 : i32
      %dma_start3A = arith.constant 0 : i32
      %dma_start3A_23 = tpu.memref_slice %arg7[%while3A_21, %dma_start3A] : memref<196x128xi32, #tpu.memory_space<vmem>> -> memref<1x128xi32, #tpu.memory_space<vmem>>
      %dma_start3A_24 = tpu.memref_squeeze %dma_start3A_23 : memref<1x128xi32, #tpu.memory_space<vmem>> -> memref<128xi32, #tpu.memory_space<vmem>>
      %dma_start3A_25 = arith.constant 0 : i32
      %dma_start3A_26 = arith.constant 0 : i32
      %dma_start3A_27 = tpu.memref_slice %arg2[%dma_start3A_25, %dma_start3A_26] : memref<50000x64xbf16, #tpu.memory_space<hbm>> -> memref<50000x64xbf16, #tpu.memory_space<hbm>>
      tpu.enqueue_indirect_dma source(%dma_start3A_27 : memref<50000x64xbf16, #tpu.memory_space<hbm>>) target(%arg8 : memref<128x64xbf16, #tpu.memory_space<vmem>>) offsets(%dma_start3A_24 : memref<128xi32, #tpu.memory_space<vmem>>) semaphore(%arg10 : memref<!tpu.dma_semaphore, #tpu.memory_space<semaphore_mem>>)
      %dma_start3A_28 = arith.constant 0 : i32
      %dma_start3A_29 = tpu.memref_slice %arg7[%while3A_21, %dma_start3A_28] : memref<196x128xi32, #tpu.memory_space<vmem>> -> memref<1x128xi32, #tpu.memory_space<vmem>>
      %dma_start3A_30 = tpu.memref_squeeze %dma_start3A_29 : memref<1x128xi32, #tpu.memory_space<vmem>> -> memref<128xi32, #tpu.memory_space<vmem>>
      %dma_start3A_31 = arith.constant 0 : i32
      %dma_start3A_32 = arith.constant 0 : i32
      %dma_start3A_33 = tpu.memref_slice %arg3[%dma_start3A_31, %dma_start3A_32] : memref<50000x64xbf16, #tpu.memory_space<hbm>> -> memref<50000x64xbf16, #tpu.memory_space<hbm>>
      tpu.enqueue_indirect_dma source(%dma_start3A_33 : memref<50000x64xbf16, #tpu.memory_space<hbm>>) target(%arg9 : memref<128x64xbf16, #tpu.memory_space<vmem>>) offsets(%dma_start3A_30 : memref<128xi32, #tpu.memory_space<vmem>>) semaphore(%arg11 : memref<!tpu.dma_semaphore, #tpu.memory_space<semaphore_mem>>)
      %dma_wait3A = arith.constant 0 : i32
      %dma_wait3A_34 = tpu.memref_slice %arg7[%while3A_21, %dma_wait3A] : memref<196x128xi32, #tpu.memory_space<vmem>> -> memref<1x128xi32, #tpu.memory_space<vmem>>
      %dma_wait3A_35 = tpu.memref_squeeze %dma_wait3A_34 : memref<1x128xi32, #tpu.memory_space<vmem>> -> memref<128xi32, #tpu.memory_space<vmem>>
      %dma_wait3A_36 = arith.constant 0 : i32
      %dma_wait3A_37 = arith.constant 0 : i32
      %dma_wait3A_38 = tpu.memref_slice %arg2[%dma_wait3A_36, %dma_wait3A_37] : memref<50000x64xbf16, #tpu.memory_space<hbm>> -> memref<50000x64xbf16, #tpu.memory_space<hbm>>
      tpu.wait_indirect_dma semaphore(%arg10 : memref<!tpu.dma_semaphore, #tpu.memory_space<semaphore_mem>>) src(%dma_wait3A_38 : memref<50000x64xbf16, #tpu.memory_space<hbm>>) dst(%arg8 : memref<128x64xbf16, #tpu.memory_space<vmem>>)
      %mul3A_39 = arith.constant 128 : i32
      %mul3A_40 = arith.muli %add3A_22, %mul3A_39 : i32
      "tpu.region"() ({
        %run_scoped3A = tpu.sem_alloc : memref<!tpu.dma_semaphore, #tpu.memory_space<semaphore_mem>>
        %dma_start3A_49 = arith.constant 0 : i32
        %dma_start3A_50 = tpu.memref_slice %arg5[%mul3A_40, %dma_start3A_49] : memref<800000x64xbf16, #tpu.memory_space<hbm>> -> memref<128x64xbf16, #tpu.memory_space<hbm>>
        %dma_start3A_51 = arith.constant 0 : i32
        %dma_start3A_52 = tpu.memref_slice %arg5[%mul3A_40, %dma_start3A_51] : memref<800000x64xbf16, #tpu.memory_space<hbm>> -> memref<128x64xbf16, #tpu.memory_space<hbm>>
        tpu.enqueue_dma source(%arg8 : memref<128x64xbf16, #tpu.memory_space<vmem>>) target(%dma_start3A_52 : memref<128x64xbf16, #tpu.memory_space<hbm>>) target_semaphore(%run_scoped3A : memref<!tpu.dma_semaphore, #tpu.memory_space<semaphore_mem>>)
        %dma_wait3A_53 = arith.constant 0 : i32
        %dma_wait3A_54 = tpu.memref_slice %arg5[%mul3A_40, %dma_wait3A_53] : memref<800000x64xbf16, #tpu.memory_space<hbm>> -> memref<128x64xbf16, #tpu.memory_space<hbm>>
        %dma_wait3A_55 = arith.constant 0 : i32
        %dma_wait3A_56 = tpu.memref_slice %arg5[%mul3A_40, %dma_wait3A_55] : memref<800000x64xbf16, #tpu.memory_space<hbm>> -> memref<128x64xbf16, #tpu.memory_space<hbm>>
        tpu.wait_dma2 semaphore(%run_scoped3A : memref<!tpu.dma_semaphore, #tpu.memory_space<semaphore_mem>>) src(%arg8 : memref<128x64xbf16, #tpu.memory_space<vmem>>) dst(%dma_wait3A_56 : memref<128x64xbf16, #tpu.memory_space<hbm>>)
        tpu.yield
      }) : () -> ()
      %dma_wait3A_41 = arith.constant 0 : i32
      %dma_wait3A_42 = tpu.memref_slice %arg7[%while3A_21, %dma_wait3A_41] : memref<196x128xi32, #tpu.memory_space<vmem>> -> memref<1x128xi32, #tpu.memory_space<vmem>>
      %dma_wait3A_43 = tpu.memref_squeeze %dma_wait3A_42 : memref<1x128xi32, #tpu.memory_space<vmem>> -> memref<128xi32, #tpu.memory_space<vmem>>
      %dma_wait3A_44 = arith.constant 0 : i32
      %dma_wait3A_45 = arith.constant 0 : i32
      %dma_wait3A_46 = tpu.memref_slice %arg3[%dma_wait3A_44, %dma_wait3A_45] : memref<50000x64xbf16, #tpu.memory_space<hbm>> -> memref<50000x64xbf16, #tpu.memory_space<hbm>>
      tpu.wait_indirect_dma semaphore(%arg11 : memref<!tpu.dma_semaphore, #tpu.memory_space<semaphore_mem>>) src(%dma_wait3A_46 : memref<50000x64xbf16, #tpu.memory_space<hbm>>) dst(%arg9 : memref<128x64xbf16, #tpu.memory_space<vmem>>)
      %mul3A_47 = arith.constant 128 : i32
      %mul3A_48 = arith.muli %add3A_22, %mul3A_47 : i32
      "tpu.region"() ({
        %run_scoped3A = tpu.sem_alloc : memref<!tpu.dma_semaphore, #tpu.memory_space<semaphore_mem>>
        %dma_start3A_49 = arith.constant 0 : i32
        %dma_start3A_50 = tpu.memref_slice %arg6[%mul3A_48, %dma_start3A_49] : memref<800000x64xbf16, #tpu.memory_space<hbm>> -> memref<128x64xbf16, #tpu.memory_space<hbm>>
        %dma_start3A_51 = arith.constant 0 : i32
        %dma_start3A_52 = tpu.memref_slice %arg6[%mul3A_48, %dma_start3A_51] : memref<800000x64xbf16, #tpu.memory_space<hbm>> -> memref<128x64xbf16, #tpu.memory_space<hbm>>
        tpu.enqueue_dma source(%arg9 : memref<128x64xbf16, #tpu.memory_space<vmem>>) target(%dma_start3A_52 : memref<128x64xbf16, #tpu.memory_space<hbm>>) target_semaphore(%run_scoped3A : memref<!tpu.dma_semaphore, #tpu.memory_space<semaphore_mem>>)
        %dma_wait3A_53 = arith.constant 0 : i32
        %dma_wait3A_54 = tpu.memref_slice %arg6[%mul3A_48, %dma_wait3A_53] : memref<800000x64xbf16, #tpu.memory_space<hbm>> -> memref<128x64xbf16, #tpu.memory_space<hbm>>
        %dma_wait3A_55 = arith.constant 0 : i32
        %dma_wait3A_56 = tpu.memref_slice %arg6[%mul3A_48, %dma_wait3A_55] : memref<800000x64xbf16, #tpu.memory_space<hbm>> -> memref<128x64xbf16, #tpu.memory_space<hbm>>
        tpu.wait_dma2 semaphore(%run_scoped3A : memref<!tpu.dma_semaphore, #tpu.memory_space<semaphore_mem>>) src(%arg9 : memref<128x64xbf16, #tpu.memory_space<vmem>>) dst(%dma_wait3A_56 : memref<128x64xbf16, #tpu.memory_space<hbm>>)
        tpu.yield
      }) : () -> ()
    }
    %while3A_20 = arith.constant 1 : i32
    scf.for %while3A_21 = %while3A_18 to %while3A_14 step %while3A_20  : i32 {
      %add3A_22 = arith.addi %add3A_8, %while3A_21 : i32
      %dma_start3A = arith.constant 0 : i32
      %dma_start3A_23 = tpu.memref_slice %arg7[%while3A_21, %dma_start3A] : memref<196x128xi32, #tpu.memory_space<vmem>> -> memref<1x128xi32, #tpu.memory_space<vmem>>
      %dma_start3A_24 = tpu.memref_squeeze %dma_start3A_23 : memref<1x128xi32, #tpu.memory_space<vmem>> -> memref<128xi32, #tpu.memory_space<vmem>>
      %dma_start3A_25 = arith.constant 0 : i32
      %dma_start3A_26 = arith.constant 0 : i32
      %dma_start3A_27 = tpu.memref_slice %arg2[%dma_start3A_25, %dma_start3A_26] : memref<50000x64xbf16, #tpu.memory_space<hbm>> -> memref<50000x64xbf16, #tpu.memory_space<hbm>>
      tpu.enqueue_indirect_dma source(%dma_start3A_27 : memref<50000x64xbf16, #tpu.memory_space<hbm>>) target(%arg8 : memref<128x64xbf16, #tpu.memory_space<vmem>>) offsets(%dma_start3A_24 : memref<128xi32, #tpu.memory_space<vmem>>) semaphore(%arg10 : memref<!tpu.dma_semaphore, #tpu.memory_space<semaphore_mem>>)
      %dma_start3A_28 = arith.constant 0 : i32
      %dma_start3A_29 = tpu.memref_slice %arg7[%while3A_21, %dma_start3A_28] : memref<196x128xi32, #tpu.memory_space<vmem>> -> memref<1x128xi32, #tpu.memory_space<vmem>>
      %dma_start3A_30 = tpu.memref_squeeze %dma_start3A_29 : memref<1x128xi32, #tpu.memory_space<vmem>> -> memref<128xi32, #tpu.memory_space<vmem>>
      %dma_start3A_31 = arith.constant 0 : i32
      %dma_start3A_32 = arith.constant 0 : i32
      %dma_start3A_33 = tpu.memref_slice %arg3[%dma_start3A_31, %dma_start3A_32] : memref<50000x64xbf16, #tpu.memory_space<hbm>> -> memref<50000x64xbf16, #tpu.memory_space<hbm>>
      tpu.enqueue_indirect_dma source(%dma_start3A_33 : memref<50000x64xbf16, #tpu.memory_space<hbm>>) target(%arg9 : memref<128x64xbf16, #tpu.memory_space<vmem>>) offsets(%dma_start3A_30 : memref<128xi32, #tpu.memory_space<vmem>>) semaphore(%arg11 : memref<!tpu.dma_semaphore, #tpu.memory_space<semaphore_mem>>)
      %dma_wait3A = arith.constant 0 : i32
      %dma_wait3A_34 = tpu.memref_slice %arg7[%while3A_21, %dma_wait3A] : memref<196x128xi32, #tpu.memory_space<vmem>> -> memref<1x128xi32, #tpu.memory_space<vmem>>
      %dma_wait3A_35 = tpu.memref_squeeze %dma_wait3A_34 : memref<1x128xi32, #tpu.memory_space<vmem>> -> memref<128xi32, #tpu.memory_space<vmem>>
      %dma_wait3A_36 = arith.constant 0 : i32
      %dma_wait3A_37 = arith.constant 0 : i32
      %dma_wait3A_38 = tpu.memref_slice %arg2[%dma_wait3A_36, %dma_wait3A_37] : memref<50000x64xbf16, #tpu.memory_space<hbm>> -> memref<50000x64xbf16, #tpu.memory_space<hbm>>
      tpu.wait_indirect_dma semaphore(%arg10 : memref<!tpu.dma_semaphore, #tpu.memory_space<semaphore_mem>>) src(%dma_wait3A_38 : memref<50000x64xbf16, #tpu.memory_space<hbm>>) dst(%arg8 : memref<128x64xbf16, #tpu.memory_space<vmem>>)
      %mul3A_39 = arith.constant 128 : i32
      %mul3A_40 = arith.muli %add3A_22, %mul3A_39 : i32
      "tpu.region"() ({
        %run_scoped3A = tpu.sem_alloc : memref<!tpu.dma_semaphore, #tpu.memory_space<semaphore_mem>>
        %dma_start3A_49 = arith.constant 0 : i32
        %dma_start3A_50 = tpu.memref_slice %arg5[%mul3A_40, %dma_start3A_49] : memref<800000x64xbf16, #tpu.memory_space<hbm>> -> memref<128x64xbf16, #tpu.memory_space<hbm>>
        %dma_start3A_51 = arith.constant 0 : i32
        %dma_start3A_52 = tpu.memref_slice %arg5[%mul3A_40, %dma_start3A_51] : memref<800000x64xbf16, #tpu.memory_space<hbm>> -> memref<128x64xbf16, #tpu.memory_space<hbm>>
        tpu.enqueue_dma source(%arg8 : memref<128x64xbf16, #tpu.memory_space<vmem>>) target(%dma_start3A_52 : memref<128x64xbf16, #tpu.memory_space<hbm>>) target_semaphore(%run_scoped3A : memref<!tpu.dma_semaphore, #tpu.memory_space<semaphore_mem>>)
        %dma_wait3A_53 = arith.constant 0 : i32
        %dma_wait3A_54 = tpu.memref_slice %arg5[%mul3A_40, %dma_wait3A_53] : memref<800000x64xbf16, #tpu.memory_space<hbm>> -> memref<128x64xbf16, #tpu.memory_space<hbm>>
        %dma_wait3A_55 = arith.constant 0 : i32
        %dma_wait3A_56 = tpu.memref_slice %arg5[%mul3A_40, %dma_wait3A_55] : memref<800000x64xbf16, #tpu.memory_space<hbm>> -> memref<128x64xbf16, #tpu.memory_space<hbm>>
        tpu.wait_dma2 semaphore(%run_scoped3A : memref<!tpu.dma_semaphore, #tpu.memory_space<semaphore_mem>>) src(%arg8 : memref<128x64xbf16, #tpu.memory_space<vmem>>) dst(%dma_wait3A_56 : memref<128x64xbf16, #tpu.memory_space<hbm>>)
        tpu.yield
      }) : () -> ()
      %dma_wait3A_41 = arith.constant 0 : i32
      %dma_wait3A_42 = tpu.memref_slice %arg7[%while3A_21, %dma_wait3A_41] : memref<196x128xi32, #tpu.memory_space<vmem>> -> memref<1x128xi32, #tpu.memory_space<vmem>>
      %dma_wait3A_43 = tpu.memref_squeeze %dma_wait3A_42 : memref<1x128xi32, #tpu.memory_space<vmem>> -> memref<128xi32, #tpu.memory_space<vmem>>
      %dma_wait3A_44 = arith.constant 0 : i32
      %dma_wait3A_45 = arith.constant 0 : i32
      %dma_wait3A_46 = tpu.memref_slice %arg3[%dma_wait3A_44, %dma_wait3A_45] : memref<50000x64xbf16, #tpu.memory_space<hbm>> -> memref<50000x64xbf16, #tpu.memory_space<hbm>>
      tpu.wait_indirect_dma semaphore(%arg11 : memref<!tpu.dma_semaphore, #tpu.memory_space<semaphore_mem>>) src(%dma_wait3A_46 : memref<50000x64xbf16, #tpu.memory_space<hbm>>) dst(%arg9 : memref<128x64xbf16, #tpu.memory_space<vmem>>)
      %mul3A_47 = arith.constant 128 : i32
      %mul3A_48 = arith.muli %add3A_22, %mul3A_47 : i32
      "tpu.region"() ({
        %run_scoped3A = tpu.sem_alloc : memref<!tpu.dma_semaphore, #tpu.memory_space<semaphore_mem>>
        %dma_start3A_49 = arith.constant 0 : i32
        %dma_start3A_50 = tpu.memref_slice %arg6[%mul3A_48, %dma_start3A_49] : memref<800000x64xbf16, #tpu.memory_space<hbm>> -> memref<128x64xbf16, #tpu.memory_space<hbm>>
        %dma_start3A_51 = arith.constant 0 : i32
        %dma_start3A_52 = tpu.memref_slice %arg6[%mul3A_48, %dma_start3A_51] : memref<800000x64xbf16, #tpu.memory_space<hbm>> -> memref<128x64xbf16, #tpu.memory_space<hbm>>
        tpu.enqueue_dma source(%arg9 : memref<128x64xbf16, #tpu.memory_space<vmem>>) target(%dma_start3A_52 : memref<128x64xbf16, #tpu.memory_space<hbm>>) target_semaphore(%run_scoped3A : memref<!tpu.dma_semaphore, #tpu.memory_space<semaphore_mem>>)
        %dma_wait3A_53 = arith.constant 0 : i32
        %dma_wait3A_54 = tpu.memref_slice %arg6[%mul3A_48, %dma_wait3A_53] : memref<800000x64xbf16, #tpu.memory_space<hbm>> -> memref<128x64xbf16, #tpu.memory_space<hbm>>
        %dma_wait3A_55 = arith.constant 0 : i32
        %dma_wait3A_56 = tpu.memref_slice %arg6[%mul3A_48, %dma_wait3A_55] : memref<800000x64xbf16, #tpu.memory_space<hbm>> -> memref<128x64xbf16, #tpu.memory_space<hbm>>
        tpu.wait_dma2 semaphore(%run_scoped3A : memref<!tpu.dma_semaphore, #tpu.memory_space<semaphore_mem>>) src(%arg9 : memref<128x64xbf16, #tpu.memory_space<vmem>>) dst(%dma_wait3A_56 : memref<128x64xbf16, #tpu.memory_space<hbm>>)
        tpu.yield
      }) : () -> ()
    }
    return
  }
}

#map = affine_map<(d0, d1) -> (0, 0)>
#map1 = affine_map<(d0, d1) -> (0)>
module attributes {stable_mosaic.version = 14 : i64} {
  func.func @sc_kernel(%arg0: i32, %arg1: i32, %arg2: memref<50000x16xf32, #tpu.memory_space<hbm>>, %arg3: memref<50000x16xi32, #tpu.memory_space<hbm>>, %arg4: memref<50000xi32, #tpu.memory_space<hbm>>, %arg5: memref<6250x128xi32, #tpu.memory_space<hbm>>, %arg6: memref<800000x16xf32, #tpu.memory_space<hbm>>, %arg7: memref<50048xi32, #tpu.memory_space<vmem>>, %arg8: memref<196x128xi32, #tpu.memory_space<vmem>>, %arg9: memref<8x16xi32, #tpu.memory_space<vmem>>, %arg10: memref<128x16xf32, #tpu.memory_space<vmem>>, %arg11: memref<8x16xf32, #tpu.memory_space<vmem>>, %arg12: memref<128x16xf32, #tpu.memory_space<vmem>>, %arg13: memref<!tpu.dma_semaphore, #tpu.memory_space<semaphore_mem>>) attributes {dimension_semantics = [#tpu.dimension_semantics<core_parallel>, #tpu.dimension_semantics<subcore_parallel>], iteration_bounds = array<i64: 2, 16>, scalar_prefetch = 0 : i64, scratch_operands = 7 : i64, tpu.core_type = #tpu.core_type<sc_vector_subcore>, window_params = [{transform_indices = #map}, {transform_indices = #map}, {transform_indices = #map1}, {transform_indices = #map}, {transform_indices = #map}]} {
    %mul3A = arith.constant 2 : i32
    %mul3A_0 = arith.muli %arg1, %mul3A : i32
    %add3A = arith.addi %mul3A_0, %arg0 : i32
    %lt3A = arith.constant 10 : i32
    %lt3A_1 = arith.cmpi slt, %add3A, %lt3A : i32
    %jit3A = arith.constant 1 : i32
    %jit3A_2 = arith.constant 0 : i32
    %select_n3A = arith.select %lt3A_1, %jit3A, %jit3A_2 : i32
    %add3A_3 = arith.constant 195 : i32
    %add3A_4 = arith.addi %add3A_3, %select_n3A : i32
    %mul3A_5 = arith.constant 195 : i32
    %mul3A_6 = arith.muli %add3A, %mul3A_5 : i32
    %min3A = arith.constant 10 : i32
    %min3A_7 = arith.minsi %add3A, %min3A : i32
    %add3A_8 = arith.addi %mul3A_6, %min3A_7 : i32
    "tpu.region"() ({
      %run_scoped3A = tpu.sem_alloc : memref<!tpu.dma_semaphore, #tpu.memory_space<semaphore_mem>>
      %dma_start3A = arith.constant 0 : i32
      %dma_start3A_31 = tpu.memref_slice %arg7[%dma_start3A] : memref<50048xi32, #tpu.memory_space<vmem>> -> memref<50000xi32, #tpu.memory_space<vmem>>
      %dma_start3A_32 = arith.constant 0 : i32
      %dma_start3A_33 = tpu.memref_slice %arg7[%dma_start3A_32] : memref<50048xi32, #tpu.memory_space<vmem>> -> memref<50000xi32, #tpu.memory_space<vmem>>
      tpu.enqueue_dma source(%arg4 : memref<50000xi32, #tpu.memory_space<hbm>>) target(%dma_start3A_33 : memref<50000xi32, #tpu.memory_space<vmem>>) target_semaphore(%run_scoped3A : memref<!tpu.dma_semaphore, #tpu.memory_space<semaphore_mem>>)
      %dma_wait3A = arith.constant 0 : i32
      %dma_wait3A_34 = tpu.memref_slice %arg7[%dma_wait3A] : memref<50048xi32, #tpu.memory_space<vmem>> -> memref<50000xi32, #tpu.memory_space<vmem>>
      %dma_wait3A_35 = arith.constant 0 : i32
      %dma_wait3A_36 = tpu.memref_slice %arg7[%dma_wait3A_35] : memref<50048xi32, #tpu.memory_space<vmem>> -> memref<50000xi32, #tpu.memory_space<vmem>>
      tpu.wait_dma2 semaphore(%run_scoped3A : memref<!tpu.dma_semaphore, #tpu.memory_space<semaphore_mem>>) src(%arg4 : memref<50000xi32, #tpu.memory_space<hbm>>) dst(%dma_wait3A_36 : memref<50000xi32, #tpu.memory_space<vmem>>)
      tpu.yield
    }) : () -> ()
    %while3A = arith.constant 0 : i32
    %while3A_9 = arith.constant 0 : i32
    %while3A_10 = arith.subi %add3A_4, %while3A_9 : i32
    %while3A_11 = arith.addi %while3A_9, %while3A_10 : i32
    %while3A_12 = arith.constant 1 : i32
    %while3A_13 = arith.divsi %while3A_10, %while3A_12 : i32
    %while3A_14 = arith.muli %while3A_13, %while3A_12 : i32
    %while3A_15 = arith.addi %while3A_9, %while3A_14 : i32
    %while3A_16 = arith.constant 1 : i32
    scf.for %while3A_31 = %while3A_9 to %while3A_15 step %while3A_16  : i32 {
      %add3A_32 = arith.addi %add3A_8, %while3A_31 : i32
      %mul3A_33 = arith.constant 8 : i32
      %mul3A_34 = arith.muli %add3A_32, %mul3A_33 : i32
      "tpu.region"() ({
        %run_scoped3A = tpu.sem_alloc : memref<!tpu.dma_semaphore, #tpu.memory_space<semaphore_mem>>
        %dma_start3A = arith.constant 0 : i32
        %dma_start3A_158 = tpu.memref_slice %arg3[%mul3A_34, %dma_start3A] : memref<50000x16xi32, #tpu.memory_space<hbm>> -> memref<8x16xi32, #tpu.memory_space<hbm>>
        %dma_start3A_159 = arith.constant 0 : i32
        %dma_start3A_160 = tpu.memref_slice %arg3[%mul3A_34, %dma_start3A_159] : memref<50000x16xi32, #tpu.memory_space<hbm>> -> memref<8x16xi32, #tpu.memory_space<hbm>>
        tpu.enqueue_dma source(%dma_start3A_160 : memref<8x16xi32, #tpu.memory_space<hbm>>) target(%arg9 : memref<8x16xi32, #tpu.memory_space<vmem>>) target_semaphore(%run_scoped3A : memref<!tpu.dma_semaphore, #tpu.memory_space<semaphore_mem>>)
        %dma_wait3A = arith.constant 0 : i32
        %dma_wait3A_161 = tpu.memref_slice %arg3[%mul3A_34, %dma_wait3A] : memref<50000x16xi32, #tpu.memory_space<hbm>> -> memref<8x16xi32, #tpu.memory_space<hbm>>
        %dma_wait3A_162 = arith.constant 0 : i32
        %dma_wait3A_163 = tpu.memref_slice %arg3[%mul3A_34, %dma_wait3A_162] : memref<50000x16xi32, #tpu.memory_space<hbm>> -> memref<8x16xi32, #tpu.memory_space<hbm>>
        tpu.wait_dma2 semaphore(%run_scoped3A : memref<!tpu.dma_semaphore, #tpu.memory_space<semaphore_mem>>) src(%dma_wait3A_163 : memref<8x16xi32, #tpu.memory_space<hbm>>) dst(%arg9 : memref<8x16xi32, #tpu.memory_space<vmem>>)
        tpu.yield
      }) : () -> ()
      %mul3A_35 = arith.constant 8 : i32
      %mul3A_36 = arith.muli %add3A_32, %mul3A_35 : i32
      %add3A_37 = arith.constant 0 : i32
      %add3A_38 = arith.addi %mul3A_36, %add3A_37 : i32
      %get3A = arith.constant 0 : i32
      %get3A_39 = arith.index_cast %get3A : i32 to index
      %get3A_40 = arith.constant 0 : index
      %get3A_41 = tpu.vector_load %arg9[%get3A_39, %get3A_40] {strides = array<i32>} : memref<8x16xi32, #tpu.memory_space<vmem>>, vector<16xi32>,
      %broadcast_in_dim3A = vector.broadcast %add3A_38 : i32 to vector<16xi32>
      %gather3A = tpu.vector_load_idx %arg7[%get3A_41] : memref<50048xi32, #tpu.memory_space<vmem>>[vector<16xi32>], vector<16xi32>,
      %gather3A_42 = tpu.vector_load_idx %arg7[%broadcast_in_dim3A] : memref<50048xi32, #tpu.memory_space<vmem>>[vector<16xi32>], vector<16xi32>,
      %eq3A = arith.cmpi eq, %gather3A, %gather3A_42 : vector<16xi32>
      %select_n3A_43 = arith.select %eq3A, %get3A_41, %broadcast_in_dim3A : vector<16xi1>, vector<16xi32>
      %swap3A = arith.index_cast %while3A_31 : i32 to index
      %swap3A_44 = arith.constant 0 : index
      %swap3A_45 = tpu.vector_load %arg8[%swap3A, %swap3A_44] {strides = array<i32>} : memref<196x128xi32, #tpu.memory_space<vmem>>, vector<16xi32>,
      tpu.vector_store %arg8[%swap3A, %swap3A_44], %select_n3A_43 {strides = array<i32>} : memref<196x128xi32, #tpu.memory_space<vmem>>, vector<16xi32>,
      %mul3A_46 = arith.constant 8 : i32
      %mul3A_47 = arith.muli %add3A_32, %mul3A_46 : i32
      %add3A_48 = arith.constant 1 : i32
      %add3A_49 = arith.addi %mul3A_47, %add3A_48 : i32
      %get3A_50 = arith.constant 1 : i32
      %get3A_51 = arith.index_cast %get3A_50 : i32 to index
      %get3A_52 = arith.constant 0 : index
      %get3A_53 = tpu.vector_load %arg9[%get3A_51, %get3A_52] {strides = array<i32>} : memref<8x16xi32, #tpu.memory_space<vmem>>, vector<16xi32>,
      %broadcast_in_dim3A_54 = vector.broadcast %add3A_49 : i32 to vector<16xi32>
      %gather3A_55 = tpu.vector_load_idx %arg7[%get3A_53] : memref<50048xi32, #tpu.memory_space<vmem>>[vector<16xi32>], vector<16xi32>,
      %gather3A_56 = tpu.vector_load_idx %arg7[%broadcast_in_dim3A_54] : memref<50048xi32, #tpu.memory_space<vmem>>[vector<16xi32>], vector<16xi32>,
      %eq3A_57 = arith.cmpi eq, %gather3A_55, %gather3A_56 : vector<16xi32>
      %select_n3A_58 = arith.select %eq3A_57, %get3A_53, %broadcast_in_dim3A_54 : vector<16xi1>, vector<16xi32>
      %swap3A_59 = arith.index_cast %while3A_31 : i32 to index
      %swap3A_60 = arith.constant 16 : index
      %swap3A_61 = tpu.vector_load %arg8[%swap3A_59, %swap3A_60] {strides = array<i32>} : memref<196x128xi32, #tpu.memory_space<vmem>>, vector<16xi32>,
      tpu.vector_store %arg8[%swap3A_59, %swap3A_60], %select_n3A_58 {strides = array<i32>} : memref<196x128xi32, #tpu.memory_space<vmem>>, vector<16xi32>,
      %mul3A_62 = arith.constant 8 : i32
      %mul3A_63 = arith.muli %add3A_32, %mul3A_62 : i32
      %add3A_64 = arith.constant 2 : i32
      %add3A_65 = arith.addi %mul3A_63, %add3A_64 : i32
      %get3A_66 = arith.constant 2 : i32
      %get3A_67 = arith.index_cast %get3A_66 : i32 to index
      %get3A_68 = arith.constant 0 : index
      %get3A_69 = tpu.vector_load %arg9[%get3A_67, %get3A_68] {strides = array<i32>} : memref<8x16xi32, #tpu.memory_space<vmem>>, vector<16xi32>,
      %broadcast_in_dim3A_70 = vector.broadcast %add3A_65 : i32 to vector<16xi32>
      %gather3A_71 = tpu.vector_load_idx %arg7[%get3A_69] : memref<50048xi32, #tpu.memory_space<vmem>>[vector<16xi32>], vector<16xi32>,
      %gather3A_72 = tpu.vector_load_idx %arg7[%broadcast_in_dim3A_70] : memref<50048xi32, #tpu.memory_space<vmem>>[vector<16xi32>], vector<16xi32>,
      %eq3A_73 = arith.cmpi eq, %gather3A_71, %gather3A_72 : vector<16xi32>
      %select_n3A_74 = arith.select %eq3A_73, %get3A_69, %broadcast_in_dim3A_70 : vector<16xi1>, vector<16xi32>
      %swap3A_75 = arith.index_cast %while3A_31 : i32 to index
      %swap3A_76 = arith.constant 32 : index
      %swap3A_77 = tpu.vector_load %arg8[%swap3A_75, %swap3A_76] {strides = array<i32>} : memref<196x128xi32, #tpu.memory_space<vmem>>, vector<16xi32>,
      tpu.vector_store %arg8[%swap3A_75, %swap3A_76], %select_n3A_74 {strides = array<i32>} : memref<196x128xi32, #tpu.memory_space<vmem>>, vector<16xi32>,
      %mul3A_78 = arith.constant 8 : i32
      %mul3A_79 = arith.muli %add3A_32, %mul3A_78 : i32
      %add3A_80 = arith.constant 3 : i32
      %add3A_81 = arith.addi %mul3A_79, %add3A_80 : i32
      %get3A_82 = arith.constant 3 : i32
      %get3A_83 = arith.index_cast %get3A_82 : i32 to index
      %get3A_84 = arith.constant 0 : index
      %get3A_85 = tpu.vector_load %arg9[%get3A_83, %get3A_84] {strides = array<i32>} : memref<8x16xi32, #tpu.memory_space<vmem>>, vector<16xi32>,
      %broadcast_in_dim3A_86 = vector.broadcast %add3A_81 : i32 to vector<16xi32>
      %gather3A_87 = tpu.vector_load_idx %arg7[%get3A_85] : memref<50048xi32, #tpu.memory_space<vmem>>[vector<16xi32>], vector<16xi32>,
      %gather3A_88 = tpu.vector_load_idx %arg7[%broadcast_in_dim3A_86] : memref<50048xi32, #tpu.memory_space<vmem>>[vector<16xi32>], vector<16xi32>,
      %eq3A_89 = arith.cmpi eq, %gather3A_87, %gather3A_88 : vector<16xi32>
      %select_n3A_90 = arith.select %eq3A_89, %get3A_85, %broadcast_in_dim3A_86 : vector<16xi1>, vector<16xi32>
      %swap3A_91 = arith.index_cast %while3A_31 : i32 to index
      %swap3A_92 = arith.constant 48 : index
      %swap3A_93 = tpu.vector_load %arg8[%swap3A_91, %swap3A_92] {strides = array<i32>} : memref<196x128xi32, #tpu.memory_space<vmem>>, vector<16xi32>,
      tpu.vector_store %arg8[%swap3A_91, %swap3A_92], %select_n3A_90 {strides = array<i32>} : memref<196x128xi32, #tpu.memory_space<vmem>>, vector<16xi32>,
      %mul3A_94 = arith.constant 8 : i32
      %mul3A_95 = arith.muli %add3A_32, %mul3A_94 : i32
      %add3A_96 = arith.constant 4 : i32
      %add3A_97 = arith.addi %mul3A_95, %add3A_96 : i32
      %get3A_98 = arith.constant 4 : i32
      %get3A_99 = arith.index_cast %get3A_98 : i32 to index
      %get3A_100 = arith.constant 0 : index
      %get3A_101 = tpu.vector_load %arg9[%get3A_99, %get3A_100] {strides = array<i32>} : memref<8x16xi32, #tpu.memory_space<vmem>>, vector<16xi32>,
      %broadcast_in_dim3A_102 = vector.broadcast %add3A_97 : i32 to vector<16xi32>
      %gather3A_103 = tpu.vector_load_idx %arg7[%get3A_101] : memref<50048xi32, #tpu.memory_space<vmem>>[vector<16xi32>], vector<16xi32>,
      %gather3A_104 = tpu.vector_load_idx %arg7[%broadcast_in_dim3A_102] : memref<50048xi32, #tpu.memory_space<vmem>>[vector<16xi32>], vector<16xi32>,
      %eq3A_105 = arith.cmpi eq, %gather3A_103, %gather3A_104 : vector<16xi32>
      %select_n3A_106 = arith.select %eq3A_105, %get3A_101, %broadcast_in_dim3A_102 : vector<16xi1>, vector<16xi32>
      %swap3A_107 = arith.index_cast %while3A_31 : i32 to index
      %swap3A_108 = arith.constant 64 : index
      %swap3A_109 = tpu.vector_load %arg8[%swap3A_107, %swap3A_108] {strides = array<i32>} : memref<196x128xi32, #tpu.memory_space<vmem>>, vector<16xi32>,
      tpu.vector_store %arg8[%swap3A_107, %swap3A_108], %select_n3A_106 {strides = array<i32>} : memref<196x128xi32, #tpu.memory_space<vmem>>, vector<16xi32>,
      %mul3A_110 = arith.constant 8 : i32
      %mul3A_111 = arith.muli %add3A_32, %mul3A_110 : i32
      %add3A_112 = arith.constant 5 : i32
      %add3A_113 = arith.addi %mul3A_111, %add3A_112 : i32
      %get3A_114 = arith.constant 5 : i32
      %get3A_115 = arith.index_cast %get3A_114 : i32 to index
      %get3A_116 = arith.constant 0 : index
      %get3A_117 = tpu.vector_load %arg9[%get3A_115, %get3A_116] {strides = array<i32>} : memref<8x16xi32, #tpu.memory_space<vmem>>, vector<16xi32>,
      %broadcast_in_dim3A_118 = vector.broadcast %add3A_113 : i32 to vector<16xi32>
      %gather3A_119 = tpu.vector_load_idx %arg7[%get3A_117] : memref<50048xi32, #tpu.memory_space<vmem>>[vector<16xi32>], vector<16xi32>,
      %gather3A_120 = tpu.vector_load_idx %arg7[%broadcast_in_dim3A_118] : memref<50048xi32, #tpu.memory_space<vmem>>[vector<16xi32>], vector<16xi32>,
      %eq3A_121 = arith.cmpi eq, %gather3A_119, %gather3A_120 : vector<16xi32>
      %select_n3A_122 = arith.select %eq3A_121, %get3A_117, %broadcast_in_dim3A_118 : vector<16xi1>, vector<16xi32>
      %swap3A_123 = arith.index_cast %while3A_31 : i32 to index
      %swap3A_124 = arith.constant 80 : index
      %swap3A_125 = tpu.vector_load %arg8[%swap3A_123, %swap3A_124] {strides = array<i32>} : memref<196x128xi32, #tpu.memory_space<vmem>>, vector<16xi32>,
      tpu.vector_store %arg8[%swap3A_123, %swap3A_124], %select_n3A_122 {strides = array<i32>} : memref<196x128xi32, #tpu.memory_space<vmem>>, vector<16xi32>,
      %mul3A_126 = arith.constant 8 : i32
      %mul3A_127 = arith.muli %add3A_32, %mul3A_126 : i32
      %add3A_128 = arith.constant 6 : i32
      %add3A_129 = arith.addi %mul3A_127, %add3A_128 : i32
      %get3A_130 = arith.constant 6 : i32
      %get3A_131 = arith.index_cast %get3A_130 : i32 to index
      %get3A_132 = arith.constant 0 : index
      %get3A_133 = tpu.vector_load %arg9[%get3A_131, %get3A_132] {strides = array<i32>} : memref<8x16xi32, #tpu.memory_space<vmem>>, vector<16xi32>,
      %broadcast_in_dim3A_134 = vector.broadcast %add3A_129 : i32 to vector<16xi32>
      %gather3A_135 = tpu.vector_load_idx %arg7[%get3A_133] : memref<50048xi32, #tpu.memory_space<vmem>>[vector<16xi32>], vector<16xi32>,
      %gather3A_136 = tpu.vector_load_idx %arg7[%broadcast_in_dim3A_134] : memref<50048xi32, #tpu.memory_space<vmem>>[vector<16xi32>], vector<16xi32>,
      %eq3A_137 = arith.cmpi eq, %gather3A_135, %gather3A_136 : vector<16xi32>
      %select_n3A_138 = arith.select %eq3A_137, %get3A_133, %broadcast_in_dim3A_134 : vector<16xi1>, vector<16xi32>
      %swap3A_139 = arith.index_cast %while3A_31 : i32 to index
      %swap3A_140 = arith.constant 96 : index
      %swap3A_141 = tpu.vector_load %arg8[%swap3A_139, %swap3A_140] {strides = array<i32>} : memref<196x128xi32, #tpu.memory_space<vmem>>, vector<16xi32>,
      tpu.vector_store %arg8[%swap3A_139, %swap3A_140], %select_n3A_138 {strides = array<i32>} : memref<196x128xi32, #tpu.memory_space<vmem>>, vector<16xi32>,
      %mul3A_142 = arith.constant 8 : i32
      %mul3A_143 = arith.muli %add3A_32, %mul3A_142 : i32
      %add3A_144 = arith.constant 7 : i32
      %add3A_145 = arith.addi %mul3A_143, %add3A_144 : i32
      %get3A_146 = arith.constant 7 : i32
      %get3A_147 = arith.index_cast %get3A_146 : i32 to index
      %get3A_148 = arith.constant 0 : index
      %get3A_149 = tpu.vector_load %arg9[%get3A_147, %get3A_148] {strides = array<i32>} : memref<8x16xi32, #tpu.memory_space<vmem>>, vector<16xi32>,
      %broadcast_in_dim3A_150 = vector.broadcast %add3A_145 : i32 to vector<16xi32>
      %gather3A_151 = tpu.vector_load_idx %arg7[%get3A_149] : memref<50048xi32, #tpu.memory_space<vmem>>[vector<16xi32>], vector<16xi32>,
      %gather3A_152 = tpu.vector_load_idx %arg7[%broadcast_in_dim3A_150] : memref<50048xi32, #tpu.memory_space<vmem>>[vector<16xi32>], vector<16xi32>,
      %eq3A_153 = arith.cmpi eq, %gather3A_151, %gather3A_152 : vector<16xi32>
      %select_n3A_154 = arith.select %eq3A_153, %get3A_149, %broadcast_in_dim3A_150 : vector<16xi1>, vector<16xi32>
      %swap3A_155 = arith.index_cast %while3A_31 : i32 to index
      %swap3A_156 = arith.constant 112 : index
      %swap3A_157 = tpu.vector_load %arg8[%swap3A_155, %swap3A_156] {strides = array<i32>} : memref<196x128xi32, #tpu.memory_space<vmem>>, vector<16xi32>,
      tpu.vector_store %arg8[%swap3A_155, %swap3A_156], %select_n3A_154 {strides = array<i32>} : memref<196x128xi32, #tpu.memory_space<vmem>>, vector<16xi32>,
    }
    %while3A_17 = arith.constant 1 : i32
    scf.for %while3A_31 = %while3A_15 to %while3A_11 step %while3A_17  : i32 {
      %add3A_32 = arith.addi %add3A_8, %while3A_31 : i32
      %mul3A_33 = arith.constant 8 : i32
      %mul3A_34 = arith.muli %add3A_32, %mul3A_33 : i32
      "tpu.region"() ({
        %run_scoped3A = tpu.sem_alloc : memref<!tpu.dma_semaphore, #tpu.memory_space<semaphore_mem>>
        %dma_start3A = arith.constant 0 : i32
        %dma_start3A_158 = tpu.memref_slice %arg3[%mul3A_34, %dma_start3A] : memref<50000x16xi32, #tpu.memory_space<hbm>> -> memref<8x16xi32, #tpu.memory_space<hbm>>
        %dma_start3A_159 = arith.constant 0 : i32
        %dma_start3A_160 = tpu.memref_slice %arg3[%mul3A_34, %dma_start3A_159] : memref<50000x16xi32, #tpu.memory_space<hbm>> -> memref<8x16xi32, #tpu.memory_space<hbm>>
        tpu.enqueue_dma source(%dma_start3A_160 : memref<8x16xi32, #tpu.memory_space<hbm>>) target(%arg9 : memref<8x16xi32, #tpu.memory_space<vmem>>) target_semaphore(%run_scoped3A : memref<!tpu.dma_semaphore, #tpu.memory_space<semaphore_mem>>)
        %dma_wait3A = arith.constant 0 : i32
        %dma_wait3A_161 = tpu.memref_slice %arg3[%mul3A_34, %dma_wait3A] : memref<50000x16xi32, #tpu.memory_space<hbm>> -> memref<8x16xi32, #tpu.memory_space<hbm>>
        %dma_wait3A_162 = arith.constant 0 : i32
        %dma_wait3A_163 = tpu.memref_slice %arg3[%mul3A_34, %dma_wait3A_162] : memref<50000x16xi32, #tpu.memory_space<hbm>> -> memref<8x16xi32, #tpu.memory_space<hbm>>
        tpu.wait_dma2 semaphore(%run_scoped3A : memref<!tpu.dma_semaphore, #tpu.memory_space<semaphore_mem>>) src(%dma_wait3A_163 : memref<8x16xi32, #tpu.memory_space<hbm>>) dst(%arg9 : memref<8x16xi32, #tpu.memory_space<vmem>>)
        tpu.yield
      }) : () -> ()
      %mul3A_35 = arith.constant 8 : i32
      %mul3A_36 = arith.muli %add3A_32, %mul3A_35 : i32
      %add3A_37 = arith.constant 0 : i32
      %add3A_38 = arith.addi %mul3A_36, %add3A_37 : i32
      %get3A = arith.constant 0 : i32
      %get3A_39 = arith.index_cast %get3A : i32 to index
      %get3A_40 = arith.constant 0 : index
      %get3A_41 = tpu.vector_load %arg9[%get3A_39, %get3A_40] {strides = array<i32>} : memref<8x16xi32, #tpu.memory_space<vmem>>, vector<16xi32>,
      %broadcast_in_dim3A = vector.broadcast %add3A_38 : i32 to vector<16xi32>
      %gather3A = tpu.vector_load_idx %arg7[%get3A_41] : memref<50048xi32, #tpu.memory_space<vmem>>[vector<16xi32>], vector<16xi32>,
      %gather3A_42 = tpu.vector_load_idx %arg7[%broadcast_in_dim3A] : memref<50048xi32, #tpu.memory_space<vmem>>[vector<16xi32>], vector<16xi32>,
      %eq3A = arith.cmpi eq, %gather3A, %gather3A_42 : vector<16xi32>
      %select_n3A_43 = arith.select %eq3A, %get3A_41, %broadcast_in_dim3A : vector<16xi1>, vector<16xi32>
      %swap3A = arith.index_cast %while3A_31 : i32 to index
      %swap3A_44 = arith.constant 0 : index
      %swap3A_45 = tpu.vector_load %arg8[%swap3A, %swap3A_44] {strides = array<i32>} : memref<196x128xi32, #tpu.memory_space<vmem>>, vector<16xi32>,
      tpu.vector_store %arg8[%swap3A, %swap3A_44], %select_n3A_43 {strides = array<i32>} : memref<196x128xi32, #tpu.memory_space<vmem>>, vector<16xi32>,
      %mul3A_46 = arith.constant 8 : i32
      %mul3A_47 = arith.muli %add3A_32, %mul3A_46 : i32
      %add3A_48 = arith.constant 1 : i32
      %add3A_49 = arith.addi %mul3A_47, %add3A_48 : i32
      %get3A_50 = arith.constant 1 : i32
      %get3A_51 = arith.index_cast %get3A_50 : i32 to index
      %get3A_52 = arith.constant 0 : index
      %get3A_53 = tpu.vector_load %arg9[%get3A_51, %get3A_52] {strides = array<i32>} : memref<8x16xi32, #tpu.memory_space<vmem>>, vector<16xi32>,
      %broadcast_in_dim3A_54 = vector.broadcast %add3A_49 : i32 to vector<16xi32>
      %gather3A_55 = tpu.vector_load_idx %arg7[%get3A_53] : memref<50048xi32, #tpu.memory_space<vmem>>[vector<16xi32>], vector<16xi32>,
      %gather3A_56 = tpu.vector_load_idx %arg7[%broadcast_in_dim3A_54] : memref<50048xi32, #tpu.memory_space<vmem>>[vector<16xi32>], vector<16xi32>,
      %eq3A_57 = arith.cmpi eq, %gather3A_55, %gather3A_56 : vector<16xi32>
      %select_n3A_58 = arith.select %eq3A_57, %get3A_53, %broadcast_in_dim3A_54 : vector<16xi1>, vector<16xi32>
      %swap3A_59 = arith.index_cast %while3A_31 : i32 to index
      %swap3A_60 = arith.constant 16 : index
      %swap3A_61 = tpu.vector_load %arg8[%swap3A_59, %swap3A_60] {strides = array<i32>} : memref<196x128xi32, #tpu.memory_space<vmem>>, vector<16xi32>,
      tpu.vector_store %arg8[%swap3A_59, %swap3A_60], %select_n3A_58 {strides = array<i32>} : memref<196x128xi32, #tpu.memory_space<vmem>>, vector<16xi32>,
      %mul3A_62 = arith.constant 8 : i32
      %mul3A_63 = arith.muli %add3A_32, %mul3A_62 : i32
      %add3A_64 = arith.constant 2 : i32
      %add3A_65 = arith.addi %mul3A_63, %add3A_64 : i32
      %get3A_66 = arith.constant 2 : i32
      %get3A_67 = arith.index_cast %get3A_66 : i32 to index
      %get3A_68 = arith.constant 0 : index
      %get3A_69 = tpu.vector_load %arg9[%get3A_67, %get3A_68] {strides = array<i32>} : memref<8x16xi32, #tpu.memory_space<vmem>>, vector<16xi32>,
      %broadcast_in_dim3A_70 = vector.broadcast %add3A_65 : i32 to vector<16xi32>
      %gather3A_71 = tpu.vector_load_idx %arg7[%get3A_69] : memref<50048xi32, #tpu.memory_space<vmem>>[vector<16xi32>], vector<16xi32>,
      %gather3A_72 = tpu.vector_load_idx %arg7[%broadcast_in_dim3A_70] : memref<50048xi32, #tpu.memory_space<vmem>>[vector<16xi32>], vector<16xi32>,
      %eq3A_73 = arith.cmpi eq, %gather3A_71, %gather3A_72 : vector<16xi32>
      %select_n3A_74 = arith.select %eq3A_73, %get3A_69, %broadcast_in_dim3A_70 : vector<16xi1>, vector<16xi32>
      %swap3A_75 = arith.index_cast %while3A_31 : i32 to index
      %swap3A_76 = arith.constant 32 : index
      %swap3A_77 = tpu.vector_load %arg8[%swap3A_75, %swap3A_76] {strides = array<i32>} : memref<196x128xi32, #tpu.memory_space<vmem>>, vector<16xi32>,
      tpu.vector_store %arg8[%swap3A_75, %swap3A_76], %select_n3A_74 {strides = array<i32>} : memref<196x128xi32, #tpu.memory_space<vmem>>, vector<16xi32>,
      %mul3A_78 = arith.constant 8 : i32
      %mul3A_79 = arith.muli %add3A_32, %mul3A_78 : i32
      %add3A_80 = arith.constant 3 : i32
      %add3A_81 = arith.addi %mul3A_79, %add3A_80 : i32
      %get3A_82 = arith.constant 3 : i32
      %get3A_83 = arith.index_cast %get3A_82 : i32 to index
      %get3A_84 = arith.constant 0 : index
      %get3A_85 = tpu.vector_load %arg9[%get3A_83, %get3A_84] {strides = array<i32>} : memref<8x16xi32, #tpu.memory_space<vmem>>, vector<16xi32>,
      %broadcast_in_dim3A_86 = vector.broadcast %add3A_81 : i32 to vector<16xi32>
      %gather3A_87 = tpu.vector_load_idx %arg7[%get3A_85] : memref<50048xi32, #tpu.memory_space<vmem>>[vector<16xi32>], vector<16xi32>,
      %gather3A_88 = tpu.vector_load_idx %arg7[%broadcast_in_dim3A_86] : memref<50048xi32, #tpu.memory_space<vmem>>[vector<16xi32>], vector<16xi32>,
      %eq3A_89 = arith.cmpi eq, %gather3A_87, %gather3A_88 : vector<16xi32>
      %select_n3A_90 = arith.select %eq3A_89, %get3A_85, %broadcast_in_dim3A_86 : vector<16xi1>, vector<16xi32>
      %swap3A_91 = arith.index_cast %while3A_31 : i32 to index
      %swap3A_92 = arith.constant 48 : index
      %swap3A_93 = tpu.vector_load %arg8[%swap3A_91, %swap3A_92] {strides = array<i32>} : memref<196x128xi32, #tpu.memory_space<vmem>>, vector<16xi32>,
      tpu.vector_store %arg8[%swap3A_91, %swap3A_92], %select_n3A_90 {strides = array<i32>} : memref<196x128xi32, #tpu.memory_space<vmem>>, vector<16xi32>,
      %mul3A_94 = arith.constant 8 : i32
      %mul3A_95 = arith.muli %add3A_32, %mul3A_94 : i32
      %add3A_96 = arith.constant 4 : i32
      %add3A_97 = arith.addi %mul3A_95, %add3A_96 : i32
      %get3A_98 = arith.constant 4 : i32
      %get3A_99 = arith.index_cast %get3A_98 : i32 to index
      %get3A_100 = arith.constant 0 : index
      %get3A_101 = tpu.vector_load %arg9[%get3A_99, %get3A_100] {strides = array<i32>} : memref<8x16xi32, #tpu.memory_space<vmem>>, vector<16xi32>,
      %broadcast_in_dim3A_102 = vector.broadcast %add3A_97 : i32 to vector<16xi32>
      %gather3A_103 = tpu.vector_load_idx %arg7[%get3A_101] : memref<50048xi32, #tpu.memory_space<vmem>>[vector<16xi32>], vector<16xi32>,
      %gather3A_104 = tpu.vector_load_idx %arg7[%broadcast_in_dim3A_102] : memref<50048xi32, #tpu.memory_space<vmem>>[vector<16xi32>], vector<16xi32>,
      %eq3A_105 = arith.cmpi eq, %gather3A_103, %gather3A_104 : vector<16xi32>
      %select_n3A_106 = arith.select %eq3A_105, %get3A_101, %broadcast_in_dim3A_102 : vector<16xi1>, vector<16xi32>
      %swap3A_107 = arith.index_cast %while3A_31 : i32 to index
      %swap3A_108 = arith.constant 64 : index
      %swap3A_109 = tpu.vector_load %arg8[%swap3A_107, %swap3A_108] {strides = array<i32>} : memref<196x128xi32, #tpu.memory_space<vmem>>, vector<16xi32>,
      tpu.vector_store %arg8[%swap3A_107, %swap3A_108], %select_n3A_106 {strides = array<i32>} : memref<196x128xi32, #tpu.memory_space<vmem>>, vector<16xi32>,
      %mul3A_110 = arith.constant 8 : i32
      %mul3A_111 = arith.muli %add3A_32, %mul3A_110 : i32
      %add3A_112 = arith.constant 5 : i32
      %add3A_113 = arith.addi %mul3A_111, %add3A_112 : i32
      %get3A_114 = arith.constant 5 : i32
      %get3A_115 = arith.index_cast %get3A_114 : i32 to index
      %get3A_116 = arith.constant 0 : index
      %get3A_117 = tpu.vector_load %arg9[%get3A_115, %get3A_116] {strides = array<i32>} : memref<8x16xi32, #tpu.memory_space<vmem>>, vector<16xi32>,
      %broadcast_in_dim3A_118 = vector.broadcast %add3A_113 : i32 to vector<16xi32>
      %gather3A_119 = tpu.vector_load_idx %arg7[%get3A_117] : memref<50048xi32, #tpu.memory_space<vmem>>[vector<16xi32>], vector<16xi32>,
      %gather3A_120 = tpu.vector_load_idx %arg7[%broadcast_in_dim3A_118] : memref<50048xi32, #tpu.memory_space<vmem>>[vector<16xi32>], vector<16xi32>,
      %eq3A_121 = arith.cmpi eq, %gather3A_119, %gather3A_120 : vector<16xi32>
      %select_n3A_122 = arith.select %eq3A_121, %get3A_117, %broadcast_in_dim3A_118 : vector<16xi1>, vector<16xi32>
      %swap3A_123 = arith.index_cast %while3A_31 : i32 to index
      %swap3A_124 = arith.constant 80 : index
      %swap3A_125 = tpu.vector_load %arg8[%swap3A_123, %swap3A_124] {strides = array<i32>} : memref<196x128xi32, #tpu.memory_space<vmem>>, vector<16xi32>,
      tpu.vector_store %arg8[%swap3A_123, %swap3A_124], %select_n3A_122 {strides = array<i32>} : memref<196x128xi32, #tpu.memory_space<vmem>>, vector<16xi32>,
      %mul3A_126 = arith.constant 8 : i32
      %mul3A_127 = arith.muli %add3A_32, %mul3A_126 : i32
      %add3A_128 = arith.constant 6 : i32
      %add3A_129 = arith.addi %mul3A_127, %add3A_128 : i32
      %get3A_130 = arith.constant 6 : i32
      %get3A_131 = arith.index_cast %get3A_130 : i32 to index
      %get3A_132 = arith.constant 0 : index
      %get3A_133 = tpu.vector_load %arg9[%get3A_131, %get3A_132] {strides = array<i32>} : memref<8x16xi32, #tpu.memory_space<vmem>>, vector<16xi32>,
      %broadcast_in_dim3A_134 = vector.broadcast %add3A_129 : i32 to vector<16xi32>
      %gather3A_135 = tpu.vector_load_idx %arg7[%get3A_133] : memref<50048xi32, #tpu.memory_space<vmem>>[vector<16xi32>], vector<16xi32>,
      %gather3A_136 = tpu.vector_load_idx %arg7[%broadcast_in_dim3A_134] : memref<50048xi32, #tpu.memory_space<vmem>>[vector<16xi32>], vector<16xi32>,
      %eq3A_137 = arith.cmpi eq, %gather3A_135, %gather3A_136 : vector<16xi32>
      %select_n3A_138 = arith.select %eq3A_137, %get3A_133, %broadcast_in_dim3A_134 : vector<16xi1>, vector<16xi32>
      %swap3A_139 = arith.index_cast %while3A_31 : i32 to index
      %swap3A_140 = arith.constant 96 : index
      %swap3A_141 = tpu.vector_load %arg8[%swap3A_139, %swap3A_140] {strides = array<i32>} : memref<196x128xi32, #tpu.memory_space<vmem>>, vector<16xi32>,
      tpu.vector_store %arg8[%swap3A_139, %swap3A_140], %select_n3A_138 {strides = array<i32>} : memref<196x128xi32, #tpu.memory_space<vmem>>, vector<16xi32>,
      %mul3A_142 = arith.constant 8 : i32
      %mul3A_143 = arith.muli %add3A_32, %mul3A_142 : i32
      %add3A_144 = arith.constant 7 : i32
      %add3A_145 = arith.addi %mul3A_143, %add3A_144 : i32
      %get3A_146 = arith.constant 7 : i32
      %get3A_147 = arith.index_cast %get3A_146 : i32 to index
      %get3A_148 = arith.constant 0 : index
      %get3A_149 = tpu.vector_load %arg9[%get3A_147, %get3A_148] {strides = array<i32>} : memref<8x16xi32, #tpu.memory_space<vmem>>, vector<16xi32>,
      %broadcast_in_dim3A_150 = vector.broadcast %add3A_145 : i32 to vector<16xi32>
      %gather3A_151 = tpu.vector_load_idx %arg7[%get3A_149] : memref<50048xi32, #tpu.memory_space<vmem>>[vector<16xi32>], vector<16xi32>,
      %gather3A_152 = tpu.vector_load_idx %arg7[%broadcast_in_dim3A_150] : memref<50048xi32, #tpu.memory_space<vmem>>[vector<16xi32>], vector<16xi32>,
      %eq3A_153 = arith.cmpi eq, %gather3A_151, %gather3A_152 : vector<16xi32>
      %select_n3A_154 = arith.select %eq3A_153, %get3A_149, %broadcast_in_dim3A_150 : vector<16xi1>, vector<16xi32>
      %swap3A_155 = arith.index_cast %while3A_31 : i32 to index
      %swap3A_156 = arith.constant 112 : index
      %swap3A_157 = tpu.vector_load %arg8[%swap3A_155, %swap3A_156] {strides = array<i32>} : memref<196x128xi32, #tpu.memory_space<vmem>>, vector<16xi32>,
      tpu.vector_store %arg8[%swap3A_155, %swap3A_156], %select_n3A_154 {strides = array<i32>} : memref<196x128xi32, #tpu.memory_space<vmem>>, vector<16xi32>,
    }
    "tpu.region"() ({
      %run_scoped3A = tpu.sem_alloc : memref<!tpu.dma_semaphore, #tpu.memory_space<semaphore_mem>>
      %dma_start3A = arith.constant 0 : i32
      %dma_start3A_31 = arith.constant 0 : i32
      %dma_start3A_32 = tpu.memref_slice %arg8[%dma_start3A, %dma_start3A_31] : memref<196x128xi32, #tpu.memory_space<vmem>> -> memref<195x128xi32, #tpu.memory_space<vmem>>
      %dma_start3A_33 = arith.constant 0 : i32
      %dma_start3A_34 = tpu.memref_slice %arg5[%add3A_8, %dma_start3A_33] : memref<6250x128xi32, #tpu.memory_space<hbm>> -> memref<195x128xi32, #tpu.memory_space<hbm>>
      %dma_start3A_35 = arith.constant 0 : i32
      %dma_start3A_36 = tpu.memref_slice %arg5[%add3A_8, %dma_start3A_35] : memref<6250x128xi32, #tpu.memory_space<hbm>> -> memref<195x128xi32, #tpu.memory_space<hbm>>
      %dma_start3A_37 = arith.constant 0 : i32
      %dma_start3A_38 = arith.constant 0 : i32
      %dma_start3A_39 = tpu.memref_slice %arg8[%dma_start3A_37, %dma_start3A_38] : memref<196x128xi32, #tpu.memory_space<vmem>> -> memref<195x128xi32, #tpu.memory_space<vmem>>
      tpu.enqueue_dma source(%dma_start3A_39 : memref<195x128xi32, #tpu.memory_space<vmem>>) target(%dma_start3A_36 : memref<195x128xi32, #tpu.memory_space<hbm>>) target_semaphore(%run_scoped3A : memref<!tpu.dma_semaphore, #tpu.memory_space<semaphore_mem>>)
      %dma_wait3A = arith.constant 0 : i32
      %dma_wait3A_40 = arith.constant 0 : i32
      %dma_wait3A_41 = tpu.memref_slice %arg8[%dma_wait3A, %dma_wait3A_40] : memref<196x128xi32, #tpu.memory_space<vmem>> -> memref<195x128xi32, #tpu.memory_space<vmem>>
      %dma_wait3A_42 = arith.constant 0 : i32
      %dma_wait3A_43 = tpu.memref_slice %arg5[%add3A_8, %dma_wait3A_42] : memref<6250x128xi32, #tpu.memory_space<hbm>> -> memref<195x128xi32, #tpu.memory_space<hbm>>
      %dma_wait3A_44 = arith.constant 0 : i32
      %dma_wait3A_45 = tpu.memref_slice %arg5[%add3A_8, %dma_wait3A_44] : memref<6250x128xi32, #tpu.memory_space<hbm>> -> memref<195x128xi32, #tpu.memory_space<hbm>>
      %dma_wait3A_46 = arith.constant 0 : i32
      %dma_wait3A_47 = arith.constant 0 : i32
      %dma_wait3A_48 = tpu.memref_slice %arg8[%dma_wait3A_46, %dma_wait3A_47] : memref<196x128xi32, #tpu.memory_space<vmem>> -> memref<195x128xi32, #tpu.memory_space<vmem>>
      tpu.wait_dma2 semaphore(%run_scoped3A : memref<!tpu.dma_semaphore, #tpu.memory_space<semaphore_mem>>) src(%dma_wait3A_48 : memref<195x128xi32, #tpu.memory_space<vmem>>) dst(%dma_wait3A_45 : memref<195x128xi32, #tpu.memory_space<hbm>>)
      tpu.yield
    }) : () -> ()
    %lt3A_18 = arith.constant 10 : i32
    %lt3A_19 = arith.cmpi slt, %add3A, %lt3A_18 : i32
    %convert_element_type3A = arith.extui %lt3A_19 : i1 to i32
    %cond3A = arith.constant 0 : i32
    %cond3A_20 = arith.cmpi ne, %convert_element_type3A, %cond3A : i32
    scf.if %cond3A_20 {
      %add3A_31 = arith.constant 195 : i32
      %add3A_32 = arith.addi %add3A_8, %add3A_31 : i32
      "tpu.region"() ({
        %run_scoped3A = tpu.sem_alloc : memref<!tpu.dma_semaphore, #tpu.memory_space<semaphore_mem>>
        %dma_start3A = arith.constant 195 : i32
        %dma_start3A_33 = arith.constant 0 : i32
        %dma_start3A_34 = tpu.memref_slice %arg8[%dma_start3A, %dma_start3A_33] : memref<196x128xi32, #tpu.memory_space<vmem>> -> memref<1x128xi32, #tpu.memory_space<vmem>>
        %dma_start3A_35 = arith.constant 0 : i32
        %dma_start3A_36 = tpu.memref_slice %arg5[%add3A_32, %dma_start3A_35] : memref<6250x128xi32, #tpu.memory_space<hbm>> -> memref<1x128xi32, #tpu.memory_space<hbm>>
        %dma_start3A_37 = arith.constant 0 : i32
        %dma_start3A_38 = tpu.memref_slice %arg5[%add3A_32, %dma_start3A_37] : memref<6250x128xi32, #tpu.memory_space<hbm>> -> memref<1x128xi32, #tpu.memory_space<hbm>>
        %dma_start3A_39 = arith.constant 195 : i32
        %dma_start3A_40 = arith.constant 0 : i32
        %dma_start3A_41 = tpu.memref_slice %arg8[%dma_start3A_39, %dma_start3A_40] : memref<196x128xi32, #tpu.memory_space<vmem>> -> memref<1x128xi32, #tpu.memory_space<vmem>>
        tpu.enqueue_dma source(%dma_start3A_41 : memref<1x128xi32, #tpu.memory_space<vmem>>) target(%dma_start3A_38 : memref<1x128xi32, #tpu.memory_space<hbm>>) target_semaphore(%run_scoped3A : memref<!tpu.dma_semaphore, #tpu.memory_space<semaphore_mem>>)
        %dma_wait3A = arith.constant 195 : i32
        %dma_wait3A_42 = arith.constant 0 : i32
        %dma_wait3A_43 = tpu.memref_slice %arg8[%dma_wait3A, %dma_wait3A_42] : memref<196x128xi32, #tpu.memory_space<vmem>> -> memref<1x128xi32, #tpu.memory_space<vmem>>
        %dma_wait3A_44 = arith.constant 0 : i32
        %dma_wait3A_45 = tpu.memref_slice %arg5[%add3A_32, %dma_wait3A_44] : memref<6250x128xi32, #tpu.memory_space<hbm>> -> memref<1x128xi32, #tpu.memory_space<hbm>>
        %dma_wait3A_46 = arith.constant 0 : i32
        %dma_wait3A_47 = tpu.memref_slice %arg5[%add3A_32, %dma_wait3A_46] : memref<6250x128xi32, #tpu.memory_space<hbm>> -> memref<1x128xi32, #tpu.memory_space<hbm>>
        %dma_wait3A_48 = arith.constant 195 : i32
        %dma_wait3A_49 = arith.constant 0 : i32
        %dma_wait3A_50 = tpu.memref_slice %arg8[%dma_wait3A_48, %dma_wait3A_49] : memref<196x128xi32, #tpu.memory_space<vmem>> -> memref<1x128xi32, #tpu.memory_space<vmem>>
        tpu.wait_dma2 semaphore(%run_scoped3A : memref<!tpu.dma_semaphore, #tpu.memory_space<semaphore_mem>>) src(%dma_wait3A_50 : memref<1x128xi32, #tpu.memory_space<vmem>>) dst(%dma_wait3A_47 : memref<1x128xi32, #tpu.memory_space<hbm>>)
        tpu.yield
      }) : () -> ()
    } else {
    }
    %while3A_21 = arith.constant 0 : i32
    %while3A_22 = arith.constant 0 : i32
    %while3A_23 = arith.subi %add3A_4, %while3A_22 : i32
    %while3A_24 = arith.addi %while3A_22, %while3A_23 : i32
    %while3A_25 = arith.constant 1 : i32
    %while3A_26 = arith.divsi %while3A_23, %while3A_25 : i32
    %while3A_27 = arith.muli %while3A_26, %while3A_25 : i32
    %while3A_28 = arith.addi %while3A_22, %while3A_27 : i32
    %while3A_29 = arith.constant 1 : i32
    scf.for %while3A_31 = %while3A_22 to %while3A_28 step %while3A_29  : i32 {
      %add3A_32 = arith.addi %add3A_8, %while3A_31 : i32
      %dma_start3A = arith.constant 0 : i32
      %dma_start3A_33 = tpu.memref_slice %arg8[%while3A_31, %dma_start3A] : memref<196x128xi32, #tpu.memory_space<vmem>> -> memref<1x128xi32, #tpu.memory_space<vmem>>
      %dma_start3A_34 = tpu.memref_squeeze %dma_start3A_33 : memref<1x128xi32, #tpu.memory_space<vmem>> -> memref<128xi32, #tpu.memory_space<vmem>>
      %dma_start3A_35 = arith.constant 0 : i32
      %dma_start3A_36 = arith.constant 0 : i32
      %dma_start3A_37 = tpu.memref_slice %arg2[%dma_start3A_35, %dma_start3A_36] : memref<50000x16xf32, #tpu.memory_space<hbm>> -> memref<50000x16xf32, #tpu.memory_space<hbm>>
      tpu.enqueue_indirect_dma source(%dma_start3A_37 : memref<50000x16xf32, #tpu.memory_space<hbm>>) target(%arg10 : memref<128x16xf32, #tpu.memory_space<vmem>>) offsets(%dma_start3A_34 : memref<128xi32, #tpu.memory_space<vmem>>) semaphore(%arg13 : memref<!tpu.dma_semaphore, #tpu.memory_space<semaphore_mem>>)
      %mul3A_38 = arith.constant 8 : i32
      %mul3A_39 = arith.muli %add3A_32, %mul3A_38 : i32
      "tpu.region"() ({
        %run_scoped3A = tpu.sem_alloc : memref<!tpu.dma_semaphore, #tpu.memory_space<semaphore_mem>>
        %dma_start3A_1228 = arith.constant 0 : i32
        %dma_start3A_1229 = tpu.memref_slice %arg2[%mul3A_39, %dma_start3A_1228] : memref<50000x16xf32, #tpu.memory_space<hbm>> -> memref<8x16xf32, #tpu.memory_space<hbm>>
        %dma_start3A_1230 = arith.constant 0 : i32
        %dma_start3A_1231 = tpu.memref_slice %arg2[%mul3A_39, %dma_start3A_1230] : memref<50000x16xf32, #tpu.memory_space<hbm>> -> memref<8x16xf32, #tpu.memory_space<hbm>>
        tpu.enqueue_dma source(%dma_start3A_1231 : memref<8x16xf32, #tpu.memory_space<hbm>>) target(%arg11 : memref<8x16xf32, #tpu.memory_space<vmem>>) target_semaphore(%run_scoped3A : memref<!tpu.dma_semaphore, #tpu.memory_space<semaphore_mem>>)
        %dma_wait3A_1232 = arith.constant 0 : i32
        %dma_wait3A_1233 = tpu.memref_slice %arg2[%mul3A_39, %dma_wait3A_1232] : memref<50000x16xf32, #tpu.memory_space<hbm>> -> memref<8x16xf32, #tpu.memory_space<hbm>>
        %dma_wait3A_1234 = arith.constant 0 : i32
        %dma_wait3A_1235 = tpu.memref_slice %arg2[%mul3A_39, %dma_wait3A_1234] : memref<50000x16xf32, #tpu.memory_space<hbm>> -> memref<8x16xf32, #tpu.memory_space<hbm>>
        tpu.wait_dma2 semaphore(%run_scoped3A : memref<!tpu.dma_semaphore, #tpu.memory_space<semaphore_mem>>) src(%dma_wait3A_1235 : memref<8x16xf32, #tpu.memory_space<hbm>>) dst(%arg11 : memref<8x16xf32, #tpu.memory_space<vmem>>)
        tpu.yield
      }) : () -> ()
      %dma_wait3A = arith.constant 0 : i32
      %dma_wait3A_40 = tpu.memref_slice %arg8[%while3A_31, %dma_wait3A] : memref<196x128xi32, #tpu.memory_space<vmem>> -> memref<1x128xi32, #tpu.memory_space<vmem>>
      %dma_wait3A_41 = tpu.memref_squeeze %dma_wait3A_40 : memref<1x128xi32, #tpu.memory_space<vmem>> -> memref<128xi32, #tpu.memory_space<vmem>>
      %dma_wait3A_42 = arith.constant 0 : i32
      %dma_wait3A_43 = arith.constant 0 : i32
      %dma_wait3A_44 = tpu.memref_slice %arg2[%dma_wait3A_42, %dma_wait3A_43] : memref<50000x16xf32, #tpu.memory_space<hbm>> -> memref<50000x16xf32, #tpu.memory_space<hbm>>
      tpu.wait_indirect_dma semaphore(%arg13 : memref<!tpu.dma_semaphore, #tpu.memory_space<semaphore_mem>>) src(%dma_wait3A_44 : memref<50000x16xf32, #tpu.memory_space<hbm>>) dst(%arg10 : memref<128x16xf32, #tpu.memory_space<vmem>>)
      %get3A = arith.constant 0 : i32
      %get3A_45 = arith.index_cast %get3A : i32 to index
      %get3A_46 = arith.constant 0 : index
      %get3A_47 = tpu.vector_load %arg11[%get3A_45, %get3A_46] {strides = array<i32>} : memref<8x16xf32, #tpu.memory_space<vmem>>, vector<16xf32>,
      %get3A_48 = arith.constant 0 : i32
      %get3A_49 = arith.index_cast %get3A_48 : i32 to index
      %get3A_50 = arith.constant 0 : index
      %get3A_51 = tpu.vector_load %arg10[%get3A_49, %get3A_50] {strides = array<i32>} : memref<128x16xf32, #tpu.memory_space<vmem>>, vector<16xf32>,
      %sub3A = arith.subf %get3A_51, %get3A_47 : vector<16xf32>
      %swap3A = arith.constant 0 : i32
      %swap3A_52 = arith.index_cast %swap3A : i32 to index
      %swap3A_53 = arith.constant 0 : index
      %swap3A_54 = tpu.vector_load %arg12[%swap3A_52, %swap3A_53] {strides = array<i32>} : memref<128x16xf32, #tpu.memory_space<vmem>>, vector<16xf32>,
      tpu.vector_store %arg12[%swap3A_52, %swap3A_53], %sub3A {strides = array<i32>} : memref<128x16xf32, #tpu.memory_space<vmem>>, vector<16xf32>,
      %get3A_55 = arith.constant 1 : i32
      %get3A_56 = arith.index_cast %get3A_55 : i32 to index
      %get3A_57 = arith.constant 0 : index
      %get3A_58 = tpu.vector_load %arg10[%get3A_56, %get3A_57] {strides = array<i32>} : memref<128x16xf32, #tpu.memory_space<vmem>>, vector<16xf32>,
      %sub3A_59 = arith.subf %get3A_58, %get3A_47 : vector<16xf32>
      %swap3A_60 = arith.constant 1 : i32
      %swap3A_61 = arith.index_cast %swap3A_60 : i32 to index
      %swap3A_62 = arith.constant 0 : index
      %swap3A_63 = tpu.vector_load %arg12[%swap3A_61, %swap3A_62] {strides = array<i32>} : memref<128x16xf32, #tpu.memory_space<vmem>>, vector<16xf32>,
      tpu.vector_store %arg12[%swap3A_61, %swap3A_62], %sub3A_59 {strides = array<i32>} : memref<128x16xf32, #tpu.memory_space<vmem>>, vector<16xf32>,
      %get3A_64 = arith.constant 2 : i32
      %get3A_65 = arith.index_cast %get3A_64 : i32 to index
      %get3A_66 = arith.constant 0 : index
      %get3A_67 = tpu.vector_load %arg10[%get3A_65, %get3A_66] {strides = array<i32>} : memref<128x16xf32, #tpu.memory_space<vmem>>, vector<16xf32>,
      %sub3A_68 = arith.subf %get3A_67, %get3A_47 : vector<16xf32>
      %swap3A_69 = arith.constant 2 : i32
      %swap3A_70 = arith.index_cast %swap3A_69 : i32 to index
      %swap3A_71 = arith.constant 0 : index
      %swap3A_72 = tpu.vector_load %arg12[%swap3A_70, %swap3A_71] {strides = array<i32>} : memref<128x16xf32, #tpu.memory_space<vmem>>, vector<16xf32>,
      tpu.vector_store %arg12[%swap3A_70, %swap3A_71], %sub3A_68 {strides = array<i32>} : memref<128x16xf32, #tpu.memory_space<vmem>>, vector<16xf32>,
      %get3A_73 = arith.constant 3 : i32
      %get3A_74 = arith.index_cast %get3A_73 : i32 to index
      %get3A_75 = arith.constant 0 : index
      %get3A_76 = tpu.vector_load %arg10[%get3A_74, %get3A_75] {strides = array<i32>} : memref<128x16xf32, #tpu.memory_space<vmem>>, vector<16xf32>,
      %sub3A_77 = arith.subf %get3A_76, %get3A_47 : vector<16xf32>
      %swap3A_78 = arith.constant 3 : i32
      %swap3A_79 = arith.index_cast %swap3A_78 : i32 to index
      %swap3A_80 = arith.constant 0 : index
      %swap3A_81 = tpu.vector_load %arg12[%swap3A_79, %swap3A_80] {strides = array<i32>} : memref<128x16xf32, #tpu.memory_space<vmem>>, vector<16xf32>,
      tpu.vector_store %arg12[%swap3A_79, %swap3A_80], %sub3A_77 {strides = array<i32>} : memref<128x16xf32, #tpu.memory_space<vmem>>, vector<16xf32>,
      %get3A_82 = arith.constant 4 : i32
      %get3A_83 = arith.index_cast %get3A_82 : i32 to index
      %get3A_84 = arith.constant 0 : index
      %get3A_85 = tpu.vector_load %arg10[%get3A_83, %get3A_84] {strides = array<i32>} : memref<128x16xf32, #tpu.memory_space<vmem>>, vector<16xf32>,
      %sub3A_86 = arith.subf %get3A_85, %get3A_47 : vector<16xf32>
      %swap3A_87 = arith.constant 4 : i32
      %swap3A_88 = arith.index_cast %swap3A_87 : i32 to index
      %swap3A_89 = arith.constant 0 : index
      %swap3A_90 = tpu.vector_load %arg12[%swap3A_88, %swap3A_89] {strides = array<i32>} : memref<128x16xf32, #tpu.memory_space<vmem>>, vector<16xf32>,
      tpu.vector_store %arg12[%swap3A_88, %swap3A_89], %sub3A_86 {strides = array<i32>} : memref<128x16xf32, #tpu.memory_space<vmem>>, vector<16xf32>,
      %get3A_91 = arith.constant 5 : i32
      %get3A_92 = arith.index_cast %get3A_91 : i32 to index
      %get3A_93 = arith.constant 0 : index
      %get3A_94 = tpu.vector_load %arg10[%get3A_92, %get3A_93] {strides = array<i32>} : memref<128x16xf32, #tpu.memory_space<vmem>>, vector<16xf32>,
      %sub3A_95 = arith.subf %get3A_94, %get3A_47 : vector<16xf32>
      %swap3A_96 = arith.constant 5 : i32
      %swap3A_97 = arith.index_cast %swap3A_96 : i32 to index
      %swap3A_98 = arith.constant 0 : index
      %swap3A_99 = tpu.vector_load %arg12[%swap3A_97, %swap3A_98] {strides = array<i32>} : memref<128x16xf32, #tpu.memory_space<vmem>>, vector<16xf32>,
      tpu.vector_store %arg12[%swap3A_97, %swap3A_98], %sub3A_95 {strides = array<i32>} : memref<128x16xf32, #tpu.memory_space<vmem>>, vector<16xf32>,
      %get3A_100 = arith.constant 6 : i32
      %get3A_101 = arith.index_cast %get3A_100 : i32 to index
      %get3A_102 = arith.constant 0 : index
      %get3A_103 = tpu.vector_load %arg10[%get3A_101, %get3A_102] {strides = array<i32>} : memref<128x16xf32, #tpu.memory_space<vmem>>, vector<16xf32>,
      %sub3A_104 = arith.subf %get3A_103, %get3A_47 : vector<16xf32>
      %swap3A_105 = arith.constant 6 : i32
      %swap3A_106 = arith.index_cast %swap3A_105 : i32 to index
      %swap3A_107 = arith.constant 0 : index
      %swap3A_108 = tpu.vector_load %arg12[%swap3A_106, %swap3A_107] {strides = array<i32>} : memref<128x16xf32, #tpu.memory_space<vmem>>, vector<16xf32>,
      tpu.vector_store %arg12[%swap3A_106, %swap3A_107], %sub3A_104 {strides = array<i32>} : memref<128x16xf32, #tpu.memory_space<vmem>>, vector<16xf32>,
      %get3A_109 = arith.constant 7 : i32
      %get3A_110 = arith.index_cast %get3A_109 : i32 to index
      %get3A_111 = arith.constant 0 : index
      %get3A_112 = tpu.vector_load %arg10[%get3A_110, %get3A_111] {strides = array<i32>} : memref<128x16xf32, #tpu.memory_space<vmem>>, vector<16xf32>,
      %sub3A_113 = arith.subf %get3A_112, %get3A_47 : vector<16xf32>
      %swap3A_114 = arith.constant 7 : i32
      %swap3A_115 = arith.index_cast %swap3A_114 : i32 to index
      %swap3A_116 = arith.constant 0 : index
      %swap3A_117 = tpu.vector_load %arg12[%swap3A_115, %swap3A_116] {strides = array<i32>} : memref<128x16xf32, #tpu.memory_space<vmem>>, vector<16xf32>,
      tpu.vector_store %arg12[%swap3A_115, %swap3A_116], %sub3A_113 {strides = array<i32>} : memref<128x16xf32, #tpu.memory_space<vmem>>, vector<16xf32>,
      %get3A_118 = arith.constant 8 : i32
      %get3A_119 = arith.index_cast %get3A_118 : i32 to index
      %get3A_120 = arith.constant 0 : index
      %get3A_121 = tpu.vector_load %arg10[%get3A_119, %get3A_120] {strides = array<i32>} : memref<128x16xf32, #tpu.memory_space<vmem>>, vector<16xf32>,
      %sub3A_122 = arith.subf %get3A_121, %get3A_47 : vector<16xf32>
      %swap3A_123 = arith.constant 8 : i32
      %swap3A_124 = arith.index_cast %swap3A_123 : i32 to index
      %swap3A_125 = arith.constant 0 : index
      %swap3A_126 = tpu.vector_load %arg12[%swap3A_124, %swap3A_125] {strides = array<i32>} : memref<128x16xf32, #tpu.memory_space<vmem>>, vector<16xf32>,
      tpu.vector_store %arg12[%swap3A_124, %swap3A_125], %sub3A_122 {strides = array<i32>} : memref<128x16xf32, #tpu.memory_space<vmem>>, vector<16xf32>,
      %get3A_127 = arith.constant 9 : i32
      %get3A_128 = arith.index_cast %get3A_127 : i32 to index
      %get3A_129 = arith.constant 0 : index
      %get3A_130 = tpu.vector_load %arg10[%get3A_128, %get3A_129] {strides = array<i32>} : memref<128x16xf32, #tpu.memory_space<vmem>>, vector<16xf32>,
      %sub3A_131 = arith.subf %get3A_130, %get3A_47 : vector<16xf32>
      %swap3A_132 = arith.constant 9 : i32
      %swap3A_133 = arith.index_cast %swap3A_132 : i32 to index
      %swap3A_134 = arith.constant 0 : index
      %swap3A_135 = tpu.vector_load %arg12[%swap3A_133, %swap3A_134] {strides = array<i32>} : memref<128x16xf32, #tpu.memory_space<vmem>>, vector<16xf32>,
      tpu.vector_store %arg12[%swap3A_133, %swap3A_134], %sub3A_131 {strides = array<i32>} : memref<128x16xf32, #tpu.memory_space<vmem>>, vector<16xf32>,
      %get3A_136 = arith.constant 10 : i32
      %get3A_137 = arith.index_cast %get3A_136 : i32 to index
      %get3A_138 = arith.constant 0 : index
      %get3A_139 = tpu.vector_load %arg10[%get3A_137, %get3A_138] {strides = array<i32>} : memref<128x16xf32, #tpu.memory_space<vmem>>, vector<16xf32>,
      %sub3A_140 = arith.subf %get3A_139, %get3A_47 : vector<16xf32>
      %swap3A_141 = arith.constant 10 : i32
      %swap3A_142 = arith.index_cast %swap3A_141 : i32 to index
      %swap3A_143 = arith.constant 0 : index
      %swap3A_144 = tpu.vector_load %arg12[%swap3A_142, %swap3A_143] {strides = array<i32>} : memref<128x16xf32, #tpu.memory_space<vmem>>, vector<16xf32>,
      tpu.vector_store %arg12[%swap3A_142, %swap3A_143], %sub3A_140 {strides = array<i32>} : memref<128x16xf32, #tpu.memory_space<vmem>>, vector<16xf32>,
      %get3A_145 = arith.constant 11 : i32
      %get3A_146 = arith.index_cast %get3A_145 : i32 to index
      %get3A_147 = arith.constant 0 : index
      %get3A_148 = tpu.vector_load %arg10[%get3A_146, %get3A_147] {strides = array<i32>} : memref<128x16xf32, #tpu.memory_space<vmem>>, vector<16xf32>,
      %sub3A_149 = arith.subf %get3A_148, %get3A_47 : vector<16xf32>
      %swap3A_150 = arith.constant 11 : i32
      %swap3A_151 = arith.index_cast %swap3A_150 : i32 to index
      %swap3A_152 = arith.constant 0 : index
      %swap3A_153 = tpu.vector_load %arg12[%swap3A_151, %swap3A_152] {strides = array<i32>} : memref<128x16xf32, #tpu.memory_space<vmem>>, vector<16xf32>,
      tpu.vector_store %arg12[%swap3A_151, %swap3A_152], %sub3A_149 {strides = array<i32>} : memref<128x16xf32, #tpu.memory_space<vmem>>, vector<16xf32>,
      %get3A_154 = arith.constant 12 : i32
      %get3A_155 = arith.index_cast %get3A_154 : i32 to index
      %get3A_156 = arith.constant 0 : index
      %get3A_157 = tpu.vector_load %arg10[%get3A_155, %get3A_156] {strides = array<i32>} : memref<128x16xf32, #tpu.memory_space<vmem>>, vector<16xf32>,
      %sub3A_158 = arith.subf %get3A_157, %get3A_47 : vector<16xf32>
      %swap3A_159 = arith.constant 12 : i32
      %swap3A_160 = arith.index_cast %swap3A_159 : i32 to index
      %swap3A_161 = arith.constant 0 : index
      %swap3A_162 = tpu.vector_load %arg12[%swap3A_160, %swap3A_161] {strides = array<i32>} : memref<128x16xf32, #tpu.memory_space<vmem>>, vector<16xf32>,
      tpu.vector_store %arg12[%swap3A_160, %swap3A_161], %sub3A_158 {strides = array<i32>} : memref<128x16xf32, #tpu.memory_space<vmem>>, vector<16xf32>,
      %get3A_163 = arith.constant 13 : i32
      %get3A_164 = arith.index_cast %get3A_163 : i32 to index
      %get3A_165 = arith.constant 0 : index
      %get3A_166 = tpu.vector_load %arg10[%get3A_164, %get3A_165] {strides = array<i32>} : memref<128x16xf32, #tpu.memory_space<vmem>>, vector<16xf32>,
      %sub3A_167 = arith.subf %get3A_166, %get3A_47 : vector<16xf32>
      %swap3A_168 = arith.constant 13 : i32
      %swap3A_169 = arith.index_cast %swap3A_168 : i32 to index
      %swap3A_170 = arith.constant 0 : index
      %swap3A_171 = tpu.vector_load %arg12[%swap3A_169, %swap3A_170] {strides = array<i32>} : memref<128x16xf32, #tpu.memory_space<vmem>>, vector<16xf32>,
      tpu.vector_store %arg12[%swap3A_169, %swap3A_170], %sub3A_167 {strides = array<i32>} : memref<128x16xf32, #tpu.memory_space<vmem>>, vector<16xf32>,
      %get3A_172 = arith.constant 14 : i32
      %get3A_173 = arith.index_cast %get3A_172 : i32 to index
      %get3A_174 = arith.constant 0 : index
      %get3A_175 = tpu.vector_load %arg10[%get3A_173, %get3A_174] {strides = array<i32>} : memref<128x16xf32, #tpu.memory_space<vmem>>, vector<16xf32>,
      %sub3A_176 = arith.subf %get3A_175, %get3A_47 : vector<16xf32>
      %swap3A_177 = arith.constant 14 : i32
      %swap3A_178 = arith.index_cast %swap3A_177 : i32 to index
      %swap3A_179 = arith.constant 0 : index
      %swap3A_180 = tpu.vector_load %arg12[%swap3A_178, %swap3A_179] {strides = array<i32>} : memref<128x16xf32, #tpu.memory_space<vmem>>, vector<16xf32>,
      tpu.vector_store %arg12[%swap3A_178, %swap3A_179], %sub3A_176 {strides = array<i32>} : memref<128x16xf32, #tpu.memory_space<vmem>>, vector<16xf32>,
      %get3A_181 = arith.constant 15 : i32
      %get3A_182 = arith.index_cast %get3A_181 : i32 to index
      %get3A_183 = arith.constant 0 : index
      %get3A_184 = tpu.vector_load %arg10[%get3A_182, %get3A_183] {strides = array<i32>} : memref<128x16xf32, #tpu.memory_space<vmem>>, vector<16xf32>,
      %sub3A_185 = arith.subf %get3A_184, %get3A_47 : vector<16xf32>
      %swap3A_186 = arith.constant 15 : i32
      %swap3A_187 = arith.index_cast %swap3A_186 : i32 to index
      %swap3A_188 = arith.constant 0 : index
      %swap3A_189 = tpu.vector_load %arg12[%swap3A_187, %swap3A_188] {strides = array<i32>} : memref<128x16xf32, #tpu.memory_space<vmem>>, vector<16xf32>,
      tpu.vector_store %arg12[%swap3A_187, %swap3A_188], %sub3A_185 {strides = array<i32>} : memref<128x16xf32, #tpu.memory_space<vmem>>, vector<16xf32>,
      %get3A_190 = arith.constant 1 : i32
      %get3A_191 = arith.index_cast %get3A_190 : i32 to index
      %get3A_192 = arith.constant 0 : index
      %get3A_193 = tpu.vector_load %arg11[%get3A_191, %get3A_192] {strides = array<i32>} : memref<8x16xf32, #tpu.memory_space<vmem>>, vector<16xf32>,
      %get3A_194 = arith.constant 16 : i32
      %get3A_195 = arith.index_cast %get3A_194 : i32 to index
      %get3A_196 = arith.constant 0 : index
      %get3A_197 = tpu.vector_load %arg10[%get3A_195, %get3A_196] {strides = array<i32>} : memref<128x16xf32, #tpu.memory_space<vmem>>, vector<16xf32>,
      %sub3A_198 = arith.subf %get3A_197, %get3A_193 : vector<16xf32>
      %swap3A_199 = arith.constant 16 : i32
      %swap3A_200 = arith.index_cast %swap3A_199 : i32 to index
      %swap3A_201 = arith.constant 0 : index
      %swap3A_202 = tpu.vector_load %arg12[%swap3A_200, %swap3A_201] {strides = array<i32>} : memref<128x16xf32, #tpu.memory_space<vmem>>, vector<16xf32>,
      tpu.vector_store %arg12[%swap3A_200, %swap3A_201], %sub3A_198 {strides = array<i32>} : memref<128x16xf32, #tpu.memory_space<vmem>>, vector<16xf32>,
      %get3A_203 = arith.constant 17 : i32
      %get3A_204 = arith.index_cast %get3A_203 : i32 to index
      %get3A_205 = arith.constant 0 : index
      %get3A_206 = tpu.vector_load %arg10[%get3A_204, %get3A_205] {strides = array<i32>} : memref<128x16xf32, #tpu.memory_space<vmem>>, vector<16xf32>,
      %sub3A_207 = arith.subf %get3A_206, %get3A_193 : vector<16xf32>
      %swap3A_208 = arith.constant 17 : i32
      %swap3A_209 = arith.index_cast %swap3A_208 : i32 to index
      %swap3A_210 = arith.constant 0 : index
      %swap3A_211 = tpu.vector_load %arg12[%swap3A_209, %swap3A_210] {strides = array<i32>} : memref<128x16xf32, #tpu.memory_space<vmem>>, vector<16xf32>,
      tpu.vector_store %arg12[%swap3A_209, %swap3A_210], %sub3A_207 {strides = array<i32>} : memref<128x16xf32, #tpu.memory_space<vmem>>, vector<16xf32>,
      %get3A_212 = arith.constant 18 : i32
      %get3A_213 = arith.index_cast %get3A_212 : i32 to index
      %get3A_214 = arith.constant 0 : index
      %get3A_215 = tpu.vector_load %arg10[%get3A_213, %get3A_214] {strides = array<i32>} : memref<128x16xf32, #tpu.memory_space<vmem>>, vector<16xf32>,
      %sub3A_216 = arith.subf %get3A_215, %get3A_193 : vector<16xf32>
      %swap3A_217 = arith.constant 18 : i32
      %swap3A_218 = arith.index_cast %swap3A_217 : i32 to index
      %swap3A_219 = arith.constant 0 : index
      %swap3A_220 = tpu.vector_load %arg12[%swap3A_218, %swap3A_219] {strides = array<i32>} : memref<128x16xf32, #tpu.memory_space<vmem>>, vector<16xf32>,
      tpu.vector_store %arg12[%swap3A_218, %swap3A_219], %sub3A_216 {strides = array<i32>} : memref<128x16xf32, #tpu.memory_space<vmem>>, vector<16xf32>,
      %get3A_221 = arith.constant 19 : i32
      %get3A_222 = arith.index_cast %get3A_221 : i32 to index
      %get3A_223 = arith.constant 0 : index
      %get3A_224 = tpu.vector_load %arg10[%get3A_222, %get3A_223] {strides = array<i32>} : memref<128x16xf32, #tpu.memory_space<vmem>>, vector<16xf32>,
      %sub3A_225 = arith.subf %get3A_224, %get3A_193 : vector<16xf32>
      %swap3A_226 = arith.constant 19 : i32
      %swap3A_227 = arith.index_cast %swap3A_226 : i32 to index
      %swap3A_228 = arith.constant 0 : index
      %swap3A_229 = tpu.vector_load %arg12[%swap3A_227, %swap3A_228] {strides = array<i32>} : memref<128x16xf32, #tpu.memory_space<vmem>>, vector<16xf32>,
      tpu.vector_store %arg12[%swap3A_227, %swap3A_228], %sub3A_225 {strides = array<i32>} : memref<128x16xf32, #tpu.memory_space<vmem>>, vector<16xf32>,
      %get3A_230 = arith.constant 20 : i32
      %get3A_231 = arith.index_cast %get3A_230 : i32 to index
      %get3A_232 = arith.constant 0 : index
      %get3A_233 = tpu.vector_load %arg10[%get3A_231, %get3A_232] {strides = array<i32>} : memref<128x16xf32, #tpu.memory_space<vmem>>, vector<16xf32>,
      %sub3A_234 = arith.subf %get3A_233, %get3A_193 : vector<16xf32>
      %swap3A_235 = arith.constant 20 : i32
      %swap3A_236 = arith.index_cast %swap3A_235 : i32 to index
      %swap3A_237 = arith.constant 0 : index
      %swap3A_238 = tpu.vector_load %arg12[%swap3A_236, %swap3A_237] {strides = array<i32>} : memref<128x16xf32, #tpu.memory_space<vmem>>, vector<16xf32>,
      tpu.vector_store %arg12[%swap3A_236, %swap3A_237], %sub3A_234 {strides = array<i32>} : memref<128x16xf32, #tpu.memory_space<vmem>>, vector<16xf32>,
      %get3A_239 = arith.constant 21 : i32
      %get3A_240 = arith.index_cast %get3A_239 : i32 to index
      %get3A_241 = arith.constant 0 : index
      %get3A_242 = tpu.vector_load %arg10[%get3A_240, %get3A_241] {strides = array<i32>} : memref<128x16xf32, #tpu.memory_space<vmem>>, vector<16xf32>,
      %sub3A_243 = arith.subf %get3A_242, %get3A_193 : vector<16xf32>
      %swap3A_244 = arith.constant 21 : i32
      %swap3A_245 = arith.index_cast %swap3A_244 : i32 to index
      %swap3A_246 = arith.constant 0 : index
      %swap3A_247 = tpu.vector_load %arg12[%swap3A_245, %swap3A_246] {strides = array<i32>} : memref<128x16xf32, #tpu.memory_space<vmem>>, vector<16xf32>,
      tpu.vector_store %arg12[%swap3A_245, %swap3A_246], %sub3A_243 {strides = array<i32>} : memref<128x16xf32, #tpu.memory_space<vmem>>, vector<16xf32>,
      %get3A_248 = arith.constant 22 : i32
      %get3A_249 = arith.index_cast %get3A_248 : i32 to index
      %get3A_250 = arith.constant 0 : index
      %get3A_251 = tpu.vector_load %arg10[%get3A_249, %get3A_250] {strides = array<i32>} : memref<128x16xf32, #tpu.memory_space<vmem>>, vector<16xf32>,
      %sub3A_252 = arith.subf %get3A_251, %get3A_193 : vector<16xf32>
      %swap3A_253 = arith.constant 22 : i32
      %swap3A_254 = arith.index_cast %swap3A_253 : i32 to index
      %swap3A_255 = arith.constant 0 : index
      %swap3A_256 = tpu.vector_load %arg12[%swap3A_254, %swap3A_255] {strides = array<i32>} : memref<128x16xf32, #tpu.memory_space<vmem>>, vector<16xf32>,
      tpu.vector_store %arg12[%swap3A_254, %swap3A_255], %sub3A_252 {strides = array<i32>} : memref<128x16xf32, #tpu.memory_space<vmem>>, vector<16xf32>,
      %get3A_257 = arith.constant 23 : i32
      %get3A_258 = arith.index_cast %get3A_257 : i32 to index
      %get3A_259 = arith.constant 0 : index
      %get3A_260 = tpu.vector_load %arg10[%get3A_258, %get3A_259] {strides = array<i32>} : memref<128x16xf32, #tpu.memory_space<vmem>>, vector<16xf32>,
      %sub3A_261 = arith.subf %get3A_260, %get3A_193 : vector<16xf32>
      %swap3A_262 = arith.constant 23 : i32
      %swap3A_263 = arith.index_cast %swap3A_262 : i32 to index
      %swap3A_264 = arith.constant 0 : index
      %swap3A_265 = tpu.vector_load %arg12[%swap3A_263, %swap3A_264] {strides = array<i32>} : memref<128x16xf32, #tpu.memory_space<vmem>>, vector<16xf32>,
      tpu.vector_store %arg12[%swap3A_263, %swap3A_264], %sub3A_261 {strides = array<i32>} : memref<128x16xf32, #tpu.memory_space<vmem>>, vector<16xf32>,
      %get3A_266 = arith.constant 24 : i32
      %get3A_267 = arith.index_cast %get3A_266 : i32 to index
      %get3A_268 = arith.constant 0 : index
      %get3A_269 = tpu.vector_load %arg10[%get3A_267, %get3A_268] {strides = array<i32>} : memref<128x16xf32, #tpu.memory_space<vmem>>, vector<16xf32>,
      %sub3A_270 = arith.subf %get3A_269, %get3A_193 : vector<16xf32>
      %swap3A_271 = arith.constant 24 : i32
      %swap3A_272 = arith.index_cast %swap3A_271 : i32 to index
      %swap3A_273 = arith.constant 0 : index
      %swap3A_274 = tpu.vector_load %arg12[%swap3A_272, %swap3A_273] {strides = array<i32>} : memref<128x16xf32, #tpu.memory_space<vmem>>, vector<16xf32>,
      tpu.vector_store %arg12[%swap3A_272, %swap3A_273], %sub3A_270 {strides = array<i32>} : memref<128x16xf32, #tpu.memory_space<vmem>>, vector<16xf32>,
      %get3A_275 = arith.constant 25 : i32
      %get3A_276 = arith.index_cast %get3A_275 : i32 to index
      %get3A_277 = arith.constant 0 : index
      %get3A_278 = tpu.vector_load %arg10[%get3A_276, %get3A_277] {strides = array<i32>} : memref<128x16xf32, #tpu.memory_space<vmem>>, vector<16xf32>,
      %sub3A_279 = arith.subf %get3A_278, %get3A_193 : vector<16xf32>
      %swap3A_280 = arith.constant 25 : i32
      %swap3A_281 = arith.index_cast %swap3A_280 : i32 to index
      %swap3A_282 = arith.constant 0 : index
      %swap3A_283 = tpu.vector_load %arg12[%swap3A_281, %swap3A_282] {strides = array<i32>} : memref<128x16xf32, #tpu.memory_space<vmem>>, vector<16xf32>,
      tpu.vector_store %arg12[%swap3A_281, %swap3A_282], %sub3A_279 {strides = array<i32>} : memref<128x16xf32, #tpu.memory_space<vmem>>, vector<16xf32>,
      %get3A_284 = arith.constant 26 : i32
      %get3A_285 = arith.index_cast %get3A_284 : i32 to index
      %get3A_286 = arith.constant 0 : index
      %get3A_287 = tpu.vector_load %arg10[%get3A_285, %get3A_286] {strides = array<i32>} : memref<128x16xf32, #tpu.memory_space<vmem>>, vector<16xf32>,
      %sub3A_288 = arith.subf %get3A_287, %get3A_193 : vector<16xf32>
      %swap3A_289 = arith.constant 26 : i32
      %swap3A_290 = arith.index_cast %swap3A_289 : i32 to index
      %swap3A_291 = arith.constant 0 : index
      %swap3A_292 = tpu.vector_load %arg12[%swap3A_290, %swap3A_291] {strides = array<i32>} : memref<128x16xf32, #tpu.memory_space<vmem>>, vector<16xf32>,
      tpu.vector_store %arg12[%swap3A_290, %swap3A_291], %sub3A_288 {strides = array<i32>} : memref<128x16xf32, #tpu.memory_space<vmem>>, vector<16xf32>,
      %get3A_293 = arith.constant 27 : i32
      %get3A_294 = arith.index_cast %get3A_293 : i32 to index
      %get3A_295 = arith.constant 0 : index
      %get3A_296 = tpu.vector_load %arg10[%get3A_294, %get3A_295] {strides = array<i32>} : memref<128x16xf32, #tpu.memory_space<vmem>>, vector<16xf32>,
      %sub3A_297 = arith.subf %get3A_296, %get3A_193 : vector<16xf32>
      %swap3A_298 = arith.constant 27 : i32
      %swap3A_299 = arith.index_cast %swap3A_298 : i32 to index
      %swap3A_300 = arith.constant 0 : index
      %swap3A_301 = tpu.vector_load %arg12[%swap3A_299, %swap3A_300] {strides = array<i32>} : memref<128x16xf32, #tpu.memory_space<vmem>>, vector<16xf32>,
      tpu.vector_store %arg12[%swap3A_299, %swap3A_300], %sub3A_297 {strides = array<i32>} : memref<128x16xf32, #tpu.memory_space<vmem>>, vector<16xf32>,
      %get3A_302 = arith.constant 28 : i32
      %get3A_303 = arith.index_cast %get3A_302 : i32 to index
      %get3A_304 = arith.constant 0 : index
      %get3A_305 = tpu.vector_load %arg10[%get3A_303, %get3A_304] {strides = array<i32>} : memref<128x16xf32, #tpu.memory_space<vmem>>, vector<16xf32>,
      %sub3A_306 = arith.subf %get3A_305, %get3A_193 : vector<16xf32>
      %swap3A_307 = arith.constant 28 : i32
      %swap3A_308 = arith.index_cast %swap3A_307 : i32 to index
      %swap3A_309 = arith.constant 0 : index
      %swap3A_310 = tpu.vector_load %arg12[%swap3A_308, %swap3A_309] {strides = array<i32>} : memref<128x16xf32, #tpu.memory_space<vmem>>, vector<16xf32>,
      tpu.vector_store %arg12[%swap3A_308, %swap3A_309], %sub3A_306 {strides = array<i32>} : memref<128x16xf32, #tpu.memory_space<vmem>>, vector<16xf32>,
      %get3A_311 = arith.constant 29 : i32
      %get3A_312 = arith.index_cast %get3A_311 : i32 to index
      %get3A_313 = arith.constant 0 : index
      %get3A_314 = tpu.vector_load %arg10[%get3A_312, %get3A_313] {strides = array<i32>} : memref<128x16xf32, #tpu.memory_space<vmem>>, vector<16xf32>,
      %sub3A_315 = arith.subf %get3A_314, %get3A_193 : vector<16xf32>
      %swap3A_316 = arith.constant 29 : i32
      %swap3A_317 = arith.index_cast %swap3A_316 : i32 to index
      %swap3A_318 = arith.constant 0 : index
      %swap3A_319 = tpu.vector_load %arg12[%swap3A_317, %swap3A_318] {strides = array<i32>} : memref<128x16xf32, #tpu.memory_space<vmem>>, vector<16xf32>,
      tpu.vector_store %arg12[%swap3A_317, %swap3A_318], %sub3A_315 {strides = array<i32>} : memref<128x16xf32, #tpu.memory_space<vmem>>, vector<16xf32>,
      %get3A_320 = arith.constant 30 : i32
      %get3A_321 = arith.index_cast %get3A_320 : i32 to index
      %get3A_322 = arith.constant 0 : index
      %get3A_323 = tpu.vector_load %arg10[%get3A_321, %get3A_322] {strides = array<i32>} : memref<128x16xf32, #tpu.memory_space<vmem>>, vector<16xf32>,
      %sub3A_324 = arith.subf %get3A_323, %get3A_193 : vector<16xf32>
      %swap3A_325 = arith.constant 30 : i32
      %swap3A_326 = arith.index_cast %swap3A_325 : i32 to index
      %swap3A_327 = arith.constant 0 : index
      %swap3A_328 = tpu.vector_load %arg12[%swap3A_326, %swap3A_327] {strides = array<i32>} : memref<128x16xf32, #tpu.memory_space<vmem>>, vector<16xf32>,
      tpu.vector_store %arg12[%swap3A_326, %swap3A_327], %sub3A_324 {strides = array<i32>} : memref<128x16xf32, #tpu.memory_space<vmem>>, vector<16xf32>,
      %get3A_329 = arith.constant 31 : i32
      %get3A_330 = arith.index_cast %get3A_329 : i32 to index
      %get3A_331 = arith.constant 0 : index
      %get3A_332 = tpu.vector_load %arg10[%get3A_330, %get3A_331] {strides = array<i32>} : memref<128x16xf32, #tpu.memory_space<vmem>>, vector<16xf32>,
      %sub3A_333 = arith.subf %get3A_332, %get3A_193 : vector<16xf32>
      %swap3A_334 = arith.constant 31 : i32
      %swap3A_335 = arith.index_cast %swap3A_334 : i32 to index
      %swap3A_336 = arith.constant 0 : index
      %swap3A_337 = tpu.vector_load %arg12[%swap3A_335, %swap3A_336] {strides = array<i32>} : memref<128x16xf32, #tpu.memory_space<vmem>>, vector<16xf32>,
      tpu.vector_store %arg12[%swap3A_335, %swap3A_336], %sub3A_333 {strides = array<i32>} : memref<128x16xf32, #tpu.memory_space<vmem>>, vector<16xf32>,
      %get3A_338 = arith.constant 2 : i32
      %get3A_339 = arith.index_cast %get3A_338 : i32 to index
      %get3A_340 = arith.constant 0 : index
      %get3A_341 = tpu.vector_load %arg11[%get3A_339, %get3A_340] {strides = array<i32>} : memref<8x16xf32, #tpu.memory_space<vmem>>, vector<16xf32>,
      %get3A_342 = arith.constant 32 : i32
      %get3A_343 = arith.index_cast %get3A_342 : i32 to index
      %get3A_344 = arith.constant 0 : index
      %get3A_345 = tpu.vector_load %arg10[%get3A_343, %get3A_344] {strides = array<i32>} : memref<128x16xf32, #tpu.memory_space<vmem>>, vector<16xf32>,
      %sub3A_346 = arith.subf %get3A_345, %get3A_341 : vector<16xf32>
      %swap3A_347 = arith.constant 32 : i32
      %swap3A_348 = arith.index_cast %swap3A_347 : i32 to index
      %swap3A_349 = arith.constant 0 : index
      %swap3A_350 = tpu.vector_load %arg12[%swap3A_348, %swap3A_349] {strides = array<i32>} : memref<128x16xf32, #tpu.memory_space<vmem>>, vector<16xf32>,
      tpu.vector_store %arg12[%swap3A_348, %swap3A_349], %sub3A_346 {strides = array<i32>} : memref<128x16xf32, #tpu.memory_space<vmem>>, vector<16xf32>,
      %get3A_351 = arith.constant 33 : i32
      %get3A_352 = arith.index_cast %get3A_351 : i32 to index
      %get3A_353 = arith.constant 0 : index
      %get3A_354 = tpu.vector_load %arg10[%get3A_352, %get3A_353] {strides = array<i32>} : memref<128x16xf32, #tpu.memory_space<vmem>>, vector<16xf32>,
      %sub3A_355 = arith.subf %get3A_354, %get3A_341 : vector<16xf32>
      %swap3A_356 = arith.constant 33 : i32
      %swap3A_357 = arith.index_cast %swap3A_356 : i32 to index
      %swap3A_358 = arith.constant 0 : index
      %swap3A_359 = tpu.vector_load %arg12[%swap3A_357, %swap3A_358] {strides = array<i32>} : memref<128x16xf32, #tpu.memory_space<vmem>>, vector<16xf32>,
      tpu.vector_store %arg12[%swap3A_357, %swap3A_358], %sub3A_355 {strides = array<i32>} : memref<128x16xf32, #tpu.memory_space<vmem>>, vector<16xf32>,
      %get3A_360 = arith.constant 34 : i32
      %get3A_361 = arith.index_cast %get3A_360 : i32 to index
      %get3A_362 = arith.constant 0 : index
      %get3A_363 = tpu.vector_load %arg10[%get3A_361, %get3A_362] {strides = array<i32>} : memref<128x16xf32, #tpu.memory_space<vmem>>, vector<16xf32>,
      %sub3A_364 = arith.subf %get3A_363, %get3A_341 : vector<16xf32>
      %swap3A_365 = arith.constant 34 : i32
      %swap3A_366 = arith.index_cast %swap3A_365 : i32 to index
      %swap3A_367 = arith.constant 0 : index
      %swap3A_368 = tpu.vector_load %arg12[%swap3A_366, %swap3A_367] {strides = array<i32>} : memref<128x16xf32, #tpu.memory_space<vmem>>, vector<16xf32>,
      tpu.vector_store %arg12[%swap3A_366, %swap3A_367], %sub3A_364 {strides = array<i32>} : memref<128x16xf32, #tpu.memory_space<vmem>>, vector<16xf32>,
      %get3A_369 = arith.constant 35 : i32
      %get3A_370 = arith.index_cast %get3A_369 : i32 to index
      %get3A_371 = arith.constant 0 : index
      %get3A_372 = tpu.vector_load %arg10[%get3A_370, %get3A_371] {strides = array<i32>} : memref<128x16xf32, #tpu.memory_space<vmem>>, vector<16xf32>,
      %sub3A_373 = arith.subf %get3A_372, %get3A_341 : vector<16xf32>
      %swap3A_374 = arith.constant 35 : i32
      %swap3A_375 = arith.index_cast %swap3A_374 : i32 to index
      %swap3A_376 = arith.constant 0 : index
      %swap3A_377 = tpu.vector_load %arg12[%swap3A_375, %swap3A_376] {strides = array<i32>} : memref<128x16xf32, #tpu.memory_space<vmem>>, vector<16xf32>,
      tpu.vector_store %arg12[%swap3A_375, %swap3A_376], %sub3A_373 {strides = array<i32>} : memref<128x16xf32, #tpu.memory_space<vmem>>, vector<16xf32>,
      %get3A_378 = arith.constant 36 : i32
      %get3A_379 = arith.index_cast %get3A_378 : i32 to index
      %get3A_380 = arith.constant 0 : index
      %get3A_381 = tpu.vector_load %arg10[%get3A_379, %get3A_380] {strides = array<i32>} : memref<128x16xf32, #tpu.memory_space<vmem>>, vector<16xf32>,
      %sub3A_382 = arith.subf %get3A_381, %get3A_341 : vector<16xf32>
      %swap3A_383 = arith.constant 36 : i32
      %swap3A_384 = arith.index_cast %swap3A_383 : i32 to index
      %swap3A_385 = arith.constant 0 : index
      %swap3A_386 = tpu.vector_load %arg12[%swap3A_384, %swap3A_385] {strides = array<i32>} : memref<128x16xf32, #tpu.memory_space<vmem>>, vector<16xf32>,
      tpu.vector_store %arg12[%swap3A_384, %swap3A_385], %sub3A_382 {strides = array<i32>} : memref<128x16xf32, #tpu.memory_space<vmem>>, vector<16xf32>,
      %get3A_387 = arith.constant 37 : i32
      %get3A_388 = arith.index_cast %get3A_387 : i32 to index
      %get3A_389 = arith.constant 0 : index
      %get3A_390 = tpu.vector_load %arg10[%get3A_388, %get3A_389] {strides = array<i32>} : memref<128x16xf32, #tpu.memory_space<vmem>>, vector<16xf32>,
      %sub3A_391 = arith.subf %get3A_390, %get3A_341 : vector<16xf32>
      %swap3A_392 = arith.constant 37 : i32
      %swap3A_393 = arith.index_cast %swap3A_392 : i32 to index
      %swap3A_394 = arith.constant 0 : index
      %swap3A_395 = tpu.vector_load %arg12[%swap3A_393, %swap3A_394] {strides = array<i32>} : memref<128x16xf32, #tpu.memory_space<vmem>>, vector<16xf32>,
      tpu.vector_store %arg12[%swap3A_393, %swap3A_394], %sub3A_391 {strides = array<i32>} : memref<128x16xf32, #tpu.memory_space<vmem>>, vector<16xf32>,
      %get3A_396 = arith.constant 38 : i32
      %get3A_397 = arith.index_cast %get3A_396 : i32 to index
      %get3A_398 = arith.constant 0 : index
      %get3A_399 = tpu.vector_load %arg10[%get3A_397, %get3A_398] {strides = array<i32>} : memref<128x16xf32, #tpu.memory_space<vmem>>, vector<16xf32>,
      %sub3A_400 = arith.subf %get3A_399, %get3A_341 : vector<16xf32>
      %swap3A_401 = arith.constant 38 : i32
      %swap3A_402 = arith.index_cast %swap3A_401 : i32 to index
      %swap3A_403 = arith.constant 0 : index
      %swap3A_404 = tpu.vector_load %arg12[%swap3A_402, %swap3A_403] {strides = array<i32>} : memref<128x16xf32, #tpu.memory_space<vmem>>, vector<16xf32>,
      tpu.vector_store %arg12[%swap3A_402, %swap3A_403], %sub3A_400 {strides = array<i32>} : memref<128x16xf32, #tpu.memory_space<vmem>>, vector<16xf32>,
      %get3A_405 = arith.constant 39 : i32
      %get3A_406 = arith.index_cast %get3A_405 : i32 to index
      %get3A_407 = arith.constant 0 : index
      %get3A_408 = tpu.vector_load %arg10[%get3A_406, %get3A_407] {strides = array<i32>} : memref<128x16xf32, #tpu.memory_space<vmem>>, vector<16xf32>,
      %sub3A_409 = arith.subf %get3A_408, %get3A_341 : vector<16xf32>
      %swap3A_410 = arith.constant 39 : i32
      %swap3A_411 = arith.index_cast %swap3A_410 : i32 to index
      %swap3A_412 = arith.constant 0 : index
      %swap3A_413 = tpu.vector_load %arg12[%swap3A_411, %swap3A_412] {strides = array<i32>} : memref<128x16xf32, #tpu.memory_space<vmem>>, vector<16xf32>,
      tpu.vector_store %arg12[%swap3A_411, %swap3A_412], %sub3A_409 {strides = array<i32>} : memref<128x16xf32, #tpu.memory_space<vmem>>, vector<16xf32>,
      %get3A_414 = arith.constant 40 : i32
      %get3A_415 = arith.index_cast %get3A_414 : i32 to index
      %get3A_416 = arith.constant 0 : index
      %get3A_417 = tpu.vector_load %arg10[%get3A_415, %get3A_416] {strides = array<i32>} : memref<128x16xf32, #tpu.memory_space<vmem>>, vector<16xf32>,
      %sub3A_418 = arith.subf %get3A_417, %get3A_341 : vector<16xf32>
      %swap3A_419 = arith.constant 40 : i32
      %swap3A_420 = arith.index_cast %swap3A_419 : i32 to index
      %swap3A_421 = arith.constant 0 : index
      %swap3A_422 = tpu.vector_load %arg12[%swap3A_420, %swap3A_421] {strides = array<i32>} : memref<128x16xf32, #tpu.memory_space<vmem>>, vector<16xf32>,
      tpu.vector_store %arg12[%swap3A_420, %swap3A_421], %sub3A_418 {strides = array<i32>} : memref<128x16xf32, #tpu.memory_space<vmem>>, vector<16xf32>,
      %get3A_423 = arith.constant 41 : i32
      %get3A_424 = arith.index_cast %get3A_423 : i32 to index
      %get3A_425 = arith.constant 0 : index
      %get3A_426 = tpu.vector_load %arg10[%get3A_424, %get3A_425] {strides = array<i32>} : memref<128x16xf32, #tpu.memory_space<vmem>>, vector<16xf32>,
      %sub3A_427 = arith.subf %get3A_426, %get3A_341 : vector<16xf32>
      %swap3A_428 = arith.constant 41 : i32
      %swap3A_429 = arith.index_cast %swap3A_428 : i32 to index
      %swap3A_430 = arith.constant 0 : index
      %swap3A_431 = tpu.vector_load %arg12[%swap3A_429, %swap3A_430] {strides = array<i32>} : memref<128x16xf32, #tpu.memory_space<vmem>>, vector<16xf32>,
      tpu.vector_store %arg12[%swap3A_429, %swap3A_430], %sub3A_427 {strides = array<i32>} : memref<128x16xf32, #tpu.memory_space<vmem>>, vector<16xf32>,
      %get3A_432 = arith.constant 42 : i32
      %get3A_433 = arith.index_cast %get3A_432 : i32 to index
      %get3A_434 = arith.constant 0 : index
      %get3A_435 = tpu.vector_load %arg10[%get3A_433, %get3A_434] {strides = array<i32>} : memref<128x16xf32, #tpu.memory_space<vmem>>, vector<16xf32>,
      %sub3A_436 = arith.subf %get3A_435, %get3A_341 : vector<16xf32>
      %swap3A_437 = arith.constant 42 : i32
      %swap3A_438 = arith.index_cast %swap3A_437 : i32 to index
      %swap3A_439 = arith.constant 0 : index
      %swap3A_440 = tpu.vector_load %arg12[%swap3A_438, %swap3A_439] {strides = array<i32>} : memref<128x16xf32, #tpu.memory_space<vmem>>, vector<16xf32>,
      tpu.vector_store %arg12[%swap3A_438, %swap3A_439], %sub3A_436 {strides = array<i32>} : memref<128x16xf32, #tpu.memory_space<vmem>>, vector<16xf32>,
      %get3A_441 = arith.constant 43 : i32
      %get3A_442 = arith.index_cast %get3A_441 : i32 to index
      %get3A_443 = arith.constant 0 : index
      %get3A_444 = tpu.vector_load %arg10[%get3A_442, %get3A_443] {strides = array<i32>} : memref<128x16xf32, #tpu.memory_space<vmem>>, vector<16xf32>,
      %sub3A_445 = arith.subf %get3A_444, %get3A_341 : vector<16xf32>
      %swap3A_446 = arith.constant 43 : i32
      %swap3A_447 = arith.index_cast %swap3A_446 : i32 to index
      %swap3A_448 = arith.constant 0 : index
      %swap3A_449 = tpu.vector_load %arg12[%swap3A_447, %swap3A_448] {strides = array<i32>} : memref<128x16xf32, #tpu.memory_space<vmem>>, vector<16xf32>,
      tpu.vector_store %arg12[%swap3A_447, %swap3A_448], %sub3A_445 {strides = array<i32>} : memref<128x16xf32, #tpu.memory_space<vmem>>, vector<16xf32>,
      %get3A_450 = arith.constant 44 : i32
      %get3A_451 = arith.index_cast %get3A_450 : i32 to index
      %get3A_452 = arith.constant 0 : index
      %get3A_453 = tpu.vector_load %arg10[%get3A_451, %get3A_452] {strides = array<i32>} : memref<128x16xf32, #tpu.memory_space<vmem>>, vector<16xf32>,
      %sub3A_454 = arith.subf %get3A_453, %get3A_341 : vector<16xf32>
      %swap3A_455 = arith.constant 44 : i32
      %swap3A_456 = arith.index_cast %swap3A_455 : i32 to index
      %swap3A_457 = arith.constant 0 : index
      %swap3A_458 = tpu.vector_load %arg12[%swap3A_456, %swap3A_457] {strides = array<i32>} : memref<128x16xf32, #tpu.memory_space<vmem>>, vector<16xf32>,
      tpu.vector_store %arg12[%swap3A_456, %swap3A_457], %sub3A_454 {strides = array<i32>} : memref<128x16xf32, #tpu.memory_space<vmem>>, vector<16xf32>,
      %get3A_459 = arith.constant 45 : i32
      %get3A_460 = arith.index_cast %get3A_459 : i32 to index
      %get3A_461 = arith.constant 0 : index
      %get3A_462 = tpu.vector_load %arg10[%get3A_460, %get3A_461] {strides = array<i32>} : memref<128x16xf32, #tpu.memory_space<vmem>>, vector<16xf32>,
      %sub3A_463 = arith.subf %get3A_462, %get3A_341 : vector<16xf32>
      %swap3A_464 = arith.constant 45 : i32
      %swap3A_465 = arith.index_cast %swap3A_464 : i32 to index
      %swap3A_466 = arith.constant 0 : index
      %swap3A_467 = tpu.vector_load %arg12[%swap3A_465, %swap3A_466] {strides = array<i32>} : memref<128x16xf32, #tpu.memory_space<vmem>>, vector<16xf32>,
      tpu.vector_store %arg12[%swap3A_465, %swap3A_466], %sub3A_463 {strides = array<i32>} : memref<128x16xf32, #tpu.memory_space<vmem>>, vector<16xf32>,
      %get3A_468 = arith.constant 46 : i32
      %get3A_469 = arith.index_cast %get3A_468 : i32 to index
      %get3A_470 = arith.constant 0 : index
      %get3A_471 = tpu.vector_load %arg10[%get3A_469, %get3A_470] {strides = array<i32>} : memref<128x16xf32, #tpu.memory_space<vmem>>, vector<16xf32>,
      %sub3A_472 = arith.subf %get3A_471, %get3A_341 : vector<16xf32>
      %swap3A_473 = arith.constant 46 : i32
      %swap3A_474 = arith.index_cast %swap3A_473 : i32 to index
      %swap3A_475 = arith.constant 0 : index
      %swap3A_476 = tpu.vector_load %arg12[%swap3A_474, %swap3A_475] {strides = array<i32>} : memref<128x16xf32, #tpu.memory_space<vmem>>, vector<16xf32>,
      tpu.vector_store %arg12[%swap3A_474, %swap3A_475], %sub3A_472 {strides = array<i32>} : memref<128x16xf32, #tpu.memory_space<vmem>>, vector<16xf32>,
      %get3A_477 = arith.constant 47 : i32
      %get3A_478 = arith.index_cast %get3A_477 : i32 to index
      %get3A_479 = arith.constant 0 : index
      %get3A_480 = tpu.vector_load %arg10[%get3A_478, %get3A_479] {strides = array<i32>} : memref<128x16xf32, #tpu.memory_space<vmem>>, vector<16xf32>,
      %sub3A_481 = arith.subf %get3A_480, %get3A_341 : vector<16xf32>
      %swap3A_482 = arith.constant 47 : i32
      %swap3A_483 = arith.index_cast %swap3A_482 : i32 to index
      %swap3A_484 = arith.constant 0 : index
      %swap3A_485 = tpu.vector_load %arg12[%swap3A_483, %swap3A_484] {strides = array<i32>} : memref<128x16xf32, #tpu.memory_space<vmem>>, vector<16xf32>,
      tpu.vector_store %arg12[%swap3A_483, %swap3A_484], %sub3A_481 {strides = array<i32>} : memref<128x16xf32, #tpu.memory_space<vmem>>, vector<16xf32>,
      %get3A_486 = arith.constant 3 : i32
      %get3A_487 = arith.index_cast %get3A_486 : i32 to index
      %get3A_488 = arith.constant 0 : index
      %get3A_489 = tpu.vector_load %arg11[%get3A_487, %get3A_488] {strides = array<i32>} : memref<8x16xf32, #tpu.memory_space<vmem>>, vector<16xf32>,
      %get3A_490 = arith.constant 48 : i32
      %get3A_491 = arith.index_cast %get3A_490 : i32 to index
      %get3A_492 = arith.constant 0 : index
      %get3A_493 = tpu.vector_load %arg10[%get3A_491, %get3A_492] {strides = array<i32>} : memref<128x16xf32, #tpu.memory_space<vmem>>, vector<16xf32>,
      %sub3A_494 = arith.subf %get3A_493, %get3A_489 : vector<16xf32>
      %swap3A_495 = arith.constant 48 : i32
      %swap3A_496 = arith.index_cast %swap3A_495 : i32 to index
      %swap3A_497 = arith.constant 0 : index
      %swap3A_498 = tpu.vector_load %arg12[%swap3A_496, %swap3A_497] {strides = array<i32>} : memref<128x16xf32, #tpu.memory_space<vmem>>, vector<16xf32>,
      tpu.vector_store %arg12[%swap3A_496, %swap3A_497], %sub3A_494 {strides = array<i32>} : memref<128x16xf32, #tpu.memory_space<vmem>>, vector<16xf32>,
      %get3A_499 = arith.constant 49 : i32
      %get3A_500 = arith.index_cast %get3A_499 : i32 to index
      %get3A_501 = arith.constant 0 : index
      %get3A_502 = tpu.vector_load %arg10[%get3A_500, %get3A_501] {strides = array<i32>} : memref<128x16xf32, #tpu.memory_space<vmem>>, vector<16xf32>,
      %sub3A_503 = arith.subf %get3A_502, %get3A_489 : vector<16xf32>
      %swap3A_504 = arith.constant 49 : i32
      %swap3A_505 = arith.index_cast %swap3A_504 : i32 to index
      %swap3A_506 = arith.constant 0 : index
      %swap3A_507 = tpu.vector_load %arg12[%swap3A_505, %swap3A_506] {strides = array<i32>} : memref<128x16xf32, #tpu.memory_space<vmem>>, vector<16xf32>,
      tpu.vector_store %arg12[%swap3A_505, %swap3A_506], %sub3A_503 {strides = array<i32>} : memref<128x16xf32, #tpu.memory_space<vmem>>, vector<16xf32>,
      %get3A_508 = arith.constant 50 : i32
      %get3A_509 = arith.index_cast %get3A_508 : i32 to index
      %get3A_510 = arith.constant 0 : index
      %get3A_511 = tpu.vector_load %arg10[%get3A_509, %get3A_510] {strides = array<i32>} : memref<128x16xf32, #tpu.memory_space<vmem>>, vector<16xf32>,
      %sub3A_512 = arith.subf %get3A_511, %get3A_489 : vector<16xf32>
      %swap3A_513 = arith.constant 50 : i32
      %swap3A_514 = arith.index_cast %swap3A_513 : i32 to index
      %swap3A_515 = arith.constant 0 : index
      %swap3A_516 = tpu.vector_load %arg12[%swap3A_514, %swap3A_515] {strides = array<i32>} : memref<128x16xf32, #tpu.memory_space<vmem>>, vector<16xf32>,
      tpu.vector_store %arg12[%swap3A_514, %swap3A_515], %sub3A_512 {strides = array<i32>} : memref<128x16xf32, #tpu.memory_space<vmem>>, vector<16xf32>,
      %get3A_517 = arith.constant 51 : i32
      %get3A_518 = arith.index_cast %get3A_517 : i32 to index
      %get3A_519 = arith.constant 0 : index
      %get3A_520 = tpu.vector_load %arg10[%get3A_518, %get3A_519] {strides = array<i32>} : memref<128x16xf32, #tpu.memory_space<vmem>>, vector<16xf32>,
      %sub3A_521 = arith.subf %get3A_520, %get3A_489 : vector<16xf32>
      %swap3A_522 = arith.constant 51 : i32
      %swap3A_523 = arith.index_cast %swap3A_522 : i32 to index
      %swap3A_524 = arith.constant 0 : index
      %swap3A_525 = tpu.vector_load %arg12[%swap3A_523, %swap3A_524] {strides = array<i32>} : memref<128x16xf32, #tpu.memory_space<vmem>>, vector<16xf32>,
      tpu.vector_store %arg12[%swap3A_523, %swap3A_524], %sub3A_521 {strides = array<i32>} : memref<128x16xf32, #tpu.memory_space<vmem>>, vector<16xf32>,
      %get3A_526 = arith.constant 52 : i32
      %get3A_527 = arith.index_cast %get3A_526 : i32 to index
      %get3A_528 = arith.constant 0 : index
      %get3A_529 = tpu.vector_load %arg10[%get3A_527, %get3A_528] {strides = array<i32>} : memref<128x16xf32, #tpu.memory_space<vmem>>, vector<16xf32>,
      %sub3A_530 = arith.subf %get3A_529, %get3A_489 : vector<16xf32>
      %swap3A_531 = arith.constant 52 : i32
      %swap3A_532 = arith.index_cast %swap3A_531 : i32 to index
      %swap3A_533 = arith.constant 0 : index
      %swap3A_534 = tpu.vector_load %arg12[%swap3A_532, %swap3A_533] {strides = array<i32>} : memref<128x16xf32, #tpu.memory_space<vmem>>, vector<16xf32>,
      tpu.vector_store %arg12[%swap3A_532, %swap3A_533], %sub3A_530 {strides = array<i32>} : memref<128x16xf32, #tpu.memory_space<vmem>>, vector<16xf32>,
      %get3A_535 = arith.constant 53 : i32
      %get3A_536 = arith.index_cast %get3A_535 : i32 to index
      %get3A_537 = arith.constant 0 : index
      %get3A_538 = tpu.vector_load %arg10[%get3A_536, %get3A_537] {strides = array<i32>} : memref<128x16xf32, #tpu.memory_space<vmem>>, vector<16xf32>,
      %sub3A_539 = arith.subf %get3A_538, %get3A_489 : vector<16xf32>
      %swap3A_540 = arith.constant 53 : i32
      %swap3A_541 = arith.index_cast %swap3A_540 : i32 to index
      %swap3A_542 = arith.constant 0 : index
      %swap3A_543 = tpu.vector_load %arg12[%swap3A_541, %swap3A_542] {strides = array<i32>} : memref<128x16xf32, #tpu.memory_space<vmem>>, vector<16xf32>,
      tpu.vector_store %arg12[%swap3A_541, %swap3A_542], %sub3A_539 {strides = array<i32>} : memref<128x16xf32, #tpu.memory_space<vmem>>, vector<16xf32>,
      %get3A_544 = arith.constant 54 : i32
      %get3A_545 = arith.index_cast %get3A_544 : i32 to index
      %get3A_546 = arith.constant 0 : index
      %get3A_547 = tpu.vector_load %arg10[%get3A_545, %get3A_546] {strides = array<i32>} : memref<128x16xf32, #tpu.memory_space<vmem>>, vector<16xf32>,
      %sub3A_548 = arith.subf %get3A_547, %get3A_489 : vector<16xf32>
      %swap3A_549 = arith.constant 54 : i32
      %swap3A_550 = arith.index_cast %swap3A_549 : i32 to index
      %swap3A_551 = arith.constant 0 : index
      %swap3A_552 = tpu.vector_load %arg12[%swap3A_550, %swap3A_551] {strides = array<i32>} : memref<128x16xf32, #tpu.memory_space<vmem>>, vector<16xf32>,
      tpu.vector_store %arg12[%swap3A_550, %swap3A_551], %sub3A_548 {strides = array<i32>} : memref<128x16xf32, #tpu.memory_space<vmem>>, vector<16xf32>,
      %get3A_553 = arith.constant 55 : i32
      %get3A_554 = arith.index_cast %get3A_553 : i32 to index
      %get3A_555 = arith.constant 0 : index
      %get3A_556 = tpu.vector_load %arg10[%get3A_554, %get3A_555] {strides = array<i32>} : memref<128x16xf32, #tpu.memory_space<vmem>>, vector<16xf32>,
      %sub3A_557 = arith.subf %get3A_556, %get3A_489 : vector<16xf32>
      %swap3A_558 = arith.constant 55 : i32
      %swap3A_559 = arith.index_cast %swap3A_558 : i32 to index
      %swap3A_560 = arith.constant 0 : index
      %swap3A_561 = tpu.vector_load %arg12[%swap3A_559, %swap3A_560] {strides = array<i32>} : memref<128x16xf32, #tpu.memory_space<vmem>>, vector<16xf32>,
      tpu.vector_store %arg12[%swap3A_559, %swap3A_560], %sub3A_557 {strides = array<i32>} : memref<128x16xf32, #tpu.memory_space<vmem>>, vector<16xf32>,
      %get3A_562 = arith.constant 56 : i32
      %get3A_563 = arith.index_cast %get3A_562 : i32 to index
      %get3A_564 = arith.constant 0 : index
      %get3A_565 = tpu.vector_load %arg10[%get3A_563, %get3A_564] {strides = array<i32>} : memref<128x16xf32, #tpu.memory_space<vmem>>, vector<16xf32>,
      %sub3A_566 = arith.subf %get3A_565, %get3A_489 : vector<16xf32>
      %swap3A_567 = arith.constant 56 : i32
      %swap3A_568 = arith.index_cast %swap3A_567 : i32 to index
      %swap3A_569 = arith.constant 0 : index
      %swap3A_570 = tpu.vector_load %arg12[%swap3A_568, %swap3A_569] {strides = array<i32>} : memref<128x16xf32, #tpu.memory_space<vmem>>, vector<16xf32>,
      tpu.vector_store %arg12[%swap3A_568, %swap3A_569], %sub3A_566 {strides = array<i32>} : memref<128x16xf32, #tpu.memory_space<vmem>>, vector<16xf32>,
      %get3A_571 = arith.constant 57 : i32
      %get3A_572 = arith.index_cast %get3A_571 : i32 to index
      %get3A_573 = arith.constant 0 : index
      %get3A_574 = tpu.vector_load %arg10[%get3A_572, %get3A_573] {strides = array<i32>} : memref<128x16xf32, #tpu.memory_space<vmem>>, vector<16xf32>,
      %sub3A_575 = arith.subf %get3A_574, %get3A_489 : vector<16xf32>
      %swap3A_576 = arith.constant 57 : i32
      %swap3A_577 = arith.index_cast %swap3A_576 : i32 to index
      %swap3A_578 = arith.constant 0 : index
      %swap3A_579 = tpu.vector_load %arg12[%swap3A_577, %swap3A_578] {strides = array<i32>} : memref<128x16xf32, #tpu.memory_space<vmem>>, vector<16xf32>,
      tpu.vector_store %arg12[%swap3A_577, %swap3A_578], %sub3A_575 {strides = array<i32>} : memref<128x16xf32, #tpu.memory_space<vmem>>, vector<16xf32>,
      %get3A_580 = arith.constant 58 : i32
      %get3A_581 = arith.index_cast %get3A_580 : i32 to index
      %get3A_582 = arith.constant 0 : index
      %get3A_583 = tpu.vector_load %arg10[%get3A_581, %get3A_582] {strides = array<i32>} : memref<128x16xf32, #tpu.memory_space<vmem>>, vector<16xf32>,
      %sub3A_584 = arith.subf %get3A_583, %get3A_489 : vector<16xf32>
      %swap3A_585 = arith.constant 58 : i32
      %swap3A_586 = arith.index_cast %swap3A_585 : i32 to index
      %swap3A_587 = arith.constant 0 : index
      %swap3A_588 = tpu.vector_load %arg12[%swap3A_586, %swap3A_587] {strides = array<i32>} : memref<128x16xf32, #tpu.memory_space<vmem>>, vector<16xf32>,
      tpu.vector_store %arg12[%swap3A_586, %swap3A_587], %sub3A_584 {strides = array<i32>} : memref<128x16xf32, #tpu.memory_space<vmem>>, vector<16xf32>,
      %get3A_589 = arith.constant 59 : i32
      %get3A_590 = arith.index_cast %get3A_589 : i32 to index
      %get3A_591 = arith.constant 0 : index
      %get3A_592 = tpu.vector_load %arg10[%get3A_590, %get3A_591] {strides = array<i32>} : memref<128x16xf32, #tpu.memory_space<vmem>>, vector<16xf32>,
      %sub3A_593 = arith.subf %get3A_592, %get3A_489 : vector<16xf32>
      %swap3A_594 = arith.constant 59 : i32
      %swap3A_595 = arith.index_cast %swap3A_594 : i32 to index
      %swap3A_596 = arith.constant 0 : index
      %swap3A_597 = tpu.vector_load %arg12[%swap3A_595, %swap3A_596] {strides = array<i32>} : memref<128x16xf32, #tpu.memory_space<vmem>>, vector<16xf32>,
      tpu.vector_store %arg12[%swap3A_595, %swap3A_596], %sub3A_593 {strides = array<i32>} : memref<128x16xf32, #tpu.memory_space<vmem>>, vector<16xf32>,
      %get3A_598 = arith.constant 60 : i32
      %get3A_599 = arith.index_cast %get3A_598 : i32 to index
      %get3A_600 = arith.constant 0 : index
      %get3A_601 = tpu.vector_load %arg10[%get3A_599, %get3A_600] {strides = array<i32>} : memref<128x16xf32, #tpu.memory_space<vmem>>, vector<16xf32>,
      %sub3A_602 = arith.subf %get3A_601, %get3A_489 : vector<16xf32>
      %swap3A_603 = arith.constant 60 : i32
      %swap3A_604 = arith.index_cast %swap3A_603 : i32 to index
      %swap3A_605 = arith.constant 0 : index
      %swap3A_606 = tpu.vector_load %arg12[%swap3A_604, %swap3A_605] {strides = array<i32>} : memref<128x16xf32, #tpu.memory_space<vmem>>, vector<16xf32>,
      tpu.vector_store %arg12[%swap3A_604, %swap3A_605], %sub3A_602 {strides = array<i32>} : memref<128x16xf32, #tpu.memory_space<vmem>>, vector<16xf32>,
      %get3A_607 = arith.constant 61 : i32
      %get3A_608 = arith.index_cast %get3A_607 : i32 to index
      %get3A_609 = arith.constant 0 : index
      %get3A_610 = tpu.vector_load %arg10[%get3A_608, %get3A_609] {strides = array<i32>} : memref<128x16xf32, #tpu.memory_space<vmem>>, vector<16xf32>,
      %sub3A_611 = arith.subf %get3A_610, %get3A_489 : vector<16xf32>
      %swap3A_612 = arith.constant 61 : i32
      %swap3A_613 = arith.index_cast %swap3A_612 : i32 to index
      %swap3A_614 = arith.constant 0 : index
      %swap3A_615 = tpu.vector_load %arg12[%swap3A_613, %swap3A_614] {strides = array<i32>} : memref<128x16xf32, #tpu.memory_space<vmem>>, vector<16xf32>,
      tpu.vector_store %arg12[%swap3A_613, %swap3A_614], %sub3A_611 {strides = array<i32>} : memref<128x16xf32, #tpu.memory_space<vmem>>, vector<16xf32>,
      %get3A_616 = arith.constant 62 : i32
      %get3A_617 = arith.index_cast %get3A_616 : i32 to index
      %get3A_618 = arith.constant 0 : index
      %get3A_619 = tpu.vector_load %arg10[%get3A_617, %get3A_618] {strides = array<i32>} : memref<128x16xf32, #tpu.memory_space<vmem>>, vector<16xf32>,
      %sub3A_620 = arith.subf %get3A_619, %get3A_489 : vector<16xf32>
      %swap3A_621 = arith.constant 62 : i32
      %swap3A_622 = arith.index_cast %swap3A_621 : i32 to index
      %swap3A_623 = arith.constant 0 : index
      %swap3A_624 = tpu.vector_load %arg12[%swap3A_622, %swap3A_623] {strides = array<i32>} : memref<128x16xf32, #tpu.memory_space<vmem>>, vector<16xf32>,
      tpu.vector_store %arg12[%swap3A_622, %swap3A_623], %sub3A_620 {strides = array<i32>} : memref<128x16xf32, #tpu.memory_space<vmem>>, vector<16xf32>,
      %get3A_625 = arith.constant 63 : i32
      %get3A_626 = arith.index_cast %get3A_625 : i32 to index
      %get3A_627 = arith.constant 0 : index
      %get3A_628 = tpu.vector_load %arg10[%get3A_626, %get3A_627] {strides = array<i32>} : memref<128x16xf32, #tpu.memory_space<vmem>>, vector<16xf32>,
      %sub3A_629 = arith.subf %get3A_628, %get3A_489 : vector<16xf32>
      %swap3A_630 = arith.constant 63 : i32
      %swap3A_631 = arith.index_cast %swap3A_630 : i32 to index
      %swap3A_632 = arith.constant 0 : index
      %swap3A_633 = tpu.vector_load %arg12[%swap3A_631, %swap3A_632] {strides = array<i32>} : memref<128x16xf32, #tpu.memory_space<vmem>>, vector<16xf32>,
      tpu.vector_store %arg12[%swap3A_631, %swap3A_632], %sub3A_629 {strides = array<i32>} : memref<128x16xf32, #tpu.memory_space<vmem>>, vector<16xf32>,
      %get3A_634 = arith.constant 4 : i32
      %get3A_635 = arith.index_cast %get3A_634 : i32 to index
      %get3A_636 = arith.constant 0 : index
      %get3A_637 = tpu.vector_load %arg11[%get3A_635, %get3A_636] {strides = array<i32>} : memref<8x16xf32, #tpu.memory_space<vmem>>, vector<16xf32>,
      %get3A_638 = arith.constant 64 : i32
      %get3A_639 = arith.index_cast %get3A_638 : i32 to index
      %get3A_640 = arith.constant 0 : index
      %get3A_641 = tpu.vector_load %arg10[%get3A_639, %get3A_640] {strides = array<i32>} : memref<128x16xf32, #tpu.memory_space<vmem>>, vector<16xf32>,
      %sub3A_642 = arith.subf %get3A_641, %get3A_637 : vector<16xf32>
      %swap3A_643 = arith.constant 64 : i32
      %swap3A_644 = arith.index_cast %swap3A_643 : i32 to index
      %swap3A_645 = arith.constant 0 : index
      %swap3A_646 = tpu.vector_load %arg12[%swap3A_644, %swap3A_645] {strides = array<i32>} : memref<128x16xf32, #tpu.memory_space<vmem>>, vector<16xf32>,
      tpu.vector_store %arg12[%swap3A_644, %swap3A_645], %sub3A_642 {strides = array<i32>} : memref<128x16xf32, #tpu.memory_space<vmem>>, vector<16xf32>,
      %get3A_647 = arith.constant 65 : i32
      %get3A_648 = arith.index_cast %get3A_647 : i32 to index
      %get3A_649 = arith.constant 0 : index
      %get3A_650 = tpu.vector_load %arg10[%get3A_648, %get3A_649] {strides = array<i32>} : memref<128x16xf32, #tpu.memory_space<vmem>>, vector<16xf32>,
      %sub3A_651 = arith.subf %get3A_650, %get3A_637 : vector<16xf32>
      %swap3A_652 = arith.constant 65 : i32
      %swap3A_653 = arith.index_cast %swap3A_652 : i32 to index
      %swap3A_654 = arith.constant 0 : index
      %swap3A_655 = tpu.vector_load %arg12[%swap3A_653, %swap3A_654] {strides = array<i32>} : memref<128x16xf32, #tpu.memory_space<vmem>>, vector<16xf32>,
      tpu.vector_store %arg12[%swap3A_653, %swap3A_654], %sub3A_651 {strides = array<i32>} : memref<128x16xf32, #tpu.memory_space<vmem>>, vector<16xf32>,
      %get3A_656 = arith.constant 66 : i32
      %get3A_657 = arith.index_cast %get3A_656 : i32 to index
      %get3A_658 = arith.constant 0 : index
      %get3A_659 = tpu.vector_load %arg10[%get3A_657, %get3A_658] {strides = array<i32>} : memref<128x16xf32, #tpu.memory_space<vmem>>, vector<16xf32>,
      %sub3A_660 = arith.subf %get3A_659, %get3A_637 : vector<16xf32>
      %swap3A_661 = arith.constant 66 : i32
      %swap3A_662 = arith.index_cast %swap3A_661 : i32 to index
      %swap3A_663 = arith.constant 0 : index
      %swap3A_664 = tpu.vector_load %arg12[%swap3A_662, %swap3A_663] {strides = array<i32>} : memref<128x16xf32, #tpu.memory_space<vmem>>, vector<16xf32>,
      tpu.vector_store %arg12[%swap3A_662, %swap3A_663], %sub3A_660 {strides = array<i32>} : memref<128x16xf32, #tpu.memory_space<vmem>>, vector<16xf32>,
      %get3A_665 = arith.constant 67 : i32
      %get3A_666 = arith.index_cast %get3A_665 : i32 to index
      %get3A_667 = arith.constant 0 : index
      %get3A_668 = tpu.vector_load %arg10[%get3A_666, %get3A_667] {strides = array<i32>} : memref<128x16xf32, #tpu.memory_space<vmem>>, vector<16xf32>,
      %sub3A_669 = arith.subf %get3A_668, %get3A_637 : vector<16xf32>
      %swap3A_670 = arith.constant 67 : i32
      %swap3A_671 = arith.index_cast %swap3A_670 : i32 to index
      %swap3A_672 = arith.constant 0 : index
      %swap3A_673 = tpu.vector_load %arg12[%swap3A_671, %swap3A_672] {strides = array<i32>} : memref<128x16xf32, #tpu.memory_space<vmem>>, vector<16xf32>,
      tpu.vector_store %arg12[%swap3A_671, %swap3A_672], %sub3A_669 {strides = array<i32>} : memref<128x16xf32, #tpu.memory_space<vmem>>, vector<16xf32>,
      %get3A_674 = arith.constant 68 : i32
      %get3A_675 = arith.index_cast %get3A_674 : i32 to index
      %get3A_676 = arith.constant 0 : index
      %get3A_677 = tpu.vector_load %arg10[%get3A_675, %get3A_676] {strides = array<i32>} : memref<128x16xf32, #tpu.memory_space<vmem>>, vector<16xf32>,
      %sub3A_678 = arith.subf %get3A_677, %get3A_637 : vector<16xf32>
      %swap3A_679 = arith.constant 68 : i32
      %swap3A_680 = arith.index_cast %swap3A_679 : i32 to index
      %swap3A_681 = arith.constant 0 : index
      %swap3A_682 = tpu.vector_load %arg12[%swap3A_680, %swap3A_681] {strides = array<i32>} : memref<128x16xf32, #tpu.memory_space<vmem>>, vector<16xf32>,
      tpu.vector_store %arg12[%swap3A_680, %swap3A_681], %sub3A_678 {strides = array<i32>} : memref<128x16xf32, #tpu.memory_space<vmem>>, vector<16xf32>,
      %get3A_683 = arith.constant 69 : i32
      %get3A_684 = arith.index_cast %get3A_683 : i32 to index
      %get3A_685 = arith.constant 0 : index
      %get3A_686 = tpu.vector_load %arg10[%get3A_684, %get3A_685] {strides = array<i32>} : memref<128x16xf32, #tpu.memory_space<vmem>>, vector<16xf32>,
      %sub3A_687 = arith.subf %get3A_686, %get3A_637 : vector<16xf32>
      %swap3A_688 = arith.constant 69 : i32
      %swap3A_689 = arith.index_cast %swap3A_688 : i32 to index
      %swap3A_690 = arith.constant 0 : index
      %swap3A_691 = tpu.vector_load %arg12[%swap3A_689, %swap3A_690] {strides = array<i32>} : memref<128x16xf32, #tpu.memory_space<vmem>>, vector<16xf32>,
      tpu.vector_store %arg12[%swap3A_689, %swap3A_690], %sub3A_687 {strides = array<i32>} : memref<128x16xf32, #tpu.memory_space<vmem>>, vector<16xf32>,
      %get3A_692 = arith.constant 70 : i32
      %get3A_693 = arith.index_cast %get3A_692 : i32 to index
      %get3A_694 = arith.constant 0 : index
      %get3A_695 = tpu.vector_load %arg10[%get3A_693, %get3A_694] {strides = array<i32>} : memref<128x16xf32, #tpu.memory_space<vmem>>, vector<16xf32>,
      %sub3A_696 = arith.subf %get3A_695, %get3A_637 : vector<16xf32>
      %swap3A_697 = arith.constant 70 : i32
      %swap3A_698 = arith.index_cast %swap3A_697 : i32 to index
      %swap3A_699 = arith.constant 0 : index
      %swap3A_700 = tpu.vector_load %arg12[%swap3A_698, %swap3A_699] {strides = array<i32>} : memref<128x16xf32, #tpu.memory_space<vmem>>, vector<16xf32>,
      tpu.vector_store %arg12[%swap3A_698, %swap3A_699], %sub3A_696 {strides = array<i32>} : memref<128x16xf32, #tpu.memory_space<vmem>>, vector<16xf32>,
      %get3A_701 = arith.constant 71 : i32
      %get3A_702 = arith.index_cast %get3A_701 : i32 to index
      %get3A_703 = arith.constant 0 : index
      %get3A_704 = tpu.vector_load %arg10[%get3A_702, %get3A_703] {strides = array<i32>} : memref<128x16xf32, #tpu.memory_space<vmem>>, vector<16xf32>,
      %sub3A_705 = arith.subf %get3A_704, %get3A_637 : vector<16xf32>
      %swap3A_706 = arith.constant 71 : i32
      %swap3A_707 = arith.index_cast %swap3A_706 : i32 to index
      %swap3A_708 = arith.constant 0 : index
      %swap3A_709 = tpu.vector_load %arg12[%swap3A_707, %swap3A_708] {strides = array<i32>} : memref<128x16xf32, #tpu.memory_space<vmem>>, vector<16xf32>,
      tpu.vector_store %arg12[%swap3A_707, %swap3A_708], %sub3A_705 {strides = array<i32>} : memref<128x16xf32, #tpu.memory_space<vmem>>, vector<16xf32>,
      %get3A_710 = arith.constant 72 : i32
      %get3A_711 = arith.index_cast %get3A_710 : i32 to index
      %get3A_712 = arith.constant 0 : index
      %get3A_713 = tpu.vector_load %arg10[%get3A_711, %get3A_712] {strides = array<i32>} : memref<128x16xf32, #tpu.memory_space<vmem>>, vector<16xf32>,
      %sub3A_714 = arith.subf %get3A_713, %get3A_637 : vector<16xf32>
      %swap3A_715 = arith.constant 72 : i32
      %swap3A_716 = arith.index_cast %swap3A_715 : i32 to index
      %swap3A_717 = arith.constant 0 : index
      %swap3A_718 = tpu.vector_load %arg12[%swap3A_716, %swap3A_717] {strides = array<i32>} : memref<128x16xf32, #tpu.memory_space<vmem>>, vector<16xf32>,
      tpu.vector_store %arg12[%swap3A_716, %swap3A_717], %sub3A_714 {strides = array<i32>} : memref<128x16xf32, #tpu.memory_space<vmem>>, vector<16xf32>,
      %get3A_719 = arith.constant 73 : i32
      %get3A_720 = arith.index_cast %get3A_719 : i32 to index
      %get3A_721 = arith.constant 0 : index
      %get3A_722 = tpu.vector_load %arg10[%get3A_720, %get3A_721] {strides = array<i32>} : memref<128x16xf32, #tpu.memory_space<vmem>>, vector<16xf32>,
      %sub3A_723 = arith.subf %get3A_722, %get3A_637 : vector<16xf32>
      %swap3A_724 = arith.constant 73 : i32
      %swap3A_725 = arith.index_cast %swap3A_724 : i32 to index
      %swap3A_726 = arith.constant 0 : index
      %swap3A_727 = tpu.vector_load %arg12[%swap3A_725, %swap3A_726] {strides = array<i32>} : memref<128x16xf32, #tpu.memory_space<vmem>>, vector<16xf32>,
      tpu.vector_store %arg12[%swap3A_725, %swap3A_726], %sub3A_723 {strides = array<i32>} : memref<128x16xf32, #tpu.memory_space<vmem>>, vector<16xf32>,
      %get3A_728 = arith.constant 74 : i32
      %get3A_729 = arith.index_cast %get3A_728 : i32 to index
      %get3A_730 = arith.constant 0 : index
      %get3A_731 = tpu.vector_load %arg10[%get3A_729, %get3A_730] {strides = array<i32>} : memref<128x16xf32, #tpu.memory_space<vmem>>, vector<16xf32>,
      %sub3A_732 = arith.subf %get3A_731, %get3A_637 : vector<16xf32>
      %swap3A_733 = arith.constant 74 : i32
      %swap3A_734 = arith.index_cast %swap3A_733 : i32 to index
      %swap3A_735 = arith.constant 0 : index
      %swap3A_736 = tpu.vector_load %arg12[%swap3A_734, %swap3A_735] {strides = array<i32>} : memref<128x16xf32, #tpu.memory_space<vmem>>, vector<16xf32>,
      tpu.vector_store %arg12[%swap3A_734, %swap3A_735], %sub3A_732 {strides = array<i32>} : memref<128x16xf32, #tpu.memory_space<vmem>>, vector<16xf32>,
      %get3A_737 = arith.constant 75 : i32
      %get3A_738 = arith.index_cast %get3A_737 : i32 to index
      %get3A_739 = arith.constant 0 : index
      %get3A_740 = tpu.vector_load %arg10[%get3A_738, %get3A_739] {strides = array<i32>} : memref<128x16xf32, #tpu.memory_space<vmem>>, vector<16xf32>,
      %sub3A_741 = arith.subf %get3A_740, %get3A_637 : vector<16xf32>
      %swap3A_742 = arith.constant 75 : i32
      %swap3A_743 = arith.index_cast %swap3A_742 : i32 to index
      %swap3A_744 = arith.constant 0 : index
      %swap3A_745 = tpu.vector_load %arg12[%swap3A_743, %swap3A_744] {strides = array<i32>} : memref<128x16xf32, #tpu.memory_space<vmem>>, vector<16xf32>,
      tpu.vector_store %arg12[%swap3A_743, %swap3A_744], %sub3A_741 {strides = array<i32>} : memref<128x16xf32, #tpu.memory_space<vmem>>, vector<16xf32>,
      %get3A_746 = arith.constant 76 : i32
      %get3A_747 = arith.index_cast %get3A_746 : i32 to index
      %get3A_748 = arith.constant 0 : index
      %get3A_749 = tpu.vector_load %arg10[%get3A_747, %get3A_748] {strides = array<i32>} : memref<128x16xf32, #tpu.memory_space<vmem>>, vector<16xf32>,
      %sub3A_750 = arith.subf %get3A_749, %get3A_637 : vector<16xf32>
      %swap3A_751 = arith.constant 76 : i32
      %swap3A_752 = arith.index_cast %swap3A_751 : i32 to index
      %swap3A_753 = arith.constant 0 : index
      %swap3A_754 = tpu.vector_load %arg12[%swap3A_752, %swap3A_753] {strides = array<i32>} : memref<128x16xf32, #tpu.memory_space<vmem>>, vector<16xf32>,
      tpu.vector_store %arg12[%swap3A_752, %swap3A_753], %sub3A_750 {strides = array<i32>} : memref<128x16xf32, #tpu.memory_space<vmem>>, vector<16xf32>,
      %get3A_755 = arith.constant 77 : i32
      %get3A_756 = arith.index_cast %get3A_755 : i32 to index
      %get3A_757 = arith.constant 0 : index
      %get3A_758 = tpu.vector_load %arg10[%get3A_756, %get3A_757] {strides = array<i32>} : memref<128x16xf32, #tpu.memory_space<vmem>>, vector<16xf32>,
      %sub3A_759 = arith.subf %get3A_758, %get3A_637 : vector<16xf32>
      %swap3A_760 = arith.constant 77 : i32
      %swap3A_761 = arith.index_cast %swap3A_760 : i32 to index
      %swap3A_762 = arith.constant 0 : index
      %swap3A_763 = tpu.vector_load %arg12[%swap3A_761, %swap3A_762] {strides = array<i32>} : memref<128x16xf32, #tpu.memory_space<vmem>>, vector<16xf32>,
      tpu.vector_store %arg12[%swap3A_761, %swap3A_762], %sub3A_759 {strides = array<i32>} : memref<128x16xf32, #tpu.memory_space<vmem>>, vector<16xf32>,
      %get3A_764 = arith.constant 78 : i32
      %get3A_765 = arith.index_cast %get3A_764 : i32 to index
      %get3A_766 = arith.constant 0 : index
      %get3A_767 = tpu.vector_load %arg10[%get3A_765, %get3A_766] {strides = array<i32>} : memref<128x16xf32, #tpu.memory_space<vmem>>, vector<16xf32>,
      %sub3A_768 = arith.subf %get3A_767, %get3A_637 : vector<16xf32>
      %swap3A_769 = arith.constant 78 : i32
      %swap3A_770 = arith.index_cast %swap3A_769 : i32 to index
      %swap3A_771 = arith.constant 0 : index
      %swap3A_772 = tpu.vector_load %arg12[%swap3A_770, %swap3A_771] {strides = array<i32>} : memref<128x16xf32, #tpu.memory_space<vmem>>, vector<16xf32>,
      tpu.vector_store %arg12[%swap3A_770, %swap3A_771], %sub3A_768 {strides = array<i32>} : memref<128x16xf32, #tpu.memory_space<vmem>>, vector<16xf32>,
      %get3A_773 = arith.constant 79 : i32
      %get3A_774 = arith.index_cast %get3A_773 : i32 to index
      %get3A_775 = arith.constant 0 : index
      %get3A_776 = tpu.vector_load %arg10[%get3A_774, %get3A_775] {strides = array<i32>} : memref<128x16xf32, #tpu.memory_space<vmem>>, vector<16xf32>,
      %sub3A_777 = arith.subf %get3A_776, %get3A_637 : vector<16xf32>
      %swap3A_778 = arith.constant 79 : i32
      %swap3A_779 = arith.index_cast %swap3A_778 : i32 to index
      %swap3A_780 = arith.constant 0 : index
      %swap3A_781 = tpu.vector_load %arg12[%swap3A_779, %swap3A_780] {strides = array<i32>} : memref<128x16xf32, #tpu.memory_space<vmem>>, vector<16xf32>,
      tpu.vector_store %arg12[%swap3A_779, %swap3A_780], %sub3A_777 {strides = array<i32>} : memref<128x16xf32, #tpu.memory_space<vmem>>, vector<16xf32>,
      %get3A_782 = arith.constant 5 : i32
      %get3A_783 = arith.index_cast %get3A_782 : i32 to index
      %get3A_784 = arith.constant 0 : index
      %get3A_785 = tpu.vector_load %arg11[%get3A_783, %get3A_784] {strides = array<i32>} : memref<8x16xf32, #tpu.memory_space<vmem>>, vector<16xf32>,
      %get3A_786 = arith.constant 80 : i32
      %get3A_787 = arith.index_cast %get3A_786 : i32 to index
      %get3A_788 = arith.constant 0 : index
      %get3A_789 = tpu.vector_load %arg10[%get3A_787, %get3A_788] {strides = array<i32>} : memref<128x16xf32, #tpu.memory_space<vmem>>, vector<16xf32>,
      %sub3A_790 = arith.subf %get3A_789, %get3A_785 : vector<16xf32>
      %swap3A_791 = arith.constant 80 : i32
      %swap3A_792 = arith.index_cast %swap3A_791 : i32 to index
      %swap3A_793 = arith.constant 0 : index
      %swap3A_794 = tpu.vector_load %arg12[%swap3A_792, %swap3A_793] {strides = array<i32>} : memref<128x16xf32, #tpu.memory_space<vmem>>, vector<16xf32>,
      tpu.vector_store %arg12[%swap3A_792, %swap3A_793], %sub3A_790 {strides = array<i32>} : memref<128x16xf32, #tpu.memory_space<vmem>>, vector<16xf32>,
      %get3A_795 = arith.constant 81 : i32
      %get3A_796 = arith.index_cast %get3A_795 : i32 to index
      %get3A_797 = arith.constant 0 : index
      %get3A_798 = tpu.vector_load %arg10[%get3A_796, %get3A_797] {strides = array<i32>} : memref<128x16xf32, #tpu.memory_space<vmem>>, vector<16xf32>,
      %sub3A_799 = arith.subf %get3A_798, %get3A_785 : vector<16xf32>
      %swap3A_800 = arith.constant 81 : i32
      %swap3A_801 = arith.index_cast %swap3A_800 : i32 to index
      %swap3A_802 = arith.constant 0 : index
      %swap3A_803 = tpu.vector_load %arg12[%swap3A_801, %swap3A_802] {strides = array<i32>} : memref<128x16xf32, #tpu.memory_space<vmem>>, vector<16xf32>,
      tpu.vector_store %arg12[%swap3A_801, %swap3A_802], %sub3A_799 {strides = array<i32>} : memref<128x16xf32, #tpu.memory_space<vmem>>, vector<16xf32>,
      %get3A_804 = arith.constant 82 : i32
      %get3A_805 = arith.index_cast %get3A_804 : i32 to index
      %get3A_806 = arith.constant 0 : index
      %get3A_807 = tpu.vector_load %arg10[%get3A_805, %get3A_806] {strides = array<i32>} : memref<128x16xf32, #tpu.memory_space<vmem>>, vector<16xf32>,
      %sub3A_808 = arith.subf %get3A_807, %get3A_785 : vector<16xf32>
      %swap3A_809 = arith.constant 82 : i32
      %swap3A_810 = arith.index_cast %swap3A_809 : i32 to index
      %swap3A_811 = arith.constant 0 : index
      %swap3A_812 = tpu.vector_load %arg12[%swap3A_810, %swap3A_811] {strides = array<i32>} : memref<128x16xf32, #tpu.memory_space<vmem>>, vector<16xf32>,
      tpu.vector_store %arg12[%swap3A_810, %swap3A_811], %sub3A_808 {strides = array<i32>} : memref<128x16xf32, #tpu.memory_space<vmem>>, vector<16xf32>,
      %get3A_813 = arith.constant 83 : i32
      %get3A_814 = arith.index_cast %get3A_813 : i32 to index
      %get3A_815 = arith.constant 0 : index
      %get3A_816 = tpu.vector_load %arg10[%get3A_814, %get3A_815] {strides = array<i32>} : memref<128x16xf32, #tpu.memory_space<vmem>>, vector<16xf32>,
      %sub3A_817 = arith.subf %get3A_816, %get3A_785 : vector<16xf32>
      %swap3A_818 = arith.constant 83 : i32
      %swap3A_819 = arith.index_cast %swap3A_818 : i32 to index
      %swap3A_820 = arith.constant 0 : index
      %swap3A_821 = tpu.vector_load %arg12[%swap3A_819, %swap3A_820] {strides = array<i32>} : memref<128x16xf32, #tpu.memory_space<vmem>>, vector<16xf32>,
      tpu.vector_store %arg12[%swap3A_819, %swap3A_820], %sub3A_817 {strides = array<i32>} : memref<128x16xf32, #tpu.memory_space<vmem>>, vector<16xf32>,
      %get3A_822 = arith.constant 84 : i32
      %get3A_823 = arith.index_cast %get3A_822 : i32 to index
      %get3A_824 = arith.constant 0 : index
      %get3A_825 = tpu.vector_load %arg10[%get3A_823, %get3A_824] {strides = array<i32>} : memref<128x16xf32, #tpu.memory_space<vmem>>, vector<16xf32>,
      %sub3A_826 = arith.subf %get3A_825, %get3A_785 : vector<16xf32>
      %swap3A_827 = arith.constant 84 : i32
      %swap3A_828 = arith.index_cast %swap3A_827 : i32 to index
      %swap3A_829 = arith.constant 0 : index
      %swap3A_830 = tpu.vector_load %arg12[%swap3A_828, %swap3A_829] {strides = array<i32>} : memref<128x16xf32, #tpu.memory_space<vmem>>, vector<16xf32>,
      tpu.vector_store %arg12[%swap3A_828, %swap3A_829], %sub3A_826 {strides = array<i32>} : memref<128x16xf32, #tpu.memory_space<vmem>>, vector<16xf32>,
      %get3A_831 = arith.constant 85 : i32
      %get3A_832 = arith.index_cast %get3A_831 : i32 to index
      %get3A_833 = arith.constant 0 : index
      %get3A_834 = tpu.vector_load %arg10[%get3A_832, %get3A_833] {strides = array<i32>} : memref<128x16xf32, #tpu.memory_space<vmem>>, vector<16xf32>,
      %sub3A_835 = arith.subf %get3A_834, %get3A_785 : vector<16xf32>
      %swap3A_836 = arith.constant 85 : i32
      %swap3A_837 = arith.index_cast %swap3A_836 : i32 to index
      %swap3A_838 = arith.constant 0 : index
      %swap3A_839 = tpu.vector_load %arg12[%swap3A_837, %swap3A_838] {strides = array<i32>} : memref<128x16xf32, #tpu.memory_space<vmem>>, vector<16xf32>,
      tpu.vector_store %arg12[%swap3A_837, %swap3A_838], %sub3A_835 {strides = array<i32>} : memref<128x16xf32, #tpu.memory_space<vmem>>, vector<16xf32>,
      %get3A_840 = arith.constant 86 : i32
      %get3A_841 = arith.index_cast %get3A_840 : i32 to index
      %get3A_842 = arith.constant 0 : index
      %get3A_843 = tpu.vector_load %arg10[%get3A_841, %get3A_842] {strides = array<i32>} : memref<128x16xf32, #tpu.memory_space<vmem>>, vector<16xf32>,
      %sub3A_844 = arith.subf %get3A_843, %get3A_785 : vector<16xf32>
      %swap3A_845 = arith.constant 86 : i32
      %swap3A_846 = arith.index_cast %swap3A_845 : i32 to index
      %swap3A_847 = arith.constant 0 : index
      %swap3A_848 = tpu.vector_load %arg12[%swap3A_846, %swap3A_847] {strides = array<i32>} : memref<128x16xf32, #tpu.memory_space<vmem>>, vector<16xf32>,
      tpu.vector_store %arg12[%swap3A_846, %swap3A_847], %sub3A_844 {strides = array<i32>} : memref<128x16xf32, #tpu.memory_space<vmem>>, vector<16xf32>,
      %get3A_849 = arith.constant 87 : i32
      %get3A_850 = arith.index_cast %get3A_849 : i32 to index
      %get3A_851 = arith.constant 0 : index
      %get3A_852 = tpu.vector_load %arg10[%get3A_850, %get3A_851] {strides = array<i32>} : memref<128x16xf32, #tpu.memory_space<vmem>>, vector<16xf32>,
      %sub3A_853 = arith.subf %get3A_852, %get3A_785 : vector<16xf32>
      %swap3A_854 = arith.constant 87 : i32
      %swap3A_855 = arith.index_cast %swap3A_854 : i32 to index
      %swap3A_856 = arith.constant 0 : index
      %swap3A_857 = tpu.vector_load %arg12[%swap3A_855, %swap3A_856] {strides = array<i32>} : memref<128x16xf32, #tpu.memory_space<vmem>>, vector<16xf32>,
      tpu.vector_store %arg12[%swap3A_855, %swap3A_856], %sub3A_853 {strides = array<i32>} : memref<128x16xf32, #tpu.memory_space<vmem>>, vector<16xf32>,
      %get3A_858 = arith.constant 88 : i32
      %get3A_859 = arith.index_cast %get3A_858 : i32 to index
      %get3A_860 = arith.constant 0 : index
      %get3A_861 = tpu.vector_load %arg10[%get3A_859, %get3A_860] {strides = array<i32>} : memref<128x16xf32, #tpu.memory_space<vmem>>, vector<16xf32>,
      %sub3A_862 = arith.subf %get3A_861, %get3A_785 : vector<16xf32>
      %swap3A_863 = arith.constant 88 : i32
      %swap3A_864 = arith.index_cast %swap3A_863 : i32 to index
      %swap3A_865 = arith.constant 0 : index
      %swap3A_866 = tpu.vector_load %arg12[%swap3A_864, %swap3A_865] {strides = array<i32>} : memref<128x16xf32, #tpu.memory_space<vmem>>, vector<16xf32>,
      tpu.vector_store %arg12[%swap3A_864, %swap3A_865], %sub3A_862 {strides = array<i32>} : memref<128x16xf32, #tpu.memory_space<vmem>>, vector<16xf32>,
      %get3A_867 = arith.constant 89 : i32
      %get3A_868 = arith.index_cast %get3A_867 : i32 to index
      %get3A_869 = arith.constant 0 : index
      %get3A_870 = tpu.vector_load %arg10[%get3A_868, %get3A_869] {strides = array<i32>} : memref<128x16xf32, #tpu.memory_space<vmem>>, vector<16xf32>,
      %sub3A_871 = arith.subf %get3A_870, %get3A_785 : vector<16xf32>
      %swap3A_872 = arith.constant 89 : i32
      %swap3A_873 = arith.index_cast %swap3A_872 : i32 to index
      %swap3A_874 = arith.constant 0 : index
      %swap3A_875 = tpu.vector_load %arg12[%swap3A_873, %swap3A_874] {strides = array<i32>} : memref<128x16xf32, #tpu.memory_space<vmem>>, vector<16xf32>,
      tpu.vector_store %arg12[%swap3A_873, %swap3A_874], %sub3A_871 {strides = array<i32>} : memref<128x16xf32, #tpu.memory_space<vmem>>, vector<16xf32>,
      %get3A_876 = arith.constant 90 : i32
      %get3A_877 = arith.index_cast %get3A_876 : i32 to index
      %get3A_878 = arith.constant 0 : index
      %get3A_879 = tpu.vector_load %arg10[%get3A_877, %get3A_878] {strides = array<i32>} : memref<128x16xf32, #tpu.memory_space<vmem>>, vector<16xf32>,
      %sub3A_880 = arith.subf %get3A_879, %get3A_785 : vector<16xf32>
      %swap3A_881 = arith.constant 90 : i32
      %swap3A_882 = arith.index_cast %swap3A_881 : i32 to index
      %swap3A_883 = arith.constant 0 : index
      %swap3A_884 = tpu.vector_load %arg12[%swap3A_882, %swap3A_883] {strides = array<i32>} : memref<128x16xf32, #tpu.memory_space<vmem>>, vector<16xf32>,
      tpu.vector_store %arg12[%swap3A_882, %swap3A_883], %sub3A_880 {strides = array<i32>} : memref<128x16xf32, #tpu.memory_space<vmem>>, vector<16xf32>,
      %get3A_885 = arith.constant 91 : i32
      %get3A_886 = arith.index_cast %get3A_885 : i32 to index
      %get3A_887 = arith.constant 0 : index
      %get3A_888 = tpu.vector_load %arg10[%get3A_886, %get3A_887] {strides = array<i32>} : memref<128x16xf32, #tpu.memory_space<vmem>>, vector<16xf32>,
      %sub3A_889 = arith.subf %get3A_888, %get3A_785 : vector<16xf32>
      %swap3A_890 = arith.constant 91 : i32
      %swap3A_891 = arith.index_cast %swap3A_890 : i32 to index
      %swap3A_892 = arith.constant 0 : index
      %swap3A_893 = tpu.vector_load %arg12[%swap3A_891, %swap3A_892] {strides = array<i32>} : memref<128x16xf32, #tpu.memory_space<vmem>>, vector<16xf32>,
      tpu.vector_store %arg12[%swap3A_891, %swap3A_892], %sub3A_889 {strides = array<i32>} : memref<128x16xf32, #tpu.memory_space<vmem>>, vector<16xf32>,
      %get3A_894 = arith.constant 92 : i32
      %get3A_895 = arith.index_cast %get3A_894 : i32 to index
      %get3A_896 = arith.constant 0 : index
      %get3A_897 = tpu.vector_load %arg10[%get3A_895, %get3A_896] {strides = array<i32>} : memref<128x16xf32, #tpu.memory_space<vmem>>, vector<16xf32>,
      %sub3A_898 = arith.subf %get3A_897, %get3A_785 : vector<16xf32>
      %swap3A_899 = arith.constant 92 : i32
      %swap3A_900 = arith.index_cast %swap3A_899 : i32 to index
      %swap3A_901 = arith.constant 0 : index
      %swap3A_902 = tpu.vector_load %arg12[%swap3A_900, %swap3A_901] {strides = array<i32>} : memref<128x16xf32, #tpu.memory_space<vmem>>, vector<16xf32>,
      tpu.vector_store %arg12[%swap3A_900, %swap3A_901], %sub3A_898 {strides = array<i32>} : memref<128x16xf32, #tpu.memory_space<vmem>>, vector<16xf32>,
      %get3A_903 = arith.constant 93 : i32
      %get3A_904 = arith.index_cast %get3A_903 : i32 to index
      %get3A_905 = arith.constant 0 : index
      %get3A_906 = tpu.vector_load %arg10[%get3A_904, %get3A_905] {strides = array<i32>} : memref<128x16xf32, #tpu.memory_space<vmem>>, vector<16xf32>,
      %sub3A_907 = arith.subf %get3A_906, %get3A_785 : vector<16xf32>
      %swap3A_908 = arith.constant 93 : i32
      %swap3A_909 = arith.index_cast %swap3A_908 : i32 to index
      %swap3A_910 = arith.constant 0 : index
      %swap3A_911 = tpu.vector_load %arg12[%swap3A_909, %swap3A_910] {strides = array<i32>} : memref<128x16xf32, #tpu.memory_space<vmem>>, vector<16xf32>,
      tpu.vector_store %arg12[%swap3A_909, %swap3A_910], %sub3A_907 {strides = array<i32>} : memref<128x16xf32, #tpu.memory_space<vmem>>, vector<16xf32>,
      %get3A_912 = arith.constant 94 : i32
      %get3A_913 = arith.index_cast %get3A_912 : i32 to index
      %get3A_914 = arith.constant 0 : index
      %get3A_915 = tpu.vector_load %arg10[%get3A_913, %get3A_914] {strides = array<i32>} : memref<128x16xf32, #tpu.memory_space<vmem>>, vector<16xf32>,
      %sub3A_916 = arith.subf %get3A_915, %get3A_785 : vector<16xf32>
      %swap3A_917 = arith.constant 94 : i32
      %swap3A_918 = arith.index_cast %swap3A_917 : i32 to index
      %swap3A_919 = arith.constant 0 : index
      %swap3A_920 = tpu.vector_load %arg12[%swap3A_918, %swap3A_919] {strides = array<i32>} : memref<128x16xf32, #tpu.memory_space<vmem>>, vector<16xf32>,
      tpu.vector_store %arg12[%swap3A_918, %swap3A_919], %sub3A_916 {strides = array<i32>} : memref<128x16xf32, #tpu.memory_space<vmem>>, vector<16xf32>,
      %get3A_921 = arith.constant 95 : i32
      %get3A_922 = arith.index_cast %get3A_921 : i32 to index
      %get3A_923 = arith.constant 0 : index
      %get3A_924 = tpu.vector_load %arg10[%get3A_922, %get3A_923] {strides = array<i32>} : memref<128x16xf32, #tpu.memory_space<vmem>>, vector<16xf32>,
      %sub3A_925 = arith.subf %get3A_924, %get3A_785 : vector<16xf32>
      %swap3A_926 = arith.constant 95 : i32
      %swap3A_927 = arith.index_cast %swap3A_926 : i32 to index
      %swap3A_928 = arith.constant 0 : index
      %swap3A_929 = tpu.vector_load %arg12[%swap3A_927, %swap3A_928] {strides = array<i32>} : memref<128x16xf32, #tpu.memory_space<vmem>>, vector<16xf32>,
      tpu.vector_store %arg12[%swap3A_927, %swap3A_928], %sub3A_925 {strides = array<i32>} : memref<128x16xf32, #tpu.memory_space<vmem>>, vector<16xf32>,
      %get3A_930 = arith.constant 6 : i32
      %get3A_931 = arith.index_cast %get3A_930 : i32 to index
      %get3A_932 = arith.constant 0 : index
      %get3A_933 = tpu.vector_load %arg11[%get3A_931, %get3A_932] {strides = array<i32>} : memref<8x16xf32, #tpu.memory_space<vmem>>, vector<16xf32>,
      %get3A_934 = arith.constant 96 : i32
      %get3A_935 = arith.index_cast %get3A_934 : i32 to index
      %get3A_936 = arith.constant 0 : index
      %get3A_937 = tpu.vector_load %arg10[%get3A_935, %get3A_936] {strides = array<i32>} : memref<128x16xf32, #tpu.memory_space<vmem>>, vector<16xf32>,
      %sub3A_938 = arith.subf %get3A_937, %get3A_933 : vector<16xf32>
      %swap3A_939 = arith.constant 96 : i32
      %swap3A_940 = arith.index_cast %swap3A_939 : i32 to index
      %swap3A_941 = arith.constant 0 : index
      %swap3A_942 = tpu.vector_load %arg12[%swap3A_940, %swap3A_941] {strides = array<i32>} : memref<128x16xf32, #tpu.memory_space<vmem>>, vector<16xf32>,
      tpu.vector_store %arg12[%swap3A_940, %swap3A_941], %sub3A_938 {strides = array<i32>} : memref<128x16xf32, #tpu.memory_space<vmem>>, vector<16xf32>,
      %get3A_943 = arith.constant 97 : i32
      %get3A_944 = arith.index_cast %get3A_943 : i32 to index
      %get3A_945 = arith.constant 0 : index
      %get3A_946 = tpu.vector_load %arg10[%get3A_944, %get3A_945] {strides = array<i32>} : memref<128x16xf32, #tpu.memory_space<vmem>>, vector<16xf32>,
      %sub3A_947 = arith.subf %get3A_946, %get3A_933 : vector<16xf32>
      %swap3A_948 = arith.constant 97 : i32
      %swap3A_949 = arith.index_cast %swap3A_948 : i32 to index
      %swap3A_950 = arith.constant 0 : index
      %swap3A_951 = tpu.vector_load %arg12[%swap3A_949, %swap3A_950] {strides = array<i32>} : memref<128x16xf32, #tpu.memory_space<vmem>>, vector<16xf32>,
      tpu.vector_store %arg12[%swap3A_949, %swap3A_950], %sub3A_947 {strides = array<i32>} : memref<128x16xf32, #tpu.memory_space<vmem>>, vector<16xf32>,
      %get3A_952 = arith.constant 98 : i32
      %get3A_953 = arith.index_cast %get3A_952 : i32 to index
      %get3A_954 = arith.constant 0 : index
      %get3A_955 = tpu.vector_load %arg10[%get3A_953, %get3A_954] {strides = array<i32>} : memref<128x16xf32, #tpu.memory_space<vmem>>, vector<16xf32>,
      %sub3A_956 = arith.subf %get3A_955, %get3A_933 : vector<16xf32>
      %swap3A_957 = arith.constant 98 : i32
      %swap3A_958 = arith.index_cast %swap3A_957 : i32 to index
      %swap3A_959 = arith.constant 0 : index
      %swap3A_960 = tpu.vector_load %arg12[%swap3A_958, %swap3A_959] {strides = array<i32>} : memref<128x16xf32, #tpu.memory_space<vmem>>, vector<16xf32>,
      tpu.vector_store %arg12[%swap3A_958, %swap3A_959], %sub3A_956 {strides = array<i32>} : memref<128x16xf32, #tpu.memory_space<vmem>>, vector<16xf32>,
      %get3A_961 = arith.constant 99 : i32
      %get3A_962 = arith.index_cast %get3A_961 : i32 to index
      %get3A_963 = arith.constant 0 : index
      %get3A_964 = tpu.vector_load %arg10[%get3A_962, %get3A_963] {strides = array<i32>} : memref<128x16xf32, #tpu.memory_space<vmem>>, vector<16xf32>,
      %sub3A_965 = arith.subf %get3A_964, %get3A_933 : vector<16xf32>
      %swap3A_966 = arith.constant 99 : i32
      %swap3A_967 = arith.index_cast %swap3A_966 : i32 to index
      %swap3A_968 = arith.constant 0 : index
      %swap3A_969 = tpu.vector_load %arg12[%swap3A_967, %swap3A_968] {strides = array<i32>} : memref<128x16xf32, #tpu.memory_space<vmem>>, vector<16xf32>,
      tpu.vector_store %arg12[%swap3A_967, %swap3A_968], %sub3A_965 {strides = array<i32>} : memref<128x16xf32, #tpu.memory_space<vmem>>, vector<16xf32>,
      %get3A_970 = arith.constant 100 : i32
      %get3A_971 = arith.index_cast %get3A_970 : i32 to index
      %get3A_972 = arith.constant 0 : index
      %get3A_973 = tpu.vector_load %arg10[%get3A_971, %get3A_972] {strides = array<i32>} : memref<128x16xf32, #tpu.memory_space<vmem>>, vector<16xf32>,
      %sub3A_974 = arith.subf %get3A_973, %get3A_933 : vector<16xf32>
      %swap3A_975 = arith.constant 100 : i32
      %swap3A_976 = arith.index_cast %swap3A_975 : i32 to index
      %swap3A_977 = arith.constant 0 : index
      %swap3A_978 = tpu.vector_load %arg12[%swap3A_976, %swap3A_977] {strides = array<i32>} : memref<128x16xf32, #tpu.memory_space<vmem>>, vector<16xf32>,
      tpu.vector_store %arg12[%swap3A_976, %swap3A_977], %sub3A_974 {strides = array<i32>} : memref<128x16xf32, #tpu.memory_space<vmem>>, vector<16xf32>,
      %get3A_979 = arith.constant 101 : i32
      %get3A_980 = arith.index_cast %get3A_979 : i32 to index
      %get3A_981 = arith.constant 0 : index
      %get3A_982 = tpu.vector_load %arg10[%get3A_980, %get3A_981] {strides = array<i32>} : memref<128x16xf32, #tpu.memory_space<vmem>>, vector<16xf32>,
      %sub3A_983 = arith.subf %get3A_982, %get3A_933 : vector<16xf32>
      %swap3A_984 = arith.constant 101 : i32
      %swap3A_985 = arith.index_cast %swap3A_984 : i32 to index
      %swap3A_986 = arith.constant 0 : index
      %swap3A_987 = tpu.vector_load %arg12[%swap3A_985, %swap3A_986] {strides = array<i32>} : memref<128x16xf32, #tpu.memory_space<vmem>>, vector<16xf32>,
      tpu.vector_store %arg12[%swap3A_985, %swap3A_986], %sub3A_983 {strides = array<i32>} : memref<128x16xf32, #tpu.memory_space<vmem>>, vector<16xf32>,
      %get3A_988 = arith.constant 102 : i32
      %get3A_989 = arith.index_cast %get3A_988 : i32 to index
      %get3A_990 = arith.constant 0 : index
      %get3A_991 = tpu.vector_load %arg10[%get3A_989, %get3A_990] {strides = array<i32>} : memref<128x16xf32, #tpu.memory_space<vmem>>, vector<16xf32>,
      %sub3A_992 = arith.subf %get3A_991, %get3A_933 : vector<16xf32>
      %swap3A_993 = arith.constant 102 : i32
      %swap3A_994 = arith.index_cast %swap3A_993 : i32 to index
      %swap3A_995 = arith.constant 0 : index
      %swap3A_996 = tpu.vector_load %arg12[%swap3A_994, %swap3A_995] {strides = array<i32>} : memref<128x16xf32, #tpu.memory_space<vmem>>, vector<16xf32>,
      tpu.vector_store %arg12[%swap3A_994, %swap3A_995], %sub3A_992 {strides = array<i32>} : memref<128x16xf32, #tpu.memory_space<vmem>>, vector<16xf32>,
      %get3A_997 = arith.constant 103 : i32
      %get3A_998 = arith.index_cast %get3A_997 : i32 to index
      %get3A_999 = arith.constant 0 : index
      %get3A_1000 = tpu.vector_load %arg10[%get3A_998, %get3A_999] {strides = array<i32>} : memref<128x16xf32, #tpu.memory_space<vmem>>, vector<16xf32>,
      %sub3A_1001 = arith.subf %get3A_1000, %get3A_933 : vector<16xf32>
      %swap3A_1002 = arith.constant 103 : i32
      %swap3A_1003 = arith.index_cast %swap3A_1002 : i32 to index
      %swap3A_1004 = arith.constant 0 : index
      %swap3A_1005 = tpu.vector_load %arg12[%swap3A_1003, %swap3A_1004] {strides = array<i32>} : memref<128x16xf32, #tpu.memory_space<vmem>>, vector<16xf32>,
      tpu.vector_store %arg12[%swap3A_1003, %swap3A_1004], %sub3A_1001 {strides = array<i32>} : memref<128x16xf32, #tpu.memory_space<vmem>>, vector<16xf32>,
      %get3A_1006 = arith.constant 104 : i32
      %get3A_1007 = arith.index_cast %get3A_1006 : i32 to index
      %get3A_1008 = arith.constant 0 : index
      %get3A_1009 = tpu.vector_load %arg10[%get3A_1007, %get3A_1008] {strides = array<i32>} : memref<128x16xf32, #tpu.memory_space<vmem>>, vector<16xf32>,
      %sub3A_1010 = arith.subf %get3A_1009, %get3A_933 : vector<16xf32>
      %swap3A_1011 = arith.constant 104 : i32
      %swap3A_1012 = arith.index_cast %swap3A_1011 : i32 to index
      %swap3A_1013 = arith.constant 0 : index
      %swap3A_1014 = tpu.vector_load %arg12[%swap3A_1012, %swap3A_1013] {strides = array<i32>} : memref<128x16xf32, #tpu.memory_space<vmem>>, vector<16xf32>,
      tpu.vector_store %arg12[%swap3A_1012, %swap3A_1013], %sub3A_1010 {strides = array<i32>} : memref<128x16xf32, #tpu.memory_space<vmem>>, vector<16xf32>,
      %get3A_1015 = arith.constant 105 : i32
      %get3A_1016 = arith.index_cast %get3A_1015 : i32 to index
      %get3A_1017 = arith.constant 0 : index
      %get3A_1018 = tpu.vector_load %arg10[%get3A_1016, %get3A_1017] {strides = array<i32>} : memref<128x16xf32, #tpu.memory_space<vmem>>, vector<16xf32>,
      %sub3A_1019 = arith.subf %get3A_1018, %get3A_933 : vector<16xf32>
      %swap3A_1020 = arith.constant 105 : i32
      %swap3A_1021 = arith.index_cast %swap3A_1020 : i32 to index
      %swap3A_1022 = arith.constant 0 : index
      %swap3A_1023 = tpu.vector_load %arg12[%swap3A_1021, %swap3A_1022] {strides = array<i32>} : memref<128x16xf32, #tpu.memory_space<vmem>>, vector<16xf32>,
      tpu.vector_store %arg12[%swap3A_1021, %swap3A_1022], %sub3A_1019 {strides = array<i32>} : memref<128x16xf32, #tpu.memory_space<vmem>>, vector<16xf32>,
      %get3A_1024 = arith.constant 106 : i32
      %get3A_1025 = arith.index_cast %get3A_1024 : i32 to index
      %get3A_1026 = arith.constant 0 : index
      %get3A_1027 = tpu.vector_load %arg10[%get3A_1025, %get3A_1026] {strides = array<i32>} : memref<128x16xf32, #tpu.memory_space<vmem>>, vector<16xf32>,
      %sub3A_1028 = arith.subf %get3A_1027, %get3A_933 : vector<16xf32>
      %swap3A_1029 = arith.constant 106 : i32
      %swap3A_1030 = arith.index_cast %swap3A_1029 : i32 to index
      %swap3A_1031 = arith.constant 0 : index
      %swap3A_1032 = tpu.vector_load %arg12[%swap3A_1030, %swap3A_1031] {strides = array<i32>} : memref<128x16xf32, #tpu.memory_space<vmem>>, vector<16xf32>,
      tpu.vector_store %arg12[%swap3A_1030, %swap3A_1031], %sub3A_1028 {strides = array<i32>} : memref<128x16xf32, #tpu.memory_space<vmem>>, vector<16xf32>,
      %get3A_1033 = arith.constant 107 : i32
      %get3A_1034 = arith.index_cast %get3A_1033 : i32 to index
      %get3A_1035 = arith.constant 0 : index
      %get3A_1036 = tpu.vector_load %arg10[%get3A_1034, %get3A_1035] {strides = array<i32>} : memref<128x16xf32, #tpu.memory_space<vmem>>, vector<16xf32>,
      %sub3A_1037 = arith.subf %get3A_1036, %get3A_933 : vector<16xf32>
      %swap3A_1038 = arith.constant 107 : i32
      %swap3A_1039 = arith.index_cast %swap3A_1038 : i32 to index
      %swap3A_1040 = arith.constant 0 : index
      %swap3A_1041 = tpu.vector_load %arg12[%swap3A_1039, %swap3A_1040] {strides = array<i32>} : memref<128x16xf32, #tpu.memory_space<vmem>>, vector<16xf32>,
      tpu.vector_store %arg12[%swap3A_1039, %swap3A_1040], %sub3A_1037 {strides = array<i32>} : memref<128x16xf32, #tpu.memory_space<vmem>>, vector<16xf32>,
      %get3A_1042 = arith.constant 108 : i32
      %get3A_1043 = arith.index_cast %get3A_1042 : i32 to index
      %get3A_1044 = arith.constant 0 : index
      %get3A_1045 = tpu.vector_load %arg10[%get3A_1043, %get3A_1044] {strides = array<i32>} : memref<128x16xf32, #tpu.memory_space<vmem>>, vector<16xf32>,
      %sub3A_1046 = arith.subf %get3A_1045, %get3A_933 : vector<16xf32>
      %swap3A_1047 = arith.constant 108 : i32
      %swap3A_1048 = arith.index_cast %swap3A_1047 : i32 to index
      %swap3A_1049 = arith.constant 0 : index
      %swap3A_1050 = tpu.vector_load %arg12[%swap3A_1048, %swap3A_1049] {strides = array<i32>} : memref<128x16xf32, #tpu.memory_space<vmem>>, vector<16xf32>,
      tpu.vector_store %arg12[%swap3A_1048, %swap3A_1049], %sub3A_1046 {strides = array<i32>} : memref<128x16xf32, #tpu.memory_space<vmem>>, vector<16xf32>,
      %get3A_1051 = arith.constant 109 : i32
      %get3A_1052 = arith.index_cast %get3A_1051 : i32 to index
      %get3A_1053 = arith.constant 0 : index
      %get3A_1054 = tpu.vector_load %arg10[%get3A_1052, %get3A_1053] {strides = array<i32>} : memref<128x16xf32, #tpu.memory_space<vmem>>, vector<16xf32>,
      %sub3A_1055 = arith.subf %get3A_1054, %get3A_933 : vector<16xf32>
      %swap3A_1056 = arith.constant 109 : i32
      %swap3A_1057 = arith.index_cast %swap3A_1056 : i32 to index
      %swap3A_1058 = arith.constant 0 : index
      %swap3A_1059 = tpu.vector_load %arg12[%swap3A_1057, %swap3A_1058] {strides = array<i32>} : memref<128x16xf32, #tpu.memory_space<vmem>>, vector<16xf32>,
      tpu.vector_store %arg12[%swap3A_1057, %swap3A_1058], %sub3A_1055 {strides = array<i32>} : memref<128x16xf32, #tpu.memory_space<vmem>>, vector<16xf32>,
      %get3A_1060 = arith.constant 110 : i32
      %get3A_1061 = arith.index_cast %get3A_1060 : i32 to index
      %get3A_1062 = arith.constant 0 : index
      %get3A_1063 = tpu.vector_load %arg10[%get3A_1061, %get3A_1062] {strides = array<i32>} : memref<128x16xf32, #tpu.memory_space<vmem>>, vector<16xf32>,
      %sub3A_1064 = arith.subf %get3A_1063, %get3A_933 : vector<16xf32>
      %swap3A_1065 = arith.constant 110 : i32
      %swap3A_1066 = arith.index_cast %swap3A_1065 : i32 to index
      %swap3A_1067 = arith.constant 0 : index
      %swap3A_1068 = tpu.vector_load %arg12[%swap3A_1066, %swap3A_1067] {strides = array<i32>} : memref<128x16xf32, #tpu.memory_space<vmem>>, vector<16xf32>,
      tpu.vector_store %arg12[%swap3A_1066, %swap3A_1067], %sub3A_1064 {strides = array<i32>} : memref<128x16xf32, #tpu.memory_space<vmem>>, vector<16xf32>,
      %get3A_1069 = arith.constant 111 : i32
      %get3A_1070 = arith.index_cast %get3A_1069 : i32 to index
      %get3A_1071 = arith.constant 0 : index
      %get3A_1072 = tpu.vector_load %arg10[%get3A_1070, %get3A_1071] {strides = array<i32>} : memref<128x16xf32, #tpu.memory_space<vmem>>, vector<16xf32>,
      %sub3A_1073 = arith.subf %get3A_1072, %get3A_933 : vector<16xf32>
      %swap3A_1074 = arith.constant 111 : i32
      %swap3A_1075 = arith.index_cast %swap3A_1074 : i32 to index
      %swap3A_1076 = arith.constant 0 : index
      %swap3A_1077 = tpu.vector_load %arg12[%swap3A_1075, %swap3A_1076] {strides = array<i32>} : memref<128x16xf32, #tpu.memory_space<vmem>>, vector<16xf32>,
      tpu.vector_store %arg12[%swap3A_1075, %swap3A_1076], %sub3A_1073 {strides = array<i32>} : memref<128x16xf32, #tpu.memory_space<vmem>>, vector<16xf32>,
      %get3A_1078 = arith.constant 7 : i32
      %get3A_1079 = arith.index_cast %get3A_1078 : i32 to index
      %get3A_1080 = arith.constant 0 : index
      %get3A_1081 = tpu.vector_load %arg11[%get3A_1079, %get3A_1080] {strides = array<i32>} : memref<8x16xf32, #tpu.memory_space<vmem>>, vector<16xf32>,
      %get3A_1082 = arith.constant 112 : i32
      %get3A_1083 = arith.index_cast %get3A_1082 : i32 to index
      %get3A_1084 = arith.constant 0 : index
      %get3A_1085 = tpu.vector_load %arg10[%get3A_1083, %get3A_1084] {strides = array<i32>} : memref<128x16xf32, #tpu.memory_space<vmem>>, vector<16xf32>,
      %sub3A_1086 = arith.subf %get3A_1085, %get3A_1081 : vector<16xf32>
      %swap3A_1087 = arith.constant 112 : i32
      %swap3A_1088 = arith.index_cast %swap3A_1087 : i32 to index
      %swap3A_1089 = arith.constant 0 : index
      %swap3A_1090 = tpu.vector_load %arg12[%swap3A_1088, %swap3A_1089] {strides = array<i32>} : memref<128x16xf32, #tpu.memory_space<vmem>>, vector<16xf32>,
      tpu.vector_store %arg12[%swap3A_1088, %swap3A_1089], %sub3A_1086 {strides = array<i32>} : memref<128x16xf32, #tpu.memory_space<vmem>>, vector<16xf32>,
      %get3A_1091 = arith.constant 113 : i32
      %get3A_1092 = arith.index_cast %get3A_1091 : i32 to index
      %get3A_1093 = arith.constant 0 : index
      %get3A_1094 = tpu.vector_load %arg10[%get3A_1092, %get3A_1093] {strides = array<i32>} : memref<128x16xf32, #tpu.memory_space<vmem>>, vector<16xf32>,
      %sub3A_1095 = arith.subf %get3A_1094, %get3A_1081 : vector<16xf32>
      %swap3A_1096 = arith.constant 113 : i32
      %swap3A_1097 = arith.index_cast %swap3A_1096 : i32 to index
      %swap3A_1098 = arith.constant 0 : index
      %swap3A_1099 = tpu.vector_load %arg12[%swap3A_1097, %swap3A_1098] {strides = array<i32>} : memref<128x16xf32, #tpu.memory_space<vmem>>, vector<16xf32>,
      tpu.vector_store %arg12[%swap3A_1097, %swap3A_1098], %sub3A_1095 {strides = array<i32>} : memref<128x16xf32, #tpu.memory_space<vmem>>, vector<16xf32>,
      %get3A_1100 = arith.constant 114 : i32
      %get3A_1101 = arith.index_cast %get3A_1100 : i32 to index
      %get3A_1102 = arith.constant 0 : index
      %get3A_1103 = tpu.vector_load %arg10[%get3A_1101, %get3A_1102] {strides = array<i32>} : memref<128x16xf32, #tpu.memory_space<vmem>>, vector<16xf32>,
      %sub3A_1104 = arith.subf %get3A_1103, %get3A_1081 : vector<16xf32>
      %swap3A_1105 = arith.constant 114 : i32
      %swap3A_1106 = arith.index_cast %swap3A_1105 : i32 to index
      %swap3A_1107 = arith.constant 0 : index
      %swap3A_1108 = tpu.vector_load %arg12[%swap3A_1106, %swap3A_1107] {strides = array<i32>} : memref<128x16xf32, #tpu.memory_space<vmem>>, vector<16xf32>,
      tpu.vector_store %arg12[%swap3A_1106, %swap3A_1107], %sub3A_1104 {strides = array<i32>} : memref<128x16xf32, #tpu.memory_space<vmem>>, vector<16xf32>,
      %get3A_1109 = arith.constant 115 : i32
      %get3A_1110 = arith.index_cast %get3A_1109 : i32 to index
      %get3A_1111 = arith.constant 0 : index
      %get3A_1112 = tpu.vector_load %arg10[%get3A_1110, %get3A_1111] {strides = array<i32>} : memref<128x16xf32, #tpu.memory_space<vmem>>, vector<16xf32>,
      %sub3A_1113 = arith.subf %get3A_1112, %get3A_1081 : vector<16xf32>
      %swap3A_1114 = arith.constant 115 : i32
      %swap3A_1115 = arith.index_cast %swap3A_1114 : i32 to index
      %swap3A_1116 = arith.constant 0 : index
      %swap3A_1117 = tpu.vector_load %arg12[%swap3A_1115, %swap3A_1116] {strides = array<i32>} : memref<128x16xf32, #tpu.memory_space<vmem>>, vector<16xf32>,
      tpu.vector_store %arg12[%swap3A_1115, %swap3A_1116], %sub3A_1113 {strides = array<i32>} : memref<128x16xf32, #tpu.memory_space<vmem>>, vector<16xf32>,
      %get3A_1118 = arith.constant 116 : i32
      %get3A_1119 = arith.index_cast %get3A_1118 : i32 to index
      %get3A_1120 = arith.constant 0 : index
      %get3A_1121 = tpu.vector_load %arg10[%get3A_1119, %get3A_1120] {strides = array<i32>} : memref<128x16xf32, #tpu.memory_space<vmem>>, vector<16xf32>,
      %sub3A_1122 = arith.subf %get3A_1121, %get3A_1081 : vector<16xf32>
      %swap3A_1123 = arith.constant 116 : i32
      %swap3A_1124 = arith.index_cast %swap3A_1123 : i32 to index
      %swap3A_1125 = arith.constant 0 : index
      %swap3A_1126 = tpu.vector_load %arg12[%swap3A_1124, %swap3A_1125] {strides = array<i32>} : memref<128x16xf32, #tpu.memory_space<vmem>>, vector<16xf32>,
      tpu.vector_store %arg12[%swap3A_1124, %swap3A_1125], %sub3A_1122 {strides = array<i32>} : memref<128x16xf32, #tpu.memory_space<vmem>>, vector<16xf32>,
      %get3A_1127 = arith.constant 117 : i32
      %get3A_1128 = arith.index_cast %get3A_1127 : i32 to index
      %get3A_1129 = arith.constant 0 : index
      %get3A_1130 = tpu.vector_load %arg10[%get3A_1128, %get3A_1129] {strides = array<i32>} : memref<128x16xf32, #tpu.memory_space<vmem>>, vector<16xf32>,
      %sub3A_1131 = arith.subf %get3A_1130, %get3A_1081 : vector<16xf32>
      %swap3A_1132 = arith.constant 117 : i32
      %swap3A_1133 = arith.index_cast %swap3A_1132 : i32 to index
      %swap3A_1134 = arith.constant 0 : index
      %swap3A_1135 = tpu.vector_load %arg12[%swap3A_1133, %swap3A_1134] {strides = array<i32>} : memref<128x16xf32, #tpu.memory_space<vmem>>, vector<16xf32>,
      tpu.vector_store %arg12[%swap3A_1133, %swap3A_1134], %sub3A_1131 {strides = array<i32>} : memref<128x16xf32, #tpu.memory_space<vmem>>, vector<16xf32>,
      %get3A_1136 = arith.constant 118 : i32
      %get3A_1137 = arith.index_cast %get3A_1136 : i32 to index
      %get3A_1138 = arith.constant 0 : index
      %get3A_1139 = tpu.vector_load %arg10[%get3A_1137, %get3A_1138] {strides = array<i32>} : memref<128x16xf32, #tpu.memory_space<vmem>>, vector<16xf32>,
      %sub3A_1140 = arith.subf %get3A_1139, %get3A_1081 : vector<16xf32>
      %swap3A_1141 = arith.constant 118 : i32
      %swap3A_1142 = arith.index_cast %swap3A_1141 : i32 to index
      %swap3A_1143 = arith.constant 0 : index
      %swap3A_1144 = tpu.vector_load %arg12[%swap3A_1142, %swap3A_1143] {strides = array<i32>} : memref<128x16xf32, #tpu.memory_space<vmem>>, vector<16xf32>,
      tpu.vector_store %arg12[%swap3A_1142, %swap3A_1143], %sub3A_1140 {strides = array<i32>} : memref<128x16xf32, #tpu.memory_space<vmem>>, vector<16xf32>,
      %get3A_1145 = arith.constant 119 : i32
      %get3A_1146 = arith.index_cast %get3A_1145 : i32 to index
      %get3A_1147 = arith.constant 0 : index
      %get3A_1148 = tpu.vector_load %arg10[%get3A_1146, %get3A_1147] {strides = array<i32>} : memref<128x16xf32, #tpu.memory_space<vmem>>, vector<16xf32>,
      %sub3A_1149 = arith.subf %get3A_1148, %get3A_1081 : vector<16xf32>
      %swap3A_1150 = arith.constant 119 : i32
      %swap3A_1151 = arith.index_cast %swap3A_1150 : i32 to index
      %swap3A_1152 = arith.constant 0 : index
      %swap3A_1153 = tpu.vector_load %arg12[%swap3A_1151, %swap3A_1152] {strides = array<i32>} : memref<128x16xf32, #tpu.memory_space<vmem>>, vector<16xf32>,
      tpu.vector_store %arg12[%swap3A_1151, %swap3A_1152], %sub3A_1149 {strides = array<i32>} : memref<128x16xf32, #tpu.memory_space<vmem>>, vector<16xf32>,
      %get3A_1154 = arith.constant 120 : i32
      %get3A_1155 = arith.index_cast %get3A_1154 : i32 to index
      %get3A_1156 = arith.constant 0 : index
      %get3A_1157 = tpu.vector_load %arg10[%get3A_1155, %get3A_1156] {strides = array<i32>} : memref<128x16xf32, #tpu.memory_space<vmem>>, vector<16xf32>,
      %sub3A_1158 = arith.subf %get3A_1157, %get3A_1081 : vector<16xf32>
      %swap3A_1159 = arith.constant 120 : i32
      %swap3A_1160 = arith.index_cast %swap3A_1159 : i32 to index
      %swap3A_1161 = arith.constant 0 : index
      %swap3A_1162 = tpu.vector_load %arg12[%swap3A_1160, %swap3A_1161] {strides = array<i32>} : memref<128x16xf32, #tpu.memory_space<vmem>>, vector<16xf32>,
      tpu.vector_store %arg12[%swap3A_1160, %swap3A_1161], %sub3A_1158 {strides = array<i32>} : memref<128x16xf32, #tpu.memory_space<vmem>>, vector<16xf32>,
      %get3A_1163 = arith.constant 121 : i32
      %get3A_1164 = arith.index_cast %get3A_1163 : i32 to index
      %get3A_1165 = arith.constant 0 : index
      %get3A_1166 = tpu.vector_load %arg10[%get3A_1164, %get3A_1165] {strides = array<i32>} : memref<128x16xf32, #tpu.memory_space<vmem>>, vector<16xf32>,
      %sub3A_1167 = arith.subf %get3A_1166, %get3A_1081 : vector<16xf32>
      %swap3A_1168 = arith.constant 121 : i32
      %swap3A_1169 = arith.index_cast %swap3A_1168 : i32 to index
      %swap3A_1170 = arith.constant 0 : index
      %swap3A_1171 = tpu.vector_load %arg12[%swap3A_1169, %swap3A_1170] {strides = array<i32>} : memref<128x16xf32, #tpu.memory_space<vmem>>, vector<16xf32>,
      tpu.vector_store %arg12[%swap3A_1169, %swap3A_1170], %sub3A_1167 {strides = array<i32>} : memref<128x16xf32, #tpu.memory_space<vmem>>, vector<16xf32>,
      %get3A_1172 = arith.constant 122 : i32
      %get3A_1173 = arith.index_cast %get3A_1172 : i32 to index
      %get3A_1174 = arith.constant 0 : index
      %get3A_1175 = tpu.vector_load %arg10[%get3A_1173, %get3A_1174] {strides = array<i32>} : memref<128x16xf32, #tpu.memory_space<vmem>>, vector<16xf32>,
      %sub3A_1176 = arith.subf %get3A_1175, %get3A_1081 : vector<16xf32>
      %swap3A_1177 = arith.constant 122 : i32
      %swap3A_1178 = arith.index_cast %swap3A_1177 : i32 to index
      %swap3A_1179 = arith.constant 0 : index
      %swap3A_1180 = tpu.vector_load %arg12[%swap3A_1178, %swap3A_1179] {strides = array<i32>} : memref<128x16xf32, #tpu.memory_space<vmem>>, vector<16xf32>,
      tpu.vector_store %arg12[%swap3A_1178, %swap3A_1179], %sub3A_1176 {strides = array<i32>} : memref<128x16xf32, #tpu.memory_space<vmem>>, vector<16xf32>,
      %get3A_1181 = arith.constant 123 : i32
      %get3A_1182 = arith.index_cast %get3A_1181 : i32 to index
      %get3A_1183 = arith.constant 0 : index
      %get3A_1184 = tpu.vector_load %arg10[%get3A_1182, %get3A_1183] {strides = array<i32>} : memref<128x16xf32, #tpu.memory_space<vmem>>, vector<16xf32>,
      %sub3A_1185 = arith.subf %get3A_1184, %get3A_1081 : vector<16xf32>
      %swap3A_1186 = arith.constant 123 : i32
      %swap3A_1187 = arith.index_cast %swap3A_1186 : i32 to index
      %swap3A_1188 = arith.constant 0 : index
      %swap3A_1189 = tpu.vector_load %arg12[%swap3A_1187, %swap3A_1188] {strides = array<i32>} : memref<128x16xf32, #tpu.memory_space<vmem>>, vector<16xf32>,
      tpu.vector_store %arg12[%swap3A_1187, %swap3A_1188], %sub3A_1185 {strides = array<i32>} : memref<128x16xf32, #tpu.memory_space<vmem>>, vector<16xf32>,
      %get3A_1190 = arith.constant 124 : i32
      %get3A_1191 = arith.index_cast %get3A_1190 : i32 to index
      %get3A_1192 = arith.constant 0 : index
      %get3A_1193 = tpu.vector_load %arg10[%get3A_1191, %get3A_1192] {strides = array<i32>} : memref<128x16xf32, #tpu.memory_space<vmem>>, vector<16xf32>,
      %sub3A_1194 = arith.subf %get3A_1193, %get3A_1081 : vector<16xf32>
      %swap3A_1195 = arith.constant 124 : i32
      %swap3A_1196 = arith.index_cast %swap3A_1195 : i32 to index
      %swap3A_1197 = arith.constant 0 : index
      %swap3A_1198 = tpu.vector_load %arg12[%swap3A_1196, %swap3A_1197] {strides = array<i32>} : memref<128x16xf32, #tpu.memory_space<vmem>>, vector<16xf32>,
      tpu.vector_store %arg12[%swap3A_1196, %swap3A_1197], %sub3A_1194 {strides = array<i32>} : memref<128x16xf32, #tpu.memory_space<vmem>>, vector<16xf32>,
      %get3A_1199 = arith.constant 125 : i32
      %get3A_1200 = arith.index_cast %get3A_1199 : i32 to index
      %get3A_1201 = arith.constant 0 : index
      %get3A_1202 = tpu.vector_load %arg10[%get3A_1200, %get3A_1201] {strides = array<i32>} : memref<128x16xf32, #tpu.memory_space<vmem>>, vector<16xf32>,
      %sub3A_1203 = arith.subf %get3A_1202, %get3A_1081 : vector<16xf32>
      %swap3A_1204 = arith.constant 125 : i32
      %swap3A_1205 = arith.index_cast %swap3A_1204 : i32 to index
      %swap3A_1206 = arith.constant 0 : index
      %swap3A_1207 = tpu.vector_load %arg12[%swap3A_1205, %swap3A_1206] {strides = array<i32>} : memref<128x16xf32, #tpu.memory_space<vmem>>, vector<16xf32>,
      tpu.vector_store %arg12[%swap3A_1205, %swap3A_1206], %sub3A_1203 {strides = array<i32>} : memref<128x16xf32, #tpu.memory_space<vmem>>, vector<16xf32>,
      %get3A_1208 = arith.constant 126 : i32
      %get3A_1209 = arith.index_cast %get3A_1208 : i32 to index
      %get3A_1210 = arith.constant 0 : index
      %get3A_1211 = tpu.vector_load %arg10[%get3A_1209, %get3A_1210] {strides = array<i32>} : memref<128x16xf32, #tpu.memory_space<vmem>>, vector<16xf32>,
      %sub3A_1212 = arith.subf %get3A_1211, %get3A_1081 : vector<16xf32>
      %swap3A_1213 = arith.constant 126 : i32
      %swap3A_1214 = arith.index_cast %swap3A_1213 : i32 to index
      %swap3A_1215 = arith.constant 0 : index
      %swap3A_1216 = tpu.vector_load %arg12[%swap3A_1214, %swap3A_1215] {strides = array<i32>} : memref<128x16xf32, #tpu.memory_space<vmem>>, vector<16xf32>,
      tpu.vector_store %arg12[%swap3A_1214, %swap3A_1215], %sub3A_1212 {strides = array<i32>} : memref<128x16xf32, #tpu.memory_space<vmem>>, vector<16xf32>,
      %get3A_1217 = arith.constant 127 : i32
      %get3A_1218 = arith.index_cast %get3A_1217 : i32 to index
      %get3A_1219 = arith.constant 0 : index
      %get3A_1220 = tpu.vector_load %arg10[%get3A_1218, %get3A_1219] {strides = array<i32>} : memref<128x16xf32, #tpu.memory_space<vmem>>, vector<16xf32>,
      %sub3A_1221 = arith.subf %get3A_1220, %get3A_1081 : vector<16xf32>
      %swap3A_1222 = arith.constant 127 : i32
      %swap3A_1223 = arith.index_cast %swap3A_1222 : i32 to index
      %swap3A_1224 = arith.constant 0 : index
      %swap3A_1225 = tpu.vector_load %arg12[%swap3A_1223, %swap3A_1224] {strides = array<i32>} : memref<128x16xf32, #tpu.memory_space<vmem>>, vector<16xf32>,
      tpu.vector_store %arg12[%swap3A_1223, %swap3A_1224], %sub3A_1221 {strides = array<i32>} : memref<128x16xf32, #tpu.memory_space<vmem>>, vector<16xf32>,
      %mul3A_1226 = arith.constant 128 : i32
      %mul3A_1227 = arith.muli %add3A_32, %mul3A_1226 : i32
      "tpu.region"() ({
        %run_scoped3A = tpu.sem_alloc : memref<!tpu.dma_semaphore, #tpu.memory_space<semaphore_mem>>
        %dma_start3A_1228 = arith.constant 0 : i32
        %dma_start3A_1229 = tpu.memref_slice %arg6[%mul3A_1227, %dma_start3A_1228] : memref<800000x16xf32, #tpu.memory_space<hbm>> -> memref<128x16xf32, #tpu.memory_space<hbm>>
        %dma_start3A_1230 = arith.constant 0 : i32
        %dma_start3A_1231 = tpu.memref_slice %arg6[%mul3A_1227, %dma_start3A_1230] : memref<800000x16xf32, #tpu.memory_space<hbm>> -> memref<128x16xf32, #tpu.memory_space<hbm>>
        tpu.enqueue_dma source(%arg12 : memref<128x16xf32, #tpu.memory_space<vmem>>) target(%dma_start3A_1231 : memref<128x16xf32, #tpu.memory_space<hbm>>) target_semaphore(%run_scoped3A : memref<!tpu.dma_semaphore, #tpu.memory_space<semaphore_mem>>)
        %dma_wait3A_1232 = arith.constant 0 : i32
        %dma_wait3A_1233 = tpu.memref_slice %arg6[%mul3A_1227, %dma_wait3A_1232] : memref<800000x16xf32, #tpu.memory_space<hbm>> -> memref<128x16xf32, #tpu.memory_space<hbm>>
        %dma_wait3A_1234 = arith.constant 0 : i32
        %dma_wait3A_1235 = tpu.memref_slice %arg6[%mul3A_1227, %dma_wait3A_1234] : memref<800000x16xf32, #tpu.memory_space<hbm>> -> memref<128x16xf32, #tpu.memory_space<hbm>>
        tpu.wait_dma2 semaphore(%run_scoped3A : memref<!tpu.dma_semaphore, #tpu.memory_space<semaphore_mem>>) src(%arg12 : memref<128x16xf32, #tpu.memory_space<vmem>>) dst(%dma_wait3A_1235 : memref<128x16xf32, #tpu.memory_space<hbm>>)
        tpu.yield
      }) : () -> ()
    }
    %while3A_30 = arith.constant 1 : i32
    scf.for %while3A_31 = %while3A_28 to %while3A_24 step %while3A_30  : i32 {
      %add3A_32 = arith.addi %add3A_8, %while3A_31 : i32
      %dma_start3A = arith.constant 0 : i32
      %dma_start3A_33 = tpu.memref_slice %arg8[%while3A_31, %dma_start3A] : memref<196x128xi32, #tpu.memory_space<vmem>> -> memref<1x128xi32, #tpu.memory_space<vmem>>
      %dma_start3A_34 = tpu.memref_squeeze %dma_start3A_33 : memref<1x128xi32, #tpu.memory_space<vmem>> -> memref<128xi32, #tpu.memory_space<vmem>>
      %dma_start3A_35 = arith.constant 0 : i32
      %dma_start3A_36 = arith.constant 0 : i32
      %dma_start3A_37 = tpu.memref_slice %arg2[%dma_start3A_35, %dma_start3A_36] : memref<50000x16xf32, #tpu.memory_space<hbm>> -> memref<50000x16xf32, #tpu.memory_space<hbm>>
      tpu.enqueue_indirect_dma source(%dma_start3A_37 : memref<50000x16xf32, #tpu.memory_space<hbm>>) target(%arg10 : memref<128x16xf32, #tpu.memory_space<vmem>>) offsets(%dma_start3A_34 : memref<128xi32, #tpu.memory_space<vmem>>) semaphore(%arg13 : memref<!tpu.dma_semaphore, #tpu.memory_space<semaphore_mem>>)
      %mul3A_38 = arith.constant 8 : i32
      %mul3A_39 = arith.muli %add3A_32, %mul3A_38 : i32
      "tpu.region"() ({
        %run_scoped3A = tpu.sem_alloc : memref<!tpu.dma_semaphore, #tpu.memory_space<semaphore_mem>>
        %dma_start3A_1228 = arith.constant 0 : i32
        %dma_start3A_1229 = tpu.memref_slice %arg2[%mul3A_39, %dma_start3A_1228] : memref<50000x16xf32, #tpu.memory_space<hbm>> -> memref<8x16xf32, #tpu.memory_space<hbm>>
        %dma_start3A_1230 = arith.constant 0 : i32
        %dma_start3A_1231 = tpu.memref_slice %arg2[%mul3A_39, %dma_start3A_1230] : memref<50000x16xf32, #tpu.memory_space<hbm>> -> memref<8x16xf32, #tpu.memory_space<hbm>>
        tpu.enqueue_dma source(%dma_start3A_1231 : memref<8x16xf32, #tpu.memory_space<hbm>>) target(%arg11 : memref<8x16xf32, #tpu.memory_space<vmem>>) target_semaphore(%run_scoped3A : memref<!tpu.dma_semaphore, #tpu.memory_space<semaphore_mem>>)
        %dma_wait3A_1232 = arith.constant 0 : i32
        %dma_wait3A_1233 = tpu.memref_slice %arg2[%mul3A_39, %dma_wait3A_1232] : memref<50000x16xf32, #tpu.memory_space<hbm>> -> memref<8x16xf32, #tpu.memory_space<hbm>>
        %dma_wait3A_1234 = arith.constant 0 : i32
        %dma_wait3A_1235 = tpu.memref_slice %arg2[%mul3A_39, %dma_wait3A_1234] : memref<50000x16xf32, #tpu.memory_space<hbm>> -> memref<8x16xf32, #tpu.memory_space<hbm>>
        tpu.wait_dma2 semaphore(%run_scoped3A : memref<!tpu.dma_semaphore, #tpu.memory_space<semaphore_mem>>) src(%dma_wait3A_1235 : memref<8x16xf32, #tpu.memory_space<hbm>>) dst(%arg11 : memref<8x16xf32, #tpu.memory_space<vmem>>)
        tpu.yield
      }) : () -> ()
      %dma_wait3A = arith.constant 0 : i32
      %dma_wait3A_40 = tpu.memref_slice %arg8[%while3A_31, %dma_wait3A] : memref<196x128xi32, #tpu.memory_space<vmem>> -> memref<1x128xi32, #tpu.memory_space<vmem>>
      %dma_wait3A_41 = tpu.memref_squeeze %dma_wait3A_40 : memref<1x128xi32, #tpu.memory_space<vmem>> -> memref<128xi32, #tpu.memory_space<vmem>>
      %dma_wait3A_42 = arith.constant 0 : i32
      %dma_wait3A_43 = arith.constant 0 : i32
      %dma_wait3A_44 = tpu.memref_slice %arg2[%dma_wait3A_42, %dma_wait3A_43] : memref<50000x16xf32, #tpu.memory_space<hbm>> -> memref<50000x16xf32, #tpu.memory_space<hbm>>
      tpu.wait_indirect_dma semaphore(%arg13 : memref<!tpu.dma_semaphore, #tpu.memory_space<semaphore_mem>>) src(%dma_wait3A_44 : memref<50000x16xf32, #tpu.memory_space<hbm>>) dst(%arg10 : memref<128x16xf32, #tpu.memory_space<vmem>>)
      %get3A = arith.constant 0 : i32
      %get3A_45 = arith.index_cast %get3A : i32 to index
      %get3A_46 = arith.constant 0 : index
      %get3A_47 = tpu.vector_load %arg11[%get3A_45, %get3A_46] {strides = array<i32>} : memref<8x16xf32, #tpu.memory_space<vmem>>, vector<16xf32>,
      %get3A_48 = arith.constant 0 : i32
      %get3A_49 = arith.index_cast %get3A_48 : i32 to index
      %get3A_50 = arith.constant 0 : index
      %get3A_51 = tpu.vector_load %arg10[%get3A_49, %get3A_50] {strides = array<i32>} : memref<128x16xf32, #tpu.memory_space<vmem>>, vector<16xf32>,
      %sub3A = arith.subf %get3A_51, %get3A_47 : vector<16xf32>
      %swap3A = arith.constant 0 : i32
      %swap3A_52 = arith.index_cast %swap3A : i32 to index
      %swap3A_53 = arith.constant 0 : index
      %swap3A_54 = tpu.vector_load %arg12[%swap3A_52, %swap3A_53] {strides = array<i32>} : memref<128x16xf32, #tpu.memory_space<vmem>>, vector<16xf32>,
      tpu.vector_store %arg12[%swap3A_52, %swap3A_53], %sub3A {strides = array<i32>} : memref<128x16xf32, #tpu.memory_space<vmem>>, vector<16xf32>,
      %get3A_55 = arith.constant 1 : i32
      %get3A_56 = arith.index_cast %get3A_55 : i32 to index
      %get3A_57 = arith.constant 0 : index
      %get3A_58 = tpu.vector_load %arg10[%get3A_56, %get3A_57] {strides = array<i32>} : memref<128x16xf32, #tpu.memory_space<vmem>>, vector<16xf32>,
      %sub3A_59 = arith.subf %get3A_58, %get3A_47 : vector<16xf32>
      %swap3A_60 = arith.constant 1 : i32
      %swap3A_61 = arith.index_cast %swap3A_60 : i32 to index
      %swap3A_62 = arith.constant 0 : index
      %swap3A_63 = tpu.vector_load %arg12[%swap3A_61, %swap3A_62] {strides = array<i32>} : memref<128x16xf32, #tpu.memory_space<vmem>>, vector<16xf32>,
      tpu.vector_store %arg12[%swap3A_61, %swap3A_62], %sub3A_59 {strides = array<i32>} : memref<128x16xf32, #tpu.memory_space<vmem>>, vector<16xf32>,
      %get3A_64 = arith.constant 2 : i32
      %get3A_65 = arith.index_cast %get3A_64 : i32 to index
      %get3A_66 = arith.constant 0 : index
      %get3A_67 = tpu.vector_load %arg10[%get3A_65, %get3A_66] {strides = array<i32>} : memref<128x16xf32, #tpu.memory_space<vmem>>, vector<16xf32>,
      %sub3A_68 = arith.subf %get3A_67, %get3A_47 : vector<16xf32>
      %swap3A_69 = arith.constant 2 : i32
      %swap3A_70 = arith.index_cast %swap3A_69 : i32 to index
      %swap3A_71 = arith.constant 0 : index
      %swap3A_72 = tpu.vector_load %arg12[%swap3A_70, %swap3A_71] {strides = array<i32>} : memref<128x16xf32, #tpu.memory_space<vmem>>, vector<16xf32>,
      tpu.vector_store %arg12[%swap3A_70, %swap3A_71], %sub3A_68 {strides = array<i32>} : memref<128x16xf32, #tpu.memory_space<vmem>>, vector<16xf32>,
      %get3A_73 = arith.constant 3 : i32
      %get3A_74 = arith.index_cast %get3A_73 : i32 to index
      %get3A_75 = arith.constant 0 : index
      %get3A_76 = tpu.vector_load %arg10[%get3A_74, %get3A_75] {strides = array<i32>} : memref<128x16xf32, #tpu.memory_space<vmem>>, vector<16xf32>,
      %sub3A_77 = arith.subf %get3A_76, %get3A_47 : vector<16xf32>
      %swap3A_78 = arith.constant 3 : i32
      %swap3A_79 = arith.index_cast %swap3A_78 : i32 to index
      %swap3A_80 = arith.constant 0 : index
      %swap3A_81 = tpu.vector_load %arg12[%swap3A_79, %swap3A_80] {strides = array<i32>} : memref<128x16xf32, #tpu.memory_space<vmem>>, vector<16xf32>,
      tpu.vector_store %arg12[%swap3A_79, %swap3A_80], %sub3A_77 {strides = array<i32>} : memref<128x16xf32, #tpu.memory_space<vmem>>, vector<16xf32>,
      %get3A_82 = arith.constant 4 : i32
      %get3A_83 = arith.index_cast %get3A_82 : i32 to index
      %get3A_84 = arith.constant 0 : index
      %get3A_85 = tpu.vector_load %arg10[%get3A_83, %get3A_84] {strides = array<i32>} : memref<128x16xf32, #tpu.memory_space<vmem>>, vector<16xf32>,
      %sub3A_86 = arith.subf %get3A_85, %get3A_47 : vector<16xf32>
      %swap3A_87 = arith.constant 4 : i32
      %swap3A_88 = arith.index_cast %swap3A_87 : i32 to index
      %swap3A_89 = arith.constant 0 : index
      %swap3A_90 = tpu.vector_load %arg12[%swap3A_88, %swap3A_89] {strides = array<i32>} : memref<128x16xf32, #tpu.memory_space<vmem>>, vector<16xf32>,
      tpu.vector_store %arg12[%swap3A_88, %swap3A_89], %sub3A_86 {strides = array<i32>} : memref<128x16xf32, #tpu.memory_space<vmem>>, vector<16xf32>,
      %get3A_91 = arith.constant 5 : i32
      %get3A_92 = arith.index_cast %get3A_91 : i32 to index
      %get3A_93 = arith.constant 0 : index
      %get3A_94 = tpu.vector_load %arg10[%get3A_92, %get3A_93] {strides = array<i32>} : memref<128x16xf32, #tpu.memory_space<vmem>>, vector<16xf32>,
      %sub3A_95 = arith.subf %get3A_94, %get3A_47 : vector<16xf32>
      %swap3A_96 = arith.constant 5 : i32
      %swap3A_97 = arith.index_cast %swap3A_96 : i32 to index
      %swap3A_98 = arith.constant 0 : index
      %swap3A_99 = tpu.vector_load %arg12[%swap3A_97, %swap3A_98] {strides = array<i32>} : memref<128x16xf32, #tpu.memory_space<vmem>>, vector<16xf32>,
      tpu.vector_store %arg12[%swap3A_97, %swap3A_98], %sub3A_95 {strides = array<i32>} : memref<128x16xf32, #tpu.memory_space<vmem>>, vector<16xf32>,
      %get3A_100 = arith.constant 6 : i32
      %get3A_101 = arith.index_cast %get3A_100 : i32 to index
      %get3A_102 = arith.constant 0 : index
      %get3A_103 = tpu.vector_load %arg10[%get3A_101, %get3A_102] {strides = array<i32>} : memref<128x16xf32, #tpu.memory_space<vmem>>, vector<16xf32>,
      %sub3A_104 = arith.subf %get3A_103, %get3A_47 : vector<16xf32>
      %swap3A_105 = arith.constant 6 : i32
      %swap3A_106 = arith.index_cast %swap3A_105 : i32 to index
      %swap3A_107 = arith.constant 0 : index
      %swap3A_108 = tpu.vector_load %arg12[%swap3A_106, %swap3A_107] {strides = array<i32>} : memref<128x16xf32, #tpu.memory_space<vmem>>, vector<16xf32>,
      tpu.vector_store %arg12[%swap3A_106, %swap3A_107], %sub3A_104 {strides = array<i32>} : memref<128x16xf32, #tpu.memory_space<vmem>>, vector<16xf32>,
      %get3A_109 = arith.constant 7 : i32
      %get3A_110 = arith.index_cast %get3A_109 : i32 to index
      %get3A_111 = arith.constant 0 : index
      %get3A_112 = tpu.vector_load %arg10[%get3A_110, %get3A_111] {strides = array<i32>} : memref<128x16xf32, #tpu.memory_space<vmem>>, vector<16xf32>,
      %sub3A_113 = arith.subf %get3A_112, %get3A_47 : vector<16xf32>
      %swap3A_114 = arith.constant 7 : i32
      %swap3A_115 = arith.index_cast %swap3A_114 : i32 to index
      %swap3A_116 = arith.constant 0 : index
      %swap3A_117 = tpu.vector_load %arg12[%swap3A_115, %swap3A_116] {strides = array<i32>} : memref<128x16xf32, #tpu.memory_space<vmem>>, vector<16xf32>,
      tpu.vector_store %arg12[%swap3A_115, %swap3A_116], %sub3A_113 {strides = array<i32>} : memref<128x16xf32, #tpu.memory_space<vmem>>, vector<16xf32>,
      %get3A_118 = arith.constant 8 : i32
      %get3A_119 = arith.index_cast %get3A_118 : i32 to index
      %get3A_120 = arith.constant 0 : index
      %get3A_121 = tpu.vector_load %arg10[%get3A_119, %get3A_120] {strides = array<i32>} : memref<128x16xf32, #tpu.memory_space<vmem>>, vector<16xf32>,
      %sub3A_122 = arith.subf %get3A_121, %get3A_47 : vector<16xf32>
      %swap3A_123 = arith.constant 8 : i32
      %swap3A_124 = arith.index_cast %swap3A_123 : i32 to index
      %swap3A_125 = arith.constant 0 : index
      %swap3A_126 = tpu.vector_load %arg12[%swap3A_124, %swap3A_125] {strides = array<i32>} : memref<128x16xf32, #tpu.memory_space<vmem>>, vector<16xf32>,
      tpu.vector_store %arg12[%swap3A_124, %swap3A_125], %sub3A_122 {strides = array<i32>} : memref<128x16xf32, #tpu.memory_space<vmem>>, vector<16xf32>,
      %get3A_127 = arith.constant 9 : i32
      %get3A_128 = arith.index_cast %get3A_127 : i32 to index
      %get3A_129 = arith.constant 0 : index
      %get3A_130 = tpu.vector_load %arg10[%get3A_128, %get3A_129] {strides = array<i32>} : memref<128x16xf32, #tpu.memory_space<vmem>>, vector<16xf32>,
      %sub3A_131 = arith.subf %get3A_130, %get3A_47 : vector<16xf32>
      %swap3A_132 = arith.constant 9 : i32
      %swap3A_133 = arith.index_cast %swap3A_132 : i32 to index
      %swap3A_134 = arith.constant 0 : index
      %swap3A_135 = tpu.vector_load %arg12[%swap3A_133, %swap3A_134] {strides = array<i32>} : memref<128x16xf32, #tpu.memory_space<vmem>>, vector<16xf32>,
      tpu.vector_store %arg12[%swap3A_133, %swap3A_134], %sub3A_131 {strides = array<i32>} : memref<128x16xf32, #tpu.memory_space<vmem>>, vector<16xf32>,
      %get3A_136 = arith.constant 10 : i32
      %get3A_137 = arith.index_cast %get3A_136 : i32 to index
      %get3A_138 = arith.constant 0 : index
      %get3A_139 = tpu.vector_load %arg10[%get3A_137, %get3A_138] {strides = array<i32>} : memref<128x16xf32, #tpu.memory_space<vmem>>, vector<16xf32>,
      %sub3A_140 = arith.subf %get3A_139, %get3A_47 : vector<16xf32>
      %swap3A_141 = arith.constant 10 : i32
      %swap3A_142 = arith.index_cast %swap3A_141 : i32 to index
      %swap3A_143 = arith.constant 0 : index
      %swap3A_144 = tpu.vector_load %arg12[%swap3A_142, %swap3A_143] {strides = array<i32>} : memref<128x16xf32, #tpu.memory_space<vmem>>, vector<16xf32>,
      tpu.vector_store %arg12[%swap3A_142, %swap3A_143], %sub3A_140 {strides = array<i32>} : memref<128x16xf32, #tpu.memory_space<vmem>>, vector<16xf32>,
      %get3A_145 = arith.constant 11 : i32
      %get3A_146 = arith.index_cast %get3A_145 : i32 to index
      %get3A_147 = arith.constant 0 : index
      %get3A_148 = tpu.vector_load %arg10[%get3A_146, %get3A_147] {strides = array<i32>} : memref<128x16xf32, #tpu.memory_space<vmem>>, vector<16xf32>,
      %sub3A_149 = arith.subf %get3A_148, %get3A_47 : vector<16xf32>
      %swap3A_150 = arith.constant 11 : i32
      %swap3A_151 = arith.index_cast %swap3A_150 : i32 to index
      %swap3A_152 = arith.constant 0 : index
      %swap3A_153 = tpu.vector_load %arg12[%swap3A_151, %swap3A_152] {strides = array<i32>} : memref<128x16xf32, #tpu.memory_space<vmem>>, vector<16xf32>,
      tpu.vector_store %arg12[%swap3A_151, %swap3A_152], %sub3A_149 {strides = array<i32>} : memref<128x16xf32, #tpu.memory_space<vmem>>, vector<16xf32>,
      %get3A_154 = arith.constant 12 : i32
      %get3A_155 = arith.index_cast %get3A_154 : i32 to index
      %get3A_156 = arith.constant 0 : index
      %get3A_157 = tpu.vector_load %arg10[%get3A_155, %get3A_156] {strides = array<i32>} : memref<128x16xf32, #tpu.memory_space<vmem>>, vector<16xf32>,
      %sub3A_158 = arith.subf %get3A_157, %get3A_47 : vector<16xf32>
      %swap3A_159 = arith.constant 12 : i32
      %swap3A_160 = arith.index_cast %swap3A_159 : i32 to index
      %swap3A_161 = arith.constant 0 : index
      %swap3A_162 = tpu.vector_load %arg12[%swap3A_160, %swap3A_161] {strides = array<i32>} : memref<128x16xf32, #tpu.memory_space<vmem>>, vector<16xf32>,
      tpu.vector_store %arg12[%swap3A_160, %swap3A_161], %sub3A_158 {strides = array<i32>} : memref<128x16xf32, #tpu.memory_space<vmem>>, vector<16xf32>,
      %get3A_163 = arith.constant 13 : i32
      %get3A_164 = arith.index_cast %get3A_163 : i32 to index
      %get3A_165 = arith.constant 0 : index
      %get3A_166 = tpu.vector_load %arg10[%get3A_164, %get3A_165] {strides = array<i32>} : memref<128x16xf32, #tpu.memory_space<vmem>>, vector<16xf32>,
      %sub3A_167 = arith.subf %get3A_166, %get3A_47 : vector<16xf32>
      %swap3A_168 = arith.constant 13 : i32
      %swap3A_169 = arith.index_cast %swap3A_168 : i32 to index
      %swap3A_170 = arith.constant 0 : index
      %swap3A_171 = tpu.vector_load %arg12[%swap3A_169, %swap3A_170] {strides = array<i32>} : memref<128x16xf32, #tpu.memory_space<vmem>>, vector<16xf32>,
      tpu.vector_store %arg12[%swap3A_169, %swap3A_170], %sub3A_167 {strides = array<i32>} : memref<128x16xf32, #tpu.memory_space<vmem>>, vector<16xf32>,
      %get3A_172 = arith.constant 14 : i32
      %get3A_173 = arith.index_cast %get3A_172 : i32 to index
      %get3A_174 = arith.constant 0 : index
      %get3A_175 = tpu.vector_load %arg10[%get3A_173, %get3A_174] {strides = array<i32>} : memref<128x16xf32, #tpu.memory_space<vmem>>, vector<16xf32>,
      %sub3A_176 = arith.subf %get3A_175, %get3A_47 : vector<16xf32>
      %swap3A_177 = arith.constant 14 : i32
      %swap3A_178 = arith.index_cast %swap3A_177 : i32 to index
      %swap3A_179 = arith.constant 0 : index
      %swap3A_180 = tpu.vector_load %arg12[%swap3A_178, %swap3A_179] {strides = array<i32>} : memref<128x16xf32, #tpu.memory_space<vmem>>, vector<16xf32>,
      tpu.vector_store %arg12[%swap3A_178, %swap3A_179], %sub3A_176 {strides = array<i32>} : memref<128x16xf32, #tpu.memory_space<vmem>>, vector<16xf32>,
      %get3A_181 = arith.constant 15 : i32
      %get3A_182 = arith.index_cast %get3A_181 : i32 to index
      %get3A_183 = arith.constant 0 : index
      %get3A_184 = tpu.vector_load %arg10[%get3A_182, %get3A_183] {strides = array<i32>} : memref<128x16xf32, #tpu.memory_space<vmem>>, vector<16xf32>,
      %sub3A_185 = arith.subf %get3A_184, %get3A_47 : vector<16xf32>
      %swap3A_186 = arith.constant 15 : i32
      %swap3A_187 = arith.index_cast %swap3A_186 : i32 to index
      %swap3A_188 = arith.constant 0 : index
      %swap3A_189 = tpu.vector_load %arg12[%swap3A_187, %swap3A_188] {strides = array<i32>} : memref<128x16xf32, #tpu.memory_space<vmem>>, vector<16xf32>,
      tpu.vector_store %arg12[%swap3A_187, %swap3A_188], %sub3A_185 {strides = array<i32>} : memref<128x16xf32, #tpu.memory_space<vmem>>, vector<16xf32>,
      %get3A_190 = arith.constant 1 : i32
      %get3A_191 = arith.index_cast %get3A_190 : i32 to index
      %get3A_192 = arith.constant 0 : index
      %get3A_193 = tpu.vector_load %arg11[%get3A_191, %get3A_192] {strides = array<i32>} : memref<8x16xf32, #tpu.memory_space<vmem>>, vector<16xf32>,
      %get3A_194 = arith.constant 16 : i32
      %get3A_195 = arith.index_cast %get3A_194 : i32 to index
      %get3A_196 = arith.constant 0 : index
      %get3A_197 = tpu.vector_load %arg10[%get3A_195, %get3A_196] {strides = array<i32>} : memref<128x16xf32, #tpu.memory_space<vmem>>, vector<16xf32>,
      %sub3A_198 = arith.subf %get3A_197, %get3A_193 : vector<16xf32>
      %swap3A_199 = arith.constant 16 : i32
      %swap3A_200 = arith.index_cast %swap3A_199 : i32 to index
      %swap3A_201 = arith.constant 0 : index
      %swap3A_202 = tpu.vector_load %arg12[%swap3A_200, %swap3A_201] {strides = array<i32>} : memref<128x16xf32, #tpu.memory_space<vmem>>, vector<16xf32>,
      tpu.vector_store %arg12[%swap3A_200, %swap3A_201], %sub3A_198 {strides = array<i32>} : memref<128x16xf32, #tpu.memory_space<vmem>>, vector<16xf32>,
      %get3A_203 = arith.constant 17 : i32
      %get3A_204 = arith.index_cast %get3A_203 : i32 to index
      %get3A_205 = arith.constant 0 : index
      %get3A_206 = tpu.vector_load %arg10[%get3A_204, %get3A_205] {strides = array<i32>} : memref<128x16xf32, #tpu.memory_space<vmem>>, vector<16xf32>,
      %sub3A_207 = arith.subf %get3A_206, %get3A_193 : vector<16xf32>
      %swap3A_208 = arith.constant 17 : i32
      %swap3A_209 = arith.index_cast %swap3A_208 : i32 to index
      %swap3A_210 = arith.constant 0 : index
      %swap3A_211 = tpu.vector_load %arg12[%swap3A_209, %swap3A_210] {strides = array<i32>} : memref<128x16xf32, #tpu.memory_space<vmem>>, vector<16xf32>,
      tpu.vector_store %arg12[%swap3A_209, %swap3A_210], %sub3A_207 {strides = array<i32>} : memref<128x16xf32, #tpu.memory_space<vmem>>, vector<16xf32>,
      %get3A_212 = arith.constant 18 : i32
      %get3A_213 = arith.index_cast %get3A_212 : i32 to index
      %get3A_214 = arith.constant 0 : index
      %get3A_215 = tpu.vector_load %arg10[%get3A_213, %get3A_214] {strides = array<i32>} : memref<128x16xf32, #tpu.memory_space<vmem>>, vector<16xf32>,
      %sub3A_216 = arith.subf %get3A_215, %get3A_193 : vector<16xf32>
      %swap3A_217 = arith.constant 18 : i32
      %swap3A_218 = arith.index_cast %swap3A_217 : i32 to index
      %swap3A_219 = arith.constant 0 : index
      %swap3A_220 = tpu.vector_load %arg12[%swap3A_218, %swap3A_219] {strides = array<i32>} : memref<128x16xf32, #tpu.memory_space<vmem>>, vector<16xf32>,
      tpu.vector_store %arg12[%swap3A_218, %swap3A_219], %sub3A_216 {strides = array<i32>} : memref<128x16xf32, #tpu.memory_space<vmem>>, vector<16xf32>,
      %get3A_221 = arith.constant 19 : i32
      %get3A_222 = arith.index_cast %get3A_221 : i32 to index
      %get3A_223 = arith.constant 0 : index
      %get3A_224 = tpu.vector_load %arg10[%get3A_222, %get3A_223] {strides = array<i32>} : memref<128x16xf32, #tpu.memory_space<vmem>>, vector<16xf32>,
      %sub3A_225 = arith.subf %get3A_224, %get3A_193 : vector<16xf32>
      %swap3A_226 = arith.constant 19 : i32
      %swap3A_227 = arith.index_cast %swap3A_226 : i32 to index
      %swap3A_228 = arith.constant 0 : index
      %swap3A_229 = tpu.vector_load %arg12[%swap3A_227, %swap3A_228] {strides = array<i32>} : memref<128x16xf32, #tpu.memory_space<vmem>>, vector<16xf32>,
      tpu.vector_store %arg12[%swap3A_227, %swap3A_228], %sub3A_225 {strides = array<i32>} : memref<128x16xf32, #tpu.memory_space<vmem>>, vector<16xf32>,
      %get3A_230 = arith.constant 20 : i32
      %get3A_231 = arith.index_cast %get3A_230 : i32 to index
      %get3A_232 = arith.constant 0 : index
      %get3A_233 = tpu.vector_load %arg10[%get3A_231, %get3A_232] {strides = array<i32>} : memref<128x16xf32, #tpu.memory_space<vmem>>, vector<16xf32>,
      %sub3A_234 = arith.subf %get3A_233, %get3A_193 : vector<16xf32>
      %swap3A_235 = arith.constant 20 : i32
      %swap3A_236 = arith.index_cast %swap3A_235 : i32 to index
      %swap3A_237 = arith.constant 0 : index
      %swap3A_238 = tpu.vector_load %arg12[%swap3A_236, %swap3A_237] {strides = array<i32>} : memref<128x16xf32, #tpu.memory_space<vmem>>, vector<16xf32>,
      tpu.vector_store %arg12[%swap3A_236, %swap3A_237], %sub3A_234 {strides = array<i32>} : memref<128x16xf32, #tpu.memory_space<vmem>>, vector<16xf32>,
      %get3A_239 = arith.constant 21 : i32
      %get3A_240 = arith.index_cast %get3A_239 : i32 to index
      %get3A_241 = arith.constant 0 : index
      %get3A_242 = tpu.vector_load %arg10[%get3A_240, %get3A_241] {strides = array<i32>} : memref<128x16xf32, #tpu.memory_space<vmem>>, vector<16xf32>,
      %sub3A_243 = arith.subf %get3A_242, %get3A_193 : vector<16xf32>
      %swap3A_244 = arith.constant 21 : i32
      %swap3A_245 = arith.index_cast %swap3A_244 : i32 to index
      %swap3A_246 = arith.constant 0 : index
      %swap3A_247 = tpu.vector_load %arg12[%swap3A_245, %swap3A_246] {strides = array<i32>} : memref<128x16xf32, #tpu.memory_space<vmem>>, vector<16xf32>,
      tpu.vector_store %arg12[%swap3A_245, %swap3A_246], %sub3A_243 {strides = array<i32>} : memref<128x16xf32, #tpu.memory_space<vmem>>, vector<16xf32>,
      %get3A_248 = arith.constant 22 : i32
      %get3A_249 = arith.index_cast %get3A_248 : i32 to index
      %get3A_250 = arith.constant 0 : index
      %get3A_251 = tpu.vector_load %arg10[%get3A_249, %get3A_250] {strides = array<i32>} : memref<128x16xf32, #tpu.memory_space<vmem>>, vector<16xf32>,
      %sub3A_252 = arith.subf %get3A_251, %get3A_193 : vector<16xf32>
      %swap3A_253 = arith.constant 22 : i32
      %swap3A_254 = arith.index_cast %swap3A_253 : i32 to index
      %swap3A_255 = arith.constant 0 : index
      %swap3A_256 = tpu.vector_load %arg12[%swap3A_254, %swap3A_255] {strides = array<i32>} : memref<128x16xf32, #tpu.memory_space<vmem>>, vector<16xf32>,
      tpu.vector_store %arg12[%swap3A_254, %swap3A_255], %sub3A_252 {strides = array<i32>} : memref<128x16xf32, #tpu.memory_space<vmem>>, vector<16xf32>,
      %get3A_257 = arith.constant 23 : i32
      %get3A_258 = arith.index_cast %get3A_257 : i32 to index
      %get3A_259 = arith.constant 0 : index
      %get3A_260 = tpu.vector_load %arg10[%get3A_258, %get3A_259] {strides = array<i32>} : memref<128x16xf32, #tpu.memory_space<vmem>>, vector<16xf32>,
      %sub3A_261 = arith.subf %get3A_260, %get3A_193 : vector<16xf32>
      %swap3A_262 = arith.constant 23 : i32
      %swap3A_263 = arith.index_cast %swap3A_262 : i32 to index
      %swap3A_264 = arith.constant 0 : index
      %swap3A_265 = tpu.vector_load %arg12[%swap3A_263, %swap3A_264] {strides = array<i32>} : memref<128x16xf32, #tpu.memory_space<vmem>>, vector<16xf32>,
      tpu.vector_store %arg12[%swap3A_263, %swap3A_264], %sub3A_261 {strides = array<i32>} : memref<128x16xf32, #tpu.memory_space<vmem>>, vector<16xf32>,
      %get3A_266 = arith.constant 24 : i32
      %get3A_267 = arith.index_cast %get3A_266 : i32 to index
      %get3A_268 = arith.constant 0 : index
      %get3A_269 = tpu.vector_load %arg10[%get3A_267, %get3A_268] {strides = array<i32>} : memref<128x16xf32, #tpu.memory_space<vmem>>, vector<16xf32>,
      %sub3A_270 = arith.subf %get3A_269, %get3A_193 : vector<16xf32>
      %swap3A_271 = arith.constant 24 : i32
      %swap3A_272 = arith.index_cast %swap3A_271 : i32 to index
      %swap3A_273 = arith.constant 0 : index
      %swap3A_274 = tpu.vector_load %arg12[%swap3A_272, %swap3A_273] {strides = array<i32>} : memref<128x16xf32, #tpu.memory_space<vmem>>, vector<16xf32>,
      tpu.vector_store %arg12[%swap3A_272, %swap3A_273], %sub3A_270 {strides = array<i32>} : memref<128x16xf32, #tpu.memory_space<vmem>>, vector<16xf32>,
      %get3A_275 = arith.constant 25 : i32
      %get3A_276 = arith.index_cast %get3A_275 : i32 to index
      %get3A_277 = arith.constant 0 : index
      %get3A_278 = tpu.vector_load %arg10[%get3A_276, %get3A_277] {strides = array<i32>} : memref<128x16xf32, #tpu.memory_space<vmem>>, vector<16xf32>,
      %sub3A_279 = arith.subf %get3A_278, %get3A_193 : vector<16xf32>
      %swap3A_280 = arith.constant 25 : i32
      %swap3A_281 = arith.index_cast %swap3A_280 : i32 to index
      %swap3A_282 = arith.constant 0 : index
      %swap3A_283 = tpu.vector_load %arg12[%swap3A_281, %swap3A_282] {strides = array<i32>} : memref<128x16xf32, #tpu.memory_space<vmem>>, vector<16xf32>,
      tpu.vector_store %arg12[%swap3A_281, %swap3A_282], %sub3A_279 {strides = array<i32>} : memref<128x16xf32, #tpu.memory_space<vmem>>, vector<16xf32>,
      %get3A_284 = arith.constant 26 : i32
      %get3A_285 = arith.index_cast %get3A_284 : i32 to index
      %get3A_286 = arith.constant 0 : index
      %get3A_287 = tpu.vector_load %arg10[%get3A_285, %get3A_286] {strides = array<i32>} : memref<128x16xf32, #tpu.memory_space<vmem>>, vector<16xf32>,
      %sub3A_288 = arith.subf %get3A_287, %get3A_193 : vector<16xf32>
      %swap3A_289 = arith.constant 26 : i32
      %swap3A_290 = arith.index_cast %swap3A_289 : i32 to index
      %swap3A_291 = arith.constant 0 : index
      %swap3A_292 = tpu.vector_load %arg12[%swap3A_290, %swap3A_291] {strides = array<i32>} : memref<128x16xf32, #tpu.memory_space<vmem>>, vector<16xf32>,
      tpu.vector_store %arg12[%swap3A_290, %swap3A_291], %sub3A_288 {strides = array<i32>} : memref<128x16xf32, #tpu.memory_space<vmem>>, vector<16xf32>,
      %get3A_293 = arith.constant 27 : i32
      %get3A_294 = arith.index_cast %get3A_293 : i32 to index
      %get3A_295 = arith.constant 0 : index
      %get3A_296 = tpu.vector_load %arg10[%get3A_294, %get3A_295] {strides = array<i32>} : memref<128x16xf32, #tpu.memory_space<vmem>>, vector<16xf32>,
      %sub3A_297 = arith.subf %get3A_296, %get3A_193 : vector<16xf32>
      %swap3A_298 = arith.constant 27 : i32
      %swap3A_299 = arith.index_cast %swap3A_298 : i32 to index
      %swap3A_300 = arith.constant 0 : index
      %swap3A_301 = tpu.vector_load %arg12[%swap3A_299, %swap3A_300] {strides = array<i32>} : memref<128x16xf32, #tpu.memory_space<vmem>>, vector<16xf32>,
      tpu.vector_store %arg12[%swap3A_299, %swap3A_300], %sub3A_297 {strides = array<i32>} : memref<128x16xf32, #tpu.memory_space<vmem>>, vector<16xf32>,
      %get3A_302 = arith.constant 28 : i32
      %get3A_303 = arith.index_cast %get3A_302 : i32 to index
      %get3A_304 = arith.constant 0 : index
      %get3A_305 = tpu.vector_load %arg10[%get3A_303, %get3A_304] {strides = array<i32>} : memref<128x16xf32, #tpu.memory_space<vmem>>, vector<16xf32>,
      %sub3A_306 = arith.subf %get3A_305, %get3A_193 : vector<16xf32>
      %swap3A_307 = arith.constant 28 : i32
      %swap3A_308 = arith.index_cast %swap3A_307 : i32 to index
      %swap3A_309 = arith.constant 0 : index
      %swap3A_310 = tpu.vector_load %arg12[%swap3A_308, %swap3A_309] {strides = array<i32>} : memref<128x16xf32, #tpu.memory_space<vmem>>, vector<16xf32>,
      tpu.vector_store %arg12[%swap3A_308, %swap3A_309], %sub3A_306 {strides = array<i32>} : memref<128x16xf32, #tpu.memory_space<vmem>>, vector<16xf32>,
      %get3A_311 = arith.constant 29 : i32
      %get3A_312 = arith.index_cast %get3A_311 : i32 to index
      %get3A_313 = arith.constant 0 : index
      %get3A_314 = tpu.vector_load %arg10[%get3A_312, %get3A_313] {strides = array<i32>} : memref<128x16xf32, #tpu.memory_space<vmem>>, vector<16xf32>,
      %sub3A_315 = arith.subf %get3A_314, %get3A_193 : vector<16xf32>
      %swap3A_316 = arith.constant 29 : i32
      %swap3A_317 = arith.index_cast %swap3A_316 : i32 to index
      %swap3A_318 = arith.constant 0 : index
      %swap3A_319 = tpu.vector_load %arg12[%swap3A_317, %swap3A_318] {strides = array<i32>} : memref<128x16xf32, #tpu.memory_space<vmem>>, vector<16xf32>,
      tpu.vector_store %arg12[%swap3A_317, %swap3A_318], %sub3A_315 {strides = array<i32>} : memref<128x16xf32, #tpu.memory_space<vmem>>, vector<16xf32>,
      %get3A_320 = arith.constant 30 : i32
      %get3A_321 = arith.index_cast %get3A_320 : i32 to index
      %get3A_322 = arith.constant 0 : index
      %get3A_323 = tpu.vector_load %arg10[%get3A_321, %get3A_322] {strides = array<i32>} : memref<128x16xf32, #tpu.memory_space<vmem>>, vector<16xf32>,
      %sub3A_324 = arith.subf %get3A_323, %get3A_193 : vector<16xf32>
      %swap3A_325 = arith.constant 30 : i32
      %swap3A_326 = arith.index_cast %swap3A_325 : i32 to index
      %swap3A_327 = arith.constant 0 : index
      %swap3A_328 = tpu.vector_load %arg12[%swap3A_326, %swap3A_327] {strides = array<i32>} : memref<128x16xf32, #tpu.memory_space<vmem>>, vector<16xf32>,
      tpu.vector_store %arg12[%swap3A_326, %swap3A_327], %sub3A_324 {strides = array<i32>} : memref<128x16xf32, #tpu.memory_space<vmem>>, vector<16xf32>,
      %get3A_329 = arith.constant 31 : i32
      %get3A_330 = arith.index_cast %get3A_329 : i32 to index
      %get3A_331 = arith.constant 0 : index
      %get3A_332 = tpu.vector_load %arg10[%get3A_330, %get3A_331] {strides = array<i32>} : memref<128x16xf32, #tpu.memory_space<vmem>>, vector<16xf32>,
      %sub3A_333 = arith.subf %get3A_332, %get3A_193 : vector<16xf32>
      %swap3A_334 = arith.constant 31 : i32
      %swap3A_335 = arith.index_cast %swap3A_334 : i32 to index
      %swap3A_336 = arith.constant 0 : index
      %swap3A_337 = tpu.vector_load %arg12[%swap3A_335, %swap3A_336] {strides = array<i32>} : memref<128x16xf32, #tpu.memory_space<vmem>>, vector<16xf32>,
      tpu.vector_store %arg12[%swap3A_335, %swap3A_336], %sub3A_333 {strides = array<i32>} : memref<128x16xf32, #tpu.memory_space<vmem>>, vector<16xf32>,
      %get3A_338 = arith.constant 2 : i32
      %get3A_339 = arith.index_cast %get3A_338 : i32 to index
      %get3A_340 = arith.constant 0 : index
      %get3A_341 = tpu.vector_load %arg11[%get3A_339, %get3A_340] {strides = array<i32>} : memref<8x16xf32, #tpu.memory_space<vmem>>, vector<16xf32>,
      %get3A_342 = arith.constant 32 : i32
      %get3A_343 = arith.index_cast %get3A_342 : i32 to index
      %get3A_344 = arith.constant 0 : index
      %get3A_345 = tpu.vector_load %arg10[%get3A_343, %get3A_344] {strides = array<i32>} : memref<128x16xf32, #tpu.memory_space<vmem>>, vector<16xf32>,
      %sub3A_346 = arith.subf %get3A_345, %get3A_341 : vector<16xf32>
      %swap3A_347 = arith.constant 32 : i32
      %swap3A_348 = arith.index_cast %swap3A_347 : i32 to index
      %swap3A_349 = arith.constant 0 : index
      %swap3A_350 = tpu.vector_load %arg12[%swap3A_348, %swap3A_349] {strides = array<i32>} : memref<128x16xf32, #tpu.memory_space<vmem>>, vector<16xf32>,
      tpu.vector_store %arg12[%swap3A_348, %swap3A_349], %sub3A_346 {strides = array<i32>} : memref<128x16xf32, #tpu.memory_space<vmem>>, vector<16xf32>,
      %get3A_351 = arith.constant 33 : i32
      %get3A_352 = arith.index_cast %get3A_351 : i32 to index
      %get3A_353 = arith.constant 0 : index
      %get3A_354 = tpu.vector_load %arg10[%get3A_352, %get3A_353] {strides = array<i32>} : memref<128x16xf32, #tpu.memory_space<vmem>>, vector<16xf32>,
      %sub3A_355 = arith.subf %get3A_354, %get3A_341 : vector<16xf32>
      %swap3A_356 = arith.constant 33 : i32
      %swap3A_357 = arith.index_cast %swap3A_356 : i32 to index
      %swap3A_358 = arith.constant 0 : index
      %swap3A_359 = tpu.vector_load %arg12[%swap3A_357, %swap3A_358] {strides = array<i32>} : memref<128x16xf32, #tpu.memory_space<vmem>>, vector<16xf32>,
      tpu.vector_store %arg12[%swap3A_357, %swap3A_358], %sub3A_355 {strides = array<i32>} : memref<128x16xf32, #tpu.memory_space<vmem>>, vector<16xf32>,
      %get3A_360 = arith.constant 34 : i32
      %get3A_361 = arith.index_cast %get3A_360 : i32 to index
      %get3A_362 = arith.constant 0 : index
      %get3A_363 = tpu.vector_load %arg10[%get3A_361, %get3A_362] {strides = array<i32>} : memref<128x16xf32, #tpu.memory_space<vmem>>, vector<16xf32>,
      %sub3A_364 = arith.subf %get3A_363, %get3A_341 : vector<16xf32>
      %swap3A_365 = arith.constant 34 : i32
      %swap3A_366 = arith.index_cast %swap3A_365 : i32 to index
      %swap3A_367 = arith.constant 0 : index
      %swap3A_368 = tpu.vector_load %arg12[%swap3A_366, %swap3A_367] {strides = array<i32>} : memref<128x16xf32, #tpu.memory_space<vmem>>, vector<16xf32>,
      tpu.vector_store %arg12[%swap3A_366, %swap3A_367], %sub3A_364 {strides = array<i32>} : memref<128x16xf32, #tpu.memory_space<vmem>>, vector<16xf32>,
      %get3A_369 = arith.constant 35 : i32
      %get3A_370 = arith.index_cast %get3A_369 : i32 to index
      %get3A_371 = arith.constant 0 : index
      %get3A_372 = tpu.vector_load %arg10[%get3A_370, %get3A_371] {strides = array<i32>} : memref<128x16xf32, #tpu.memory_space<vmem>>, vector<16xf32>,
      %sub3A_373 = arith.subf %get3A_372, %get3A_341 : vector<16xf32>
      %swap3A_374 = arith.constant 35 : i32
      %swap3A_375 = arith.index_cast %swap3A_374 : i32 to index
      %swap3A_376 = arith.constant 0 : index
      %swap3A_377 = tpu.vector_load %arg12[%swap3A_375, %swap3A_376] {strides = array<i32>} : memref<128x16xf32, #tpu.memory_space<vmem>>, vector<16xf32>,
      tpu.vector_store %arg12[%swap3A_375, %swap3A_376], %sub3A_373 {strides = array<i32>} : memref<128x16xf32, #tpu.memory_space<vmem>>, vector<16xf32>,
      %get3A_378 = arith.constant 36 : i32
      %get3A_379 = arith.index_cast %get3A_378 : i32 to index
      %get3A_380 = arith.constant 0 : index
      %get3A_381 = tpu.vector_load %arg10[%get3A_379, %get3A_380] {strides = array<i32>} : memref<128x16xf32, #tpu.memory_space<vmem>>, vector<16xf32>,
      %sub3A_382 = arith.subf %get3A_381, %get3A_341 : vector<16xf32>
      %swap3A_383 = arith.constant 36 : i32
      %swap3A_384 = arith.index_cast %swap3A_383 : i32 to index
      %swap3A_385 = arith.constant 0 : index
      %swap3A_386 = tpu.vector_load %arg12[%swap3A_384, %swap3A_385] {strides = array<i32>} : memref<128x16xf32, #tpu.memory_space<vmem>>, vector<16xf32>,
      tpu.vector_store %arg12[%swap3A_384, %swap3A_385], %sub3A_382 {strides = array<i32>} : memref<128x16xf32, #tpu.memory_space<vmem>>, vector<16xf32>,
      %get3A_387 = arith.constant 37 : i32
      %get3A_388 = arith.index_cast %get3A_387 : i32 to index
      %get3A_389 = arith.constant 0 : index
      %get3A_390 = tpu.vector_load %arg10[%get3A_388, %get3A_389] {strides = array<i32>} : memref<128x16xf32, #tpu.memory_space<vmem>>, vector<16xf32>,
      %sub3A_391 = arith.subf %get3A_390, %get3A_341 : vector<16xf32>
      %swap3A_392 = arith.constant 37 : i32
      %swap3A_393 = arith.index_cast %swap3A_392 : i32 to index
      %swap3A_394 = arith.constant 0 : index
      %swap3A_395 = tpu.vector_load %arg12[%swap3A_393, %swap3A_394] {strides = array<i32>} : memref<128x16xf32, #tpu.memory_space<vmem>>, vector<16xf32>,
      tpu.vector_store %arg12[%swap3A_393, %swap3A_394], %sub3A_391 {strides = array<i32>} : memref<128x16xf32, #tpu.memory_space<vmem>>, vector<16xf32>,
      %get3A_396 = arith.constant 38 : i32
      %get3A_397 = arith.index_cast %get3A_396 : i32 to index
      %get3A_398 = arith.constant 0 : index
      %get3A_399 = tpu.vector_load %arg10[%get3A_397, %get3A_398] {strides = array<i32>} : memref<128x16xf32, #tpu.memory_space<vmem>>, vector<16xf32>,
      %sub3A_400 = arith.subf %get3A_399, %get3A_341 : vector<16xf32>
      %swap3A_401 = arith.constant 38 : i32
      %swap3A_402 = arith.index_cast %swap3A_401 : i32 to index
      %swap3A_403 = arith.constant 0 : index
      %swap3A_404 = tpu.vector_load %arg12[%swap3A_402, %swap3A_403] {strides = array<i32>} : memref<128x16xf32, #tpu.memory_space<vmem>>, vector<16xf32>,
      tpu.vector_store %arg12[%swap3A_402, %swap3A_403], %sub3A_400 {strides = array<i32>} : memref<128x16xf32, #tpu.memory_space<vmem>>, vector<16xf32>,
      %get3A_405 = arith.constant 39 : i32
      %get3A_406 = arith.index_cast %get3A_405 : i32 to index
      %get3A_407 = arith.constant 0 : index
      %get3A_408 = tpu.vector_load %arg10[%get3A_406, %get3A_407] {strides = array<i32>} : memref<128x16xf32, #tpu.memory_space<vmem>>, vector<16xf32>,
      %sub3A_409 = arith.subf %get3A_408, %get3A_341 : vector<16xf32>
      %swap3A_410 = arith.constant 39 : i32
      %swap3A_411 = arith.index_cast %swap3A_410 : i32 to index
      %swap3A_412 = arith.constant 0 : index
      %swap3A_413 = tpu.vector_load %arg12[%swap3A_411, %swap3A_412] {strides = array<i32>} : memref<128x16xf32, #tpu.memory_space<vmem>>, vector<16xf32>,
      tpu.vector_store %arg12[%swap3A_411, %swap3A_412], %sub3A_409 {strides = array<i32>} : memref<128x16xf32, #tpu.memory_space<vmem>>, vector<16xf32>,
      %get3A_414 = arith.constant 40 : i32
      %get3A_415 = arith.index_cast %get3A_414 : i32 to index
      %get3A_416 = arith.constant 0 : index
      %get3A_417 = tpu.vector_load %arg10[%get3A_415, %get3A_416] {strides = array<i32>} : memref<128x16xf32, #tpu.memory_space<vmem>>, vector<16xf32>,
      %sub3A_418 = arith.subf %get3A_417, %get3A_341 : vector<16xf32>
      %swap3A_419 = arith.constant 40 : i32
      %swap3A_420 = arith.index_cast %swap3A_419 : i32 to index
      %swap3A_421 = arith.constant 0 : index
      %swap3A_422 = tpu.vector_load %arg12[%swap3A_420, %swap3A_421] {strides = array<i32>} : memref<128x16xf32, #tpu.memory_space<vmem>>, vector<16xf32>,
      tpu.vector_store %arg12[%swap3A_420, %swap3A_421], %sub3A_418 {strides = array<i32>} : memref<128x16xf32, #tpu.memory_space<vmem>>, vector<16xf32>,
      %get3A_423 = arith.constant 41 : i32
      %get3A_424 = arith.index_cast %get3A_423 : i32 to index
      %get3A_425 = arith.constant 0 : index
      %get3A_426 = tpu.vector_load %arg10[%get3A_424, %get3A_425] {strides = array<i32>} : memref<128x16xf32, #tpu.memory_space<vmem>>, vector<16xf32>,
      %sub3A_427 = arith.subf %get3A_426, %get3A_341 : vector<16xf32>
      %swap3A_428 = arith.constant 41 : i32
      %swap3A_429 = arith.index_cast %swap3A_428 : i32 to index
      %swap3A_430 = arith.constant 0 : index
      %swap3A_431 = tpu.vector_load %arg12[%swap3A_429, %swap3A_430] {strides = array<i32>} : memref<128x16xf32, #tpu.memory_space<vmem>>, vector<16xf32>,
      tpu.vector_store %arg12[%swap3A_429, %swap3A_430], %sub3A_427 {strides = array<i32>} : memref<128x16xf32, #tpu.memory_space<vmem>>, vector<16xf32>,
      %get3A_432 = arith.constant 42 : i32
      %get3A_433 = arith.index_cast %get3A_432 : i32 to index
      %get3A_434 = arith.constant 0 : index
      %get3A_435 = tpu.vector_load %arg10[%get3A_433, %get3A_434] {strides = array<i32>} : memref<128x16xf32, #tpu.memory_space<vmem>>, vector<16xf32>,
      %sub3A_436 = arith.subf %get3A_435, %get3A_341 : vector<16xf32>
      %swap3A_437 = arith.constant 42 : i32
      %swap3A_438 = arith.index_cast %swap3A_437 : i32 to index
      %swap3A_439 = arith.constant 0 : index
      %swap3A_440 = tpu.vector_load %arg12[%swap3A_438, %swap3A_439] {strides = array<i32>} : memref<128x16xf32, #tpu.memory_space<vmem>>, vector<16xf32>,
      tpu.vector_store %arg12[%swap3A_438, %swap3A_439], %sub3A_436 {strides = array<i32>} : memref<128x16xf32, #tpu.memory_space<vmem>>, vector<16xf32>,
      %get3A_441 = arith.constant 43 : i32
      %get3A_442 = arith.index_cast %get3A_441 : i32 to index
      %get3A_443 = arith.constant 0 : index
      %get3A_444 = tpu.vector_load %arg10[%get3A_442, %get3A_443] {strides = array<i32>} : memref<128x16xf32, #tpu.memory_space<vmem>>, vector<16xf32>,
      %sub3A_445 = arith.subf %get3A_444, %get3A_341 : vector<16xf32>
      %swap3A_446 = arith.constant 43 : i32
      %swap3A_447 = arith.index_cast %swap3A_446 : i32 to index
      %swap3A_448 = arith.constant 0 : index
      %swap3A_449 = tpu.vector_load %arg12[%swap3A_447, %swap3A_448] {strides = array<i32>} : memref<128x16xf32, #tpu.memory_space<vmem>>, vector<16xf32>,
      tpu.vector_store %arg12[%swap3A_447, %swap3A_448], %sub3A_445 {strides = array<i32>} : memref<128x16xf32, #tpu.memory_space<vmem>>, vector<16xf32>,
      %get3A_450 = arith.constant 44 : i32
      %get3A_451 = arith.index_cast %get3A_450 : i32 to index
      %get3A_452 = arith.constant 0 : index
      %get3A_453 = tpu.vector_load %arg10[%get3A_451, %get3A_452] {strides = array<i32>} : memref<128x16xf32, #tpu.memory_space<vmem>>, vector<16xf32>,
      %sub3A_454 = arith.subf %get3A_453, %get3A_341 : vector<16xf32>
      %swap3A_455 = arith.constant 44 : i32
      %swap3A_456 = arith.index_cast %swap3A_455 : i32 to index
      %swap3A_457 = arith.constant 0 : index
      %swap3A_458 = tpu.vector_load %arg12[%swap3A_456, %swap3A_457] {strides = array<i32>} : memref<128x16xf32, #tpu.memory_space<vmem>>, vector<16xf32>,
      tpu.vector_store %arg12[%swap3A_456, %swap3A_457], %sub3A_454 {strides = array<i32>} : memref<128x16xf32, #tpu.memory_space<vmem>>, vector<16xf32>,
      %get3A_459 = arith.constant 45 : i32
      %get3A_460 = arith.index_cast %get3A_459 : i32 to index
      %get3A_461 = arith.constant 0 : index
      %get3A_462 = tpu.vector_load %arg10[%get3A_460, %get3A_461] {strides = array<i32>} : memref<128x16xf32, #tpu.memory_space<vmem>>, vector<16xf32>,
      %sub3A_463 = arith.subf %get3A_462, %get3A_341 : vector<16xf32>
      %swap3A_464 = arith.constant 45 : i32
      %swap3A_465 = arith.index_cast %swap3A_464 : i32 to index
      %swap3A_466 = arith.constant 0 : index
      %swap3A_467 = tpu.vector_load %arg12[%swap3A_465, %swap3A_466] {strides = array<i32>} : memref<128x16xf32, #tpu.memory_space<vmem>>, vector<16xf32>,
      tpu.vector_store %arg12[%swap3A_465, %swap3A_466], %sub3A_463 {strides = array<i32>} : memref<128x16xf32, #tpu.memory_space<vmem>>, vector<16xf32>,
      %get3A_468 = arith.constant 46 : i32
      %get3A_469 = arith.index_cast %get3A_468 : i32 to index
      %get3A_470 = arith.constant 0 : index
      %get3A_471 = tpu.vector_load %arg10[%get3A_469, %get3A_470] {strides = array<i32>} : memref<128x16xf32, #tpu.memory_space<vmem>>, vector<16xf32>,
      %sub3A_472 = arith.subf %get3A_471, %get3A_341 : vector<16xf32>
      %swap3A_473 = arith.constant 46 : i32
      %swap3A_474 = arith.index_cast %swap3A_473 : i32 to index
      %swap3A_475 = arith.constant 0 : index
      %swap3A_476 = tpu.vector_load %arg12[%swap3A_474, %swap3A_475] {strides = array<i32>} : memref<128x16xf32, #tpu.memory_space<vmem>>, vector<16xf32>,
      tpu.vector_store %arg12[%swap3A_474, %swap3A_475], %sub3A_472 {strides = array<i32>} : memref<128x16xf32, #tpu.memory_space<vmem>>, vector<16xf32>,
      %get3A_477 = arith.constant 47 : i32
      %get3A_478 = arith.index_cast %get3A_477 : i32 to index
      %get3A_479 = arith.constant 0 : index
      %get3A_480 = tpu.vector_load %arg10[%get3A_478, %get3A_479] {strides = array<i32>} : memref<128x16xf32, #tpu.memory_space<vmem>>, vector<16xf32>,
      %sub3A_481 = arith.subf %get3A_480, %get3A_341 : vector<16xf32>
      %swap3A_482 = arith.constant 47 : i32
      %swap3A_483 = arith.index_cast %swap3A_482 : i32 to index
      %swap3A_484 = arith.constant 0 : index
      %swap3A_485 = tpu.vector_load %arg12[%swap3A_483, %swap3A_484] {strides = array<i32>} : memref<128x16xf32, #tpu.memory_space<vmem>>, vector<16xf32>,
      tpu.vector_store %arg12[%swap3A_483, %swap3A_484], %sub3A_481 {strides = array<i32>} : memref<128x16xf32, #tpu.memory_space<vmem>>, vector<16xf32>,
      %get3A_486 = arith.constant 3 : i32
      %get3A_487 = arith.index_cast %get3A_486 : i32 to index
      %get3A_488 = arith.constant 0 : index
      %get3A_489 = tpu.vector_load %arg11[%get3A_487, %get3A_488] {strides = array<i32>} : memref<8x16xf32, #tpu.memory_space<vmem>>, vector<16xf32>,
      %get3A_490 = arith.constant 48 : i32
      %get3A_491 = arith.index_cast %get3A_490 : i32 to index
      %get3A_492 = arith.constant 0 : index
      %get3A_493 = tpu.vector_load %arg10[%get3A_491, %get3A_492] {strides = array<i32>} : memref<128x16xf32, #tpu.memory_space<vmem>>, vector<16xf32>,
      %sub3A_494 = arith.subf %get3A_493, %get3A_489 : vector<16xf32>
      %swap3A_495 = arith.constant 48 : i32
      %swap3A_496 = arith.index_cast %swap3A_495 : i32 to index
      %swap3A_497 = arith.constant 0 : index
      %swap3A_498 = tpu.vector_load %arg12[%swap3A_496, %swap3A_497] {strides = array<i32>} : memref<128x16xf32, #tpu.memory_space<vmem>>, vector<16xf32>,
      tpu.vector_store %arg12[%swap3A_496, %swap3A_497], %sub3A_494 {strides = array<i32>} : memref<128x16xf32, #tpu.memory_space<vmem>>, vector<16xf32>,
      %get3A_499 = arith.constant 49 : i32
      %get3A_500 = arith.index_cast %get3A_499 : i32 to index
      %get3A_501 = arith.constant 0 : index
      %get3A_502 = tpu.vector_load %arg10[%get3A_500, %get3A_501] {strides = array<i32>} : memref<128x16xf32, #tpu.memory_space<vmem>>, vector<16xf32>,
      %sub3A_503 = arith.subf %get3A_502, %get3A_489 : vector<16xf32>
      %swap3A_504 = arith.constant 49 : i32
      %swap3A_505 = arith.index_cast %swap3A_504 : i32 to index
      %swap3A_506 = arith.constant 0 : index
      %swap3A_507 = tpu.vector_load %arg12[%swap3A_505, %swap3A_506] {strides = array<i32>} : memref<128x16xf32, #tpu.memory_space<vmem>>, vector<16xf32>,
      tpu.vector_store %arg12[%swap3A_505, %swap3A_506], %sub3A_503 {strides = array<i32>} : memref<128x16xf32, #tpu.memory_space<vmem>>, vector<16xf32>,
      %get3A_508 = arith.constant 50 : i32
      %get3A_509 = arith.index_cast %get3A_508 : i32 to index
      %get3A_510 = arith.constant 0 : index
      %get3A_511 = tpu.vector_load %arg10[%get3A_509, %get3A_510] {strides = array<i32>} : memref<128x16xf32, #tpu.memory_space<vmem>>, vector<16xf32>,
      %sub3A_512 = arith.subf %get3A_511, %get3A_489 : vector<16xf32>
      %swap3A_513 = arith.constant 50 : i32
      %swap3A_514 = arith.index_cast %swap3A_513 : i32 to index
      %swap3A_515 = arith.constant 0 : index
      %swap3A_516 = tpu.vector_load %arg12[%swap3A_514, %swap3A_515] {strides = array<i32>} : memref<128x16xf32, #tpu.memory_space<vmem>>, vector<16xf32>,
      tpu.vector_store %arg12[%swap3A_514, %swap3A_515], %sub3A_512 {strides = array<i32>} : memref<128x16xf32, #tpu.memory_space<vmem>>, vector<16xf32>,
      %get3A_517 = arith.constant 51 : i32
      %get3A_518 = arith.index_cast %get3A_517 : i32 to index
      %get3A_519 = arith.constant 0 : index
      %get3A_520 = tpu.vector_load %arg10[%get3A_518, %get3A_519] {strides = array<i32>} : memref<128x16xf32, #tpu.memory_space<vmem>>, vector<16xf32>,
      %sub3A_521 = arith.subf %get3A_520, %get3A_489 : vector<16xf32>
      %swap3A_522 = arith.constant 51 : i32
      %swap3A_523 = arith.index_cast %swap3A_522 : i32 to index
      %swap3A_524 = arith.constant 0 : index
      %swap3A_525 = tpu.vector_load %arg12[%swap3A_523, %swap3A_524] {strides = array<i32>} : memref<128x16xf32, #tpu.memory_space<vmem>>, vector<16xf32>,
      tpu.vector_store %arg12[%swap3A_523, %swap3A_524], %sub3A_521 {strides = array<i32>} : memref<128x16xf32, #tpu.memory_space<vmem>>, vector<16xf32>,
      %get3A_526 = arith.constant 52 : i32
      %get3A_527 = arith.index_cast %get3A_526 : i32 to index
      %get3A_528 = arith.constant 0 : index
      %get3A_529 = tpu.vector_load %arg10[%get3A_527, %get3A_528] {strides = array<i32>} : memref<128x16xf32, #tpu.memory_space<vmem>>, vector<16xf32>,
      %sub3A_530 = arith.subf %get3A_529, %get3A_489 : vector<16xf32>
      %swap3A_531 = arith.constant 52 : i32
      %swap3A_532 = arith.index_cast %swap3A_531 : i32 to index
      %swap3A_533 = arith.constant 0 : index
      %swap3A_534 = tpu.vector_load %arg12[%swap3A_532, %swap3A_533] {strides = array<i32>} : memref<128x16xf32, #tpu.memory_space<vmem>>, vector<16xf32>,
      tpu.vector_store %arg12[%swap3A_532, %swap3A_533], %sub3A_530 {strides = array<i32>} : memref<128x16xf32, #tpu.memory_space<vmem>>, vector<16xf32>,
      %get3A_535 = arith.constant 53 : i32
      %get3A_536 = arith.index_cast %get3A_535 : i32 to index
      %get3A_537 = arith.constant 0 : index
      %get3A_538 = tpu.vector_load %arg10[%get3A_536, %get3A_537] {strides = array<i32>} : memref<128x16xf32, #tpu.memory_space<vmem>>, vector<16xf32>,
      %sub3A_539 = arith.subf %get3A_538, %get3A_489 : vector<16xf32>
      %swap3A_540 = arith.constant 53 : i32
      %swap3A_541 = arith.index_cast %swap3A_540 : i32 to index
      %swap3A_542 = arith.constant 0 : index
      %swap3A_543 = tpu.vector_load %arg12[%swap3A_541, %swap3A_542] {strides = array<i32>} : memref<128x16xf32, #tpu.memory_space<vmem>>, vector<16xf32>,
      tpu.vector_store %arg12[%swap3A_541, %swap3A_542], %sub3A_539 {strides = array<i32>} : memref<128x16xf32, #tpu.memory_space<vmem>>, vector<16xf32>,
      %get3A_544 = arith.constant 54 : i32
      %get3A_545 = arith.index_cast %get3A_544 : i32 to index
      %get3A_546 = arith.constant 0 : index
      %get3A_547 = tpu.vector_load %arg10[%get3A_545, %get3A_546] {strides = array<i32>} : memref<128x16xf32, #tpu.memory_space<vmem>>, vector<16xf32>,
      %sub3A_548 = arith.subf %get3A_547, %get3A_489 : vector<16xf32>
      %swap3A_549 = arith.constant 54 : i32
      %swap3A_550 = arith.index_cast %swap3A_549 : i32 to index
      %swap3A_551 = arith.constant 0 : index
      %swap3A_552 = tpu.vector_load %arg12[%swap3A_550, %swap3A_551] {strides = array<i32>} : memref<128x16xf32, #tpu.memory_space<vmem>>, vector<16xf32>,
      tpu.vector_store %arg12[%swap3A_550, %swap3A_551], %sub3A_548 {strides = array<i32>} : memref<128x16xf32, #tpu.memory_space<vmem>>, vector<16xf32>,
      %get3A_553 = arith.constant 55 : i32
      %get3A_554 = arith.index_cast %get3A_553 : i32 to index
      %get3A_555 = arith.constant 0 : index
      %get3A_556 = tpu.vector_load %arg10[%get3A_554, %get3A_555] {strides = array<i32>} : memref<128x16xf32, #tpu.memory_space<vmem>>, vector<16xf32>,
      %sub3A_557 = arith.subf %get3A_556, %get3A_489 : vector<16xf32>
      %swap3A_558 = arith.constant 55 : i32
      %swap3A_559 = arith.index_cast %swap3A_558 : i32 to index
      %swap3A_560 = arith.constant 0 : index
      %swap3A_561 = tpu.vector_load %arg12[%swap3A_559, %swap3A_560] {strides = array<i32>} : memref<128x16xf32, #tpu.memory_space<vmem>>, vector<16xf32>,
      tpu.vector_store %arg12[%swap3A_559, %swap3A_560], %sub3A_557 {strides = array<i32>} : memref<128x16xf32, #tpu.memory_space<vmem>>, vector<16xf32>,
      %get3A_562 = arith.constant 56 : i32
      %get3A_563 = arith.index_cast %get3A_562 : i32 to index
      %get3A_564 = arith.constant 0 : index
      %get3A_565 = tpu.vector_load %arg10[%get3A_563, %get3A_564] {strides = array<i32>} : memref<128x16xf32, #tpu.memory_space<vmem>>, vector<16xf32>,
      %sub3A_566 = arith.subf %get3A_565, %get3A_489 : vector<16xf32>
      %swap3A_567 = arith.constant 56 : i32
      %swap3A_568 = arith.index_cast %swap3A_567 : i32 to index
      %swap3A_569 = arith.constant 0 : index
      %swap3A_570 = tpu.vector_load %arg12[%swap3A_568, %swap3A_569] {strides = array<i32>} : memref<128x16xf32, #tpu.memory_space<vmem>>, vector<16xf32>,
      tpu.vector_store %arg12[%swap3A_568, %swap3A_569], %sub3A_566 {strides = array<i32>} : memref<128x16xf32, #tpu.memory_space<vmem>>, vector<16xf32>,
      %get3A_571 = arith.constant 57 : i32
      %get3A_572 = arith.index_cast %get3A_571 : i32 to index
      %get3A_573 = arith.constant 0 : index
      %get3A_574 = tpu.vector_load %arg10[%get3A_572, %get3A_573] {strides = array<i32>} : memref<128x16xf32, #tpu.memory_space<vmem>>, vector<16xf32>,
      %sub3A_575 = arith.subf %get3A_574, %get3A_489 : vector<16xf32>
      %swap3A_576 = arith.constant 57 : i32
      %swap3A_577 = arith.index_cast %swap3A_576 : i32 to index
      %swap3A_578 = arith.constant 0 : index
      %swap3A_579 = tpu.vector_load %arg12[%swap3A_577, %swap3A_578] {strides = array<i32>} : memref<128x16xf32, #tpu.memory_space<vmem>>, vector<16xf32>,
      tpu.vector_store %arg12[%swap3A_577, %swap3A_578], %sub3A_575 {strides = array<i32>} : memref<128x16xf32, #tpu.memory_space<vmem>>, vector<16xf32>,
      %get3A_580 = arith.constant 58 : i32
      %get3A_581 = arith.index_cast %get3A_580 : i32 to index
      %get3A_582 = arith.constant 0 : index
      %get3A_583 = tpu.vector_load %arg10[%get3A_581, %get3A_582] {strides = array<i32>} : memref<128x16xf32, #tpu.memory_space<vmem>>, vector<16xf32>,
      %sub3A_584 = arith.subf %get3A_583, %get3A_489 : vector<16xf32>
      %swap3A_585 = arith.constant 58 : i32
      %swap3A_586 = arith.index_cast %swap3A_585 : i32 to index
      %swap3A_587 = arith.constant 0 : index
      %swap3A_588 = tpu.vector_load %arg12[%swap3A_586, %swap3A_587] {strides = array<i32>} : memref<128x16xf32, #tpu.memory_space<vmem>>, vector<16xf32>,
      tpu.vector_store %arg12[%swap3A_586, %swap3A_587], %sub3A_584 {strides = array<i32>} : memref<128x16xf32, #tpu.memory_space<vmem>>, vector<16xf32>,
      %get3A_589 = arith.constant 59 : i32
      %get3A_590 = arith.index_cast %get3A_589 : i32 to index
      %get3A_591 = arith.constant 0 : index
      %get3A_592 = tpu.vector_load %arg10[%get3A_590, %get3A_591] {strides = array<i32>} : memref<128x16xf32, #tpu.memory_space<vmem>>, vector<16xf32>,
      %sub3A_593 = arith.subf %get3A_592, %get3A_489 : vector<16xf32>
      %swap3A_594 = arith.constant 59 : i32
      %swap3A_595 = arith.index_cast %swap3A_594 : i32 to index
      %swap3A_596 = arith.constant 0 : index
      %swap3A_597 = tpu.vector_load %arg12[%swap3A_595, %swap3A_596] {strides = array<i32>} : memref<128x16xf32, #tpu.memory_space<vmem>>, vector<16xf32>,
      tpu.vector_store %arg12[%swap3A_595, %swap3A_596], %sub3A_593 {strides = array<i32>} : memref<128x16xf32, #tpu.memory_space<vmem>>, vector<16xf32>,
      %get3A_598 = arith.constant 60 : i32
      %get3A_599 = arith.index_cast %get3A_598 : i32 to index
      %get3A_600 = arith.constant 0 : index
      %get3A_601 = tpu.vector_load %arg10[%get3A_599, %get3A_600] {strides = array<i32>} : memref<128x16xf32, #tpu.memory_space<vmem>>, vector<16xf32>,
      %sub3A_602 = arith.subf %get3A_601, %get3A_489 : vector<16xf32>
      %swap3A_603 = arith.constant 60 : i32
      %swap3A_604 = arith.index_cast %swap3A_603 : i32 to index
      %swap3A_605 = arith.constant 0 : index
      %swap3A_606 = tpu.vector_load %arg12[%swap3A_604, %swap3A_605] {strides = array<i32>} : memref<128x16xf32, #tpu.memory_space<vmem>>, vector<16xf32>,
      tpu.vector_store %arg12[%swap3A_604, %swap3A_605], %sub3A_602 {strides = array<i32>} : memref<128x16xf32, #tpu.memory_space<vmem>>, vector<16xf32>,
      %get3A_607 = arith.constant 61 : i32
      %get3A_608 = arith.index_cast %get3A_607 : i32 to index
      %get3A_609 = arith.constant 0 : index
      %get3A_610 = tpu.vector_load %arg10[%get3A_608, %get3A_609] {strides = array<i32>} : memref<128x16xf32, #tpu.memory_space<vmem>>, vector<16xf32>,
      %sub3A_611 = arith.subf %get3A_610, %get3A_489 : vector<16xf32>
      %swap3A_612 = arith.constant 61 : i32
      %swap3A_613 = arith.index_cast %swap3A_612 : i32 to index
      %swap3A_614 = arith.constant 0 : index
      %swap3A_615 = tpu.vector_load %arg12[%swap3A_613, %swap3A_614] {strides = array<i32>} : memref<128x16xf32, #tpu.memory_space<vmem>>, vector<16xf32>,
      tpu.vector_store %arg12[%swap3A_613, %swap3A_614], %sub3A_611 {strides = array<i32>} : memref<128x16xf32, #tpu.memory_space<vmem>>, vector<16xf32>,
      %get3A_616 = arith.constant 62 : i32
      %get3A_617 = arith.index_cast %get3A_616 : i32 to index
      %get3A_618 = arith.constant 0 : index
      %get3A_619 = tpu.vector_load %arg10[%get3A_617, %get3A_618] {strides = array<i32>} : memref<128x16xf32, #tpu.memory_space<vmem>>, vector<16xf32>,
      %sub3A_620 = arith.subf %get3A_619, %get3A_489 : vector<16xf32>
      %swap3A_621 = arith.constant 62 : i32
      %swap3A_622 = arith.index_cast %swap3A_621 : i32 to index
      %swap3A_623 = arith.constant 0 : index
      %swap3A_624 = tpu.vector_load %arg12[%swap3A_622, %swap3A_623] {strides = array<i32>} : memref<128x16xf32, #tpu.memory_space<vmem>>, vector<16xf32>,
      tpu.vector_store %arg12[%swap3A_622, %swap3A_623], %sub3A_620 {strides = array<i32>} : memref<128x16xf32, #tpu.memory_space<vmem>>, vector<16xf32>,
      %get3A_625 = arith.constant 63 : i32
      %get3A_626 = arith.index_cast %get3A_625 : i32 to index
      %get3A_627 = arith.constant 0 : index
      %get3A_628 = tpu.vector_load %arg10[%get3A_626, %get3A_627] {strides = array<i32>} : memref<128x16xf32, #tpu.memory_space<vmem>>, vector<16xf32>,
      %sub3A_629 = arith.subf %get3A_628, %get3A_489 : vector<16xf32>
      %swap3A_630 = arith.constant 63 : i32
      %swap3A_631 = arith.index_cast %swap3A_630 : i32 to index
      %swap3A_632 = arith.constant 0 : index
      %swap3A_633 = tpu.vector_load %arg12[%swap3A_631, %swap3A_632] {strides = array<i32>} : memref<128x16xf32, #tpu.memory_space<vmem>>, vector<16xf32>,
      tpu.vector_store %arg12[%swap3A_631, %swap3A_632], %sub3A_629 {strides = array<i32>} : memref<128x16xf32, #tpu.memory_space<vmem>>, vector<16xf32>,
      %get3A_634 = arith.constant 4 : i32
      %get3A_635 = arith.index_cast %get3A_634 : i32 to index
      %get3A_636 = arith.constant 0 : index
      %get3A_637 = tpu.vector_load %arg11[%get3A_635, %get3A_636] {strides = array<i32>} : memref<8x16xf32, #tpu.memory_space<vmem>>, vector<16xf32>,
      %get3A_638 = arith.constant 64 : i32
      %get3A_639 = arith.index_cast %get3A_638 : i32 to index
      %get3A_640 = arith.constant 0 : index
      %get3A_641 = tpu.vector_load %arg10[%get3A_639, %get3A_640] {strides = array<i32>} : memref<128x16xf32, #tpu.memory_space<vmem>>, vector<16xf32>,
      %sub3A_642 = arith.subf %get3A_641, %get3A_637 : vector<16xf32>
      %swap3A_643 = arith.constant 64 : i32
      %swap3A_644 = arith.index_cast %swap3A_643 : i32 to index
      %swap3A_645 = arith.constant 0 : index
      %swap3A_646 = tpu.vector_load %arg12[%swap3A_644, %swap3A_645] {strides = array<i32>} : memref<128x16xf32, #tpu.memory_space<vmem>>, vector<16xf32>,
      tpu.vector_store %arg12[%swap3A_644, %swap3A_645], %sub3A_642 {strides = array<i32>} : memref<128x16xf32, #tpu.memory_space<vmem>>, vector<16xf32>,
      %get3A_647 = arith.constant 65 : i32
      %get3A_648 = arith.index_cast %get3A_647 : i32 to index
      %get3A_649 = arith.constant 0 : index
      %get3A_650 = tpu.vector_load %arg10[%get3A_648, %get3A_649] {strides = array<i32>} : memref<128x16xf32, #tpu.memory_space<vmem>>, vector<16xf32>,
      %sub3A_651 = arith.subf %get3A_650, %get3A_637 : vector<16xf32>
      %swap3A_652 = arith.constant 65 : i32
      %swap3A_653 = arith.index_cast %swap3A_652 : i32 to index
      %swap3A_654 = arith.constant 0 : index
      %swap3A_655 = tpu.vector_load %arg12[%swap3A_653, %swap3A_654] {strides = array<i32>} : memref<128x16xf32, #tpu.memory_space<vmem>>, vector<16xf32>,
      tpu.vector_store %arg12[%swap3A_653, %swap3A_654], %sub3A_651 {strides = array<i32>} : memref<128x16xf32, #tpu.memory_space<vmem>>, vector<16xf32>,
      %get3A_656 = arith.constant 66 : i32
      %get3A_657 = arith.index_cast %get3A_656 : i32 to index
      %get3A_658 = arith.constant 0 : index
      %get3A_659 = tpu.vector_load %arg10[%get3A_657, %get3A_658] {strides = array<i32>} : memref<128x16xf32, #tpu.memory_space<vmem>>, vector<16xf32>,
      %sub3A_660 = arith.subf %get3A_659, %get3A_637 : vector<16xf32>
      %swap3A_661 = arith.constant 66 : i32
      %swap3A_662 = arith.index_cast %swap3A_661 : i32 to index
      %swap3A_663 = arith.constant 0 : index
      %swap3A_664 = tpu.vector_load %arg12[%swap3A_662, %swap3A_663] {strides = array<i32>} : memref<128x16xf32, #tpu.memory_space<vmem>>, vector<16xf32>,
      tpu.vector_store %arg12[%swap3A_662, %swap3A_663], %sub3A_660 {strides = array<i32>} : memref<128x16xf32, #tpu.memory_space<vmem>>, vector<16xf32>,
      %get3A_665 = arith.constant 67 : i32
      %get3A_666 = arith.index_cast %get3A_665 : i32 to index
      %get3A_667 = arith.constant 0 : index
      %get3A_668 = tpu.vector_load %arg10[%get3A_666, %get3A_667] {strides = array<i32>} : memref<128x16xf32, #tpu.memory_space<vmem>>, vector<16xf32>,
      %sub3A_669 = arith.subf %get3A_668, %get3A_637 : vector<16xf32>
      %swap3A_670 = arith.constant 67 : i32
      %swap3A_671 = arith.index_cast %swap3A_670 : i32 to index
      %swap3A_672 = arith.constant 0 : index
      %swap3A_673 = tpu.vector_load %arg12[%swap3A_671, %swap3A_672] {strides = array<i32>} : memref<128x16xf32, #tpu.memory_space<vmem>>, vector<16xf32>,
      tpu.vector_store %arg12[%swap3A_671, %swap3A_672], %sub3A_669 {strides = array<i32>} : memref<128x16xf32, #tpu.memory_space<vmem>>, vector<16xf32>,
      %get3A_674 = arith.constant 68 : i32
      %get3A_675 = arith.index_cast %get3A_674 : i32 to index
      %get3A_676 = arith.constant 0 : index
      %get3A_677 = tpu.vector_load %arg10[%get3A_675, %get3A_676] {strides = array<i32>} : memref<128x16xf32, #tpu.memory_space<vmem>>, vector<16xf32>,
      %sub3A_678 = arith.subf %get3A_677, %get3A_637 : vector<16xf32>
      %swap3A_679 = arith.constant 68 : i32
      %swap3A_680 = arith.index_cast %swap3A_679 : i32 to index
      %swap3A_681 = arith.constant 0 : index
      %swap3A_682 = tpu.vector_load %arg12[%swap3A_680, %swap3A_681] {strides = array<i32>} : memref<128x16xf32, #tpu.memory_space<vmem>>, vector<16xf32>,
      tpu.vector_store %arg12[%swap3A_680, %swap3A_681], %sub3A_678 {strides = array<i32>} : memref<128x16xf32, #tpu.memory_space<vmem>>, vector<16xf32>,
      %get3A_683 = arith.constant 69 : i32
      %get3A_684 = arith.index_cast %get3A_683 : i32 to index
      %get3A_685 = arith.constant 0 : index
      %get3A_686 = tpu.vector_load %arg10[%get3A_684, %get3A_685] {strides = array<i32>} : memref<128x16xf32, #tpu.memory_space<vmem>>, vector<16xf32>,
      %sub3A_687 = arith.subf %get3A_686, %get3A_637 : vector<16xf32>
      %swap3A_688 = arith.constant 69 : i32
      %swap3A_689 = arith.index_cast %swap3A_688 : i32 to index
      %swap3A_690 = arith.constant 0 : index
      %swap3A_691 = tpu.vector_load %arg12[%swap3A_689, %swap3A_690] {strides = array<i32>} : memref<128x16xf32, #tpu.memory_space<vmem>>, vector<16xf32>,
      tpu.vector_store %arg12[%swap3A_689, %swap3A_690], %sub3A_687 {strides = array<i32>} : memref<128x16xf32, #tpu.memory_space<vmem>>, vector<16xf32>,
      %get3A_692 = arith.constant 70 : i32
      %get3A_693 = arith.index_cast %get3A_692 : i32 to index
      %get3A_694 = arith.constant 0 : index
      %get3A_695 = tpu.vector_load %arg10[%get3A_693, %get3A_694] {strides = array<i32>} : memref<128x16xf32, #tpu.memory_space<vmem>>, vector<16xf32>,
      %sub3A_696 = arith.subf %get3A_695, %get3A_637 : vector<16xf32>
      %swap3A_697 = arith.constant 70 : i32
      %swap3A_698 = arith.index_cast %swap3A_697 : i32 to index
      %swap3A_699 = arith.constant 0 : index
      %swap3A_700 = tpu.vector_load %arg12[%swap3A_698, %swap3A_699] {strides = array<i32>} : memref<128x16xf32, #tpu.memory_space<vmem>>, vector<16xf32>,
      tpu.vector_store %arg12[%swap3A_698, %swap3A_699], %sub3A_696 {strides = array<i32>} : memref<128x16xf32, #tpu.memory_space<vmem>>, vector<16xf32>,
      %get3A_701 = arith.constant 71 : i32
      %get3A_702 = arith.index_cast %get3A_701 : i32 to index
      %get3A_703 = arith.constant 0 : index
      %get3A_704 = tpu.vector_load %arg10[%get3A_702, %get3A_703] {strides = array<i32>} : memref<128x16xf32, #tpu.memory_space<vmem>>, vector<16xf32>,
      %sub3A_705 = arith.subf %get3A_704, %get3A_637 : vector<16xf32>
      %swap3A_706 = arith.constant 71 : i32
      %swap3A_707 = arith.index_cast %swap3A_706 : i32 to index
      %swap3A_708 = arith.constant 0 : index
      %swap3A_709 = tpu.vector_load %arg12[%swap3A_707, %swap3A_708] {strides = array<i32>} : memref<128x16xf32, #tpu.memory_space<vmem>>, vector<16xf32>,
      tpu.vector_store %arg12[%swap3A_707, %swap3A_708], %sub3A_705 {strides = array<i32>} : memref<128x16xf32, #tpu.memory_space<vmem>>, vector<16xf32>,
      %get3A_710 = arith.constant 72 : i32
      %get3A_711 = arith.index_cast %get3A_710 : i32 to index
      %get3A_712 = arith.constant 0 : index
      %get3A_713 = tpu.vector_load %arg10[%get3A_711, %get3A_712] {strides = array<i32>} : memref<128x16xf32, #tpu.memory_space<vmem>>, vector<16xf32>,
      %sub3A_714 = arith.subf %get3A_713, %get3A_637 : vector<16xf32>
      %swap3A_715 = arith.constant 72 : i32
      %swap3A_716 = arith.index_cast %swap3A_715 : i32 to index
      %swap3A_717 = arith.constant 0 : index
      %swap3A_718 = tpu.vector_load %arg12[%swap3A_716, %swap3A_717] {strides = array<i32>} : memref<128x16xf32, #tpu.memory_space<vmem>>, vector<16xf32>,
      tpu.vector_store %arg12[%swap3A_716, %swap3A_717], %sub3A_714 {strides = array<i32>} : memref<128x16xf32, #tpu.memory_space<vmem>>, vector<16xf32>,
      %get3A_719 = arith.constant 73 : i32
      %get3A_720 = arith.index_cast %get3A_719 : i32 to index
      %get3A_721 = arith.constant 0 : index
      %get3A_722 = tpu.vector_load %arg10[%get3A_720, %get3A_721] {strides = array<i32>} : memref<128x16xf32, #tpu.memory_space<vmem>>, vector<16xf32>,
      %sub3A_723 = arith.subf %get3A_722, %get3A_637 : vector<16xf32>
      %swap3A_724 = arith.constant 73 : i32
      %swap3A_725 = arith.index_cast %swap3A_724 : i32 to index
      %swap3A_726 = arith.constant 0 : index
      %swap3A_727 = tpu.vector_load %arg12[%swap3A_725, %swap3A_726] {strides = array<i32>} : memref<128x16xf32, #tpu.memory_space<vmem>>, vector<16xf32>,
      tpu.vector_store %arg12[%swap3A_725, %swap3A_726], %sub3A_723 {strides = array<i32>} : memref<128x16xf32, #tpu.memory_space<vmem>>, vector<16xf32>,
      %get3A_728 = arith.constant 74 : i32
      %get3A_729 = arith.index_cast %get3A_728 : i32 to index
      %get3A_730 = arith.constant 0 : index
      %get3A_731 = tpu.vector_load %arg10[%get3A_729, %get3A_730] {strides = array<i32>} : memref<128x16xf32, #tpu.memory_space<vmem>>, vector<16xf32>,
      %sub3A_732 = arith.subf %get3A_731, %get3A_637 : vector<16xf32>
      %swap3A_733 = arith.constant 74 : i32
      %swap3A_734 = arith.index_cast %swap3A_733 : i32 to index
      %swap3A_735 = arith.constant 0 : index
      %swap3A_736 = tpu.vector_load %arg12[%swap3A_734, %swap3A_735] {strides = array<i32>} : memref<128x16xf32, #tpu.memory_space<vmem>>, vector<16xf32>,
      tpu.vector_store %arg12[%swap3A_734, %swap3A_735], %sub3A_732 {strides = array<i32>} : memref<128x16xf32, #tpu.memory_space<vmem>>, vector<16xf32>,
      %get3A_737 = arith.constant 75 : i32
      %get3A_738 = arith.index_cast %get3A_737 : i32 to index
      %get3A_739 = arith.constant 0 : index
      %get3A_740 = tpu.vector_load %arg10[%get3A_738, %get3A_739] {strides = array<i32>} : memref<128x16xf32, #tpu.memory_space<vmem>>, vector<16xf32>,
      %sub3A_741 = arith.subf %get3A_740, %get3A_637 : vector<16xf32>
      %swap3A_742 = arith.constant 75 : i32
      %swap3A_743 = arith.index_cast %swap3A_742 : i32 to index
      %swap3A_744 = arith.constant 0 : index
      %swap3A_745 = tpu.vector_load %arg12[%swap3A_743, %swap3A_744] {strides = array<i32>} : memref<128x16xf32, #tpu.memory_space<vmem>>, vector<16xf32>,
      tpu.vector_store %arg12[%swap3A_743, %swap3A_744], %sub3A_741 {strides = array<i32>} : memref<128x16xf32, #tpu.memory_space<vmem>>, vector<16xf32>,
      %get3A_746 = arith.constant 76 : i32
      %get3A_747 = arith.index_cast %get3A_746 : i32 to index
      %get3A_748 = arith.constant 0 : index
      %get3A_749 = tpu.vector_load %arg10[%get3A_747, %get3A_748] {strides = array<i32>} : memref<128x16xf32, #tpu.memory_space<vmem>>, vector<16xf32>,
      %sub3A_750 = arith.subf %get3A_749, %get3A_637 : vector<16xf32>
      %swap3A_751 = arith.constant 76 : i32
      %swap3A_752 = arith.index_cast %swap3A_751 : i32 to index
      %swap3A_753 = arith.constant 0 : index
      %swap3A_754 = tpu.vector_load %arg12[%swap3A_752, %swap3A_753] {strides = array<i32>} : memref<128x16xf32, #tpu.memory_space<vmem>>, vector<16xf32>,
      tpu.vector_store %arg12[%swap3A_752, %swap3A_753], %sub3A_750 {strides = array<i32>} : memref<128x16xf32, #tpu.memory_space<vmem>>, vector<16xf32>,
      %get3A_755 = arith.constant 77 : i32
      %get3A_756 = arith.index_cast %get3A_755 : i32 to index
      %get3A_757 = arith.constant 0 : index
      %get3A_758 = tpu.vector_load %arg10[%get3A_756, %get3A_757] {strides = array<i32>} : memref<128x16xf32, #tpu.memory_space<vmem>>, vector<16xf32>,
      %sub3A_759 = arith.subf %get3A_758, %get3A_637 : vector<16xf32>
      %swap3A_760 = arith.constant 77 : i32
      %swap3A_761 = arith.index_cast %swap3A_760 : i32 to index
      %swap3A_762 = arith.constant 0 : index
      %swap3A_763 = tpu.vector_load %arg12[%swap3A_761, %swap3A_762] {strides = array<i32>} : memref<128x16xf32, #tpu.memory_space<vmem>>, vector<16xf32>,
      tpu.vector_store %arg12[%swap3A_761, %swap3A_762], %sub3A_759 {strides = array<i32>} : memref<128x16xf32, #tpu.memory_space<vmem>>, vector<16xf32>,
      %get3A_764 = arith.constant 78 : i32
      %get3A_765 = arith.index_cast %get3A_764 : i32 to index
      %get3A_766 = arith.constant 0 : index
      %get3A_767 = tpu.vector_load %arg10[%get3A_765, %get3A_766] {strides = array<i32>} : memref<128x16xf32, #tpu.memory_space<vmem>>, vector<16xf32>,
      %sub3A_768 = arith.subf %get3A_767, %get3A_637 : vector<16xf32>
      %swap3A_769 = arith.constant 78 : i32
      %swap3A_770 = arith.index_cast %swap3A_769 : i32 to index
      %swap3A_771 = arith.constant 0 : index
      %swap3A_772 = tpu.vector_load %arg12[%swap3A_770, %swap3A_771] {strides = array<i32>} : memref<128x16xf32, #tpu.memory_space<vmem>>, vector<16xf32>,
      tpu.vector_store %arg12[%swap3A_770, %swap3A_771], %sub3A_768 {strides = array<i32>} : memref<128x16xf32, #tpu.memory_space<vmem>>, vector<16xf32>,
      %get3A_773 = arith.constant 79 : i32
      %get3A_774 = arith.index_cast %get3A_773 : i32 to index
      %get3A_775 = arith.constant 0 : index
      %get3A_776 = tpu.vector_load %arg10[%get3A_774, %get3A_775] {strides = array<i32>} : memref<128x16xf32, #tpu.memory_space<vmem>>, vector<16xf32>,
      %sub3A_777 = arith.subf %get3A_776, %get3A_637 : vector<16xf32>
      %swap3A_778 = arith.constant 79 : i32
      %swap3A_779 = arith.index_cast %swap3A_778 : i32 to index
      %swap3A_780 = arith.constant 0 : index
      %swap3A_781 = tpu.vector_load %arg12[%swap3A_779, %swap3A_780] {strides = array<i32>} : memref<128x16xf32, #tpu.memory_space<vmem>>, vector<16xf32>,
      tpu.vector_store %arg12[%swap3A_779, %swap3A_780], %sub3A_777 {strides = array<i32>} : memref<128x16xf32, #tpu.memory_space<vmem>>, vector<16xf32>,
      %get3A_782 = arith.constant 5 : i32
      %get3A_783 = arith.index_cast %get3A_782 : i32 to index
      %get3A_784 = arith.constant 0 : index
      %get3A_785 = tpu.vector_load %arg11[%get3A_783, %get3A_784] {strides = array<i32>} : memref<8x16xf32, #tpu.memory_space<vmem>>, vector<16xf32>,
      %get3A_786 = arith.constant 80 : i32
      %get3A_787 = arith.index_cast %get3A_786 : i32 to index
      %get3A_788 = arith.constant 0 : index
      %get3A_789 = tpu.vector_load %arg10[%get3A_787, %get3A_788] {strides = array<i32>} : memref<128x16xf32, #tpu.memory_space<vmem>>, vector<16xf32>,
      %sub3A_790 = arith.subf %get3A_789, %get3A_785 : vector<16xf32>
      %swap3A_791 = arith.constant 80 : i32
      %swap3A_792 = arith.index_cast %swap3A_791 : i32 to index
      %swap3A_793 = arith.constant 0 : index
      %swap3A_794 = tpu.vector_load %arg12[%swap3A_792, %swap3A_793] {strides = array<i32>} : memref<128x16xf32, #tpu.memory_space<vmem>>, vector<16xf32>,
      tpu.vector_store %arg12[%swap3A_792, %swap3A_793], %sub3A_790 {strides = array<i32>} : memref<128x16xf32, #tpu.memory_space<vmem>>, vector<16xf32>,
      %get3A_795 = arith.constant 81 : i32
      %get3A_796 = arith.index_cast %get3A_795 : i32 to index
      %get3A_797 = arith.constant 0 : index
      %get3A_798 = tpu.vector_load %arg10[%get3A_796, %get3A_797] {strides = array<i32>} : memref<128x16xf32, #tpu.memory_space<vmem>>, vector<16xf32>,
      %sub3A_799 = arith.subf %get3A_798, %get3A_785 : vector<16xf32>
      %swap3A_800 = arith.constant 81 : i32
      %swap3A_801 = arith.index_cast %swap3A_800 : i32 to index
      %swap3A_802 = arith.constant 0 : index
      %swap3A_803 = tpu.vector_load %arg12[%swap3A_801, %swap3A_802] {strides = array<i32>} : memref<128x16xf32, #tpu.memory_space<vmem>>, vector<16xf32>,
      tpu.vector_store %arg12[%swap3A_801, %swap3A_802], %sub3A_799 {strides = array<i32>} : memref<128x16xf32, #tpu.memory_space<vmem>>, vector<16xf32>,
      %get3A_804 = arith.constant 82 : i32
      %get3A_805 = arith.index_cast %get3A_804 : i32 to index
      %get3A_806 = arith.constant 0 : index
      %get3A_807 = tpu.vector_load %arg10[%get3A_805, %get3A_806] {strides = array<i32>} : memref<128x16xf32, #tpu.memory_space<vmem>>, vector<16xf32>,
      %sub3A_808 = arith.subf %get3A_807, %get3A_785 : vector<16xf32>
      %swap3A_809 = arith.constant 82 : i32
      %swap3A_810 = arith.index_cast %swap3A_809 : i32 to index
      %swap3A_811 = arith.constant 0 : index
      %swap3A_812 = tpu.vector_load %arg12[%swap3A_810, %swap3A_811] {strides = array<i32>} : memref<128x16xf32, #tpu.memory_space<vmem>>, vector<16xf32>,
      tpu.vector_store %arg12[%swap3A_810, %swap3A_811], %sub3A_808 {strides = array<i32>} : memref<128x16xf32, #tpu.memory_space<vmem>>, vector<16xf32>,
      %get3A_813 = arith.constant 83 : i32
      %get3A_814 = arith.index_cast %get3A_813 : i32 to index
      %get3A_815 = arith.constant 0 : index
      %get3A_816 = tpu.vector_load %arg10[%get3A_814, %get3A_815] {strides = array<i32>} : memref<128x16xf32, #tpu.memory_space<vmem>>, vector<16xf32>,
      %sub3A_817 = arith.subf %get3A_816, %get3A_785 : vector<16xf32>
      %swap3A_818 = arith.constant 83 : i32
      %swap3A_819 = arith.index_cast %swap3A_818 : i32 to index
      %swap3A_820 = arith.constant 0 : index
      %swap3A_821 = tpu.vector_load %arg12[%swap3A_819, %swap3A_820] {strides = array<i32>} : memref<128x16xf32, #tpu.memory_space<vmem>>, vector<16xf32>,
      tpu.vector_store %arg12[%swap3A_819, %swap3A_820], %sub3A_817 {strides = array<i32>} : memref<128x16xf32, #tpu.memory_space<vmem>>, vector<16xf32>,
      %get3A_822 = arith.constant 84 : i32
      %get3A_823 = arith.index_cast %get3A_822 : i32 to index
      %get3A_824 = arith.constant 0 : index
      %get3A_825 = tpu.vector_load %arg10[%get3A_823, %get3A_824] {strides = array<i32>} : memref<128x16xf32, #tpu.memory_space<vmem>>, vector<16xf32>,
      %sub3A_826 = arith.subf %get3A_825, %get3A_785 : vector<16xf32>
      %swap3A_827 = arith.constant 84 : i32
      %swap3A_828 = arith.index_cast %swap3A_827 : i32 to index
      %swap3A_829 = arith.constant 0 : index
      %swap3A_830 = tpu.vector_load %arg12[%swap3A_828, %swap3A_829] {strides = array<i32>} : memref<128x16xf32, #tpu.memory_space<vmem>>, vector<16xf32>,
      tpu.vector_store %arg12[%swap3A_828, %swap3A_829], %sub3A_826 {strides = array<i32>} : memref<128x16xf32, #tpu.memory_space<vmem>>, vector<16xf32>,
      %get3A_831 = arith.constant 85 : i32
      %get3A_832 = arith.index_cast %get3A_831 : i32 to index
      %get3A_833 = arith.constant 0 : index
      %get3A_834 = tpu.vector_load %arg10[%get3A_832, %get3A_833] {strides = array<i32>} : memref<128x16xf32, #tpu.memory_space<vmem>>, vector<16xf32>,
      %sub3A_835 = arith.subf %get3A_834, %get3A_785 : vector<16xf32>
      %swap3A_836 = arith.constant 85 : i32
      %swap3A_837 = arith.index_cast %swap3A_836 : i32 to index
      %swap3A_838 = arith.constant 0 : index
      %swap3A_839 = tpu.vector_load %arg12[%swap3A_837, %swap3A_838] {strides = array<i32>} : memref<128x16xf32, #tpu.memory_space<vmem>>, vector<16xf32>,
      tpu.vector_store %arg12[%swap3A_837, %swap3A_838], %sub3A_835 {strides = array<i32>} : memref<128x16xf32, #tpu.memory_space<vmem>>, vector<16xf32>,
      %get3A_840 = arith.constant 86 : i32
      %get3A_841 = arith.index_cast %get3A_840 : i32 to index
      %get3A_842 = arith.constant 0 : index
      %get3A_843 = tpu.vector_load %arg10[%get3A_841, %get3A_842] {strides = array<i32>} : memref<128x16xf32, #tpu.memory_space<vmem>>, vector<16xf32>,
      %sub3A_844 = arith.subf %get3A_843, %get3A_785 : vector<16xf32>
      %swap3A_845 = arith.constant 86 : i32
      %swap3A_846 = arith.index_cast %swap3A_845 : i32 to index
      %swap3A_847 = arith.constant 0 : index
      %swap3A_848 = tpu.vector_load %arg12[%swap3A_846, %swap3A_847] {strides = array<i32>} : memref<128x16xf32, #tpu.memory_space<vmem>>, vector<16xf32>,
      tpu.vector_store %arg12[%swap3A_846, %swap3A_847], %sub3A_844 {strides = array<i32>} : memref<128x16xf32, #tpu.memory_space<vmem>>, vector<16xf32>,
      %get3A_849 = arith.constant 87 : i32
      %get3A_850 = arith.index_cast %get3A_849 : i32 to index
      %get3A_851 = arith.constant 0 : index
      %get3A_852 = tpu.vector_load %arg10[%get3A_850, %get3A_851] {strides = array<i32>} : memref<128x16xf32, #tpu.memory_space<vmem>>, vector<16xf32>,
      %sub3A_853 = arith.subf %get3A_852, %get3A_785 : vector<16xf32>
      %swap3A_854 = arith.constant 87 : i32
      %swap3A_855 = arith.index_cast %swap3A_854 : i32 to index
      %swap3A_856 = arith.constant 0 : index
      %swap3A_857 = tpu.vector_load %arg12[%swap3A_855, %swap3A_856] {strides = array<i32>} : memref<128x16xf32, #tpu.memory_space<vmem>>, vector<16xf32>,
      tpu.vector_store %arg12[%swap3A_855, %swap3A_856], %sub3A_853 {strides = array<i32>} : memref<128x16xf32, #tpu.memory_space<vmem>>, vector<16xf32>,
      %get3A_858 = arith.constant 88 : i32
      %get3A_859 = arith.index_cast %get3A_858 : i32 to index
      %get3A_860 = arith.constant 0 : index
      %get3A_861 = tpu.vector_load %arg10[%get3A_859, %get3A_860] {strides = array<i32>} : memref<128x16xf32, #tpu.memory_space<vmem>>, vector<16xf32>,
      %sub3A_862 = arith.subf %get3A_861, %get3A_785 : vector<16xf32>
      %swap3A_863 = arith.constant 88 : i32
      %swap3A_864 = arith.index_cast %swap3A_863 : i32 to index
      %swap3A_865 = arith.constant 0 : index
      %swap3A_866 = tpu.vector_load %arg12[%swap3A_864, %swap3A_865] {strides = array<i32>} : memref<128x16xf32, #tpu.memory_space<vmem>>, vector<16xf32>,
      tpu.vector_store %arg12[%swap3A_864, %swap3A_865], %sub3A_862 {strides = array<i32>} : memref<128x16xf32, #tpu.memory_space<vmem>>, vector<16xf32>,
      %get3A_867 = arith.constant 89 : i32
      %get3A_868 = arith.index_cast %get3A_867 : i32 to index
      %get3A_869 = arith.constant 0 : index
      %get3A_870 = tpu.vector_load %arg10[%get3A_868, %get3A_869] {strides = array<i32>} : memref<128x16xf32, #tpu.memory_space<vmem>>, vector<16xf32>,
      %sub3A_871 = arith.subf %get3A_870, %get3A_785 : vector<16xf32>
      %swap3A_872 = arith.constant 89 : i32
      %swap3A_873 = arith.index_cast %swap3A_872 : i32 to index
      %swap3A_874 = arith.constant 0 : index
      %swap3A_875 = tpu.vector_load %arg12[%swap3A_873, %swap3A_874] {strides = array<i32>} : memref<128x16xf32, #tpu.memory_space<vmem>>, vector<16xf32>,
      tpu.vector_store %arg12[%swap3A_873, %swap3A_874], %sub3A_871 {strides = array<i32>} : memref<128x16xf32, #tpu.memory_space<vmem>>, vector<16xf32>,
      %get3A_876 = arith.constant 90 : i32
      %get3A_877 = arith.index_cast %get3A_876 : i32 to index
      %get3A_878 = arith.constant 0 : index
      %get3A_879 = tpu.vector_load %arg10[%get3A_877, %get3A_878] {strides = array<i32>} : memref<128x16xf32, #tpu.memory_space<vmem>>, vector<16xf32>,
      %sub3A_880 = arith.subf %get3A_879, %get3A_785 : vector<16xf32>
      %swap3A_881 = arith.constant 90 : i32
      %swap3A_882 = arith.index_cast %swap3A_881 : i32 to index
      %swap3A_883 = arith.constant 0 : index
      %swap3A_884 = tpu.vector_load %arg12[%swap3A_882, %swap3A_883] {strides = array<i32>} : memref<128x16xf32, #tpu.memory_space<vmem>>, vector<16xf32>,
      tpu.vector_store %arg12[%swap3A_882, %swap3A_883], %sub3A_880 {strides = array<i32>} : memref<128x16xf32, #tpu.memory_space<vmem>>, vector<16xf32>,
      %get3A_885 = arith.constant 91 : i32
      %get3A_886 = arith.index_cast %get3A_885 : i32 to index
      %get3A_887 = arith.constant 0 : index
      %get3A_888 = tpu.vector_load %arg10[%get3A_886, %get3A_887] {strides = array<i32>} : memref<128x16xf32, #tpu.memory_space<vmem>>, vector<16xf32>,
      %sub3A_889 = arith.subf %get3A_888, %get3A_785 : vector<16xf32>
      %swap3A_890 = arith.constant 91 : i32
      %swap3A_891 = arith.index_cast %swap3A_890 : i32 to index
      %swap3A_892 = arith.constant 0 : index
      %swap3A_893 = tpu.vector_load %arg12[%swap3A_891, %swap3A_892] {strides = array<i32>} : memref<128x16xf32, #tpu.memory_space<vmem>>, vector<16xf32>,
      tpu.vector_store %arg12[%swap3A_891, %swap3A_892], %sub3A_889 {strides = array<i32>} : memref<128x16xf32, #tpu.memory_space<vmem>>, vector<16xf32>,
      %get3A_894 = arith.constant 92 : i32
      %get3A_895 = arith.index_cast %get3A_894 : i32 to index
      %get3A_896 = arith.constant 0 : index
      %get3A_897 = tpu.vector_load %arg10[%get3A_895, %get3A_896] {strides = array<i32>} : memref<128x16xf32, #tpu.memory_space<vmem>>, vector<16xf32>,
      %sub3A_898 = arith.subf %get3A_897, %get3A_785 : vector<16xf32>
      %swap3A_899 = arith.constant 92 : i32
      %swap3A_900 = arith.index_cast %swap3A_899 : i32 to index
      %swap3A_901 = arith.constant 0 : index
      %swap3A_902 = tpu.vector_load %arg12[%swap3A_900, %swap3A_901] {strides = array<i32>} : memref<128x16xf32, #tpu.memory_space<vmem>>, vector<16xf32>,
      tpu.vector_store %arg12[%swap3A_900, %swap3A_901], %sub3A_898 {strides = array<i32>} : memref<128x16xf32, #tpu.memory_space<vmem>>, vector<16xf32>,
      %get3A_903 = arith.constant 93 : i32
      %get3A_904 = arith.index_cast %get3A_903 : i32 to index
      %get3A_905 = arith.constant 0 : index
      %get3A_906 = tpu.vector_load %arg10[%get3A_904, %get3A_905] {strides = array<i32>} : memref<128x16xf32, #tpu.memory_space<vmem>>, vector<16xf32>,
      %sub3A_907 = arith.subf %get3A_906, %get3A_785 : vector<16xf32>
      %swap3A_908 = arith.constant 93 : i32
      %swap3A_909 = arith.index_cast %swap3A_908 : i32 to index
      %swap3A_910 = arith.constant 0 : index
      %swap3A_911 = tpu.vector_load %arg12[%swap3A_909, %swap3A_910] {strides = array<i32>} : memref<128x16xf32, #tpu.memory_space<vmem>>, vector<16xf32>,
      tpu.vector_store %arg12[%swap3A_909, %swap3A_910], %sub3A_907 {strides = array<i32>} : memref<128x16xf32, #tpu.memory_space<vmem>>, vector<16xf32>,
      %get3A_912 = arith.constant 94 : i32
      %get3A_913 = arith.index_cast %get3A_912 : i32 to index
      %get3A_914 = arith.constant 0 : index
      %get3A_915 = tpu.vector_load %arg10[%get3A_913, %get3A_914] {strides = array<i32>} : memref<128x16xf32, #tpu.memory_space<vmem>>, vector<16xf32>,
      %sub3A_916 = arith.subf %get3A_915, %get3A_785 : vector<16xf32>
      %swap3A_917 = arith.constant 94 : i32
      %swap3A_918 = arith.index_cast %swap3A_917 : i32 to index
      %swap3A_919 = arith.constant 0 : index
      %swap3A_920 = tpu.vector_load %arg12[%swap3A_918, %swap3A_919] {strides = array<i32>} : memref<128x16xf32, #tpu.memory_space<vmem>>, vector<16xf32>,
      tpu.vector_store %arg12[%swap3A_918, %swap3A_919], %sub3A_916 {strides = array<i32>} : memref<128x16xf32, #tpu.memory_space<vmem>>, vector<16xf32>,
      %get3A_921 = arith.constant 95 : i32
      %get3A_922 = arith.index_cast %get3A_921 : i32 to index
      %get3A_923 = arith.constant 0 : index
      %get3A_924 = tpu.vector_load %arg10[%get3A_922, %get3A_923] {strides = array<i32>} : memref<128x16xf32, #tpu.memory_space<vmem>>, vector<16xf32>,
      %sub3A_925 = arith.subf %get3A_924, %get3A_785 : vector<16xf32>
      %swap3A_926 = arith.constant 95 : i32
      %swap3A_927 = arith.index_cast %swap3A_926 : i32 to index
      %swap3A_928 = arith.constant 0 : index
      %swap3A_929 = tpu.vector_load %arg12[%swap3A_927, %swap3A_928] {strides = array<i32>} : memref<128x16xf32, #tpu.memory_space<vmem>>, vector<16xf32>,
      tpu.vector_store %arg12[%swap3A_927, %swap3A_928], %sub3A_925 {strides = array<i32>} : memref<128x16xf32, #tpu.memory_space<vmem>>, vector<16xf32>,
      %get3A_930 = arith.constant 6 : i32
      %get3A_931 = arith.index_cast %get3A_930 : i32 to index
      %get3A_932 = arith.constant 0 : index
      %get3A_933 = tpu.vector_load %arg11[%get3A_931, %get3A_932] {strides = array<i32>} : memref<8x16xf32, #tpu.memory_space<vmem>>, vector<16xf32>,
      %get3A_934 = arith.constant 96 : i32
      %get3A_935 = arith.index_cast %get3A_934 : i32 to index
      %get3A_936 = arith.constant 0 : index
      %get3A_937 = tpu.vector_load %arg10[%get3A_935, %get3A_936] {strides = array<i32>} : memref<128x16xf32, #tpu.memory_space<vmem>>, vector<16xf32>,
      %sub3A_938 = arith.subf %get3A_937, %get3A_933 : vector<16xf32>
      %swap3A_939 = arith.constant 96 : i32
      %swap3A_940 = arith.index_cast %swap3A_939 : i32 to index
      %swap3A_941 = arith.constant 0 : index
      %swap3A_942 = tpu.vector_load %arg12[%swap3A_940, %swap3A_941] {strides = array<i32>} : memref<128x16xf32, #tpu.memory_space<vmem>>, vector<16xf32>,
      tpu.vector_store %arg12[%swap3A_940, %swap3A_941], %sub3A_938 {strides = array<i32>} : memref<128x16xf32, #tpu.memory_space<vmem>>, vector<16xf32>,
      %get3A_943 = arith.constant 97 : i32
      %get3A_944 = arith.index_cast %get3A_943 : i32 to index
      %get3A_945 = arith.constant 0 : index
      %get3A_946 = tpu.vector_load %arg10[%get3A_944, %get3A_945] {strides = array<i32>} : memref<128x16xf32, #tpu.memory_space<vmem>>, vector<16xf32>,
      %sub3A_947 = arith.subf %get3A_946, %get3A_933 : vector<16xf32>
      %swap3A_948 = arith.constant 97 : i32
      %swap3A_949 = arith.index_cast %swap3A_948 : i32 to index
      %swap3A_950 = arith.constant 0 : index
      %swap3A_951 = tpu.vector_load %arg12[%swap3A_949, %swap3A_950] {strides = array<i32>} : memref<128x16xf32, #tpu.memory_space<vmem>>, vector<16xf32>,
      tpu.vector_store %arg12[%swap3A_949, %swap3A_950], %sub3A_947 {strides = array<i32>} : memref<128x16xf32, #tpu.memory_space<vmem>>, vector<16xf32>,
      %get3A_952 = arith.constant 98 : i32
      %get3A_953 = arith.index_cast %get3A_952 : i32 to index
      %get3A_954 = arith.constant 0 : index
      %get3A_955 = tpu.vector_load %arg10[%get3A_953, %get3A_954] {strides = array<i32>} : memref<128x16xf32, #tpu.memory_space<vmem>>, vector<16xf32>,
      %sub3A_956 = arith.subf %get3A_955, %get3A_933 : vector<16xf32>
      %swap3A_957 = arith.constant 98 : i32
      %swap3A_958 = arith.index_cast %swap3A_957 : i32 to index
      %swap3A_959 = arith.constant 0 : index
      %swap3A_960 = tpu.vector_load %arg12[%swap3A_958, %swap3A_959] {strides = array<i32>} : memref<128x16xf32, #tpu.memory_space<vmem>>, vector<16xf32>,
      tpu.vector_store %arg12[%swap3A_958, %swap3A_959], %sub3A_956 {strides = array<i32>} : memref<128x16xf32, #tpu.memory_space<vmem>>, vector<16xf32>,
      %get3A_961 = arith.constant 99 : i32
      %get3A_962 = arith.index_cast %get3A_961 : i32 to index
      %get3A_963 = arith.constant 0 : index
      %get3A_964 = tpu.vector_load %arg10[%get3A_962, %get3A_963] {strides = array<i32>} : memref<128x16xf32, #tpu.memory_space<vmem>>, vector<16xf32>,
      %sub3A_965 = arith.subf %get3A_964, %get3A_933 : vector<16xf32>
      %swap3A_966 = arith.constant 99 : i32
      %swap3A_967 = arith.index_cast %swap3A_966 : i32 to index
      %swap3A_968 = arith.constant 0 : index
      %swap3A_969 = tpu.vector_load %arg12[%swap3A_967, %swap3A_968] {strides = array<i32>} : memref<128x16xf32, #tpu.memory_space<vmem>>, vector<16xf32>,
      tpu.vector_store %arg12[%swap3A_967, %swap3A_968], %sub3A_965 {strides = array<i32>} : memref<128x16xf32, #tpu.memory_space<vmem>>, vector<16xf32>,
      %get3A_970 = arith.constant 100 : i32
      %get3A_971 = arith.index_cast %get3A_970 : i32 to index
      %get3A_972 = arith.constant 0 : index
      %get3A_973 = tpu.vector_load %arg10[%get3A_971, %get3A_972] {strides = array<i32>} : memref<128x16xf32, #tpu.memory_space<vmem>>, vector<16xf32>,
      %sub3A_974 = arith.subf %get3A_973, %get3A_933 : vector<16xf32>
      %swap3A_975 = arith.constant 100 : i32
      %swap3A_976 = arith.index_cast %swap3A_975 : i32 to index
      %swap3A_977 = arith.constant 0 : index
      %swap3A_978 = tpu.vector_load %arg12[%swap3A_976, %swap3A_977] {strides = array<i32>} : memref<128x16xf32, #tpu.memory_space<vmem>>, vector<16xf32>,
      tpu.vector_store %arg12[%swap3A_976, %swap3A_977], %sub3A_974 {strides = array<i32>} : memref<128x16xf32, #tpu.memory_space<vmem>>, vector<16xf32>,
      %get3A_979 = arith.constant 101 : i32
      %get3A_980 = arith.index_cast %get3A_979 : i32 to index
      %get3A_981 = arith.constant 0 : index
      %get3A_982 = tpu.vector_load %arg10[%get3A_980, %get3A_981] {strides = array<i32>} : memref<128x16xf32, #tpu.memory_space<vmem>>, vector<16xf32>,
      %sub3A_983 = arith.subf %get3A_982, %get3A_933 : vector<16xf32>
      %swap3A_984 = arith.constant 101 : i32
      %swap3A_985 = arith.index_cast %swap3A_984 : i32 to index
      %swap3A_986 = arith.constant 0 : index
      %swap3A_987 = tpu.vector_load %arg12[%swap3A_985, %swap3A_986] {strides = array<i32>} : memref<128x16xf32, #tpu.memory_space<vmem>>, vector<16xf32>,
      tpu.vector_store %arg12[%swap3A_985, %swap3A_986], %sub3A_983 {strides = array<i32>} : memref<128x16xf32, #tpu.memory_space<vmem>>, vector<16xf32>,
      %get3A_988 = arith.constant 102 : i32
      %get3A_989 = arith.index_cast %get3A_988 : i32 to index
      %get3A_990 = arith.constant 0 : index
      %get3A_991 = tpu.vector_load %arg10[%get3A_989, %get3A_990] {strides = array<i32>} : memref<128x16xf32, #tpu.memory_space<vmem>>, vector<16xf32>,
      %sub3A_992 = arith.subf %get3A_991, %get3A_933 : vector<16xf32>
      %swap3A_993 = arith.constant 102 : i32
      %swap3A_994 = arith.index_cast %swap3A_993 : i32 to index
      %swap3A_995 = arith.constant 0 : index
      %swap3A_996 = tpu.vector_load %arg12[%swap3A_994, %swap3A_995] {strides = array<i32>} : memref<128x16xf32, #tpu.memory_space<vmem>>, vector<16xf32>,
      tpu.vector_store %arg12[%swap3A_994, %swap3A_995], %sub3A_992 {strides = array<i32>} : memref<128x16xf32, #tpu.memory_space<vmem>>, vector<16xf32>,
      %get3A_997 = arith.constant 103 : i32
      %get3A_998 = arith.index_cast %get3A_997 : i32 to index
      %get3A_999 = arith.constant 0 : index
      %get3A_1000 = tpu.vector_load %arg10[%get3A_998, %get3A_999] {strides = array<i32>} : memref<128x16xf32, #tpu.memory_space<vmem>>, vector<16xf32>,
      %sub3A_1001 = arith.subf %get3A_1000, %get3A_933 : vector<16xf32>
      %swap3A_1002 = arith.constant 103 : i32
      %swap3A_1003 = arith.index_cast %swap3A_1002 : i32 to index
      %swap3A_1004 = arith.constant 0 : index
      %swap3A_1005 = tpu.vector_load %arg12[%swap3A_1003, %swap3A_1004] {strides = array<i32>} : memref<128x16xf32, #tpu.memory_space<vmem>>, vector<16xf32>,
      tpu.vector_store %arg12[%swap3A_1003, %swap3A_1004], %sub3A_1001 {strides = array<i32>} : memref<128x16xf32, #tpu.memory_space<vmem>>, vector<16xf32>,
      %get3A_1006 = arith.constant 104 : i32
      %get3A_1007 = arith.index_cast %get3A_1006 : i32 to index
      %get3A_1008 = arith.constant 0 : index
      %get3A_1009 = tpu.vector_load %arg10[%get3A_1007, %get3A_1008] {strides = array<i32>} : memref<128x16xf32, #tpu.memory_space<vmem>>, vector<16xf32>,
      %sub3A_1010 = arith.subf %get3A_1009, %get3A_933 : vector<16xf32>
      %swap3A_1011 = arith.constant 104 : i32
      %swap3A_1012 = arith.index_cast %swap3A_1011 : i32 to index
      %swap3A_1013 = arith.constant 0 : index
      %swap3A_1014 = tpu.vector_load %arg12[%swap3A_1012, %swap3A_1013] {strides = array<i32>} : memref<128x16xf32, #tpu.memory_space<vmem>>, vector<16xf32>,
      tpu.vector_store %arg12[%swap3A_1012, %swap3A_1013], %sub3A_1010 {strides = array<i32>} : memref<128x16xf32, #tpu.memory_space<vmem>>, vector<16xf32>,
      %get3A_1015 = arith.constant 105 : i32
      %get3A_1016 = arith.index_cast %get3A_1015 : i32 to index
      %get3A_1017 = arith.constant 0 : index
      %get3A_1018 = tpu.vector_load %arg10[%get3A_1016, %get3A_1017] {strides = array<i32>} : memref<128x16xf32, #tpu.memory_space<vmem>>, vector<16xf32>,
      %sub3A_1019 = arith.subf %get3A_1018, %get3A_933 : vector<16xf32>
      %swap3A_1020 = arith.constant 105 : i32
      %swap3A_1021 = arith.index_cast %swap3A_1020 : i32 to index
      %swap3A_1022 = arith.constant 0 : index
      %swap3A_1023 = tpu.vector_load %arg12[%swap3A_1021, %swap3A_1022] {strides = array<i32>} : memref<128x16xf32, #tpu.memory_space<vmem>>, vector<16xf32>,
      tpu.vector_store %arg12[%swap3A_1021, %swap3A_1022], %sub3A_1019 {strides = array<i32>} : memref<128x16xf32, #tpu.memory_space<vmem>>, vector<16xf32>,
      %get3A_1024 = arith.constant 106 : i32
      %get3A_1025 = arith.index_cast %get3A_1024 : i32 to index
      %get3A_1026 = arith.constant 0 : index
      %get3A_1027 = tpu.vector_load %arg10[%get3A_1025, %get3A_1026] {strides = array<i32>} : memref<128x16xf32, #tpu.memory_space<vmem>>, vector<16xf32>,
      %sub3A_1028 = arith.subf %get3A_1027, %get3A_933 : vector<16xf32>
      %swap3A_1029 = arith.constant 106 : i32
      %swap3A_1030 = arith.index_cast %swap3A_1029 : i32 to index
      %swap3A_1031 = arith.constant 0 : index
      %swap3A_1032 = tpu.vector_load %arg12[%swap3A_1030, %swap3A_1031] {strides = array<i32>} : memref<128x16xf32, #tpu.memory_space<vmem>>, vector<16xf32>,
      tpu.vector_store %arg12[%swap3A_1030, %swap3A_1031], %sub3A_1028 {strides = array<i32>} : memref<128x16xf32, #tpu.memory_space<vmem>>, vector<16xf32>,
      %get3A_1033 = arith.constant 107 : i32
      %get3A_1034 = arith.index_cast %get3A_1033 : i32 to index
      %get3A_1035 = arith.constant 0 : index
      %get3A_1036 = tpu.vector_load %arg10[%get3A_1034, %get3A_1035] {strides = array<i32>} : memref<128x16xf32, #tpu.memory_space<vmem>>, vector<16xf32>,
      %sub3A_1037 = arith.subf %get3A_1036, %get3A_933 : vector<16xf32>
      %swap3A_1038 = arith.constant 107 : i32
      %swap3A_1039 = arith.index_cast %swap3A_1038 : i32 to index
      %swap3A_1040 = arith.constant 0 : index
      %swap3A_1041 = tpu.vector_load %arg12[%swap3A_1039, %swap3A_1040] {strides = array<i32>} : memref<128x16xf32, #tpu.memory_space<vmem>>, vector<16xf32>,
      tpu.vector_store %arg12[%swap3A_1039, %swap3A_1040], %sub3A_1037 {strides = array<i32>} : memref<128x16xf32, #tpu.memory_space<vmem>>, vector<16xf32>,
      %get3A_1042 = arith.constant 108 : i32
      %get3A_1043 = arith.index_cast %get3A_1042 : i32 to index
      %get3A_1044 = arith.constant 0 : index
      %get3A_1045 = tpu.vector_load %arg10[%get3A_1043, %get3A_1044] {strides = array<i32>} : memref<128x16xf32, #tpu.memory_space<vmem>>, vector<16xf32>,
      %sub3A_1046 = arith.subf %get3A_1045, %get3A_933 : vector<16xf32>
      %swap3A_1047 = arith.constant 108 : i32
      %swap3A_1048 = arith.index_cast %swap3A_1047 : i32 to index
      %swap3A_1049 = arith.constant 0 : index
      %swap3A_1050 = tpu.vector_load %arg12[%swap3A_1048, %swap3A_1049] {strides = array<i32>} : memref<128x16xf32, #tpu.memory_space<vmem>>, vector<16xf32>,
      tpu.vector_store %arg12[%swap3A_1048, %swap3A_1049], %sub3A_1046 {strides = array<i32>} : memref<128x16xf32, #tpu.memory_space<vmem>>, vector<16xf32>,
      %get3A_1051 = arith.constant 109 : i32
      %get3A_1052 = arith.index_cast %get3A_1051 : i32 to index
      %get3A_1053 = arith.constant 0 : index
      %get3A_1054 = tpu.vector_load %arg10[%get3A_1052, %get3A_1053] {strides = array<i32>} : memref<128x16xf32, #tpu.memory_space<vmem>>, vector<16xf32>,
      %sub3A_1055 = arith.subf %get3A_1054, %get3A_933 : vector<16xf32>
      %swap3A_1056 = arith.constant 109 : i32
      %swap3A_1057 = arith.index_cast %swap3A_1056 : i32 to index
      %swap3A_1058 = arith.constant 0 : index
      %swap3A_1059 = tpu.vector_load %arg12[%swap3A_1057, %swap3A_1058] {strides = array<i32>} : memref<128x16xf32, #tpu.memory_space<vmem>>, vector<16xf32>,
      tpu.vector_store %arg12[%swap3A_1057, %swap3A_1058], %sub3A_1055 {strides = array<i32>} : memref<128x16xf32, #tpu.memory_space<vmem>>, vector<16xf32>,
      %get3A_1060 = arith.constant 110 : i32
      %get3A_1061 = arith.index_cast %get3A_1060 : i32 to index
      %get3A_1062 = arith.constant 0 : index
      %get3A_1063 = tpu.vector_load %arg10[%get3A_1061, %get3A_1062] {strides = array<i32>} : memref<128x16xf32, #tpu.memory_space<vmem>>, vector<16xf32>,
      %sub3A_1064 = arith.subf %get3A_1063, %get3A_933 : vector<16xf32>
      %swap3A_1065 = arith.constant 110 : i32
      %swap3A_1066 = arith.index_cast %swap3A_1065 : i32 to index
      %swap3A_1067 = arith.constant 0 : index
      %swap3A_1068 = tpu.vector_load %arg12[%swap3A_1066, %swap3A_1067] {strides = array<i32>} : memref<128x16xf32, #tpu.memory_space<vmem>>, vector<16xf32>,
      tpu.vector_store %arg12[%swap3A_1066, %swap3A_1067], %sub3A_1064 {strides = array<i32>} : memref<128x16xf32, #tpu.memory_space<vmem>>, vector<16xf32>,
      %get3A_1069 = arith.constant 111 : i32
      %get3A_1070 = arith.index_cast %get3A_1069 : i32 to index
      %get3A_1071 = arith.constant 0 : index
      %get3A_1072 = tpu.vector_load %arg10[%get3A_1070, %get3A_1071] {strides = array<i32>} : memref<128x16xf32, #tpu.memory_space<vmem>>, vector<16xf32>,
      %sub3A_1073 = arith.subf %get3A_1072, %get3A_933 : vector<16xf32>
      %swap3A_1074 = arith.constant 111 : i32
      %swap3A_1075 = arith.index_cast %swap3A_1074 : i32 to index
      %swap3A_1076 = arith.constant 0 : index
      %swap3A_1077 = tpu.vector_load %arg12[%swap3A_1075, %swap3A_1076] {strides = array<i32>} : memref<128x16xf32, #tpu.memory_space<vmem>>, vector<16xf32>,
      tpu.vector_store %arg12[%swap3A_1075, %swap3A_1076], %sub3A_1073 {strides = array<i32>} : memref<128x16xf32, #tpu.memory_space<vmem>>, vector<16xf32>,
      %get3A_1078 = arith.constant 7 : i32
      %get3A_1079 = arith.index_cast %get3A_1078 : i32 to index
      %get3A_1080 = arith.constant 0 : index
      %get3A_1081 = tpu.vector_load %arg11[%get3A_1079, %get3A_1080] {strides = array<i32>} : memref<8x16xf32, #tpu.memory_space<vmem>>, vector<16xf32>,
      %get3A_1082 = arith.constant 112 : i32
      %get3A_1083 = arith.index_cast %get3A_1082 : i32 to index
      %get3A_1084 = arith.constant 0 : index
      %get3A_1085 = tpu.vector_load %arg10[%get3A_1083, %get3A_1084] {strides = array<i32>} : memref<128x16xf32, #tpu.memory_space<vmem>>, vector<16xf32>,
      %sub3A_1086 = arith.subf %get3A_1085, %get3A_1081 : vector<16xf32>
      %swap3A_1087 = arith.constant 112 : i32
      %swap3A_1088 = arith.index_cast %swap3A_1087 : i32 to index
      %swap3A_1089 = arith.constant 0 : index
      %swap3A_1090 = tpu.vector_load %arg12[%swap3A_1088, %swap3A_1089] {strides = array<i32>} : memref<128x16xf32, #tpu.memory_space<vmem>>, vector<16xf32>,
      tpu.vector_store %arg12[%swap3A_1088, %swap3A_1089], %sub3A_1086 {strides = array<i32>} : memref<128x16xf32, #tpu.memory_space<vmem>>, vector<16xf32>,
      %get3A_1091 = arith.constant 113 : i32
      %get3A_1092 = arith.index_cast %get3A_1091 : i32 to index
      %get3A_1093 = arith.constant 0 : index
      %get3A_1094 = tpu.vector_load %arg10[%get3A_1092, %get3A_1093] {strides = array<i32>} : memref<128x16xf32, #tpu.memory_space<vmem>>, vector<16xf32>,
      %sub3A_1095 = arith.subf %get3A_1094, %get3A_1081 : vector<16xf32>
      %swap3A_1096 = arith.constant 113 : i32
      %swap3A_1097 = arith.index_cast %swap3A_1096 : i32 to index
      %swap3A_1098 = arith.constant 0 : index
      %swap3A_1099 = tpu.vector_load %arg12[%swap3A_1097, %swap3A_1098] {strides = array<i32>} : memref<128x16xf32, #tpu.memory_space<vmem>>, vector<16xf32>,
      tpu.vector_store %arg12[%swap3A_1097, %swap3A_1098], %sub3A_1095 {strides = array<i32>} : memref<128x16xf32, #tpu.memory_space<vmem>>, vector<16xf32>,
      %get3A_1100 = arith.constant 114 : i32
      %get3A_1101 = arith.index_cast %get3A_1100 : i32 to index
      %get3A_1102 = arith.constant 0 : index
      %get3A_1103 = tpu.vector_load %arg10[%get3A_1101, %get3A_1102] {strides = array<i32>} : memref<128x16xf32, #tpu.memory_space<vmem>>, vector<16xf32>,
      %sub3A_1104 = arith.subf %get3A_1103, %get3A_1081 : vector<16xf32>
      %swap3A_1105 = arith.constant 114 : i32
      %swap3A_1106 = arith.index_cast %swap3A_1105 : i32 to index
      %swap3A_1107 = arith.constant 0 : index
      %swap3A_1108 = tpu.vector_load %arg12[%swap3A_1106, %swap3A_1107] {strides = array<i32>} : memref<128x16xf32, #tpu.memory_space<vmem>>, vector<16xf32>,
      tpu.vector_store %arg12[%swap3A_1106, %swap3A_1107], %sub3A_1104 {strides = array<i32>} : memref<128x16xf32, #tpu.memory_space<vmem>>, vector<16xf32>,
      %get3A_1109 = arith.constant 115 : i32
      %get3A_1110 = arith.index_cast %get3A_1109 : i32 to index
      %get3A_1111 = arith.constant 0 : index
      %get3A_1112 = tpu.vector_load %arg10[%get3A_1110, %get3A_1111] {strides = array<i32>} : memref<128x16xf32, #tpu.memory_space<vmem>>, vector<16xf32>,
      %sub3A_1113 = arith.subf %get3A_1112, %get3A_1081 : vector<16xf32>
      %swap3A_1114 = arith.constant 115 : i32
      %swap3A_1115 = arith.index_cast %swap3A_1114 : i32 to index
      %swap3A_1116 = arith.constant 0 : index
      %swap3A_1117 = tpu.vector_load %arg12[%swap3A_1115, %swap3A_1116] {strides = array<i32>} : memref<128x16xf32, #tpu.memory_space<vmem>>, vector<16xf32>,
      tpu.vector_store %arg12[%swap3A_1115, %swap3A_1116], %sub3A_1113 {strides = array<i32>} : memref<128x16xf32, #tpu.memory_space<vmem>>, vector<16xf32>,
      %get3A_1118 = arith.constant 116 : i32
      %get3A_1119 = arith.index_cast %get3A_1118 : i32 to index
      %get3A_1120 = arith.constant 0 : index
      %get3A_1121 = tpu.vector_load %arg10[%get3A_1119, %get3A_1120] {strides = array<i32>} : memref<128x16xf32, #tpu.memory_space<vmem>>, vector<16xf32>,
      %sub3A_1122 = arith.subf %get3A_1121, %get3A_1081 : vector<16xf32>
      %swap3A_1123 = arith.constant 116 : i32
      %swap3A_1124 = arith.index_cast %swap3A_1123 : i32 to index
      %swap3A_1125 = arith.constant 0 : index
      %swap3A_1126 = tpu.vector_load %arg12[%swap3A_1124, %swap3A_1125] {strides = array<i32>} : memref<128x16xf32, #tpu.memory_space<vmem>>, vector<16xf32>,
      tpu.vector_store %arg12[%swap3A_1124, %swap3A_1125], %sub3A_1122 {strides = array<i32>} : memref<128x16xf32, #tpu.memory_space<vmem>>, vector<16xf32>,
      %get3A_1127 = arith.constant 117 : i32
      %get3A_1128 = arith.index_cast %get3A_1127 : i32 to index
      %get3A_1129 = arith.constant 0 : index
      %get3A_1130 = tpu.vector_load %arg10[%get3A_1128, %get3A_1129] {strides = array<i32>} : memref<128x16xf32, #tpu.memory_space<vmem>>, vector<16xf32>,
      %sub3A_1131 = arith.subf %get3A_1130, %get3A_1081 : vector<16xf32>
      %swap3A_1132 = arith.constant 117 : i32
      %swap3A_1133 = arith.index_cast %swap3A_1132 : i32 to index
      %swap3A_1134 = arith.constant 0 : index
      %swap3A_1135 = tpu.vector_load %arg12[%swap3A_1133, %swap3A_1134] {strides = array<i32>} : memref<128x16xf32, #tpu.memory_space<vmem>>, vector<16xf32>,
      tpu.vector_store %arg12[%swap3A_1133, %swap3A_1134], %sub3A_1131 {strides = array<i32>} : memref<128x16xf32, #tpu.memory_space<vmem>>, vector<16xf32>,
      %get3A_1136 = arith.constant 118 : i32
      %get3A_1137 = arith.index_cast %get3A_1136 : i32 to index
      %get3A_1138 = arith.constant 0 : index
      %get3A_1139 = tpu.vector_load %arg10[%get3A_1137, %get3A_1138] {strides = array<i32>} : memref<128x16xf32, #tpu.memory_space<vmem>>, vector<16xf32>,
      %sub3A_1140 = arith.subf %get3A_1139, %get3A_1081 : vector<16xf32>
      %swap3A_1141 = arith.constant 118 : i32
      %swap3A_1142 = arith.index_cast %swap3A_1141 : i32 to index
      %swap3A_1143 = arith.constant 0 : index
      %swap3A_1144 = tpu.vector_load %arg12[%swap3A_1142, %swap3A_1143] {strides = array<i32>} : memref<128x16xf32, #tpu.memory_space<vmem>>, vector<16xf32>,
      tpu.vector_store %arg12[%swap3A_1142, %swap3A_1143], %sub3A_1140 {strides = array<i32>} : memref<128x16xf32, #tpu.memory_space<vmem>>, vector<16xf32>,
      %get3A_1145 = arith.constant 119 : i32
      %get3A_1146 = arith.index_cast %get3A_1145 : i32 to index
      %get3A_1147 = arith.constant 0 : index
      %get3A_1148 = tpu.vector_load %arg10[%get3A_1146, %get3A_1147] {strides = array<i32>} : memref<128x16xf32, #tpu.memory_space<vmem>>, vector<16xf32>,
      %sub3A_1149 = arith.subf %get3A_1148, %get3A_1081 : vector<16xf32>
      %swap3A_1150 = arith.constant 119 : i32
      %swap3A_1151 = arith.index_cast %swap3A_1150 : i32 to index
      %swap3A_1152 = arith.constant 0 : index
      %swap3A_1153 = tpu.vector_load %arg12[%swap3A_1151, %swap3A_1152] {strides = array<i32>} : memref<128x16xf32, #tpu.memory_space<vmem>>, vector<16xf32>,
      tpu.vector_store %arg12[%swap3A_1151, %swap3A_1152], %sub3A_1149 {strides = array<i32>} : memref<128x16xf32, #tpu.memory_space<vmem>>, vector<16xf32>,
      %get3A_1154 = arith.constant 120 : i32
      %get3A_1155 = arith.index_cast %get3A_1154 : i32 to index
      %get3A_1156 = arith.constant 0 : index
      %get3A_1157 = tpu.vector_load %arg10[%get3A_1155, %get3A_1156] {strides = array<i32>} : memref<128x16xf32, #tpu.memory_space<vmem>>, vector<16xf32>,
      %sub3A_1158 = arith.subf %get3A_1157, %get3A_1081 : vector<16xf32>
      %swap3A_1159 = arith.constant 120 : i32
      %swap3A_1160 = arith.index_cast %swap3A_1159 : i32 to index
      %swap3A_1161 = arith.constant 0 : index
      %swap3A_1162 = tpu.vector_load %arg12[%swap3A_1160, %swap3A_1161] {strides = array<i32>} : memref<128x16xf32, #tpu.memory_space<vmem>>, vector<16xf32>,
      tpu.vector_store %arg12[%swap3A_1160, %swap3A_1161], %sub3A_1158 {strides = array<i32>} : memref<128x16xf32, #tpu.memory_space<vmem>>, vector<16xf32>,
      %get3A_1163 = arith.constant 121 : i32
      %get3A_1164 = arith.index_cast %get3A_1163 : i32 to index
      %get3A_1165 = arith.constant 0 : index
      %get3A_1166 = tpu.vector_load %arg10[%get3A_1164, %get3A_1165] {strides = array<i32>} : memref<128x16xf32, #tpu.memory_space<vmem>>, vector<16xf32>,
      %sub3A_1167 = arith.subf %get3A_1166, %get3A_1081 : vector<16xf32>
      %swap3A_1168 = arith.constant 121 : i32
      %swap3A_1169 = arith.index_cast %swap3A_1168 : i32 to index
      %swap3A_1170 = arith.constant 0 : index
      %swap3A_1171 = tpu.vector_load %arg12[%swap3A_1169, %swap3A_1170] {strides = array<i32>} : memref<128x16xf32, #tpu.memory_space<vmem>>, vector<16xf32>,
      tpu.vector_store %arg12[%swap3A_1169, %swap3A_1170], %sub3A_1167 {strides = array<i32>} : memref<128x16xf32, #tpu.memory_space<vmem>>, vector<16xf32>,
      %get3A_1172 = arith.constant 122 : i32
      %get3A_1173 = arith.index_cast %get3A_1172 : i32 to index
      %get3A_1174 = arith.constant 0 : index
      %get3A_1175 = tpu.vector_load %arg10[%get3A_1173, %get3A_1174] {strides = array<i32>} : memref<128x16xf32, #tpu.memory_space<vmem>>, vector<16xf32>,
      %sub3A_1176 = arith.subf %get3A_1175, %get3A_1081 : vector<16xf32>
      %swap3A_1177 = arith.constant 122 : i32
      %swap3A_1178 = arith.index_cast %swap3A_1177 : i32 to index
      %swap3A_1179 = arith.constant 0 : index
      %swap3A_1180 = tpu.vector_load %arg12[%swap3A_1178, %swap3A_1179] {strides = array<i32>} : memref<128x16xf32, #tpu.memory_space<vmem>>, vector<16xf32>,
      tpu.vector_store %arg12[%swap3A_1178, %swap3A_1179], %sub3A_1176 {strides = array<i32>} : memref<128x16xf32, #tpu.memory_space<vmem>>, vector<16xf32>,
      %get3A_1181 = arith.constant 123 : i32
      %get3A_1182 = arith.index_cast %get3A_1181 : i32 to index
      %get3A_1183 = arith.constant 0 : index
      %get3A_1184 = tpu.vector_load %arg10[%get3A_1182, %get3A_1183] {strides = array<i32>} : memref<128x16xf32, #tpu.memory_space<vmem>>, vector<16xf32>,
      %sub3A_1185 = arith.subf %get3A_1184, %get3A_1081 : vector<16xf32>
      %swap3A_1186 = arith.constant 123 : i32
      %swap3A_1187 = arith.index_cast %swap3A_1186 : i32 to index
      %swap3A_1188 = arith.constant 0 : index
      %swap3A_1189 = tpu.vector_load %arg12[%swap3A_1187, %swap3A_1188] {strides = array<i32>} : memref<128x16xf32, #tpu.memory_space<vmem>>, vector<16xf32>,
      tpu.vector_store %arg12[%swap3A_1187, %swap3A_1188], %sub3A_1185 {strides = array<i32>} : memref<128x16xf32, #tpu.memory_space<vmem>>, vector<16xf32>,
      %get3A_1190 = arith.constant 124 : i32
      %get3A_1191 = arith.index_cast %get3A_1190 : i32 to index
      %get3A_1192 = arith.constant 0 : index
      %get3A_1193 = tpu.vector_load %arg10[%get3A_1191, %get3A_1192] {strides = array<i32>} : memref<128x16xf32, #tpu.memory_space<vmem>>, vector<16xf32>,
      %sub3A_1194 = arith.subf %get3A_1193, %get3A_1081 : vector<16xf32>
      %swap3A_1195 = arith.constant 124 : i32
      %swap3A_1196 = arith.index_cast %swap3A_1195 : i32 to index
      %swap3A_1197 = arith.constant 0 : index
      %swap3A_1198 = tpu.vector_load %arg12[%swap3A_1196, %swap3A_1197] {strides = array<i32>} : memref<128x16xf32, #tpu.memory_space<vmem>>, vector<16xf32>,
      tpu.vector_store %arg12[%swap3A_1196, %swap3A_1197], %sub3A_1194 {strides = array<i32>} : memref<128x16xf32, #tpu.memory_space<vmem>>, vector<16xf32>,
      %get3A_1199 = arith.constant 125 : i32
      %get3A_1200 = arith.index_cast %get3A_1199 : i32 to index
      %get3A_1201 = arith.constant 0 : index
      %get3A_1202 = tpu.vector_load %arg10[%get3A_1200, %get3A_1201] {strides = array<i32>} : memref<128x16xf32, #tpu.memory_space<vmem>>, vector<16xf32>,
      %sub3A_1203 = arith.subf %get3A_1202, %get3A_1081 : vector<16xf32>
      %swap3A_1204 = arith.constant 125 : i32
      %swap3A_1205 = arith.index_cast %swap3A_1204 : i32 to index
      %swap3A_1206 = arith.constant 0 : index
      %swap3A_1207 = tpu.vector_load %arg12[%swap3A_1205, %swap3A_1206] {strides = array<i32>} : memref<128x16xf32, #tpu.memory_space<vmem>>, vector<16xf32>,
      tpu.vector_store %arg12[%swap3A_1205, %swap3A_1206], %sub3A_1203 {strides = array<i32>} : memref<128x16xf32, #tpu.memory_space<vmem>>, vector<16xf32>,
      %get3A_1208 = arith.constant 126 : i32
      %get3A_1209 = arith.index_cast %get3A_1208 : i32 to index
      %get3A_1210 = arith.constant 0 : index
      %get3A_1211 = tpu.vector_load %arg10[%get3A_1209, %get3A_1210] {strides = array<i32>} : memref<128x16xf32, #tpu.memory_space<vmem>>, vector<16xf32>,
      %sub3A_1212 = arith.subf %get3A_1211, %get3A_1081 : vector<16xf32>
      %swap3A_1213 = arith.constant 126 : i32
      %swap3A_1214 = arith.index_cast %swap3A_1213 : i32 to index
      %swap3A_1215 = arith.constant 0 : index
      %swap3A_1216 = tpu.vector_load %arg12[%swap3A_1214, %swap3A_1215] {strides = array<i32>} : memref<128x16xf32, #tpu.memory_space<vmem>>, vector<16xf32>,
      tpu.vector_store %arg12[%swap3A_1214, %swap3A_1215], %sub3A_1212 {strides = array<i32>} : memref<128x16xf32, #tpu.memory_space<vmem>>, vector<16xf32>,
      %get3A_1217 = arith.constant 127 : i32
      %get3A_1218 = arith.index_cast %get3A_1217 : i32 to index
      %get3A_1219 = arith.constant 0 : index
      %get3A_1220 = tpu.vector_load %arg10[%get3A_1218, %get3A_1219] {strides = array<i32>} : memref<128x16xf32, #tpu.memory_space<vmem>>, vector<16xf32>,
      %sub3A_1221 = arith.subf %get3A_1220, %get3A_1081 : vector<16xf32>
      %swap3A_1222 = arith.constant 127 : i32
      %swap3A_1223 = arith.index_cast %swap3A_1222 : i32 to index
      %swap3A_1224 = arith.constant 0 : index
      %swap3A_1225 = tpu.vector_load %arg12[%swap3A_1223, %swap3A_1224] {strides = array<i32>} : memref<128x16xf32, #tpu.memory_space<vmem>>, vector<16xf32>,
      tpu.vector_store %arg12[%swap3A_1223, %swap3A_1224], %sub3A_1221 {strides = array<i32>} : memref<128x16xf32, #tpu.memory_space<vmem>>, vector<16xf32>,
      %mul3A_1226 = arith.constant 128 : i32
      %mul3A_1227 = arith.muli %add3A_32, %mul3A_1226 : i32
      "tpu.region"() ({
        %run_scoped3A = tpu.sem_alloc : memref<!tpu.dma_semaphore, #tpu.memory_space<semaphore_mem>>
        %dma_start3A_1228 = arith.constant 0 : i32
        %dma_start3A_1229 = tpu.memref_slice %arg6[%mul3A_1227, %dma_start3A_1228] : memref<800000x16xf32, #tpu.memory_space<hbm>> -> memref<128x16xf32, #tpu.memory_space<hbm>>
        %dma_start3A_1230 = arith.constant 0 : i32
        %dma_start3A_1231 = tpu.memref_slice %arg6[%mul3A_1227, %dma_start3A_1230] : memref<800000x16xf32, #tpu.memory_space<hbm>> -> memref<128x16xf32, #tpu.memory_space<hbm>>
        tpu.enqueue_dma source(%arg12 : memref<128x16xf32, #tpu.memory_space<vmem>>) target(%dma_start3A_1231 : memref<128x16xf32, #tpu.memory_space<hbm>>) target_semaphore(%run_scoped3A : memref<!tpu.dma_semaphore, #tpu.memory_space<semaphore_mem>>)
        %dma_wait3A_1232 = arith.constant 0 : i32
        %dma_wait3A_1233 = tpu.memref_slice %arg6[%mul3A_1227, %dma_wait3A_1232] : memref<800000x16xf32, #tpu.memory_space<hbm>> -> memref<128x16xf32, #tpu.memory_space<hbm>>
        %dma_wait3A_1234 = arith.constant 0 : i32
        %dma_wait3A_1235 = tpu.memref_slice %arg6[%mul3A_1227, %dma_wait3A_1234] : memref<800000x16xf32, #tpu.memory_space<hbm>> -> memref<128x16xf32, #tpu.memory_space<hbm>>
        tpu.wait_dma2 semaphore(%run_scoped3A : memref<!tpu.dma_semaphore, #tpu.memory_space<semaphore_mem>>) src(%arg12 : memref<128x16xf32, #tpu.memory_space<vmem>>) dst(%dma_wait3A_1235 : memref<128x16xf32, #tpu.memory_space<hbm>>)
        tpu.yield
      }) : () -> ()
    }
    return
  }
}

module attributes {stable_mosaic.version = 14 : i64} {
  func.func @_k0_body(%arg0: i32, %arg1: memref<2000x64xf32, #tpu.memory_space<vmem>>, %arg2: memref<64x64xf32, #tpu.memory_space<vmem>>, %arg3: memref<1x64xf32, #tpu.memory_space<vmem>>, %arg4: memref<64x64xf32, #tpu.memory_space<vmem>>, %arg5: memref<1x64xf32, #tpu.memory_space<vmem>>, %arg6: memref<64x64xf32, #tpu.memory_space<vmem>>, %arg7: memref<1x64xf32, #tpu.memory_space<vmem>>, %arg8: memref<2000x64xf32, #tpu.memory_space<vmem>>, %arg9: memref<2000x64xbf16, #tpu.memory_space<vmem>>, %arg10: memref<2000x64xbf16, #tpu.memory_space<vmem>>) attributes {dimension_semantics = [#tpu.dimension_semantics<arbitrary>], iteration_bounds = array<i64: 25>, scalar_prefetch = 0 : i64, scratch_operands = 0 : i64, tpu.core_type = #tpu.core_type<tc>, window_params = [{transform_indices = @transform_0, window_bounds = array<i64: 2000, 64>}, {pipeline_mode = #tpu.pipeline_mode<synchronous>, transform_indices = @transform_1, window_bounds = array<i64: 64, 64>}, {pipeline_mode = #tpu.pipeline_mode<synchronous>, transform_indices = @transform_2, window_bounds = array<i64: 1, 64>}, {pipeline_mode = #tpu.pipeline_mode<synchronous>, transform_indices = @transform_3, window_bounds = array<i64: 64, 64>}, {pipeline_mode = #tpu.pipeline_mode<synchronous>, transform_indices = @transform_4, window_bounds = array<i64: 1, 64>}, {pipeline_mode = #tpu.pipeline_mode<synchronous>, transform_indices = @transform_5, window_bounds = array<i64: 64, 64>}, {pipeline_mode = #tpu.pipeline_mode<synchronous>, transform_indices = @transform_6, window_bounds = array<i64: 1, 64>}, {transform_indices = @transform_7, window_bounds = array<i64: 2000, 64>}, {transform_indices = @transform_8, window_bounds = array<i64: 2000, 64>}, {transform_indices = @transform_9, window_bounds = array<i64: 2000, 64>}]} {
    %get3A = arith.constant 0 : index
    %get3A_0 = arith.constant 0 : index
    %get3A_1 = vector.load %arg1[%get3A, %get3A_0] : memref<2000x64xf32, #tpu.memory_space<vmem>>, vector<2000x64xf32>
    %get3A_2 = arith.constant 0 : index
    %get3A_3 = arith.constant 0 : index
    %get3A_4 = vector.load %arg2[%get3A_2, %get3A_3] : memref<64x64xf32, #tpu.memory_space<vmem>>, vector<64x64xf32>
    %dot_general3A = arith.constant dense<0.000000e+00> : vector<2000x64xf32>
    %dot_general3A_5 = tpu.matmul %get3A_1, %get3A_4, %dot_general3A {dimension_numbers = #tpu.dot_dimension_numbers<[1], [0], [0], [1], [0, 0, 1, 1], [], []>, transpose_lhs_hint = false} : vector<2000x64xf32>, vector<64x64xf32>, vector<2000x64xf32> -> vector<2000x64xf32>
    %get3A_6 = arith.constant 0 : index
    %get3A_7 = arith.constant 0 : index
    %get3A_8 = vector.load %arg3[%get3A_6, %get3A_7] : memref<1x64xf32, #tpu.memory_space<vmem>>, vector<1x64xf32>
    %add3A = vector.broadcast %get3A_8 : vector<1x64xf32> to vector<2000x64xf32>
    %add3A_9 = arith.addf %dot_general3A_5, %add3A : vector<2000x64xf32>
    %swap3A = arith.constant 0 : index
    %swap3A_10 = arith.constant 0 : index
    %swap3A_11 = vector.load %arg8[%swap3A, %swap3A_10] : memref<2000x64xf32, #tpu.memory_space<vmem>>, vector<2000x64xf32>
    tpu.vector_store %arg8[%swap3A, %swap3A_10], %add3A_9 {strides = array<i32>} : memref<2000x64xf32, #tpu.memory_space<vmem>>, vector<2000x64xf32>,
    %get3A_12 = arith.constant 0 : index
    %get3A_13 = arith.constant 0 : index
    %get3A_14 = vector.load %arg4[%get3A_12, %get3A_13] : memref<64x64xf32, #tpu.memory_space<vmem>>, vector<64x64xf32>
    %dot_general3A_15 = arith.constant dense<0.000000e+00> : vector<2000x64xf32>
    %dot_general3A_16 = tpu.matmul %get3A_1, %get3A_14, %dot_general3A_15 {dimension_numbers = #tpu.dot_dimension_numbers<[1], [0], [0], [1], [0, 0, 1, 1], [], []>, transpose_lhs_hint = false} : vector<2000x64xf32>, vector<64x64xf32>, vector<2000x64xf32> -> vector<2000x64xf32>
    %get3A_17 = arith.constant 0 : index
    %get3A_18 = arith.constant 0 : index
    %get3A_19 = vector.load %arg5[%get3A_17, %get3A_18] : memref<1x64xf32, #tpu.memory_space<vmem>>, vector<1x64xf32>
    %add3A_20 = vector.broadcast %get3A_19 : vector<1x64xf32> to vector<2000x64xf32>
    %add3A_21 = arith.addf %dot_general3A_16, %add3A_20 : vector<2000x64xf32>
    %convert_element_type3A = arith.truncf %add3A_21 : vector<2000x64xf32> to vector<2000x64xbf16>
    %swap3A_22 = arith.constant 0 : index
    %swap3A_23 = arith.constant 0 : index
    %swap3A_24 = vector.load %arg9[%swap3A_22, %swap3A_23] : memref<2000x64xbf16, #tpu.memory_space<vmem>>, vector<2000x64xbf16>
    tpu.vector_store %arg9[%swap3A_22, %swap3A_23], %convert_element_type3A {strides = array<i32>} : memref<2000x64xbf16, #tpu.memory_space<vmem>>, vector<2000x64xbf16>,
    %get3A_25 = arith.constant 0 : index
    %get3A_26 = arith.constant 0 : index
    %get3A_27 = vector.load %arg6[%get3A_25, %get3A_26] : memref<64x64xf32, #tpu.memory_space<vmem>>, vector<64x64xf32>
    %dot_general3A_28 = arith.constant dense<0.000000e+00> : vector<2000x64xf32>
    %dot_general3A_29 = tpu.matmul %get3A_1, %get3A_27, %dot_general3A_28 {dimension_numbers = #tpu.dot_dimension_numbers<[1], [0], [0], [1], [0, 0, 1, 1], [], []>, transpose_lhs_hint = false} : vector<2000x64xf32>, vector<64x64xf32>, vector<2000x64xf32> -> vector<2000x64xf32>
    %get3A_30 = arith.constant 0 : index
    %get3A_31 = arith.constant 0 : index
    %get3A_32 = vector.load %arg7[%get3A_30, %get3A_31] : memref<1x64xf32, #tpu.memory_space<vmem>>, vector<1x64xf32>
    %add3A_33 = vector.broadcast %get3A_32 : vector<1x64xf32> to vector<2000x64xf32>
    %add3A_34 = arith.addf %dot_general3A_29, %add3A_33 : vector<2000x64xf32>
    %convert_element_type3A_35 = arith.truncf %add3A_34 : vector<2000x64xf32> to vector<2000x64xbf16>
    %swap3A_36 = arith.constant 0 : index
    %swap3A_37 = arith.constant 0 : index
    %swap3A_38 = vector.load %arg10[%swap3A_36, %swap3A_37] : memref<2000x64xbf16, #tpu.memory_space<vmem>>, vector<2000x64xbf16>
    tpu.vector_store %arg10[%swap3A_36, %swap3A_37], %convert_element_type3A_35 {strides = array<i32>} : memref<2000x64xbf16, #tpu.memory_space<vmem>>, vector<2000x64xbf16>,
    return
  }
  func.func @transform_0(%arg0: i32) -> (i32, i32) {
    %c0_i32 = arith.constant 0 : i32
    %c0_i32_0 = arith.constant 0 : i32
    return %arg0, %c0_i32 : i32, i32
  }
  func.func @transform_1(%arg0: i32) -> (i32, i32) {
    %c0_i32 = arith.constant 0 : i32
    %c0_i32_0 = arith.constant 0 : i32
    %c0_i32_1 = arith.constant 0 : i32
    return %c0_i32, %c0_i32_0 : i32, i32
  }
  func.func @transform_2(%arg0: i32) -> (i32, i32) {
    %c0_i32 = arith.constant 0 : i32
    %c0_i32_0 = arith.constant 0 : i32
    %c0_i32_1 = arith.constant 0 : i32
    return %c0_i32, %c0_i32_0 : i32, i32
  }
  func.func @transform_3(%arg0: i32) -> (i32, i32) {
    %c0_i32 = arith.constant 0 : i32
    %c0_i32_0 = arith.constant 0 : i32
    %c0_i32_1 = arith.constant 0 : i32
    return %c0_i32, %c0_i32_0 : i32, i32
  }
  func.func @transform_4(%arg0: i32) -> (i32, i32) {
    %c0_i32 = arith.constant 0 : i32
    %c0_i32_0 = arith.constant 0 : i32
    %c0_i32_1 = arith.constant 0 : i32
    return %c0_i32, %c0_i32_0 : i32, i32
  }
  func.func @transform_5(%arg0: i32) -> (i32, i32) {
    %c0_i32 = arith.constant 0 : i32
    %c0_i32_0 = arith.constant 0 : i32
    %c0_i32_1 = arith.constant 0 : i32
    return %c0_i32, %c0_i32_0 : i32, i32
  }
  func.func @transform_6(%arg0: i32) -> (i32, i32) {
    %c0_i32 = arith.constant 0 : i32
    %c0_i32_0 = arith.constant 0 : i32
    %c0_i32_1 = arith.constant 0 : i32
    return %c0_i32, %c0_i32_0 : i32, i32
  }
  func.func @transform_7(%arg0: i32) -> (i32, i32) {
    %c0_i32 = arith.constant 0 : i32
    %c0_i32_0 = arith.constant 0 : i32
    return %arg0, %c0_i32 : i32, i32
  }
  func.func @transform_8(%arg0: i32) -> (i32, i32) {
    %c0_i32 = arith.constant 0 : i32
    %c0_i32_0 = arith.constant 0 : i32
    return %arg0, %c0_i32 : i32, i32
  }
  func.func @transform_9(%arg0: i32) -> (i32, i32) {
    %c0_i32 = arith.constant 0 : i32
    %c0_i32_0 = arith.constant 0 : i32
    return %arg0, %c0_i32 : i32, i32
  }
}

module attributes {stable_mosaic.version = 14 : i64} {
  func.func @_k1_body(%arg0: i32, %arg1: memref<2000x256xf32, #tpu.memory_space<vmem>>, %arg2: memref<256x256xf32, #tpu.memory_space<vmem>>, %arg3: memref<1x256xf32, #tpu.memory_space<vmem>>, %arg4: memref<256x16xf32, #tpu.memory_space<vmem>>, %arg5: memref<8x16xf32, #tpu.memory_space<vmem>>) attributes {dimension_semantics = [#tpu.dimension_semantics<arbitrary>], iteration_bounds = array<i64: 25>, scalar_prefetch = 0 : i64, scratch_operands = 0 : i64, tpu.core_type = #tpu.core_type<tc>, window_params = [{transform_indices = @transform_0, window_bounds = array<i64: 2000, 256>}, {pipeline_mode = #tpu.pipeline_mode<synchronous>, transform_indices = @transform_1, window_bounds = array<i64: 256, 256>}, {pipeline_mode = #tpu.pipeline_mode<synchronous>, transform_indices = @transform_2, window_bounds = array<i64: 1, 256>}, {pipeline_mode = #tpu.pipeline_mode<synchronous>, transform_indices = @transform_3, window_bounds = array<i64: 256, 16>}, {pipeline_mode = #tpu.pipeline_mode<synchronous>, transform_indices = @transform_4, window_bounds = array<i64: 8, 16>}]} {
    %get3A = arith.constant 0 : index
    %get3A_0 = arith.constant 0 : index
    %get3A_1 = vector.load %arg1[%get3A, %get3A_0] : memref<2000x256xf32, #tpu.memory_space<vmem>>, vector<2000x256xf32>
    %get3A_2 = arith.constant 0 : index
    %get3A_3 = arith.constant 0 : index
    %get3A_4 = vector.load %arg2[%get3A_2, %get3A_3] : memref<256x256xf32, #tpu.memory_space<vmem>>, vector<256x256xf32>
    %dot_general3A = arith.constant dense<0.000000e+00> : vector<2000x256xf32>
    %dot_general3A_5 = tpu.matmul %get3A_1, %get3A_4, %dot_general3A {dimension_numbers = #tpu.dot_dimension_numbers<[1], [0], [0], [1], [0, 0, 1, 1], [], []>, transpose_lhs_hint = false} : vector<2000x256xf32>, vector<256x256xf32>, vector<2000x256xf32> -> vector<2000x256xf32>
    %get3A_6 = arith.constant 0 : index
    %get3A_7 = arith.constant 0 : index
    %get3A_8 = vector.load %arg3[%get3A_6, %get3A_7] : memref<1x256xf32, #tpu.memory_space<vmem>>, vector<1x256xf32>
    %add3A = vector.broadcast %get3A_8 : vector<1x256xf32> to vector<2000x256xf32>
    %add3A_9 = arith.addf %dot_general3A_5, %add3A : vector<2000x256xf32>
    %reduce_sum3A = arith.constant dense<0.000000e+00> : vector<256xf32>
    %reduce_sum3A_10 = vector.multi_reduction <add>, %add3A_9, %reduce_sum3A [0] : vector<2000x256xf32> to vector<256xf32>
    %broadcast_in_dim3A = vector.shape_cast %reduce_sum3A_10 : vector<256xf32> to vector<1x256xf32>
    %get3A_11 = arith.constant 0 : index
    %get3A_12 = arith.constant 0 : index
    %get3A_13 = vector.load %arg4[%get3A_11, %get3A_12] : memref<256x16xf32, #tpu.memory_space<vmem>>, vector<256x16xf32>
    %dot_general3A_14 = arith.constant dense<0.000000e+00> : vector<1x16xf32>
    %dot_general3A_15 = tpu.matmul %broadcast_in_dim3A, %get3A_13, %dot_general3A_14 {dimension_numbers = #tpu.dot_dimension_numbers<[1], [0], [0], [1], [0, 0, 1, 1], [], []>, transpose_lhs_hint = false} : vector<1x256xf32>, vector<256x16xf32>, vector<1x16xf32> -> vector<1x16xf32>
    %mul3A = arith.mulf %add3A_9, %add3A_9 : vector<2000x256xf32>
    %reduce_sum3A_16 = arith.constant dense<0.000000e+00> : vector<256xf32>
    %reduce_sum3A_17 = vector.multi_reduction <add>, %mul3A, %reduce_sum3A_16 [0] : vector<2000x256xf32> to vector<256xf32>
    %broadcast_in_dim3A_18 = vector.shape_cast %reduce_sum3A_17 : vector<256xf32> to vector<1x256xf32>
    %get3A_19 = arith.constant 0 : index
    %get3A_20 = arith.constant 0 : index
    %get3A_21 = vector.load %arg4[%get3A_19, %get3A_20] : memref<256x16xf32, #tpu.memory_space<vmem>>, vector<256x16xf32>
    %dot_general3A_22 = arith.constant dense<0.000000e+00> : vector<1x16xf32>
    %dot_general3A_23 = tpu.matmul %broadcast_in_dim3A_18, %get3A_21, %dot_general3A_22 {dimension_numbers = #tpu.dot_dimension_numbers<[1], [0], [0], [1], [0, 0, 1, 1], [], []>, transpose_lhs_hint = false} : vector<1x256xf32>, vector<256x16xf32>, vector<1x16xf32> -> vector<1x16xf32>
    %broadcast_in_dim3A_24 = arith.constant 0.000000e+00 : f32
    %broadcast_in_dim3A_25 = vector.broadcast %broadcast_in_dim3A_24 : f32 to vector<6x16xf32>
    %concatenate3A = tpu.concatenate %dot_general3A_15, %dot_general3A_23, %broadcast_in_dim3A_25 in 0 : vector<1x16xf32>, vector<1x16xf32>, vector<6x16xf32> -> vector<8x16xf32>
    %eq3A = arith.constant 0 : i32
    %eq3A_26 = arith.cmpi eq, %arg0, %eq3A : i32
    %convert_element_type3A = arith.extui %eq3A_26 : i1 to i32
    %cond3A = arith.constant 0 : i32
    %cond3A_27 = arith.cmpi ne, %convert_element_type3A, %cond3A : i32
    scf.if %cond3A_27 {
      %swap3A = arith.constant 0 : index
      %swap3A_32 = arith.constant 0 : index
      %swap3A_33 = vector.load %arg5[%swap3A, %swap3A_32] : memref<8x16xf32, #tpu.memory_space<vmem>>, vector<8x16xf32>
      tpu.vector_store %arg5[%swap3A, %swap3A_32], %concatenate3A {strides = array<i32>} : memref<8x16xf32, #tpu.memory_space<vmem>>, vector<8x16xf32>,
    } else {
    }
    %gt3A = arith.constant 0 : i32
    %gt3A_28 = arith.cmpi sgt, %arg0, %gt3A : i32
    %convert_element_type3A_29 = arith.extui %gt3A_28 : i1 to i32
    %cond3A_30 = arith.constant 0 : i32
    %cond3A_31 = arith.cmpi ne, %convert_element_type3A_29, %cond3A_30 : i32
    scf.if %cond3A_31 {
      %get3A_32 = arith.constant 0 : index
      %get3A_33 = arith.constant 0 : index
      %get3A_34 = vector.load %arg5[%get3A_32, %get3A_33] : memref<8x16xf32, #tpu.memory_space<vmem>>, vector<8x16xf32>
      %add3A_35 = arith.addf %get3A_34, %concatenate3A : vector<8x16xf32>
      %swap3A = arith.constant 0 : index
      %swap3A_36 = arith.constant 0 : index
      %swap3A_37 = vector.load %arg5[%swap3A, %swap3A_36] : memref<8x16xf32, #tpu.memory_space<vmem>>, vector<8x16xf32>
      tpu.vector_store %arg5[%swap3A, %swap3A_36], %add3A_35 {strides = array<i32>} : memref<8x16xf32, #tpu.memory_space<vmem>>, vector<8x16xf32>,
    } else {
    }
    return
  }
  func.func @transform_0(%arg0: i32) -> (i32, i32) {
    %c0_i32 = arith.constant 0 : i32
    %c0_i32_0 = arith.constant 0 : i32
    return %arg0, %c0_i32 : i32, i32
  }
  func.func @transform_1(%arg0: i32) -> (i32, i32) {
    %c0_i32 = arith.constant 0 : i32
    %c0_i32_0 = arith.constant 0 : i32
    %c0_i32_1 = arith.constant 0 : i32
    return %c0_i32, %c0_i32_0 : i32, i32
  }
  func.func @transform_2(%arg0: i32) -> (i32, i32) {
    %c0_i32 = arith.constant 0 : i32
    %c0_i32_0 = arith.constant 0 : i32
    %c0_i32_1 = arith.constant 0 : i32
    return %c0_i32, %c0_i32_0 : i32, i32
  }
  func.func @transform_3(%arg0: i32) -> (i32, i32) {
    %c0_i32 = arith.constant 0 : i32
    %c0_i32_0 = arith.constant 0 : i32
    %c0_i32_1 = arith.constant 0 : i32
    return %c0_i32, %c0_i32_0 : i32, i32
  }
  func.func @transform_4(%arg0: i32) -> (i32, i32) {
    %c0_i32 = arith.constant 0 : i32
    %c0_i32_0 = arith.constant 0 : i32
    %c0_i32_1 = arith.constant 0 : i32
    return %c0_i32, %c0_i32_0 : i32, i32
  }
}

module attributes {stable_mosaic.version = 14 : i64} {
  func.func @_k2_body(%arg0: i32, %arg1: memref<2000x256xf32, #tpu.memory_space<vmem>>, %arg2: memref<2000x1024xbf16, #tpu.memory_space<vmem>>, %arg3: memref<2000x64xf32, #tpu.memory_space<vmem>>, %arg4: memref<256x256xf32, #tpu.memory_space<vmem>>, %arg5: memref<1x256xf32, #tpu.memory_space<vmem>>, %arg6: memref<1x256xf32, #tpu.memory_space<vmem>>, %arg7: memref<256x1024xf32, #tpu.memory_space<vmem>>, %arg8: memref<1x1024xf32, #tpu.memory_space<vmem>>, %arg9: memref<64x1024xf32, #tpu.memory_space<vmem>>, %arg10: memref<1024x64xf32, #tpu.memory_space<vmem>>, %arg11: memref<8x64xf32, #tpu.memory_space<vmem>>) attributes {dimension_semantics = [#tpu.dimension_semantics<arbitrary>], iteration_bounds = array<i64: 25>, scalar_prefetch = 0 : i64, scratch_operands = 0 : i64, tpu.core_type = #tpu.core_type<tc>, window_params = [{transform_indices = @transform_0, window_bounds = array<i64: 2000, 256>}, {transform_indices = @transform_1, window_bounds = array<i64: 2000, 1024>}, {transform_indices = @transform_2, window_bounds = array<i64: 2000, 64>}, {pipeline_mode = #tpu.pipeline_mode<synchronous>, transform_indices = @transform_3, window_bounds = array<i64: 256, 256>}, {pipeline_mode = #tpu.pipeline_mode<synchronous>, transform_indices = @transform_4, window_bounds = array<i64: 1, 256>}, {pipeline_mode = #tpu.pipeline_mode<synchronous>, transform_indices = @transform_5, window_bounds = array<i64: 1, 256>}, {pipeline_mode = #tpu.pipeline_mode<synchronous>, transform_indices = @transform_6, window_bounds = array<i64: 256, 1024>}, {pipeline_mode = #tpu.pipeline_mode<synchronous>, transform_indices = @transform_7, window_bounds = array<i64: 1, 1024>}, {pipeline_mode = #tpu.pipeline_mode<synchronous>, transform_indices = @transform_8, window_bounds = array<i64: 64, 1024>}, {pipeline_mode = #tpu.pipeline_mode<synchronous>, transform_indices = @transform_9, window_bounds = array<i64: 1024, 64>}, {pipeline_mode = #tpu.pipeline_mode<synchronous>, transform_indices = @transform_10, window_bounds = array<i64: 8, 64>}]} {
    %get3A = arith.constant 0 : index
    %get3A_0 = arith.constant 0 : index
    %get3A_1 = vector.load %arg1[%get3A, %get3A_0] : memref<2000x256xf32, #tpu.memory_space<vmem>>, vector<2000x256xf32>
    %get3A_2 = arith.constant 0 : index
    %get3A_3 = arith.constant 0 : index
    %get3A_4 = vector.load %arg4[%get3A_2, %get3A_3] : memref<256x256xf32, #tpu.memory_space<vmem>>, vector<256x256xf32>
    %dot_general3A = arith.constant dense<0.000000e+00> : vector<2000x256xf32>
    %dot_general3A_5 = tpu.matmul %get3A_1, %get3A_4, %dot_general3A {dimension_numbers = #tpu.dot_dimension_numbers<[1], [0], [0], [1], [0, 0, 1, 1], [], []>, transpose_lhs_hint = false} : vector<2000x256xf32>, vector<256x256xf32>, vector<2000x256xf32> -> vector<2000x256xf32>
    %get3A_6 = arith.constant 0 : index
    %get3A_7 = arith.constant 0 : index
    %get3A_8 = vector.load %arg5[%get3A_6, %get3A_7] : memref<1x256xf32, #tpu.memory_space<vmem>>, vector<1x256xf32>
    %mul3A = vector.broadcast %get3A_8 : vector<1x256xf32> to vector<2000x256xf32>
    %mul3A_9 = arith.mulf %dot_general3A_5, %mul3A : vector<2000x256xf32>
    %get3A_10 = arith.constant 0 : index
    %get3A_11 = arith.constant 0 : index
    %get3A_12 = vector.load %arg6[%get3A_10, %get3A_11] : memref<1x256xf32, #tpu.memory_space<vmem>>, vector<1x256xf32>
    %add3A = vector.broadcast %get3A_12 : vector<1x256xf32> to vector<2000x256xf32>
    %add3A_13 = arith.addf %mul3A_9, %add3A : vector<2000x256xf32>
    %max3A = arith.constant 0.000000e+00 : f32
    %max3A_14 = vector.broadcast %max3A : f32 to vector<2000x256xf32>
    %max3A_15 = arith.maximumf %add3A_13, %max3A_14 : vector<2000x256xf32>
    %get3A_16 = arith.constant 0 : index
    %get3A_17 = arith.constant 0 : index
    %get3A_18 = vector.load %arg7[%get3A_16, %get3A_17] : memref<256x1024xf32, #tpu.memory_space<vmem>>, vector<256x1024xf32>
    %dot_general3A_19 = arith.constant dense<0.000000e+00> : vector<2000x1024xf32>
    %dot_general3A_20 = tpu.matmul %max3A_15, %get3A_18, %dot_general3A_19 {dimension_numbers = #tpu.dot_dimension_numbers<[1], [0], [0], [1], [0, 0, 1, 1], [], []>, transpose_lhs_hint = false} : vector<2000x256xf32>, vector<256x1024xf32>, vector<2000x1024xf32> -> vector<2000x1024xf32>
    %get3A_21 = arith.constant 0 : index
    %get3A_22 = arith.constant 0 : index
    %get3A_23 = vector.load %arg8[%get3A_21, %get3A_22] : memref<1x1024xf32, #tpu.memory_space<vmem>>, vector<1x1024xf32>
    %add3A_24 = vector.broadcast %get3A_23 : vector<1x1024xf32> to vector<2000x1024xf32>
    %add3A_25 = arith.addf %dot_general3A_20, %add3A_24 : vector<2000x1024xf32>
    %get3A_26 = arith.constant 0 : index
    %get3A_27 = arith.constant 0 : index
    %get3A_28 = vector.load %arg3[%get3A_26, %get3A_27] : memref<2000x64xf32, #tpu.memory_space<vmem>>, vector<2000x64xf32>
    %get3A_29 = arith.constant 0 : index
    %get3A_30 = arith.constant 0 : index
    %get3A_31 = vector.load %arg9[%get3A_29, %get3A_30] : memref<64x1024xf32, #tpu.memory_space<vmem>>, vector<64x1024xf32>
    %dot_general3A_32 = arith.constant dense<0.000000e+00> : vector<2000x1024xf32>
    %dot_general3A_33 = tpu.matmul %get3A_28, %get3A_31, %dot_general3A_32 {dimension_numbers = #tpu.dot_dimension_numbers<[1], [0], [0], [1], [0, 0, 1, 1], [], []>, transpose_lhs_hint = false} : vector<2000x64xf32>, vector<64x1024xf32>, vector<2000x1024xf32> -> vector<2000x1024xf32>
    %get3A_34 = arith.constant 0 : index
    %get3A_35 = arith.constant 0 : index
    %get3A_36 = vector.load %arg2[%get3A_34, %get3A_35] : memref<2000x1024xbf16, #tpu.memory_space<vmem>>, vector<2000x1024xbf16>
    %convert_element_type3A = arith.extf %get3A_36 : vector<2000x1024xbf16> to vector<2000x1024xf32>
    %sub3A = arith.subf %convert_element_type3A, %dot_general3A_33 : vector<2000x1024xf32>
    %add3A_37 = arith.addf %sub3A, %add3A_25 : vector<2000x1024xf32>
    %reduce_sum3A = arith.constant dense<0.000000e+00> : vector<1024xf32>
    %reduce_sum3A_38 = vector.multi_reduction <add>, %add3A_37, %reduce_sum3A [0] : vector<2000x1024xf32> to vector<1024xf32>
    %broadcast_in_dim3A = vector.shape_cast %reduce_sum3A_38 : vector<1024xf32> to vector<1x1024xf32>
    %get3A_39 = arith.constant 0 : index
    %get3A_40 = arith.constant 0 : index
    %get3A_41 = vector.load %arg10[%get3A_39, %get3A_40] : memref<1024x64xf32, #tpu.memory_space<vmem>>, vector<1024x64xf32>
    %dot_general3A_42 = arith.constant dense<0.000000e+00> : vector<1x64xf32>
    %dot_general3A_43 = tpu.matmul %broadcast_in_dim3A, %get3A_41, %dot_general3A_42 {dimension_numbers = #tpu.dot_dimension_numbers<[1], [0], [0], [1], [0, 0, 1, 1], [], []>, transpose_lhs_hint = false} : vector<1x1024xf32>, vector<1024x64xf32>, vector<1x64xf32> -> vector<1x64xf32>
    %mul3A_44 = arith.mulf %add3A_37, %add3A_37 : vector<2000x1024xf32>
    %reduce_sum3A_45 = arith.constant dense<0.000000e+00> : vector<1024xf32>
    %reduce_sum3A_46 = vector.multi_reduction <add>, %mul3A_44, %reduce_sum3A_45 [0] : vector<2000x1024xf32> to vector<1024xf32>
    %broadcast_in_dim3A_47 = vector.shape_cast %reduce_sum3A_46 : vector<1024xf32> to vector<1x1024xf32>
    %get3A_48 = arith.constant 0 : index
    %get3A_49 = arith.constant 0 : index
    %get3A_50 = vector.load %arg10[%get3A_48, %get3A_49] : memref<1024x64xf32, #tpu.memory_space<vmem>>, vector<1024x64xf32>
    %dot_general3A_51 = arith.constant dense<0.000000e+00> : vector<1x64xf32>
    %dot_general3A_52 = tpu.matmul %broadcast_in_dim3A_47, %get3A_50, %dot_general3A_51 {dimension_numbers = #tpu.dot_dimension_numbers<[1], [0], [0], [1], [0, 0, 1, 1], [], []>, transpose_lhs_hint = false} : vector<1x1024xf32>, vector<1024x64xf32>, vector<1x64xf32> -> vector<1x64xf32>
    %broadcast_in_dim3A_53 = arith.constant 0.000000e+00 : f32
    %broadcast_in_dim3A_54 = vector.broadcast %broadcast_in_dim3A_53 : f32 to vector<6x64xf32>
    %concatenate3A = tpu.concatenate %dot_general3A_43, %dot_general3A_52, %broadcast_in_dim3A_54 in 0 : vector<1x64xf32>, vector<1x64xf32>, vector<6x64xf32> -> vector<8x64xf32>
    %eq3A = arith.constant 0 : i32
    %eq3A_55 = arith.cmpi eq, %arg0, %eq3A : i32
    %convert_element_type3A_56 = arith.extui %eq3A_55 : i1 to i32
    %cond3A = arith.constant 0 : i32
    %cond3A_57 = arith.cmpi ne, %convert_element_type3A_56, %cond3A : i32
    scf.if %cond3A_57 {
      %swap3A = arith.constant 0 : index
      %swap3A_62 = arith.constant 0 : index
      %swap3A_63 = vector.load %arg11[%swap3A, %swap3A_62] : memref<8x64xf32, #tpu.memory_space<vmem>>, vector<8x64xf32>
      tpu.vector_store %arg11[%swap3A, %swap3A_62], %concatenate3A {strides = array<i32>} : memref<8x64xf32, #tpu.memory_space<vmem>>, vector<8x64xf32>,
    } else {
    }
    %gt3A = arith.constant 0 : i32
    %gt3A_58 = arith.cmpi sgt, %arg0, %gt3A : i32
    %convert_element_type3A_59 = arith.extui %gt3A_58 : i1 to i32
    %cond3A_60 = arith.constant 0 : i32
    %cond3A_61 = arith.cmpi ne, %convert_element_type3A_59, %cond3A_60 : i32
    scf.if %cond3A_61 {
      %get3A_62 = arith.constant 0 : index
      %get3A_63 = arith.constant 0 : index
      %get3A_64 = vector.load %arg11[%get3A_62, %get3A_63] : memref<8x64xf32, #tpu.memory_space<vmem>>, vector<8x64xf32>
      %add3A_65 = arith.addf %get3A_64, %concatenate3A : vector<8x64xf32>
      %swap3A = arith.constant 0 : index
      %swap3A_66 = arith.constant 0 : index
      %swap3A_67 = vector.load %arg11[%swap3A, %swap3A_66] : memref<8x64xf32, #tpu.memory_space<vmem>>, vector<8x64xf32>
      tpu.vector_store %arg11[%swap3A, %swap3A_66], %add3A_65 {strides = array<i32>} : memref<8x64xf32, #tpu.memory_space<vmem>>, vector<8x64xf32>,
    } else {
    }
    return
  }
  func.func @transform_0(%arg0: i32) -> (i32, i32) {
    %c0_i32 = arith.constant 0 : i32
    %c0_i32_0 = arith.constant 0 : i32
    return %arg0, %c0_i32 : i32, i32
  }
  func.func @transform_1(%arg0: i32) -> (i32, i32) {
    %c0_i32 = arith.constant 0 : i32
    %c0_i32_0 = arith.constant 0 : i32
    return %arg0, %c0_i32 : i32, i32
  }
  func.func @transform_2(%arg0: i32) -> (i32, i32) {
    %c0_i32 = arith.constant 0 : i32
    %c0_i32_0 = arith.constant 0 : i32
    return %arg0, %c0_i32 : i32, i32
  }
  func.func @transform_3(%arg0: i32) -> (i32, i32) {
    %c0_i32 = arith.constant 0 : i32
    %c0_i32_0 = arith.constant 0 : i32
    %c0_i32_1 = arith.constant 0 : i32
    return %c0_i32, %c0_i32_0 : i32, i32
  }
  func.func @transform_4(%arg0: i32) -> (i32, i32) {
    %c0_i32 = arith.constant 0 : i32
    %c0_i32_0 = arith.constant 0 : i32
    %c0_i32_1 = arith.constant 0 : i32
    return %c0_i32, %c0_i32_0 : i32, i32
  }
  func.func @transform_5(%arg0: i32) -> (i32, i32) {
    %c0_i32 = arith.constant 0 : i32
    %c0_i32_0 = arith.constant 0 : i32
    %c0_i32_1 = arith.constant 0 : i32
    return %c0_i32, %c0_i32_0 : i32, i32
  }
  func.func @transform_6(%arg0: i32) -> (i32, i32) {
    %c0_i32 = arith.constant 0 : i32
    %c0_i32_0 = arith.constant 0 : i32
    %c0_i32_1 = arith.constant 0 : i32
    return %c0_i32, %c0_i32_0 : i32, i32
  }
  func.func @transform_7(%arg0: i32) -> (i32, i32) {
    %c0_i32 = arith.constant 0 : i32
    %c0_i32_0 = arith.constant 0 : i32
    %c0_i32_1 = arith.constant 0 : i32
    return %c0_i32, %c0_i32_0 : i32, i32
  }
  func.func @transform_8(%arg0: i32) -> (i32, i32) {
    %c0_i32 = arith.constant 0 : i32
    %c0_i32_0 = arith.constant 0 : i32
    %c0_i32_1 = arith.constant 0 : i32
    return %c0_i32, %c0_i32_0 : i32, i32
  }
  func.func @transform_9(%arg0: i32) -> (i32, i32) {
    %c0_i32 = arith.constant 0 : i32
    %c0_i32_0 = arith.constant 0 : i32
    %c0_i32_1 = arith.constant 0 : i32
    return %c0_i32, %c0_i32_0 : i32, i32
  }
  func.func @transform_10(%arg0: i32) -> (i32, i32) {
    %c0_i32 = arith.constant 0 : i32
    %c0_i32_0 = arith.constant 0 : i32
    %c0_i32_1 = arith.constant 0 : i32
    return %c0_i32, %c0_i32_0 : i32, i32
  }
}

module attributes {stable_mosaic.version = 14 : i64} {
  func.func @_k3_body(%arg0: i32, %arg1: memref<2000x256xf32, #tpu.memory_space<vmem>>, %arg2: memref<2000x1024xbf16, #tpu.memory_space<vmem>>, %arg3: memref<2000x64xf32, #tpu.memory_space<vmem>>, %arg4: memref<256x256xf32, #tpu.memory_space<vmem>>, %arg5: memref<1x256xf32, #tpu.memory_space<vmem>>, %arg6: memref<1x256xf32, #tpu.memory_space<vmem>>, %arg7: memref<256x1024xf32, #tpu.memory_space<vmem>>, %arg8: memref<1x1024xf32, #tpu.memory_space<vmem>>, %arg9: memref<64x1024xf32, #tpu.memory_space<vmem>>, %arg10: memref<1x1024xf32, #tpu.memory_space<vmem>>, %arg11: memref<1x1024xf32, #tpu.memory_space<vmem>>, %arg12: memref<1024x128xf32, #tpu.memory_space<vmem>>, %arg13: memref<1x128xf32, #tpu.memory_space<vmem>>, %arg14: memref<128x8xf32, #tpu.memory_space<vmem>>, %arg15: memref<2000x128xf32, #tpu.memory_space<vmem>>, %arg16: memref<8x8xf32, #tpu.memory_space<vmem>>) attributes {dimension_semantics = [#tpu.dimension_semantics<arbitrary>], iteration_bounds = array<i64: 25>, scalar_prefetch = 0 : i64, scratch_operands = 0 : i64, tpu.core_type = #tpu.core_type<tc>, window_params = [{transform_indices = @transform_0, window_bounds = array<i64: 2000, 256>}, {transform_indices = @transform_1, window_bounds = array<i64: 2000, 1024>}, {transform_indices = @transform_2, window_bounds = array<i64: 2000, 64>}, {pipeline_mode = #tpu.pipeline_mode<synchronous>, transform_indices = @transform_3, window_bounds = array<i64: 256, 256>}, {pipeline_mode = #tpu.pipeline_mode<synchronous>, transform_indices = @transform_4, window_bounds = array<i64: 1, 256>}, {pipeline_mode = #tpu.pipeline_mode<synchronous>, transform_indices = @transform_5, window_bounds = array<i64: 1, 256>}, {pipeline_mode = #tpu.pipeline_mode<synchronous>, transform_indices = @transform_6, window_bounds = array<i64: 256, 1024>}, {pipeline_mode = #tpu.pipeline_mode<synchronous>, transform_indices = @transform_7, window_bounds = array<i64: 1, 1024>}, {pipeline_mode = #tpu.pipeline_mode<synchronous>, transform_indices = @transform_8, window_bounds = array<i64: 64, 1024>}, {pipeline_mode = #tpu.pipeline_mode<synchronous>, transform_indices = @transform_9, window_bounds = array<i64: 1, 1024>}, {pipeline_mode = #tpu.pipeline_mode<synchronous>, transform_indices = @transform_10, window_bounds = array<i64: 1, 1024>}, {pipeline_mode = #tpu.pipeline_mode<synchronous>, transform_indices = @transform_11, window_bounds = array<i64: 1024, 128>}, {pipeline_mode = #tpu.pipeline_mode<synchronous>, transform_indices = @transform_12, window_bounds = array<i64: 1, 128>}, {pipeline_mode = #tpu.pipeline_mode<synchronous>, transform_indices = @transform_13, window_bounds = array<i64: 128, 8>}, {transform_indices = @transform_14, window_bounds = array<i64: 2000, 128>}, {pipeline_mode = #tpu.pipeline_mode<synchronous>, transform_indices = @transform_15, window_bounds = array<i64: 8, 8>}]} {
    %get3A = arith.constant 0 : index
    %get3A_0 = arith.constant 0 : index
    %get3A_1 = vector.load %arg1[%get3A, %get3A_0] : memref<2000x256xf32, #tpu.memory_space<vmem>>, vector<2000x256xf32>
    %get3A_2 = arith.constant 0 : index
    %get3A_3 = arith.constant 0 : index
    %get3A_4 = vector.load %arg4[%get3A_2, %get3A_3] : memref<256x256xf32, #tpu.memory_space<vmem>>, vector<256x256xf32>
    %dot_general3A = arith.constant dense<0.000000e+00> : vector<2000x256xf32>
    %dot_general3A_5 = tpu.matmul %get3A_1, %get3A_4, %dot_general3A {dimension_numbers = #tpu.dot_dimension_numbers<[1], [0], [0], [1], [0, 0, 1, 1], [], []>, transpose_lhs_hint = false} : vector<2000x256xf32>, vector<256x256xf32>, vector<2000x256xf32> -> vector<2000x256xf32>
    %get3A_6 = arith.constant 0 : index
    %get3A_7 = arith.constant 0 : index
    %get3A_8 = vector.load %arg5[%get3A_6, %get3A_7] : memref<1x256xf32, #tpu.memory_space<vmem>>, vector<1x256xf32>
    %mul3A = vector.broadcast %get3A_8 : vector<1x256xf32> to vector<2000x256xf32>
    %mul3A_9 = arith.mulf %dot_general3A_5, %mul3A : vector<2000x256xf32>
    %get3A_10 = arith.constant 0 : index
    %get3A_11 = arith.constant 0 : index
    %get3A_12 = vector.load %arg6[%get3A_10, %get3A_11] : memref<1x256xf32, #tpu.memory_space<vmem>>, vector<1x256xf32>
    %add3A = vector.broadcast %get3A_12 : vector<1x256xf32> to vector<2000x256xf32>
    %add3A_13 = arith.addf %mul3A_9, %add3A : vector<2000x256xf32>
    %max3A = arith.constant 0.000000e+00 : f32
    %max3A_14 = vector.broadcast %max3A : f32 to vector<2000x256xf32>
    %max3A_15 = arith.maximumf %add3A_13, %max3A_14 : vector<2000x256xf32>
    %get3A_16 = arith.constant 0 : index
    %get3A_17 = arith.constant 0 : index
    %get3A_18 = vector.load %arg7[%get3A_16, %get3A_17] : memref<256x1024xf32, #tpu.memory_space<vmem>>, vector<256x1024xf32>
    %dot_general3A_19 = arith.constant dense<0.000000e+00> : vector<2000x1024xf32>
    %dot_general3A_20 = tpu.matmul %max3A_15, %get3A_18, %dot_general3A_19 {dimension_numbers = #tpu.dot_dimension_numbers<[1], [0], [0], [1], [0, 0, 1, 1], [], []>, transpose_lhs_hint = false} : vector<2000x256xf32>, vector<256x1024xf32>, vector<2000x1024xf32> -> vector<2000x1024xf32>
    %get3A_21 = arith.constant 0 : index
    %get3A_22 = arith.constant 0 : index
    %get3A_23 = vector.load %arg8[%get3A_21, %get3A_22] : memref<1x1024xf32, #tpu.memory_space<vmem>>, vector<1x1024xf32>
    %add3A_24 = vector.broadcast %get3A_23 : vector<1x1024xf32> to vector<2000x1024xf32>
    %add3A_25 = arith.addf %dot_general3A_20, %add3A_24 : vector<2000x1024xf32>
    %get3A_26 = arith.constant 0 : index
    %get3A_27 = arith.constant 0 : index
    %get3A_28 = vector.load %arg3[%get3A_26, %get3A_27] : memref<2000x64xf32, #tpu.memory_space<vmem>>, vector<2000x64xf32>
    %get3A_29 = arith.constant 0 : index
    %get3A_30 = arith.constant 0 : index
    %get3A_31 = vector.load %arg9[%get3A_29, %get3A_30] : memref<64x1024xf32, #tpu.memory_space<vmem>>, vector<64x1024xf32>
    %dot_general3A_32 = arith.constant dense<0.000000e+00> : vector<2000x1024xf32>
    %dot_general3A_33 = tpu.matmul %get3A_28, %get3A_31, %dot_general3A_32 {dimension_numbers = #tpu.dot_dimension_numbers<[1], [0], [0], [1], [0, 0, 1, 1], [], []>, transpose_lhs_hint = false} : vector<2000x64xf32>, vector<64x1024xf32>, vector<2000x1024xf32> -> vector<2000x1024xf32>
    %get3A_34 = arith.constant 0 : index
    %get3A_35 = arith.constant 0 : index
    %get3A_36 = vector.load %arg2[%get3A_34, %get3A_35] : memref<2000x1024xbf16, #tpu.memory_space<vmem>>, vector<2000x1024xbf16>
    %convert_element_type3A = arith.extf %get3A_36 : vector<2000x1024xbf16> to vector<2000x1024xf32>
    %sub3A = arith.subf %convert_element_type3A, %dot_general3A_33 : vector<2000x1024xf32>
    %add3A_37 = arith.addf %sub3A, %add3A_25 : vector<2000x1024xf32>
    %get3A_38 = arith.constant 0 : index
    %get3A_39 = arith.constant 0 : index
    %get3A_40 = vector.load %arg10[%get3A_38, %get3A_39] : memref<1x1024xf32, #tpu.memory_space<vmem>>, vector<1x1024xf32>
    %mul3A_41 = vector.broadcast %get3A_40 : vector<1x1024xf32> to vector<2000x1024xf32>
    %mul3A_42 = arith.mulf %add3A_37, %mul3A_41 : vector<2000x1024xf32>
    %get3A_43 = arith.constant 0 : index
    %get3A_44 = arith.constant 0 : index
    %get3A_45 = vector.load %arg11[%get3A_43, %get3A_44] : memref<1x1024xf32, #tpu.memory_space<vmem>>, vector<1x1024xf32>
    %add3A_46 = vector.broadcast %get3A_45 : vector<1x1024xf32> to vector<2000x1024xf32>
    %add3A_47 = arith.addf %mul3A_42, %add3A_46 : vector<2000x1024xf32>
    %max3A_48 = arith.constant 0.000000e+00 : f32
    %max3A_49 = vector.broadcast %max3A_48 : f32 to vector<2000x1024xf32>
    %max3A_50 = arith.maximumf %add3A_47, %max3A_49 : vector<2000x1024xf32>
    %get3A_51 = arith.constant 0 : index
    %get3A_52 = arith.constant 0 : index
    %get3A_53 = vector.load %arg12[%get3A_51, %get3A_52] : memref<1024x128xf32, #tpu.memory_space<vmem>>, vector<1024x128xf32>
    %dot_general3A_54 = arith.constant dense<0.000000e+00> : vector<2000x128xf32>
    %dot_general3A_55 = tpu.matmul %max3A_50, %get3A_53, %dot_general3A_54 {dimension_numbers = #tpu.dot_dimension_numbers<[1], [0], [0], [1], [0, 0, 1, 1], [], []>, transpose_lhs_hint = false} : vector<2000x1024xf32>, vector<1024x128xf32>, vector<2000x128xf32> -> vector<2000x128xf32>
    %get3A_56 = arith.constant 0 : index
    %get3A_57 = arith.constant 0 : index
    %get3A_58 = vector.load %arg13[%get3A_56, %get3A_57] : memref<1x128xf32, #tpu.memory_space<vmem>>, vector<1x128xf32>
    %add3A_59 = vector.broadcast %get3A_58 : vector<1x128xf32> to vector<2000x128xf32>
    %add3A_60 = arith.addf %dot_general3A_55, %add3A_59 : vector<2000x128xf32>
    %swap3A = arith.constant 0 : index
    %swap3A_61 = arith.constant 0 : index
    %swap3A_62 = vector.load %arg15[%swap3A, %swap3A_61] : memref<2000x128xf32, #tpu.memory_space<vmem>>, vector<2000x128xf32>
    tpu.vector_store %arg15[%swap3A, %swap3A_61], %add3A_60 {strides = array<i32>} : memref<2000x128xf32, #tpu.memory_space<vmem>>, vector<2000x128xf32>,
    %reduce_sum3A = arith.constant dense<0.000000e+00> : vector<128xf32>
    %reduce_sum3A_63 = vector.multi_reduction <add>, %add3A_60, %reduce_sum3A [0] : vector<2000x128xf32> to vector<128xf32>
    %broadcast_in_dim3A = vector.shape_cast %reduce_sum3A_63 : vector<128xf32> to vector<1x128xf32>
    %get3A_64 = arith.constant 0 : index
    %get3A_65 = arith.constant 0 : index
    %get3A_66 = vector.load %arg14[%get3A_64, %get3A_65] : memref<128x8xf32, #tpu.memory_space<vmem>>, vector<128x8xf32>
    %dot_general3A_67 = arith.constant dense<0.000000e+00> : vector<1x8xf32>
    %dot_general3A_68 = tpu.matmul %broadcast_in_dim3A, %get3A_66, %dot_general3A_67 {dimension_numbers = #tpu.dot_dimension_numbers<[1], [0], [0], [1], [0, 0, 1, 1], [], []>, transpose_lhs_hint = false} : vector<1x128xf32>, vector<128x8xf32>, vector<1x8xf32> -> vector<1x8xf32>
    %mul3A_69 = arith.mulf %add3A_60, %add3A_60 : vector<2000x128xf32>
    %reduce_sum3A_70 = arith.constant dense<0.000000e+00> : vector<128xf32>
    %reduce_sum3A_71 = vector.multi_reduction <add>, %mul3A_69, %reduce_sum3A_70 [0] : vector<2000x128xf32> to vector<128xf32>
    %broadcast_in_dim3A_72 = vector.shape_cast %reduce_sum3A_71 : vector<128xf32> to vector<1x128xf32>
    %get3A_73 = arith.constant 0 : index
    %get3A_74 = arith.constant 0 : index
    %get3A_75 = vector.load %arg14[%get3A_73, %get3A_74] : memref<128x8xf32, #tpu.memory_space<vmem>>, vector<128x8xf32>
    %dot_general3A_76 = arith.constant dense<0.000000e+00> : vector<1x8xf32>
    %dot_general3A_77 = tpu.matmul %broadcast_in_dim3A_72, %get3A_75, %dot_general3A_76 {dimension_numbers = #tpu.dot_dimension_numbers<[1], [0], [0], [1], [0, 0, 1, 1], [], []>, transpose_lhs_hint = false} : vector<1x128xf32>, vector<128x8xf32>, vector<1x8xf32> -> vector<1x8xf32>
    %broadcast_in_dim3A_78 = arith.constant 0.000000e+00 : f32
    %broadcast_in_dim3A_79 = vector.broadcast %broadcast_in_dim3A_78 : f32 to vector<6x8xf32>
    %concatenate3A = tpu.concatenate %dot_general3A_68, %dot_general3A_77, %broadcast_in_dim3A_79 in 0 : vector<1x8xf32>, vector<1x8xf32>, vector<6x8xf32> -> vector<8x8xf32>
    %eq3A = arith.constant 0 : i32
    %eq3A_80 = arith.cmpi eq, %arg0, %eq3A : i32
    %convert_element_type3A_81 = arith.extui %eq3A_80 : i1 to i32
    %cond3A = arith.constant 0 : i32
    %cond3A_82 = arith.cmpi ne, %convert_element_type3A_81, %cond3A : i32
    scf.if %cond3A_82 {
      %swap3A_87 = arith.constant 0 : index
      %swap3A_88 = arith.constant 0 : index
      %swap3A_89 = vector.load %arg16[%swap3A_87, %swap3A_88] : memref<8x8xf32, #tpu.memory_space<vmem>>, vector<8x8xf32>
      tpu.vector_store %arg16[%swap3A_87, %swap3A_88], %concatenate3A {strides = array<i32>} : memref<8x8xf32, #tpu.memory_space<vmem>>, vector<8x8xf32>,
    } else {
    }
    %gt3A = arith.constant 0 : i32
    %gt3A_83 = arith.cmpi sgt, %arg0, %gt3A : i32
    %convert_element_type3A_84 = arith.extui %gt3A_83 : i1 to i32
    %cond3A_85 = arith.constant 0 : i32
    %cond3A_86 = arith.cmpi ne, %convert_element_type3A_84, %cond3A_85 : i32
    scf.if %cond3A_86 {
      %get3A_87 = arith.constant 0 : index
      %get3A_88 = arith.constant 0 : index
      %get3A_89 = vector.load %arg16[%get3A_87, %get3A_88] : memref<8x8xf32, #tpu.memory_space<vmem>>, vector<8x8xf32>
      %add3A_90 = arith.addf %get3A_89, %concatenate3A : vector<8x8xf32>
      %swap3A_91 = arith.constant 0 : index
      %swap3A_92 = arith.constant 0 : index
      %swap3A_93 = vector.load %arg16[%swap3A_91, %swap3A_92] : memref<8x8xf32, #tpu.memory_space<vmem>>, vector<8x8xf32>
      tpu.vector_store %arg16[%swap3A_91, %swap3A_92], %add3A_90 {strides = array<i32>} : memref<8x8xf32, #tpu.memory_space<vmem>>, vector<8x8xf32>,
    } else {
    }
    return
  }
  func.func @transform_0(%arg0: i32) -> (i32, i32) {
    %c0_i32 = arith.constant 0 : i32
    %c0_i32_0 = arith.constant 0 : i32
    return %arg0, %c0_i32 : i32, i32
  }
  func.func @transform_1(%arg0: i32) -> (i32, i32) {
    %c0_i32 = arith.constant 0 : i32
    %c0_i32_0 = arith.constant 0 : i32
    return %arg0, %c0_i32 : i32, i32
  }
  func.func @transform_2(%arg0: i32) -> (i32, i32) {
    %c0_i32 = arith.constant 0 : i32
    %c0_i32_0 = arith.constant 0 : i32
    return %arg0, %c0_i32 : i32, i32
  }
  func.func @transform_3(%arg0: i32) -> (i32, i32) {
    %c0_i32 = arith.constant 0 : i32
    %c0_i32_0 = arith.constant 0 : i32
    %c0_i32_1 = arith.constant 0 : i32
    return %c0_i32, %c0_i32_0 : i32, i32
  }
  func.func @transform_4(%arg0: i32) -> (i32, i32) {
    %c0_i32 = arith.constant 0 : i32
    %c0_i32_0 = arith.constant 0 : i32
    %c0_i32_1 = arith.constant 0 : i32
    return %c0_i32, %c0_i32_0 : i32, i32
  }
  func.func @transform_5(%arg0: i32) -> (i32, i32) {
    %c0_i32 = arith.constant 0 : i32
    %c0_i32_0 = arith.constant 0 : i32
    %c0_i32_1 = arith.constant 0 : i32
    return %c0_i32, %c0_i32_0 : i32, i32
  }
  func.func @transform_6(%arg0: i32) -> (i32, i32) {
    %c0_i32 = arith.constant 0 : i32
    %c0_i32_0 = arith.constant 0 : i32
    %c0_i32_1 = arith.constant 0 : i32
    return %c0_i32, %c0_i32_0 : i32, i32
  }
  func.func @transform_7(%arg0: i32) -> (i32, i32) {
    %c0_i32 = arith.constant 0 : i32
    %c0_i32_0 = arith.constant 0 : i32
    %c0_i32_1 = arith.constant 0 : i32
    return %c0_i32, %c0_i32_0 : i32, i32
  }
  func.func @transform_8(%arg0: i32) -> (i32, i32) {
    %c0_i32 = arith.constant 0 : i32
    %c0_i32_0 = arith.constant 0 : i32
    %c0_i32_1 = arith.constant 0 : i32
    return %c0_i32, %c0_i32_0 : i32, i32
  }
  func.func @transform_9(%arg0: i32) -> (i32, i32) {
    %c0_i32 = arith.constant 0 : i32
    %c0_i32_0 = arith.constant 0 : i32
    %c0_i32_1 = arith.constant 0 : i32
    return %c0_i32, %c0_i32_0 : i32, i32
  }
  func.func @transform_10(%arg0: i32) -> (i32, i32) {
    %c0_i32 = arith.constant 0 : i32
    %c0_i32_0 = arith.constant 0 : i32
    %c0_i32_1 = arith.constant 0 : i32
    return %c0_i32, %c0_i32_0 : i32, i32
  }
  func.func @transform_11(%arg0: i32) -> (i32, i32) {
    %c0_i32 = arith.constant 0 : i32
    %c0_i32_0 = arith.constant 0 : i32
    %c0_i32_1 = arith.constant 0 : i32
    return %c0_i32, %c0_i32_0 : i32, i32
  }
  func.func @transform_12(%arg0: i32) -> (i32, i32) {
    %c0_i32 = arith.constant 0 : i32
    %c0_i32_0 = arith.constant 0 : i32
    %c0_i32_1 = arith.constant 0 : i32
    return %c0_i32, %c0_i32_0 : i32, i32
  }
  func.func @transform_13(%arg0: i32) -> (i32, i32) {
    %c0_i32 = arith.constant 0 : i32
    %c0_i32_0 = arith.constant 0 : i32
    %c0_i32_1 = arith.constant 0 : i32
    return %c0_i32, %c0_i32_0 : i32, i32
  }
  func.func @transform_14(%arg0: i32) -> (i32, i32) {
    %c0_i32 = arith.constant 0 : i32
    %c0_i32_0 = arith.constant 0 : i32
    return %arg0, %c0_i32 : i32, i32
  }
  func.func @transform_15(%arg0: i32) -> (i32, i32) {
    %c0_i32 = arith.constant 0 : i32
    %c0_i32_0 = arith.constant 0 : i32
    %c0_i32_1 = arith.constant 0 : i32
    return %c0_i32, %c0_i32_0 : i32, i32
  }
}

module attributes {stable_mosaic.version = 14 : i64} {
  func.func @_k4_body(%arg0: i32, %arg1: memref<2000x128xf32, #tpu.memory_space<vmem>>, %arg2: memref<2000x256xf32, #tpu.memory_space<vmem>>, %arg3: memref<2000x1024xbf16, #tpu.memory_space<vmem>>, %arg4: memref<256x256xf32, #tpu.memory_space<vmem>>, %arg5: memref<1x256xf32, #tpu.memory_space<vmem>>, %arg6: memref<1x256xf32, #tpu.memory_space<vmem>>, %arg7: memref<256x1024xf32, #tpu.memory_space<vmem>>, %arg8: memref<1x1024xf32, #tpu.memory_space<vmem>>, %arg9: memref<1x128xf32, #tpu.memory_space<vmem>>, %arg10: memref<1x128xf32, #tpu.memory_space<vmem>>, %arg11: memref<128x128xf32, #tpu.memory_space<vmem>>, %arg12: memref<1x128xf32, #tpu.memory_space<vmem>>, %arg13: memref<128x128xf32, #tpu.memory_space<vmem>>, %arg14: memref<128x1024xf32, #tpu.memory_space<vmem>>, %arg15: memref<1024x64xf32, #tpu.memory_space<vmem>>, %arg16: memref<2000x64xf32, #tpu.memory_space<vmem>>) attributes {dimension_semantics = [#tpu.dimension_semantics<arbitrary>], iteration_bounds = array<i64: 25>, scalar_prefetch = 0 : i64, scratch_operands = 0 : i64, tpu.core_type = #tpu.core_type<tc>, window_params = [{transform_indices = @transform_0, window_bounds = array<i64: 2000, 128>}, {transform_indices = @transform_1, window_bounds = array<i64: 2000, 256>}, {transform_indices = @transform_2, window_bounds = array<i64: 2000, 1024>}, {pipeline_mode = #tpu.pipeline_mode<synchronous>, transform_indices = @transform_3, window_bounds = array<i64: 256, 256>}, {pipeline_mode = #tpu.pipeline_mode<synchronous>, transform_indices = @transform_4, window_bounds = array<i64: 1, 256>}, {pipeline_mode = #tpu.pipeline_mode<synchronous>, transform_indices = @transform_5, window_bounds = array<i64: 1, 256>}, {pipeline_mode = #tpu.pipeline_mode<synchronous>, transform_indices = @transform_6, window_bounds = array<i64: 256, 1024>}, {pipeline_mode = #tpu.pipeline_mode<synchronous>, transform_indices = @transform_7, window_bounds = array<i64: 1, 1024>}, {pipeline_mode = #tpu.pipeline_mode<synchronous>, transform_indices = @transform_8, window_bounds = array<i64: 1, 128>}, {pipeline_mode = #tpu.pipeline_mode<synchronous>, transform_indices = @transform_9, window_bounds = array<i64: 1, 128>}, {pipeline_mode = #tpu.pipeline_mode<synchronous>, transform_indices = @transform_10, window_bounds = array<i64: 128, 128>}, {pipeline_mode = #tpu.pipeline_mode<synchronous>, transform_indices = @transform_11, window_bounds = array<i64: 1, 128>}, {pipeline_mode = #tpu.pipeline_mode<synchronous>, transform_indices = @transform_12, window_bounds = array<i64: 128, 128>}, {pipeline_mode = #tpu.pipeline_mode<synchronous>, transform_indices = @transform_13, window_bounds = array<i64: 128, 1024>}, {pipeline_mode = #tpu.pipeline_mode<synchronous>, transform_indices = @transform_14, window_bounds = array<i64: 1024, 64>}, {transform_indices = @transform_15, window_bounds = array<i64: 2000, 64>}]} {
    %get3A = arith.constant 0 : index
    %get3A_0 = arith.constant 0 : index
    %get3A_1 = vector.load %arg1[%get3A, %get3A_0] : memref<2000x128xf32, #tpu.memory_space<vmem>>, vector<2000x128xf32>
    %get3A_2 = arith.constant 0 : index
    %get3A_3 = arith.constant 0 : index
    %get3A_4 = vector.load %arg9[%get3A_2, %get3A_3] : memref<1x128xf32, #tpu.memory_space<vmem>>, vector<1x128xf32>
    %mul3A = vector.broadcast %get3A_4 : vector<1x128xf32> to vector<2000x128xf32>
    %mul3A_5 = arith.mulf %get3A_1, %mul3A : vector<2000x128xf32>
    %get3A_6 = arith.constant 0 : index
    %get3A_7 = arith.constant 0 : index
    %get3A_8 = vector.load %arg10[%get3A_6, %get3A_7] : memref<1x128xf32, #tpu.memory_space<vmem>>, vector<1x128xf32>
    %add3A = vector.broadcast %get3A_8 : vector<1x128xf32> to vector<2000x128xf32>
    %add3A_9 = arith.addf %mul3A_5, %add3A : vector<2000x128xf32>
    %max3A = arith.constant 0.000000e+00 : f32
    %max3A_10 = vector.broadcast %max3A : f32 to vector<2000x128xf32>
    %max3A_11 = arith.maximumf %add3A_9, %max3A_10 : vector<2000x128xf32>
    %get3A_12 = arith.constant 0 : index
    %get3A_13 = arith.constant 0 : index
    %get3A_14 = vector.load %arg11[%get3A_12, %get3A_13] : memref<128x128xf32, #tpu.memory_space<vmem>>, vector<128x128xf32>
    %dot_general3A = arith.constant dense<0.000000e+00> : vector<2000x128xf32>
    %dot_general3A_15 = tpu.matmul %max3A_11, %get3A_14, %dot_general3A {dimension_numbers = #tpu.dot_dimension_numbers<[1], [0], [0], [1], [0, 0, 1, 1], [], []>, transpose_lhs_hint = false} : vector<2000x128xf32>, vector<128x128xf32>, vector<2000x128xf32> -> vector<2000x128xf32>
    %get3A_16 = arith.constant 0 : index
    %get3A_17 = arith.constant 0 : index
    %get3A_18 = vector.load %arg12[%get3A_16, %get3A_17] : memref<1x128xf32, #tpu.memory_space<vmem>>, vector<1x128xf32>
    %add3A_19 = vector.broadcast %get3A_18 : vector<1x128xf32> to vector<2000x128xf32>
    %add3A_20 = arith.addf %dot_general3A_15, %add3A_19 : vector<2000x128xf32>
    %reduce_max3A = arith.constant dense<0xFF800000> : vector<2000xf32>
    %reduce_max3A_21 = vector.multi_reduction <maximumf>, %add3A_20, %reduce_max3A [1] : vector<2000x128xf32> to vector<2000xf32>
    %broadcast_in_dim3A = vector.shape_cast %reduce_max3A_21 : vector<2000xf32> to vector<2000x1xf32>
    %sub3A = vector.broadcast %broadcast_in_dim3A : vector<2000x1xf32> to vector<2000x128xf32>
    %sub3A_22 = arith.subf %add3A_20, %sub3A : vector<2000x128xf32>
    %exp3A = math.exp %sub3A_22 : vector<2000x128xf32>
    %get3A_23 = arith.constant 0 : index
    %get3A_24 = arith.constant 0 : index
    %get3A_25 = vector.load %arg13[%get3A_23, %get3A_24] : memref<128x128xf32, #tpu.memory_space<vmem>>, vector<128x128xf32>
    %dot_general3A_26 = arith.constant dense<0.000000e+00> : vector<2000x128xf32>
    %dot_general3A_27 = tpu.matmul %exp3A, %get3A_25, %dot_general3A_26 {dimension_numbers = #tpu.dot_dimension_numbers<[1], [0], [0], [1], [0, 0, 1, 1], [], []>, transpose_lhs_hint = false} : vector<2000x128xf32>, vector<128x128xf32>, vector<2000x128xf32> -> vector<2000x128xf32>
    %div3A = arith.divf %exp3A, %dot_general3A_27 : vector<2000x128xf32>
    %get3A_28 = arith.constant 0 : index
    %get3A_29 = arith.constant 0 : index
    %get3A_30 = vector.load %arg14[%get3A_28, %get3A_29] : memref<128x1024xf32, #tpu.memory_space<vmem>>, vector<128x1024xf32>
    %dot_general3A_31 = arith.constant dense<0.000000e+00> : vector<2000x1024xf32>
    %dot_general3A_32 = tpu.matmul %div3A, %get3A_30, %dot_general3A_31 {dimension_numbers = #tpu.dot_dimension_numbers<[1], [0], [0], [1], [0, 0, 1, 1], [], []>, transpose_lhs_hint = false} : vector<2000x128xf32>, vector<128x1024xf32>, vector<2000x1024xf32> -> vector<2000x1024xf32>
    %get3A_33 = arith.constant 0 : index
    %get3A_34 = arith.constant 0 : index
    %get3A_35 = vector.load %arg2[%get3A_33, %get3A_34] : memref<2000x256xf32, #tpu.memory_space<vmem>>, vector<2000x256xf32>
    %get3A_36 = arith.constant 0 : index
    %get3A_37 = arith.constant 0 : index
    %get3A_38 = vector.load %arg4[%get3A_36, %get3A_37] : memref<256x256xf32, #tpu.memory_space<vmem>>, vector<256x256xf32>
    %dot_general3A_39 = arith.constant dense<0.000000e+00> : vector<2000x256xf32>
    %dot_general3A_40 = tpu.matmul %get3A_35, %get3A_38, %dot_general3A_39 {dimension_numbers = #tpu.dot_dimension_numbers<[1], [0], [0], [1], [0, 0, 1, 1], [], []>, transpose_lhs_hint = false} : vector<2000x256xf32>, vector<256x256xf32>, vector<2000x256xf32> -> vector<2000x256xf32>
    %get3A_41 = arith.constant 0 : index
    %get3A_42 = arith.constant 0 : index
    %get3A_43 = vector.load %arg5[%get3A_41, %get3A_42] : memref<1x256xf32, #tpu.memory_space<vmem>>, vector<1x256xf32>
    %mul3A_44 = vector.broadcast %get3A_43 : vector<1x256xf32> to vector<2000x256xf32>
    %mul3A_45 = arith.mulf %dot_general3A_40, %mul3A_44 : vector<2000x256xf32>
    %get3A_46 = arith.constant 0 : index
    %get3A_47 = arith.constant 0 : index
    %get3A_48 = vector.load %arg6[%get3A_46, %get3A_47] : memref<1x256xf32, #tpu.memory_space<vmem>>, vector<1x256xf32>
    %add3A_49 = vector.broadcast %get3A_48 : vector<1x256xf32> to vector<2000x256xf32>
    %add3A_50 = arith.addf %mul3A_45, %add3A_49 : vector<2000x256xf32>
    %max3A_51 = arith.constant 0.000000e+00 : f32
    %max3A_52 = vector.broadcast %max3A_51 : f32 to vector<2000x256xf32>
    %max3A_53 = arith.maximumf %add3A_50, %max3A_52 : vector<2000x256xf32>
    %get3A_54 = arith.constant 0 : index
    %get3A_55 = arith.constant 0 : index
    %get3A_56 = vector.load %arg7[%get3A_54, %get3A_55] : memref<256x1024xf32, #tpu.memory_space<vmem>>, vector<256x1024xf32>
    %dot_general3A_57 = arith.constant dense<0.000000e+00> : vector<2000x1024xf32>
    %dot_general3A_58 = tpu.matmul %max3A_53, %get3A_56, %dot_general3A_57 {dimension_numbers = #tpu.dot_dimension_numbers<[1], [0], [0], [1], [0, 0, 1, 1], [], []>, transpose_lhs_hint = false} : vector<2000x256xf32>, vector<256x1024xf32>, vector<2000x1024xf32> -> vector<2000x1024xf32>
    %get3A_59 = arith.constant 0 : index
    %get3A_60 = arith.constant 0 : index
    %get3A_61 = vector.load %arg8[%get3A_59, %get3A_60] : memref<1x1024xf32, #tpu.memory_space<vmem>>, vector<1x1024xf32>
    %add3A_62 = vector.broadcast %get3A_61 : vector<1x1024xf32> to vector<2000x1024xf32>
    %add3A_63 = arith.addf %dot_general3A_58, %add3A_62 : vector<2000x1024xf32>
    %get3A_64 = arith.constant 0 : index
    %get3A_65 = arith.constant 0 : index
    %get3A_66 = vector.load %arg3[%get3A_64, %get3A_65] : memref<2000x1024xbf16, #tpu.memory_space<vmem>>, vector<2000x1024xbf16>
    %convert_element_type3A = arith.extf %get3A_66 : vector<2000x1024xbf16> to vector<2000x1024xf32>
    %add3A_67 = arith.addf %convert_element_type3A, %add3A_63 : vector<2000x1024xf32>
    %mul3A_68 = arith.mulf %add3A_67, %dot_general3A_32 : vector<2000x1024xf32>
    %get3A_69 = arith.constant 0 : index
    %get3A_70 = arith.constant 0 : index
    %get3A_71 = vector.load %arg15[%get3A_69, %get3A_70] : memref<1024x64xf32, #tpu.memory_space<vmem>>, vector<1024x64xf32>
    %dot_general3A_72 = arith.constant dense<0.000000e+00> : vector<2000x64xf32>
    %dot_general3A_73 = tpu.matmul %mul3A_68, %get3A_71, %dot_general3A_72 {dimension_numbers = #tpu.dot_dimension_numbers<[1], [0], [0], [1], [0, 0, 1, 1], [], []>, transpose_lhs_hint = false} : vector<2000x1024xf32>, vector<1024x64xf32>, vector<2000x64xf32> -> vector<2000x64xf32>
    %swap3A = arith.constant 0 : index
    %swap3A_74 = arith.constant 0 : index
    %swap3A_75 = vector.load %arg16[%swap3A, %swap3A_74] : memref<2000x64xf32, #tpu.memory_space<vmem>>, vector<2000x64xf32>
    tpu.vector_store %arg16[%swap3A, %swap3A_74], %dot_general3A_73 {strides = array<i32>} : memref<2000x64xf32, #tpu.memory_space<vmem>>, vector<2000x64xf32>,
    return
  }
  func.func @transform_0(%arg0: i32) -> (i32, i32) {
    %c0_i32 = arith.constant 0 : i32
    %c0_i32_0 = arith.constant 0 : i32
    return %arg0, %c0_i32 : i32, i32
  }
  func.func @transform_1(%arg0: i32) -> (i32, i32) {
    %c0_i32 = arith.constant 0 : i32
    %c0_i32_0 = arith.constant 0 : i32
    return %arg0, %c0_i32 : i32, i32
  }
  func.func @transform_2(%arg0: i32) -> (i32, i32) {
    %c0_i32 = arith.constant 0 : i32
    %c0_i32_0 = arith.constant 0 : i32
    return %arg0, %c0_i32 : i32, i32
  }
  func.func @transform_3(%arg0: i32) -> (i32, i32) {
    %c0_i32 = arith.constant 0 : i32
    %c0_i32_0 = arith.constant 0 : i32
    %c0_i32_1 = arith.constant 0 : i32
    return %c0_i32, %c0_i32_0 : i32, i32
  }
  func.func @transform_4(%arg0: i32) -> (i32, i32) {
    %c0_i32 = arith.constant 0 : i32
    %c0_i32_0 = arith.constant 0 : i32
    %c0_i32_1 = arith.constant 0 : i32
    return %c0_i32, %c0_i32_0 : i32, i32
  }
  func.func @transform_5(%arg0: i32) -> (i32, i32) {
    %c0_i32 = arith.constant 0 : i32
    %c0_i32_0 = arith.constant 0 : i32
    %c0_i32_1 = arith.constant 0 : i32
    return %c0_i32, %c0_i32_0 : i32, i32
  }
  func.func @transform_6(%arg0: i32) -> (i32, i32) {
    %c0_i32 = arith.constant 0 : i32
    %c0_i32_0 = arith.constant 0 : i32
    %c0_i32_1 = arith.constant 0 : i32
    return %c0_i32, %c0_i32_0 : i32, i32
  }
  func.func @transform_7(%arg0: i32) -> (i32, i32) {
    %c0_i32 = arith.constant 0 : i32
    %c0_i32_0 = arith.constant 0 : i32
    %c0_i32_1 = arith.constant 0 : i32
    return %c0_i32, %c0_i32_0 : i32, i32
  }
  func.func @transform_8(%arg0: i32) -> (i32, i32) {
    %c0_i32 = arith.constant 0 : i32
    %c0_i32_0 = arith.constant 0 : i32
    %c0_i32_1 = arith.constant 0 : i32
    return %c0_i32, %c0_i32_0 : i32, i32
  }
  func.func @transform_9(%arg0: i32) -> (i32, i32) {
    %c0_i32 = arith.constant 0 : i32
    %c0_i32_0 = arith.constant 0 : i32
    %c0_i32_1 = arith.constant 0 : i32
    return %c0_i32, %c0_i32_0 : i32, i32
  }
  func.func @transform_10(%arg0: i32) -> (i32, i32) {
    %c0_i32 = arith.constant 0 : i32
    %c0_i32_0 = arith.constant 0 : i32
    %c0_i32_1 = arith.constant 0 : i32
    return %c0_i32, %c0_i32_0 : i32, i32
  }
  func.func @transform_11(%arg0: i32) -> (i32, i32) {
    %c0_i32 = arith.constant 0 : i32
    %c0_i32_0 = arith.constant 0 : i32
    %c0_i32_1 = arith.constant 0 : i32
    return %c0_i32, %c0_i32_0 : i32, i32
  }
  func.func @transform_12(%arg0: i32) -> (i32, i32) {
    %c0_i32 = arith.constant 0 : i32
    %c0_i32_0 = arith.constant 0 : i32
    %c0_i32_1 = arith.constant 0 : i32
    return %c0_i32, %c0_i32_0 : i32, i32
  }
  func.func @transform_13(%arg0: i32) -> (i32, i32) {
    %c0_i32 = arith.constant 0 : i32
    %c0_i32_0 = arith.constant 0 : i32
    %c0_i32_1 = arith.constant 0 : i32
    return %c0_i32, %c0_i32_0 : i32, i32
  }
  func.func @transform_14(%arg0: i32) -> (i32, i32) {
    %c0_i32 = arith.constant 0 : i32
    %c0_i32_0 = arith.constant 0 : i32
    %c0_i32_1 = arith.constant 0 : i32
    return %c0_i32, %c0_i32_0 : i32, i32
  }
  func.func @transform_15(%arg0: i32) -> (i32, i32) {
    %c0_i32 = arith.constant 0 : i32
    %c0_i32_0 = arith.constant 0 : i32
    return %arg0, %c0_i32 : i32, i32
  }
}

</mosaic_0001>

<sc_bundles>
// kernel: kernel.12.cloned.1.call-start
scs
__scs_entry_jumppad:
0x0: {  	(pc) =	sbr.rel $0x88, $3  }
0x1: {  	(tag) =	ssettag $0x0;
	lr =	simm.s32 $0x1  }
0x2: {  	[smem:$0x3F89] =	sst lr;
	_ =	strace $0xD0000000  }
0x3: {  	_ = 	snop  }
0x4: {  	_ = 	snop  }
0x5: {  	_ = 	snop  }
0x6: {  	_ = 	snop  }
0x7: {  	_ = 	snop  }
__scs_overlays_trampoline_lowered:
0x8: {  	[smem:$0x3F98] =	sst s0  }
0x9: {  	[smem:$0x3F99] =	sst s1  }
0xa: {  	[smem:$0x3F9A] =	sst s2  }
0xb: {  	[smem:$0x3F9B] =	sst s3  }
0xc: {  	[smem:$0x3F9C] =	sst s4  }
0xd: {  	[smem:$0x3F9D] =	sst s5  }
0xe: {  	[smem:$0x3F9E] =	sst s6  }
0xf: {  	[smem:$0x3F9F] =	sst s7  }
0x10: {  	[smem:$0x3FA0] =	sst s8  }
0x11: {  	[smem:$0x3FA1] =	sst s9;
	s0 =	simm.s32 @!p0 $0x0  }
0x12: {  	s1 =	sld [smem:$0x3F87];
	s0 =	simm.s32 @p0 $0x1  }
0x13: {  	[smem:$0x3FA2] =	sst s0;
	s0 =	simm.s32 @!p1 $0x0  }
0x14: {  	s2 =	sld [smem:$0x3F86];
	s0 =	simm.s32 @p1 $0x1  }
0x15: {  	[smem:$0x3FA3] =	sst s0;
	s0 =	simm.s32 @!p2 $0x0  }
0x16: {  	s3 =	sld [smem:$0x3FDB];
	s0 =	simm.s32 @p2 $0x1  }
0x17: {  	s4 =	simm.s32 $0x1BF5;
	[smem:$0x3FA5] =	sst s0  }
0x18: {  	s0 =	sld [smem:$0x3F88];
	_ =	swait.ge [sflag:s4], $0x0  }
0x19: {  	s7 =	sld [smem:$0x3F89]  }
0x1a: {  	s8 =	sadd.s32 $0xFFFFE003, lr  }
0x1b: {  	s9 =	sadd.s32 $0xFFFFFEF7, lr;
	s5 =	simm.s32 $0xFFFFFFFF;
	p2 =	slt.u32 s8, $0xFFFFF086  }
0x1c: {  	p1 =	slt.u32 s9, $0xF7A;
	s5 =	simm.s32 @!p2 $0x0  }
0x1d: {  	s5 =	simm.s32 @p1 $0x1;
	p0 =	seq.s32 s7, s2  }
0x1e: {  	s7 =	smul.u32 @!p0 $0xF7A, s2;
	p2 =	seq.s32 @!p0 s5, $0x0  }
0x1f: {  	s9 =	smul.u32 $0xF7A, s1;
	s8 =	simm.s32 @!p0 $0x1BF5;
	p2 =	por !p2, p0  }
0x20: {  	[sflag:s8] =	ssyncset.s32 @!p0 $0xFFFFF086;
	s6 =	sadd.s32 @!p0 s3, s7;
	s7 =	simm.s32 @!p0 $0x108  }
0x21: {  	s3 =	sadd.s32 s3, s9;
	s6 =	sadd.s32 @!p0 $0x88, s6;
	s7 =	simm.s32 @p2 $0x1082  }
0x22: {  	[simem:s7], [sflag:s8] =	dma.local @!p0 [hbm:s6], $0xF7A  }
0x23: {  	s9 =	sor.u32 $0xD0000000, s2;
	s6 =	simm.s32 $0x108;
	_ =	swait.ge @!p0 [sflag:s8], $0x0  }
0x24: {  	s3 =	sadd.s32 $0x88, s3;
	s6 =	simm.s32 @!p1 $0x1082;
	[sflag:s4] =	ssyncset.s32 $0xFFFFF086  }
0x25: {  	[simem:s6], [sflag:s4] =	dma.local [hbm:s3], $0xF7A  }
0x26: {  	[smem:$0x3F89] =	sst s1;
	(tag) =	ssettag s2;
	_ =	strace s9  }
0x27: {  	s1 =	sld [smem:$0x3F99]  }
0x28: {  	s2 =	sld [smem:$0x3F9A]  }
0x29: {  	s4 =	sld [smem:$0x3F9C]  }
0x2a: {  	p0 =	seq.s32 s5, $0x0;
	s5 =	sld [smem:$0x3F9D]  }
0x2b: {  	s6 =	sld [smem:$0x3F9E]  }
0x2c: {  	s7 =	sld [smem:$0x3F9F]  }
0x2d: {  	s3 =	simm.s32 $0x108;
	s8 =	sld [smem:$0x3FA0]  }
0x2e: {  	s3 =	simm.s32 @!p0 $0x1082;
	s9 =	sld [smem:$0x3FA1]  }
0x2f: {  	lr =	sadd.s32 s0, s3;
	s0 =	sld [smem:$0x3F98]  }
0x30: {  	s3 =	sld [smem:$0x3F9B]  }
0x31: {  	[smem:$0x3FA4] =	sst s10  }
0x32: {  	s10 =	sld [smem:$0x3FA2];
	_ =	sdelay $0x3  }
0x33: {  	p0 =	seq.s32 s10, $0x1;
	s10 =	sld [smem:$0x3FA4];
	_ =	sdelay $0x3  }
0x34: {  	[smem:$0x3FA4] =	sst s10  }
0x35: {  	s10 =	sld [smem:$0x3FA3];
	_ =	sdelay $0x3  }
0x36: {  	p1 =	seq.s32 s10, $0x1;
	s10 =	sld [smem:$0x3FA4];
	_ =	sdelay $0x3  }
0x37: {  	[smem:$0x3FA4] =	sst s10  }
0x38: {  	s10 =	sld [smem:$0x3FA5]  }
0x39: {  	_ = 	snop;
	(pc) =	sbr.ind lr, $3  }
0x3a: {  	_ = 	snop  }
0x3b: {  	_ = 	snop  }
0x3c: {  	p2 =	seq.s32 s10, $0x1;
	s10 =	sld [smem:$0x3FA4]  }
0x3d: {  	_ =	shalt  }
0x3e: {  	_ =	shalt  }
0x3f: {  	_ =	shalt  }
0x40: {  	_ =	shalt  }
0x41: {  	_ =	shalt  }
0x42: {  	_ =	shalt  }
0x43: {  	_ =	shalt  }
0x44: {  	_ =	shalt  }
0x45: {  	_ =	shalt  }
0x46: {  	_ =	shalt  }
0x47: {  	_ =	shalt  }
0x48: {  	_ =	shalt  }
0x49: {  	_ =	shalt  }
0x4a: {  	_ =	shalt  }
0x4b: {  	_ =	shalt  }
0x4c: {  	_ =	shalt  }
0x4d: {  	_ =	shalt  }
0x4e: {  	_ =	shalt  }
0x4f: {  	_ =	shalt  }
0x50: {  	_ =	shalt  }
0x51: {  	_ =	shalt  }
0x52: {  	_ =	shalt  }
0x53: {  	_ =	shalt  }
0x54: {  	_ =	shalt  }
0x55: {  	_ =	shalt  }
0x56: {  	_ =	shalt  }
0x57: {  	_ =	shalt  }
0x58: {  	_ =	shalt  }
0x59: {  	_ =	shalt  }
0x5a: {  	_ =	shalt  }
0x5b: {  	_ =	shalt  }
0x5c: {  	_ =	shalt  }
0x5d: {  	_ =	shalt  }
0x5e: {  	_ =	shalt  }
0x5f: {  	_ =	shalt  }
0x60: {  	_ =	shalt  }
0x61: {  	_ =	shalt  }
0x62: {  	_ =	shalt  }
0x63: {  	_ =	shalt  }
0x64: {  	_ =	shalt  }
0x65: {  	_ =	shalt  }
0x66: {  	_ =	shalt  }
0x67: {  	_ =	shalt  }
0x68: {  	_ =	shalt  }
0x69: {  	_ =	shalt  }
0x6a: {  	_ =	shalt  }
0x6b: {  	_ =	shalt  }
0x6c: {  	_ =	shalt  }
0x6d: {  	_ =	shalt  }
0x6e: {  	_ =	shalt  }
0x6f: {  	_ =	shalt  }
0x70: {  	_ =	shalt  }
0x71: {  	_ =	shalt  }
0x72: {  	_ =	shalt  }
0x73: {  	_ =	shalt  }
0x74: {  	_ =	shalt  }
0x75: {  	_ =	shalt  }
0x76: {  	_ =	shalt  }
0x77: {  	_ =	shalt  }
0x78: {  	_ =	shalt  }
0x79: {  	_ =	shalt  }
0x7a: {  	_ =	shalt  }
0x7b: {  	_ =	shalt  }
0x7c: {  	_ =	shalt  }
0x7d: {  	_ =	shalt  }
0x7e: {  	_ =	shalt  }
0x7f: {  	_ =	shalt  }
0x80: {  	_ =	shalt  }
0x81: {  	_ =	shalt  }
0x82: {  	_ =	shalt  }
0x83: {  	_ =	shalt  }
0x84: {  	_ =	shalt  }
0x85: {  	_ =	shalt  }
0x86: {  	_ =	shalt  }
0x87: {  	_ =	shalt  }
.Lfunc_end0:
.L_simem_size_0:
called_computation.1_lowered:
.L_overlay_start_0:
0x88: {  	s2 =	sld [smem:$0x3FD9]  }
0x89: {  	s3 =	sld [smem:$0x3FFE];
	_ =	sdelay $0x1  }
0x8a: {  	s1 =	srdreg.scid  }
0x8b: {  	s0 =	sand.u32 $0x1, s1  }
0x8c: {  	s17 =	sshll.u32 s0, $0xA;
	s2 =	sadd.s32 s3, s2  }
0x8d: {  	s2 =	sadd.s32 s2, s17  }
0x8e: {  	[smem:$0x3FB0] =	sst s2  }
0x8f: {  	_ = 	snop  }
0x90: {  	s2 =	sld [smem:$0x3FD0];
	(tm) =	ssettm $0x1  }
0x91: {  	s18 =	sld [smem:$0x3FFB];
	_ =	sdelay $0x3  }
0x92: {  	_ =	strace s18  }
0x93: {  	s3 =	sld [smem:$0x3FFC];
	_ =	sdelay $0x3  }
0x94: {  	_ =	strace s3  }
0x95: {  	s3 =	sld [smem:$0x3FFD];
	_ =	sdelay $0x3  }
0x96: {  	_ =	strace s3  }
0x97: {  	_ =	strace $0x8FFFFFFF  }
0x98: {  	s19 =	sld [smem:$0x3FDB];
	_ =	sdelay $0x1  }
0x99: {  	s4 =	simm.s32 $_scs_section_size  }
0x9a: {  	s5 =	simm.s32 $_size__tile_overlayer_lowered;
	s6 =	simm.s32 $_tile_overlayer_lowered  }
0x9b: {  	s22 =	simm.s32 $0x1BFF;
	s21 =	sshll.u32 s6, $0x1;
	s3 =	sadd.s32 s4, s19  }
0x9c: {  	s7 =	simm.s32 $0x0;
	s20 =	sshll.u32 s5, $0x1;
	s5 =	sadd.s32 s21, s3  }
0x9d: {  	[timem:s7], [sflag:s22] =	dma.local [hbm:s5], s20  }
0x9e: {  	_ =	swait.ge [sflag:s22], s20  }
0x9f: {  	s4 =	ssub.s32 $0x0, s20;
	[sflag:s22] =	ssyncset.done $0x0  }
0xa0: {  	[sflag:s22] =	ssyncadd.s32 s4;
	_ =	sdelay $0x1  }
0xa1: {  	s23 =	simm.s32 $0x1B8B  }
0xa2: {  	_ =	swait.ge [sflag:s23], $0x1  }
0xa3: {  	[sflag:s23] =	ssyncset.done $0x0  }
0xa4: {  	s25 =	simm.s32 $0x1B8E;
	s24 =	sld [smem:$0x3FFE];
	[sflag:s23] =	ssyncadd.s32 $0xFFFFFFFF  }
0xa5: {  	s26 =	simm.s32 $execute0_lowered;
	[smem:$0x3FD2] =	sst s25  }
0xa6: {  	s5 =	sshll.u32 s26, $0x1;
	_ =	strace $0x80000049;
	[dreg:$0x1] =	wrdreg $0xFFFFFFFF  }
0xa7: {  	s28 =	simm.s32 $_size_execute0_lowered;
	s3 =	sadd.s32 s3, s5;
	[dreg:$0x0] =	wrdreg $0x0  }
0xa8: {  	s5 =	sshll.u32 s28, $0x1;
	[dreg:$0x2] =	wrdreg s3  }
0xa9: {  	[dreg:$0x3] =	wrdreg s5  }
0xaa: {  	[dreg:$0x4] =	wrdreg $0xC0  }
0xab: {  	_ =	task [dreg:s7], $0x5FFFF  }
0xac: {  	[dreg:$0x1] =	wrdreg $0xFFFFFFFF  }
0xad: {  	[dreg:$0x0] =	wrdreg $0x60  }
0xae: {  	[dreg:$0x2] =	wrdreg s24  }
0xaf: {  	[dreg:$0x3] =	wrdreg s2  }
0xb0: {  	[dreg:$0x4] =	wrdreg $0x9  }
0xb1: {  	_ =	task.clear_ibuf [dreg:s7], $0x5FFFF;
	_ =	strace $0x90000049  }
0xb2: {  	s29 =	simm.s32 $0x9;
	_ =	strace $0x8000004B  }
0xb3: {  	_ =	swait.ge [sflag:s29], $0x1  }
0xb4: {  	[sflag:s29] =	ssyncadd.s32 $0xFFFFFFFF  }
0xb5: {  	_ =	strace $0x9000004B  }
0xb6: {  	_ =	sfence  }
0xb7: {  	s30 =	sld [smem:$0x0];
	_ =	sdelay $0x2  }
0xb8: {  	s31 =	sshll.u32 s1, $0xD;
	s1 =	sshrl.u32 s1, $0x2  }
0xb9: {  	s3 =	sand.u32 $0x4000, s31;
	s1 =	sadd.s32 s1, s30  }
0xba: {  	s0 =	sor.u32 s3, s0;
	s1 =	sshll.u32 s1, $0x11  }
0xbb: {  	s0 =	sor.u32 s1, s0  }
0xbc: {  	s0 =	sadd.s32 $0x8F2B, s0  }
0xbd: {  	[sflag:s0] =	ssyncadd.remote.s32 $0x1  }
0xbe: {  	_ =	sfence.sel $0xFFFF  }
0xbf: {  	[dreg:$0x0] =	wrdreg $0xFFFFFFFF;
	(pc) =	sbr.abs _section_cstart, $3  }
0xc0: {  	[dreg:$0x1] =	wrdreg $0xFFFFFFFF  }
0xc1: {  	_ =	task.clear_ibuf [dreg:s7], $0x2FFFF;
	_ =	strace $0x9FFFFFFF  }
0xc2: {  	(tm) =	ssettm $0x7FFFFFFF  }
0xc3: {  	_ =	shalt  }
tec
execute0_lowered:
.L_overlay_start_1:
0x0: {  	(tag) =	ssettag $0x1  }
0x1: {  	s5 =	rddreg [dreg:$0x0]  }
0x2: {  	s1 =	srdreg.scid;
	s0 =	stileid.u32  }
0x3: {  	s2 =	rddreg [dreg:$0x1];
	s3 =	simm.s32 $0x0;
	s11 =	simm.s32 $0x3  }
0x4: {  	s12 =	simm.s32 $0x80;
	s13 =	simm.s32 $0x6200;
	s14 =	simm.s32 $0x7200  }
0x5: {  	s15 =	simm.s32 $0x1;
	s16 =	simm.s32 $0x2;
	s17 =	simm.s32 $0x0  }
0x6: {  	s6 =	sand.u32 $0x1, s1;
	s28 =	sshll.u32 s0, $0x1;
	s4 =	smul.u32 $0x186, s0  }
0x7: {  	s1 =	rddreg [dreg:$0x2];
	s7 =	sor.u32 s6, s28;
	s8 =	smul.u32 $0xC3, s6  }
0x8: {  	[smem:$0x7FF] =	sst s3;
	p0 =	slt.u32 s0, $0x5;
	s9 =	smul.u32 $0xC3, s7  }
0x9: {  	s6 =	ssub.s32 $0x2, s6;
	s7 =	smin.u32 s7, $0xA;
	s4 =	sadd.s32 s8, s4  }
0xa: {  	s30 =	sshrl.u32 s6, $0x1;
	s29 =	sadd.s32 s7, s9;
	s7 =	sadd.s32 s7, s4  }
0xb: {  	s4 =	sadd.s32 $0x39800, s5;
	s8 =	sshll.u32 s29, $0x4;
	s7 =	sshll.u32 s7, $0x9  }
0xc: {  	s8 =	sadd.s32 s8, s5;
	s10 =	sadd.s32 s7, s5;
	s5 =	simm.s32 $0xC4  }
0xd: {  	_ =	strace $0x8000004A;
	s31 =	ssub.s32 s6, s30;
	s5 =	simm.s32 @!p0 $0xC3  }
0xe: {  	s6 =	sadd.s32 $0x21000, s8;
	s7 =	sadd.s32 $0x21C30, s8;
	s8 =	smax.u32 s31, $0x1  }
0xf: {  	s9 =	sadd.s32 $0x3F1C00, s10;
	s10 =	sadd.s32 $0x6FF000, s10;
	p0 =	sgt.u32 s0, $0x4  }
.LBB2_1:
0x10: {  	[tilespmem:s3], [sflag:$0x3] =	stream.linear.gather [hbm4b:s6+s3], $0x6180, $0x38;
	[tilespmem:$0x8200] =	vst v63  }
0x11: {  	_ =	swait.ge [sflag:s11], $0x6180  }
0x12: {  	[sflag:s11] =	ssyncset.done $0x0  }
0x13: {  	s18 =	simm.s32 @!p0 $0x0;
	s19 =	simm.s32 @!p0 $0x6180;
	[sflag:s11] =	ssyncadd.s32 $0xFFFF9E80  }
0x14: {  	[tilespmem:s19], [sflag:$0x3] =	stream.linear.gather @!p0 [hbm4b:s7+s18], $0x80, $0x38;
	[tilespmem:$0x8200] =	vst v63  }
0x15: {  	s18 =	simm.s32 @!p0 $0x3  }
0x16: {  	_ =	swait.ge @!p0 [sflag:s18], $0x80  }
0x17: {  	[sflag:s18] =	ssyncset.done @!p0 $0x0  }
0x18: {  	[sflag:s18] =	ssyncadd.s32 @!p0 $0xFFFFFF80  }
0x19: {  	[tilespmem:s13], [sflag:$0x1] =	stream.indirect.gather [hbm4b:s4+s12], $0x20, s3, s12, $0xb8;
	[tilespmem:$0x8200] =	vst v63  }
0x1a: {  	_ = 	snop  }
0x1b: {  	[tilespmem:s14], [sflag:$0x2] =	stream.indirect.gather [hbm4b:s2+s12], $0x20, s3, s12, $0xb8;
	[tilespmem:$0x8200] =	vst v63  }
0x1c: {  	_ =	swait.ge [sflag:s15], $0x1000  }
0x1d: {  	[sflag:s15] =	ssyncset.done $0x0  }
0x1e: {  	[sflag:s15] =	ssyncadd.s32 $0xFFFFF000  }
0x1f: {  	[hbm4b:s9+s3] =	stream.linear.scatter [tilespmem:s13], [sflag:$0x3], $0x1000, $0x38;
	[tilespmem:$0x8200] =	vst v63  }
0x20: {  	_ =	swait.ge [sflag:s11], $0x1000  }
0x21: {  	[sflag:s11] =	ssyncset.done $0x0  }
0x22: {  	[sflag:s11] =	ssyncadd.s32 $0xFFFFF000  }
0x23: {  	p1 =	sne.s32 s5, $0x1;
	_ =	swait.ge [sflag:s16], $0x1000  }
.Ltmp0:
0x24: {  	[sflag:s16] =	ssyncset.done $0x0;
	(pc) =	sbr.rel @!p1 .LBB2_3-.Ltmp0, $4  }
0x25: {  	[sflag:s16] =	ssyncadd.s32 $0xFFFFF000  }
0x26: {  	[hbm4b:s10+s3] =	stream.linear.scatter [tilespmem:s14], [sflag:$0x3], $0x1000, $0x38;
	[tilespmem:$0x8200] =	vst v63  }
0x27: {  	s20 =	simm.s32 $0x0;
	s21 =	smov.u32 s9;
	_ =	swait.ge [sflag:s11], $0x1000  }
0x28: {  	s19 =	sadd.s32 $0x200, s10;
	s18 =	sadd.s32 $0xFFFFFFFF, s5;
	[sflag:s11] =	ssyncset.done $0x0  }
.LBB2_2:
0x29: {  	[sflag:s11] =	ssyncadd.s32 $0xFFFFF000;
	s20 =	sadd.s32 $0x80, s20;
	s21 =	sadd.s32 $0x200, s21  }
0x2a: {  	[tilespmem:s13], [sflag:$0x1] =	stream.indirect.gather [hbm4b:s4+s12], $0x20, s20, s12, $0xb8;
	[tilespmem:$0x8200] =	vst v63  }
0x2b: {  	p1 =	sne.s32 s18, $0x1;
	s18 =	sadd.s32 $0xFFFFFFFF, s18  }
0x2c: {  	[tilespmem:s14], [sflag:$0x2] =	stream.indirect.gather [hbm4b:s2+s12], $0x20, s20, s12, $0xb8;
	[tilespmem:$0x8200] =	vst v63  }
0x2d: {  	_ =	swait.ge [sflag:s15], $0x1000  }
0x2e: {  	[sflag:s15] =	ssyncset.done $0x0  }
0x2f: {  	[sflag:s15] =	ssyncadd.s32 $0xFFFFF000  }
0x30: {  	[hbm4b:s21+s3] =	stream.linear.scatter [tilespmem:s13], [sflag:$0x3], $0x1000, $0x38;
	[tilespmem:$0x8200] =	vst v63  }
0x31: {  	_ =	swait.ge [sflag:s11], $0x1000  }
0x32: {  	[sflag:s11] =	ssyncset.done $0x0  }
0x33: {  	[sflag:s11] =	ssyncadd.s32 $0xFFFFF000  }
0x34: {  	_ =	swait.ge [sflag:s16], $0x1000  }
.Ltmp1:
0x35: {  	[sflag:s16] =	ssyncset.done $0x0;
	(pc) =	sbr.rel @p1 .LBB2_2-.Ltmp1, $4  }
0x36: {  	[sflag:s16] =	ssyncadd.s32 $0xFFFFF000  }
0x37: {  	[hbm4b:s19+s3] =	stream.linear.scatter [tilespmem:s14], [sflag:$0x3], $0x1000, $0x38;
	[tilespmem:$0x8200] =	vst v63  }
0x38: {  	_ =	swait.ge [sflag:s11], $0x1000  }
0x39: {  	s19 =	sadd.s32 $0x200, s19;
	[sflag:s11] =	ssyncset.done $0x0  }
.LBB2_3:
0x3a: {  	s17 =	sadd.s32 $0x1, s17  }
0x3b: {  	p1 =	sne.s32 s17, s8  }
.Ltmp2:
0x3c: {  	_ = 	snop;
	(pc) =	sbr.rel @p1 .LBB2_1-.Ltmp2, $2  }
0x3d: {  	_ =	sdelay $0x2  }
0x3e: {  	[sflag:s11] =	ssyncadd.s32 $0xFFFFF000  }
0x3f: {  	_ =	sfence.sel $0x180000  }
0x40: {  	[bflag:$0x0] =	sbarrier.arrive $0xFFFF  }
0x41: {  	p0 =	sne.s32 s0, $0x0;
	_ =	strace $0x9000004A  }
0x42: {  	s0 =	sadd.s32 @!p0 $0x100000, s1;
	[bflag:$0x2] =	sbarrier.arrive $0xFFFF  }
0x43: {  	[sflag:s0] =	ssyncadd.tile.s32 @!p0 $0x1;
	_ =	shalt  }
.Lfunc_end2:
_tile_overlayer_lowered:
.L_overlay_start_2:
0x44: {  	(tag) =	ssettag $0x2  }
0x45: {  	s0 =	rddreg [dreg:$0x0];
	s2 =	stileid.u32  }
0x46: {  	s1 =	rddreg [dreg:$0x1];
	p0 =	sne.s32 s2, $0x0  }
0x47: {  	s3 =	rddreg [dreg:$0x2];
	[bflag:$0x3] =	sbarrier.arrive $0xFFFF;
	s2 =	simm.s32 @!p0 $0x1C03  }
0x48: {  	[timem:s3], [sflag:s2] =	dma.local @!p0 [hbm:s0], s1  }
0x49: {  	s0 =	simm.s32 @!p0 $0x3  }
0x4a: {  	_ =	swait.ge @!p0 [sflag:s0], s1  }
0x4b: {  	s1 =	ssub.s32 @!p0 $0x0, s1;
	[sflag:s0] =	ssyncset.done @!p0 $0x0  }
0x4c: {  	[sflag:s0] =	ssyncadd.s32 @!p0 s1  }
0x4d: {  	[bflag:$0x3] =	sbarrier.arrive $0xFFFF  }
0x4e: {  	_ =	shalt  }

// kernel: kernel.9.cloned.1.call-start
scs
__scs_entry_jumppad:
0x0: {  	(pc) =	sbr.rel $0x88, $3  }
0x1: {  	(tag) =	ssettag $0x0;
	lr =	simm.s32 $0x1  }
0x2: {  	[smem:$0x3F89] =	sst lr;
	_ =	strace $0xD0000000  }
0x3: {  	_ = 	snop  }
0x4: {  	_ = 	snop  }
0x5: {  	_ = 	snop  }
0x6: {  	_ = 	snop  }
0x7: {  	_ = 	snop  }
__scs_overlays_trampoline_lowered:
0x8: {  	[smem:$0x3F98] =	sst s0  }
0x9: {  	[smem:$0x3F99] =	sst s1  }
0xa: {  	[smem:$0x3F9A] =	sst s2  }
0xb: {  	[smem:$0x3F9B] =	sst s3  }
0xc: {  	[smem:$0x3F9C] =	sst s4  }
0xd: {  	[smem:$0x3F9D] =	sst s5  }
0xe: {  	[smem:$0x3F9E] =	sst s6  }
0xf: {  	[smem:$0x3F9F] =	sst s7  }
0x10: {  	[smem:$0x3FA0] =	sst s8  }
0x11: {  	[smem:$0x3FA1] =	sst s9;
	s0 =	simm.s32 @!p0 $0x0  }
0x12: {  	s1 =	sld [smem:$0x3F87];
	s0 =	simm.s32 @p0 $0x1  }
0x13: {  	[smem:$0x3FA2] =	sst s0;
	s0 =	simm.s32 @!p1 $0x0  }
0x14: {  	s2 =	sld [smem:$0x3F86];
	s0 =	simm.s32 @p1 $0x1  }
0x15: {  	[smem:$0x3FA3] =	sst s0;
	s0 =	simm.s32 @!p2 $0x0  }
0x16: {  	s3 =	sld [smem:$0x3FDB];
	s0 =	simm.s32 @p2 $0x1  }
0x17: {  	s4 =	simm.s32 $0x1BF5;
	[smem:$0x3FA5] =	sst s0  }
0x18: {  	s0 =	sld [smem:$0x3F88];
	_ =	swait.ge [sflag:s4], $0x0  }
0x19: {  	s7 =	sld [smem:$0x3F89]  }
0x1a: {  	s8 =	sadd.s32 $0xFFFFE003, lr  }
0x1b: {  	s9 =	sadd.s32 $0xFFFFFEF7, lr;
	s5 =	simm.s32 $0xFFFFFFFF;
	p2 =	slt.u32 s8, $0xFFFFF086  }
0x1c: {  	p1 =	slt.u32 s9, $0xF7A;
	s5 =	simm.s32 @!p2 $0x0  }
0x1d: {  	s5 =	simm.s32 @p1 $0x1;
	p0 =	seq.s32 s7, s2  }
0x1e: {  	s7 =	smul.u32 @!p0 $0xF7A, s2;
	p2 =	seq.s32 @!p0 s5, $0x0  }
0x1f: {  	s9 =	smul.u32 $0xF7A, s1;
	s8 =	simm.s32 @!p0 $0x1BF5;
	p2 =	por !p2, p0  }
0x20: {  	[sflag:s8] =	ssyncset.s32 @!p0 $0xFFFFF086;
	s6 =	sadd.s32 @!p0 s3, s7;
	s7 =	simm.s32 @!p0 $0x108  }
0x21: {  	s3 =	sadd.s32 s3, s9;
	s6 =	sadd.s32 @!p0 $0x88, s6;
	s7 =	simm.s32 @p2 $0x1082  }
0x22: {  	[simem:s7], [sflag:s8] =	dma.local @!p0 [hbm:s6], $0xF7A  }
0x23: {  	s9 =	sor.u32 $0xD0000000, s2;
	s6 =	simm.s32 $0x108;
	_ =	swait.ge @!p0 [sflag:s8], $0x0  }
0x24: {  	s3 =	sadd.s32 $0x88, s3;
	s6 =	simm.s32 @!p1 $0x1082;
	[sflag:s4] =	ssyncset.s32 $0xFFFFF086  }
0x25: {  	[simem:s6], [sflag:s4] =	dma.local [hbm:s3], $0xF7A  }
0x26: {  	[smem:$0x3F89] =	sst s1;
	(tag) =	ssettag s2;
	_ =	strace s9  }
0x27: {  	s1 =	sld [smem:$0x3F99]  }
0x28: {  	s2 =	sld [smem:$0x3F9A]  }
0x29: {  	s4 =	sld [smem:$0x3F9C]  }
0x2a: {  	p0 =	seq.s32 s5, $0x0;
	s5 =	sld [smem:$0x3F9D]  }
0x2b: {  	s6 =	sld [smem:$0x3F9E]  }
0x2c: {  	s7 =	sld [smem:$0x3F9F]  }
0x2d: {  	s3 =	simm.s32 $0x108;
	s8 =	sld [smem:$0x3FA0]  }
0x2e: {  	s3 =	simm.s32 @!p0 $0x1082;
	s9 =	sld [smem:$0x3FA1]  }
0x2f: {  	lr =	sadd.s32 s0, s3;
	s0 =	sld [smem:$0x3F98]  }
0x30: {  	s3 =	sld [smem:$0x3F9B]  }
0x31: {  	[smem:$0x3FA4] =	sst s10  }
0x32: {  	s10 =	sld [smem:$0x3FA2];
	_ =	sdelay $0x3  }
0x33: {  	p0 =	seq.s32 s10, $0x1;
	s10 =	sld [smem:$0x3FA4];
	_ =	sdelay $0x3  }
0x34: {  	[smem:$0x3FA4] =	sst s10  }
0x35: {  	s10 =	sld [smem:$0x3FA3];
	_ =	sdelay $0x3  }
0x36: {  	p1 =	seq.s32 s10, $0x1;
	s10 =	sld [smem:$0x3FA4];
	_ =	sdelay $0x3  }
0x37: {  	[smem:$0x3FA4] =	sst s10  }
0x38: {  	s10 =	sld [smem:$0x3FA5]  }
0x39: {  	_ = 	snop;
	(pc) =	sbr.ind lr, $3  }
0x3a: {  	_ = 	snop  }
0x3b: {  	_ = 	snop  }
0x3c: {  	p2 =	seq.s32 s10, $0x1;
	s10 =	sld [smem:$0x3FA4]  }
0x3d: {  	_ =	shalt  }
0x3e: {  	_ =	shalt  }
0x3f: {  	_ =	shalt  }
0x40: {  	_ =	shalt  }
0x41: {  	_ =	shalt  }
0x42: {  	_ =	shalt  }
0x43: {  	_ =	shalt  }
0x44: {  	_ =	shalt  }
0x45: {  	_ =	shalt  }
0x46: {  	_ =	shalt  }
0x47: {  	_ =	shalt  }
0x48: {  	_ =	shalt  }
0x49: {  	_ =	shalt  }
0x4a: {  	_ =	shalt  }
0x4b: {  	_ =	shalt  }
0x4c: {  	_ =	shalt  }
0x4d: {  	_ =	shalt  }
0x4e: {  	_ =	shalt  }
0x4f: {  	_ =	shalt  }
0x50: {  	_ =	shalt  }
0x51: {  	_ =	shalt  }
0x52: {  	_ =	shalt  }
0x53: {  	_ =	shalt  }
0x54: {  	_ =	shalt  }
0x55: {  	_ =	shalt  }
0x56: {  	_ =	shalt  }
0x57: {  	_ =	shalt  }
0x58: {  	_ =	shalt  }
0x59: {  	_ =	shalt  }
0x5a: {  	_ =	shalt  }
0x5b: {  	_ =	shalt  }
0x5c: {  	_ =	shalt  }
0x5d: {  	_ =	shalt  }
0x5e: {  	_ =	shalt  }
0x5f: {  	_ =	shalt  }
0x60: {  	_ =	shalt  }
0x61: {  	_ =	shalt  }
0x62: {  	_ =	shalt  }
0x63: {  	_ =	shalt  }
0x64: {  	_ =	shalt  }
0x65: {  	_ =	shalt  }
0x66: {  	_ =	shalt  }
0x67: {  	_ =	shalt  }
0x68: {  	_ =	shalt  }
0x69: {  	_ =	shalt  }
0x6a: {  	_ =	shalt  }
0x6b: {  	_ =	shalt  }
0x6c: {  	_ =	shalt  }
0x6d: {  	_ =	shalt  }
0x6e: {  	_ =	shalt  }
0x6f: {  	_ =	shalt  }
0x70: {  	_ =	shalt  }
0x71: {  	_ =	shalt  }
0x72: {  	_ =	shalt  }
0x73: {  	_ =	shalt  }
0x74: {  	_ =	shalt  }
0x75: {  	_ =	shalt  }
0x76: {  	_ =	shalt  }
0x77: {  	_ =	shalt  }
0x78: {  	_ =	shalt  }
0x79: {  	_ =	shalt  }
0x7a: {  	_ =	shalt  }
0x7b: {  	_ =	shalt  }
0x7c: {  	_ =	shalt  }
0x7d: {  	_ =	shalt  }
0x7e: {  	_ =	shalt  }
0x7f: {  	_ =	shalt  }
0x80: {  	_ =	shalt  }
0x81: {  	_ =	shalt  }
0x82: {  	_ =	shalt  }
0x83: {  	_ =	shalt  }
0x84: {  	_ =	shalt  }
0x85: {  	_ =	shalt  }
0x86: {  	_ =	shalt  }
0x87: {  	_ =	shalt  }
.Lfunc_end0:
.L_simem_size_0:
called_computation_lowered:
.L_overlay_start_0:
0x88: {  	s2 =	sld [smem:$0x3FD9]  }
0x89: {  	s3 =	sld [smem:$0x3FFE];
	_ =	sdelay $0x1  }
0x8a: {  	s1 =	srdreg.scid  }
0x8b: {  	s0 =	sand.u32 $0x1, s1  }
0x8c: {  	s17 =	sshll.u32 s0, $0xA;
	s2 =	sadd.s32 s3, s2  }
0x8d: {  	s2 =	sadd.s32 s2, s17  }
0x8e: {  	[smem:$0x3FB0] =	sst s2  }
0x8f: {  	_ = 	snop  }
0x90: {  	s2 =	sld [smem:$0x3FC6];
	(tm) =	ssettm $0x1  }
0x91: {  	s18 =	sld [smem:$0x3FFB];
	_ =	sdelay $0x3  }
0x92: {  	_ =	strace s18  }
0x93: {  	s3 =	sld [smem:$0x3FFC];
	_ =	sdelay $0x3  }
0x94: {  	_ =	strace s3  }
0x95: {  	s3 =	sld [smem:$0x3FFD];
	_ =	sdelay $0x3  }
0x96: {  	_ =	strace s3  }
0x97: {  	_ =	strace $0x8FFFFFFF  }
0x98: {  	s19 =	sld [smem:$0x3FDB];
	_ =	sdelay $0x1  }
0x99: {  	s4 =	simm.s32 $_scs_section_size  }
0x9a: {  	s5 =	simm.s32 $_size__tile_overlayer_lowered;
	s6 =	simm.s32 $_tile_overlayer_lowered  }
0x9b: {  	s22 =	simm.s32 $0x1BFF;
	s21 =	sshll.u32 s6, $0x1;
	s3 =	sadd.s32 s4, s19  }
0x9c: {  	s7 =	simm.s32 $0x0;
	s20 =	sshll.u32 s5, $0x1;
	s5 =	sadd.s32 s21, s3  }
0x9d: {  	[timem:s7], [sflag:s22] =	dma.local [hbm:s5], s20  }
0x9e: {  	_ =	swait.ge [sflag:s22], s20  }
0x9f: {  	s4 =	ssub.s32 $0x0, s20;
	[sflag:s22] =	ssyncset.done $0x0  }
0xa0: {  	[sflag:s22] =	ssyncadd.s32 s4;
	_ =	sdelay $0x1  }
0xa1: {  	s23 =	simm.s32 $0x1B8B  }
0xa2: {  	_ =	swait.ge [sflag:s23], $0x1  }
0xa3: {  	[sflag:s23] =	ssyncset.done $0x0  }
0xa4: {  	s25 =	simm.s32 $0x1B8E;
	s24 =	sld [smem:$0x3FFE];
	[sflag:s23] =	ssyncadd.s32 $0xFFFFFFFF  }
0xa5: {  	s26 =	simm.s32 $execute0_lowered;
	[smem:$0x3FD2] =	sst s25  }
0xa6: {  	s5 =	sshll.u32 s26, $0x1;
	_ =	strace $0x80000046;
	[dreg:$0x1] =	wrdreg $0xFFFFFFFF  }
0xa7: {  	s28 =	simm.s32 $_size_execute0_lowered;
	s3 =	sadd.s32 s3, s5;
	[dreg:$0x0] =	wrdreg $0x0  }
0xa8: {  	s5 =	sshll.u32 s28, $0x1;
	[dreg:$0x2] =	wrdreg s3  }
0xa9: {  	[dreg:$0x3] =	wrdreg s5  }
0xaa: {  	[dreg:$0x4] =	wrdreg $0xC0  }
0xab: {  	_ =	task [dreg:s7], $0x5FFFF  }
0xac: {  	[dreg:$0x1] =	wrdreg $0xFFFFFFFF  }
0xad: {  	[dreg:$0x0] =	wrdreg $0x60  }
0xae: {  	[dreg:$0x2] =	wrdreg s24  }
0xaf: {  	[dreg:$0x3] =	wrdreg s2  }
0xb0: {  	[dreg:$0x4] =	wrdreg $0x9  }
0xb1: {  	_ =	task.clear_ibuf [dreg:s7], $0x5FFFF;
	_ =	strace $0x90000046  }
0xb2: {  	s29 =	simm.s32 $0x9;
	_ =	strace $0x80000048  }
0xb3: {  	_ =	swait.ge [sflag:s29], $0x1  }
0xb4: {  	[sflag:s29] =	ssyncadd.s32 $0xFFFFFFFF  }
0xb5: {  	_ =	strace $0x90000048  }
0xb6: {  	_ =	sfence  }
0xb7: {  	s30 =	sld [smem:$0x0];
	_ =	sdelay $0x2  }
0xb8: {  	s31 =	sshll.u32 s1, $0xD;
	s1 =	sshrl.u32 s1, $0x2  }
0xb9: {  	s3 =	sand.u32 $0x4000, s31;
	s1 =	sadd.s32 s1, s30  }
0xba: {  	s0 =	sor.u32 s3, s0;
	s1 =	sshll.u32 s1, $0x11  }
0xbb: {  	s0 =	sor.u32 s1, s0  }
0xbc: {  	s0 =	sadd.s32 $0x8F2B, s0  }
0xbd: {  	[sflag:s0] =	ssyncadd.remote.s32 $0x1  }
0xbe: {  	_ =	sfence.sel $0xFFFF  }
0xbf: {  	[dreg:$0x0] =	wrdreg $0xFFFFFFFF;
	(pc) =	sbr.abs _section_cstart, $3  }
0xc0: {  	[dreg:$0x1] =	wrdreg $0xFFFFFFFF  }
0xc1: {  	_ =	task.clear_ibuf [dreg:s7], $0x2FFFF;
	_ =	strace $0x9FFFFFFF  }
0xc2: {  	(tm) =	ssettm $0x7FFFFFFF  }
0xc3: {  	_ =	shalt  }
tec
execute0_lowered:
.L_overlay_start_1:
0x0: {  	(tag) =	ssettag $0x1  }
0x1: {  	s5 =	rddreg [dreg:$0x0]  }
0x2: {  	s2 =	rddreg [dreg:$0x1];
	s3 =	srdreg.scid  }
0x3: {  	s1 =	stileid.u32;
	s0 =	rddreg [dreg:$0x2]  }
0x4: {  	s15 =	simm.s32 $0x12580;
	s16 =	simm.s32 $0xC380;
	s17 =	simm.s32 $0x80  }
0x5: {  	s18 =	simm.s32 $0x12600;
	s19 =	simm.s32 $0x12E00;
	s20 =	simm.s32 $0x1  }
0x6: {  	s21 =	simm.s32 $0x12E80;
	s22 =	simm.s32 $0x0;
	s4 =	smul.u32 $0x186, s1  }
0x7: {  	s6 =	sand.u32 $0x1, s3;
	s3 =	simm.s32 $0x0;
	s29 =	smul.u32 $0xC30, s1  }
0x8: {  	s7 =	sshll.u32 s1, $0x1;
	p0 =	slt.u32 s1, $0x5;
	s8 =	smul.u32 $0xC3, s6  }
0x9: {  	[smem:$0x7FF] =	sst s3;
	s7 =	sor.u32 s6, s7;
	s30 =	smul.u32 $0x618, s6  }
0xa: {  	s11 =	ssub.s32 $0x2, s6;
	s9 =	smin.u32 s7, $0xA;
	s7 =	smul.u32 $0xC3, s7  }
0xb: {  	_ =	strace $0x80000047;
	s12 =	sshrl.u32 s11, $0x1;
	s4 =	sadd.s32 s8, s4  }
0xc: {  	s28 =	ssub.s32 s11, s12;
	s11 =	sadd.s32 s30, s29;
	s31 =	sshll.u32 s9, $0x3  }
0xd: {  	s8 =	sadd.s32 s9, s4;
	s4 =	sadd.s32 $0xCBE00, s5;
	s7 =	sadd.s32 s9, s7  }
0xe: {  	s11 =	sadd.s32 s31, s11;
	s13 =	sshll.u32 s8, $0x4;
	s7 =	sshll.u32 s7, $0x4  }
0xf: {  	s8 =	sshll.u32 s8, $0x8;
	s10 =	sadd.s32 s13, s5;
	s7 =	sadd.s32 s7, s5  }
0x10: {  	s14 =	sadd.s32 s8, s5;
	s5 =	simm.s32 $0xC4;
	s8 =	smax.u32 s28, $0x1  }
0x11: {  	s13 =	sadd.s32 s13, s4;
	s5 =	simm.s32 @!p0 $0xC3;
	s6 =	sadd.s32 $0x21000, s7  }
0x12: {  	s7 =	sadd.s32 $0x21C30, s7;
	s10 =	sadd.s32 $0x8800, s10;
	s12 =	sadd.s32 $0xE4600, s14  }
0x13: {  	s14 =	simm.s32 $0x2;
	p0 =	sgt.u32 s1, $0x4;
	s9 =	sshll.u32 s5, $0x3  }
.LBB2_1:
0x14: {  	[tilespmem:s3], [sflag:$0x2] =	stream.linear.gather [hbm4b:s2+s3], $0xC350, $0x38;
	[tilespmem:$0x13680] =	vst v63  }
0x15: {  	_ =	swait.ge [sflag:s14], $0xC350  }
0x16: {  	s23 =	simm.s32 $0xC3C0;
	[sflag:s14] =	ssyncset.done $0x0  }
0x17: {  	s24 =	smov.u32 s10;
	s25 =	simm.s32 $0x0;
	[sflag:s14] =	ssyncadd.s32 $0xFFFF3CB0  }
.LBB2_2:
0x18: {  	[tilespmem:s15], [sflag:$0x2] =	stream.linear.gather [hbm4b:s24+s3], $0x80, $0x38;
	[tilespmem:$0x13680] =	vst v63  }
0x19: {  	_ =	swait.ge [sflag:s14], $0x80  }
0x1a: {  	[sflag:s14] =	ssyncset.done $0x0  }
0x1b: {  	[sflag:s14] =	ssyncadd.s32 $0xFFFFFF80  }
0x1c: {  	v0 =	vld [tilespmem:$0x12580]  }
0x1d: {  	s26 =	sadd.s32 s25, s11  }
0x1e: {  	v1 =	vmov s26;
	_ =	sdelay $0x4  }
0x1f: {  	v1 =	vld.idx.msk [tilespmem:v1+s3+$0x0], $0xffff  }
0x20: {  	v2 =	vld.idx.msk [tilespmem:v0+s3+$0x0], $0xffff;
	_ =	sdelay $0x4  }
0x21: {  	vm0 =	veq.s32 v2, v1  }
0x22: {  	v0 =	vnsel vm0, s26, v0  }
0x23: {  	[tilespmem:s23+$0xFFFFFFC0] =	vst v0  }
0x24: {  	v0 =	vld [tilespmem:$0x12590]  }
0x25: {  	s28 =	sadd.s32 $0x1, s26  }
0x26: {  	v50 =	vmov s28;
	_ =	sdelay $0x4  }
0x27: {  	v1 =	vld.idx.msk [tilespmem:v50+s3+$0x0], $0xffff  }
0x28: {  	v51 =	vld.idx.msk [tilespmem:v0+s3+$0x0], $0xffff;
	_ =	sdelay $0x4  }
0x29: {  	vm9 =	veq.s32 v51, v1  }
0x2a: {  	v0 =	vnsel vm9, s28, v0  }
0x2b: {  	[tilespmem:s23+$0xFFFFFFD0] =	vst v0  }
0x2c: {  	v0 =	vld [tilespmem:$0x125A0]  }
0x2d: {  	s30 =	sadd.s32 $0x2, s26  }
0x2e: {  	v52 =	vmov s30;
	_ =	sdelay $0x4  }
0x2f: {  	v1 =	vld.idx.msk [tilespmem:v52+s3+$0x0], $0xffff  }
0x30: {  	v53 =	vld.idx.msk [tilespmem:v0+s3+$0x0], $0xffff;
	_ =	sdelay $0x4  }
0x31: {  	vm10 =	veq.s32 v53, v1  }
0x32: {  	v0 =	vnsel vm10, s30, v0  }
0x33: {  	[tilespmem:s23+$0xFFFFFFE0] =	vst v0  }
0x34: {  	v0 =	vld [tilespmem:$0x125B0]  }
0x35: {  	s31 =	sadd.s32 $0x3, s26  }
0x36: {  	v54 =	vmov s31;
	_ =	sdelay $0x4  }
0x37: {  	v1 =	vld.idx.msk [tilespmem:v54+s3+$0x0], $0xffff  }
0x38: {  	v55 =	vld.idx.msk [tilespmem:v0+s3+$0x0], $0xffff;
	_ =	sdelay $0x4  }
0x39: {  	vm11 =	veq.s32 v55, v1  }
0x3a: {  	v0 =	vnsel vm11, s31, v0  }
0x3b: {  	[tilespmem:s23+$0xFFFFFFF0] =	vst v0  }
0x3c: {  	v0 =	vld [tilespmem:$0x125C0]  }
0x3d: {  	s29 =	sadd.s32 $0x4, s26  }
0x3e: {  	v56 =	vmov s29;
	_ =	sdelay $0x4  }
0x3f: {  	v1 =	vld.idx.msk [tilespmem:v56+s3+$0x0], $0xffff  }
0x40: {  	v57 =	vld.idx.msk [tilespmem:v0+s3+$0x0], $0xffff;
	_ =	sdelay $0x4  }
0x41: {  	vm12 =	veq.s32 v57, v1  }
0x42: {  	v0 =	vnsel vm12, s29, v0  }
0x43: {  	[tilespmem:s23+$0x0] =	vst v0  }
0x44: {  	v0 =	vld [tilespmem:$0x125D0]  }
0x45: {  	s30 =	sadd.s32 $0x5, s26  }
0x46: {  	v58 =	vmov s30;
	_ =	sdelay $0x4  }
0x47: {  	v1 =	vld.idx.msk [tilespmem:v58+s3+$0x0], $0xffff  }
0x48: {  	v59 =	vld.idx.msk [tilespmem:v0+s3+$0x0], $0xffff;
	_ =	sdelay $0x4  }
0x49: {  	vm13 =	veq.s32 v59, v1  }
0x4a: {  	v0 =	vnsel vm13, s30, v0  }
0x4b: {  	[tilespmem:s23+$0x10] =	vst v0  }
0x4c: {  	v0 =	vld [tilespmem:$0x125E0]  }
0x4d: {  	s31 =	sadd.s32 $0x6, s26  }
0x4e: {  	v60 =	vmov s31;
	_ =	sdelay $0x4  }
0x4f: {  	v1 =	vld.idx.msk [tilespmem:v60+s3+$0x0], $0xffff  }
0x50: {  	v61 =	vld.idx.msk [tilespmem:v0+s3+$0x0], $0xffff;
	_ =	sdelay $0x4  }
0x51: {  	vm14 =	veq.s32 v61, v1  }
0x52: {  	v0 =	vnsel vm14, s31, v0  }
0x53: {  	[tilespmem:s23+$0x20] =	vst v0  }
0x54: {  	v0 =	vld [tilespmem:$0x125F0]  }
0x55: {  	s26 =	sadd.s32 $0x7, s26  }
0x56: {  	v62 =	vmov s26;
	_ =	sdelay $0x4  }
0x57: {  	v1 =	vld.idx.msk [tilespmem:v62+s3+$0x0], $0xffff  }
0x58: {  	v63 =	vld.idx.msk [tilespmem:v0+s3+$0x0], $0xffff  }
0x59: {  	s25 =	sadd.s32 $0x8, s25  }
0x5a: {  	p1 =	sne.s32 s9, s25  }
.Ltmp0:
0x5b: {  	_ = 	snop;
	(pc) =	sbr.rel @p1 .LBB2_2-.Ltmp0, $4  }
0x5c: {  	_ = 	snop  }
0x5d: {  	vm15 =	veq.s32 v63, v1  }
0x5e: {  	v0 =	vnsel vm15, s26, v0  }
0x5f: {  	s24 =	sadd.s32 $0x10, s24;
	[tilespmem:s23+$0x30] =	vst v0;
	s23 =	sadd.s32 $0x80, s23  }
0x60: {  	[hbm4b:s6+s3] =	stream.linear.scatter [tilespmem:s16], [sflag:$0x2], $0x6180, $0x38;
	[tilespmem:$0x13680] =	vst v63  }
0x61: {  	_ =	swait.ge [sflag:s14], $0x6180  }
0x62: {  	[sflag:s14] =	ssyncset.done $0x0  }
0x63: {  	s23 =	simm.s32 @!p0 $0x0;
	s24 =	simm.s32 @!p0 $0x12500;
	[sflag:s14] =	ssyncadd.s32 $0xFFFF9E80  }
0x64: {  	[hbm4b:s7+s23] =	stream.linear.scatter @!p0 [tilespmem:s24], [sflag:$0x2], $0x80, $0x38;
	[tilespmem:$0x13680] =	vst v63  }
0x65: {  	s23 =	simm.s32 @!p0 $0x2  }
0x66: {  	_ =	swait.ge @!p0 [sflag:s23], $0x80  }
0x67: {  	s25 =	smov.u32 s12;
	s26 =	smov.u32 s5;
	[sflag:s23] =	ssyncset.done @!p0 $0x0  }
0x68: {  	s24 =	smov.u32 s13;
	[sflag:s23] =	ssyncadd.s32 @!p0 $0xFFFFFF80;
	s23 =	simm.s32 $0xC380  }
.LBB2_4:
0x69: {  	[tilespmem:s18], [sflag:$0x1] =	stream.indirect.gather [hbm4b:s4+s17], $0x10, s23, s17, $0xb8;
	[tilespmem:$0x13680] =	vst v63  }
0x6a: {  	_ = 	snop  }
0x6b: {  	[tilespmem:s19], [sflag:$0x2] =	stream.linear.gather [hbm4b:s24+s3], $0x80, $0x38;
	[tilespmem:$0x13680] =	vst v63  }
0x6c: {  	_ =	swait.ge [sflag:s14], $0x80  }
0x6d: {  	[sflag:s14] =	ssyncset.done $0x0  }
0x6e: {  	[sflag:s14] =	ssyncadd.s32 $0xFFFFFF80  }
0x6f: {  	_ =	swait.ge [sflag:s20], $0x800  }
0x70: {  	[sflag:s20] =	ssyncset.done $0x0  }
0x71: {  	[sflag:s20] =	ssyncadd.s32 $0xFFFFF800  }
0x72: {  	v0 =	vld [tilespmem:$0x12E00]  }
0x73: {  	v1 =	vld [tilespmem:$0x12600]  }
0x74: {  	v2 =	vld [tilespmem:$0x12610]  }
0x75: {  	v3 =	vld [tilespmem:$0x12620]  }
0x76: {  	v4 =	vld [tilespmem:$0x12630]  }
0x77: {  	v5 =	vld [tilespmem:$0x12640]  }
0x78: {  	v6 =	vld [tilespmem:$0x12650]  }
0x79: {  	v7 =	vld [tilespmem:$0x12660]  }
0x7a: {  	v8 =	vld [tilespmem:$0x12670]  }
0x7b: {  	v9 =	vld [tilespmem:$0x12680]  }
0x7c: {  	v10 =	vld [tilespmem:$0x12690]  }
0x7d: {  	v11 =	vld [tilespmem:$0x126A0]  }
0x7e: {  	v12 =	vld [tilespmem:$0x126B0]  }
0x7f: {  	v13 =	vld [tilespmem:$0x126C0];
	v1 =	vsub.f32 v1, v0  }
0x80: {  	v14 =	vld [tilespmem:$0x126D0];
	v2 =	vsub.f32 v2, v0  }
0x81: {  	v26 =	vld [tilespmem:$0x126E0];
	v25 =	vsub.f32 v3, v0;
	[tilespmem:$0x12E80] =	vst v1  }
0x82: {  	v28 =	vld [tilespmem:$0x126F0];
	v27 =	vsub.f32 v4, v0;
	[tilespmem:$0x12E90] =	vst v2  }
0x83: {  	v31 =	vld [tilespmem:$0x12700];
	v29 =	vsub.f32 v5, v0;
	[tilespmem:$0x12EA0] =	vst v25  }
0x84: {  	v33 =	vld [tilespmem:$0x12710];
	v30 =	vsub.f32 v6, v0;
	[tilespmem:$0x12EB0] =	vst v27  }
0x85: {  	v35 =	vld [tilespmem:$0x12720];
	v32 =	vsub.f32 v7, v0;
	[tilespmem:$0x12EC0] =	vst v29  }
0x86: {  	v37 =	vld [tilespmem:$0x12730];
	v34 =	vsub.f32 v8, v0;
	[tilespmem:$0x12ED0] =	vst v30  }
0x87: {  	v39 =	vld [tilespmem:$0x12740];
	v36 =	vsub.f32 v9, v0;
	[tilespmem:$0x12EE0] =	vst v32  }
0x88: {  	v41 =	vld [tilespmem:$0x12750];
	v38 =	vsub.f32 v10, v0;
	[tilespmem:$0x12EF0] =	vst v34  }
0x89: {  	v43 =	vld [tilespmem:$0x12760];
	v40 =	vsub.f32 v11, v0;
	[tilespmem:$0x12F00] =	vst v36  }
0x8a: {  	v5 =	vld [tilespmem:$0x12E10];
	v42 =	vsub.f32 v12, v0;
	[tilespmem:$0x12F10] =	vst v38  }
0x8b: {  	v45 =	vld [tilespmem:$0x12770];
	v44 =	vsub.f32 v13, v0;
	[tilespmem:$0x12F20] =	vst v40  }
0x8c: {  	v47 =	vld [tilespmem:$0x12780];
	v46 =	vsub.f32 v14, v0;
	[tilespmem:$0x12F30] =	vst v42  }
0x8d: {  	v49 =	vld [tilespmem:$0x12790];
	v48 =	vsub.f32 v26, v0;
	[tilespmem:$0x12F40] =	vst v44  }
0x8e: {  	v50 =	vld [tilespmem:$0x127A0];
	v0 =	vsub.f32 v28, v0;
	[tilespmem:$0x12F50] =	vst v46  }
0x8f: {  	v52 =	vld [tilespmem:$0x127B0];
	[tilespmem:$0x12F60] =	vst v48;
	v51 =	vsub.f32 v31, v5  }
0x90: {  	v54 =	vld [tilespmem:$0x127C0];
	[tilespmem:$0x12F70] =	vst v0;
	v53 =	vsub.f32 v33, v5  }
0x91: {  	v56 =	vld [tilespmem:$0x127D0];
	v55 =	vsub.f32 v35, v5;
	[tilespmem:$0x12F80] =	vst v51  }
0x92: {  	v58 =	vld [tilespmem:$0x127E0];
	v57 =	vsub.f32 v37, v5;
	[tilespmem:$0x12F90] =	vst v53  }
0x93: {  	v60 =	vld [tilespmem:$0x127F0];
	v59 =	vsub.f32 v39, v5;
	[tilespmem:$0x12FA0] =	vst v55  }
0x94: {  	v63 =	vld [tilespmem:$0x12800];
	v61 =	vsub.f32 v41, v5;
	[tilespmem:$0x12FB0] =	vst v57  }
0x95: {  	v17 =	vld [tilespmem:$0x12810];
	v62 =	vsub.f32 v43, v5;
	[tilespmem:$0x12FC0] =	vst v59  }
0x96: {  	v19 =	vld [tilespmem:$0x12820];
	v16 =	vsub.f32 v45, v5;
	[tilespmem:$0x12FD0] =	vst v61  }
0x97: {  	v21 =	vld [tilespmem:$0x12830];
	v18 =	vsub.f32 v47, v5;
	[tilespmem:$0x12FE0] =	vst v62  }
0x98: {  	v23 =	vld [tilespmem:$0x12840];
	v20 =	vsub.f32 v49, v5;
	[tilespmem:$0x12FF0] =	vst v16  }
0x99: {  	v15 =	vld [tilespmem:$0x12990];
	v22 =	vsub.f32 v50, v5;
	[tilespmem:$0x13000] =	vst v18  }
0x9a: {  	v10 =	vld [tilespmem:$0x12E20];
	v24 =	vsub.f32 v52, v5;
	[tilespmem:$0x13010] =	vst v20  }
0x9b: {  	v13 =	vld [tilespmem:$0x12980];
	v26 =	vsub.f32 v54, v5;
	[tilespmem:$0x13020] =	vst v22  }
0x9c: {  	v25 =	vld [tilespmem:$0x12850];
	v28 =	vsub.f32 v56, v5;
	[tilespmem:$0x13030] =	vst v24  }
0x9d: {  	v27 =	vld [tilespmem:$0x12860];
	v30 =	vsub.f32 v58, v5;
	[tilespmem:$0x13040] =	vst v26  }
0x9e: {  	v29 =	vld [tilespmem:$0x12870];
	v32 =	vsub.f32 v60, v5;
	[tilespmem:$0x13050] =	vst v28  }
0x9f: {  	v31 =	vld [tilespmem:$0x12880];
	v34 =	vsub.f32 v63, v10;
	[tilespmem:$0x13060] =	vst v30  }
0xa0: {  	v33 =	vld [tilespmem:$0x12890];
	v36 =	vsub.f32 v17, v10;
	[tilespmem:$0x13070] =	vst v32  }
0xa1: {  	v35 =	vld [tilespmem:$0x128A0];
	v38 =	vsub.f32 v19, v10;
	[tilespmem:$0x13080] =	vst v34  }
0xa2: {  	v37 =	vld [tilespmem:$0x128B0];
	v40 =	vsub.f32 v21, v10;
	[tilespmem:$0x13090] =	vst v36  }
0xa3: {  	v39 =	vld [tilespmem:$0x128C0];
	v42 =	vsub.f32 v23, v10;
	[tilespmem:$0x130A0] =	vst v38  }
0xa4: {  	v41 =	vld [tilespmem:$0x128D0];
	[tilespmem:$0x130B0] =	vst v40;
	v44 =	vsub.f32 v25, v10  }
0xa5: {  	v43 =	vld [tilespmem:$0x128E0];
	[tilespmem:$0x130C0] =	vst v42;
	v46 =	vsub.f32 v27, v10  }
0xa6: {  	v45 =	vld [tilespmem:$0x128F0];
	v48 =	vsub.f32 v29, v10;
	[tilespmem:$0x130D0] =	vst v44  }
0xa7: {  	v47 =	vld [tilespmem:$0x12E30];
	[tilespmem:$0x130E0] =	vst v46;
	v50 =	vsub.f32 v31, v10  }
0xa8: {  	v49 =	vld [tilespmem:$0x12900];
	[tilespmem:$0x130F0] =	vst v48;
	v52 =	vsub.f32 v33, v10  }
0xa9: {  	v63 =	vld [tilespmem:$0x12970];
	v54 =	vsub.f32 v35, v10;
	[tilespmem:$0x13100] =	vst v50  }
0xaa: {  	v17 =	vld [tilespmem:$0x129A0];
	v56 =	vsub.f32 v37, v10;
	[tilespmem:$0x13110] =	vst v52  }
0xab: {  	v19 =	vld [tilespmem:$0x129B0];
	v58 =	vsub.f32 v39, v10;
	[tilespmem:$0x13120] =	vst v54  }
0xac: {  	v21 =	vld [tilespmem:$0x129C0];
	v60 =	vsub.f32 v41, v10;
	[tilespmem:$0x13130] =	vst v56  }
0xad: {  	v23 =	vld [tilespmem:$0x129D0];
	v62 =	vsub.f32 v43, v10;
	[tilespmem:$0x13140] =	vst v58  }
0xae: {  	v51 =	vld [tilespmem:$0x12910];
	v10 =	vsub.f32 v45, v10;
	[tilespmem:$0x13150] =	vst v60  }
0xaf: {  	v53 =	vld [tilespmem:$0x12920];
	v14 =	vsub.f32 v49, v47;
	[tilespmem:$0x13160] =	vst v62  }
0xb0: {  	v55 =	vld [tilespmem:$0x12930];
	v28 =	vsub.f32 v63, v47;
	[tilespmem:$0x13170] =	vst v10  }
0xb1: {  	v57 =	vld [tilespmem:$0x12940];
	v30 =	vsub.f32 v13, v47;
	[tilespmem:$0x13180] =	vst v14  }
0xb2: {  	v59 =	vld [tilespmem:$0x12950];
	v32 =	vsub.f32 v15, v47;
	[tilespmem:$0x131F0] =	vst v28  }
0xb3: {  	v61 =	vld [tilespmem:$0x12960];
	v34 =	vsub.f32 v17, v47;
	[tilespmem:$0x13200] =	vst v30  }
0xb4: {  	v25 =	vld [tilespmem:$0x129E0];
	v36 =	vsub.f32 v19, v47;
	[tilespmem:$0x13210] =	vst v32  }
0xb5: {  	v27 =	vld [tilespmem:$0x129F0];
	v38 =	vsub.f32 v21, v47;
	[tilespmem:$0x13220] =	vst v34  }
0xb6: {  	v29 =	vld [tilespmem:$0x12E40];
	v40 =	vsub.f32 v23, v47;
	[tilespmem:$0x13230] =	vst v36  }
0xb7: {  	v31 =	vld [tilespmem:$0x12A00];
	v16 =	vsub.f32 v51, v47;
	[tilespmem:$0x13240] =	vst v38  }
0xb8: {  	v33 =	vld [tilespmem:$0x12A10];
	v18 =	vsub.f32 v53, v47;
	[tilespmem:$0x13250] =	vst v40  }
0xb9: {  	v35 =	vld [tilespmem:$0x12A20];
	v20 =	vsub.f32 v55, v47;
	[tilespmem:$0x13190] =	vst v16  }
0xba: {  	v37 =	vld [tilespmem:$0x12A30];
	v22 =	vsub.f32 v57, v47;
	[tilespmem:$0x131A0] =	vst v18  }
0xbb: {  	v39 =	vld [tilespmem:$0x12A40];
	v24 =	vsub.f32 v59, v47;
	[tilespmem:$0x131B0] =	vst v20  }
0xbc: {  	v41 =	vld [tilespmem:$0x12A50];
	v26 =	vsub.f32 v61, v47;
	[tilespmem:$0x131C0] =	vst v22  }
0xbd: {  	v43 =	vld [tilespmem:$0x12A60];
	v42 =	vsub.f32 v25, v47;
	[tilespmem:$0x131D0] =	vst v24  }
0xbe: {  	v45 =	vld [tilespmem:$0x12A70];
	v44 =	vsub.f32 v27, v47;
	[tilespmem:$0x131E0] =	vst v26  }
0xbf: {  	v49 =	vld [tilespmem:$0x12A90];
	[tilespmem:$0x13260] =	vst v42;
	v46 =	vsub.f32 v31, v29  }
0xc0: {  	v63 =	vld [tilespmem:$0x12E50];
	[tilespmem:$0x13270] =	vst v44;
	v48 =	vsub.f32 v33, v29  }
0xc1: {  	v13 =	vld [tilespmem:$0x12B00];
	v50 =	vsub.f32 v35, v29;
	[tilespmem:$0x13280] =	vst v46  }
0xc2: {  	v15 =	vld [tilespmem:$0x12B10];
	v52 =	vsub.f32 v37, v29;
	[tilespmem:$0x13290] =	vst v48  }
0xc3: {  	v17 =	vld [tilespmem:$0x12B20];
	v54 =	vsub.f32 v39, v29;
	[tilespmem:$0x132A0] =	vst v50  }
0xc4: {  	v19 =	vld [tilespmem:$0x12B30];
	v56 =	vsub.f32 v41, v29;
	[tilespmem:$0x132B0] =	vst v52  }
0xc5: {  	v21 =	vld [tilespmem:$0x12B40];
	v58 =	vsub.f32 v43, v29;
	[tilespmem:$0x132C0] =	vst v54  }
0xc6: {  	v23 =	vld [tilespmem:$0x12B50];
	v60 =	vsub.f32 v45, v29;
	[tilespmem:$0x132D0] =	vst v56  }
0xc7: {  	v47 =	vld [tilespmem:$0x12A80];
	v12 =	vsub.f32 v49, v29;
	[tilespmem:$0x132E0] =	vst v58  }
0xc8: {  	v51 =	vld [tilespmem:$0x12AA0];
	v26 =	vsub.f32 v13, v63;
	[tilespmem:$0x132F0] =	vst v60  }
0xc9: {  	v53 =	vld [tilespmem:$0x12AB0];
	v28 =	vsub.f32 v15, v63;
	[tilespmem:$0x13310] =	vst v12  }
0xca: {  	v55 =	vld [tilespmem:$0x12AC0];
	v30 =	vsub.f32 v17, v63;
	[tilespmem:$0x13380] =	vst v26  }
0xcb: {  	v57 =	vld [tilespmem:$0x12AD0];
	v32 =	vsub.f32 v19, v63;
	[tilespmem:$0x13390] =	vst v28  }
0xcc: {  	v59 =	vld [tilespmem:$0x12AE0];
	v34 =	vsub.f32 v21, v63;
	[tilespmem:$0x133A0] =	vst v30  }
0xcd: {  	v61 =	vld [tilespmem:$0x12AF0];
	v36 =	vsub.f32 v23, v63;
	[tilespmem:$0x133B0] =	vst v32  }
0xce: {  	v25 =	vld [tilespmem:$0x12B60];
	v62 =	vsub.f32 v47, v29;
	[tilespmem:$0x133C0] =	vst v34  }
0xcf: {  	v27 =	vld [tilespmem:$0x12B70];
	v14 =	vsub.f32 v51, v29;
	[tilespmem:$0x133D0] =	vst v36  }
0xd0: {  	v31 =	vld [tilespmem:$0x12B90];
	v16 =	vsub.f32 v53, v29;
	[tilespmem:$0x13300] =	vst v62  }
0xd1: {  	v33 =	vld [tilespmem:$0x12BA0];
	v18 =	vsub.f32 v55, v29;
	[tilespmem:$0x13320] =	vst v14  }
0xd2: {  	v35 =	vld [tilespmem:$0x12BB0];
	v20 =	vsub.f32 v57, v29;
	[tilespmem:$0x13330] =	vst v16  }
0xd3: {  	v37 =	vld [tilespmem:$0x12BC0];
	v22 =	vsub.f32 v59, v29;
	[tilespmem:$0x13340] =	vst v18  }
0xd4: {  	v39 =	vld [tilespmem:$0x12BD0];
	v24 =	vsub.f32 v61, v29;
	[tilespmem:$0x13350] =	vst v20  }
0xd5: {  	v41 =	vld [tilespmem:$0x12BE0];
	v38 =	vsub.f32 v25, v63;
	[tilespmem:$0x13360] =	vst v22  }
0xd6: {  	v43 =	vld [tilespmem:$0x12BF0];
	v40 =	vsub.f32 v27, v63;
	[tilespmem:$0x13370] =	vst v24  }
0xd7: {  	v45 =	vld [tilespmem:$0x12E60];
	[tilespmem:$0x133E0] =	vst v38;
	v44 =	vsub.f32 v31, v63  }
0xd8: {  	v49 =	vld [tilespmem:$0x12C10];
	[tilespmem:$0x133F0] =	vst v40;
	v46 =	vsub.f32 v33, v63  }
0xd9: {  	v29 =	vld [tilespmem:$0x12B80];
	v48 =	vsub.f32 v35, v63;
	[tilespmem:$0x13410] =	vst v44  }
0xda: {  	v47 =	vld [tilespmem:$0x12C00];
	v50 =	vsub.f32 v37, v63;
	[tilespmem:$0x13420] =	vst v46  }
0xdb: {  	v51 =	vld [tilespmem:$0x12C20];
	v52 =	vsub.f32 v39, v63;
	[tilespmem:$0x13430] =	vst v48  }
0xdc: {  	v53 =	vld [tilespmem:$0x12C30];
	v54 =	vsub.f32 v41, v63;
	[tilespmem:$0x13440] =	vst v50  }
0xdd: {  	v55 =	vld [tilespmem:$0x12C40];
	v56 =	vsub.f32 v43, v63;
	[tilespmem:$0x13450] =	vst v52  }
0xde: {  	v57 =	vld [tilespmem:$0x12C50];
	v60 =	vsub.f32 v49, v45;
	[tilespmem:$0x13460] =	vst v54  }
0xdf: {  	v59 =	vld [tilespmem:$0x12C60];
	v42 =	vsub.f32 v29, v63;
	[tilespmem:$0x13470] =	vst v56  }
0xe0: {  	v61 =	vld [tilespmem:$0x12C70];
	v58 =	vsub.f32 v47, v45;
	[tilespmem:$0x13490] =	vst v60  }
0xe1: {  	v12 =	vld [tilespmem:$0x12C90];
	v62 =	vsub.f32 v51, v45;
	[tilespmem:$0x13400] =	vst v42  }
0xe2: {  	v26 =	vld [tilespmem:$0x12E70];
	v11 =	vsub.f32 v53, v45;
	[tilespmem:$0x13480] =	vst v58  }
0xe3: {  	v28 =	vld [tilespmem:$0x12D00];
	v13 =	vsub.f32 v55, v45;
	[tilespmem:$0x134A0] =	vst v62  }
0xe4: {  	v30 =	vld [tilespmem:$0x12D10];
	v15 =	vsub.f32 v57, v45;
	[tilespmem:$0x134B0] =	vst v11  }
0xe5: {  	v32 =	vld [tilespmem:$0x12D20];
	v17 =	vsub.f32 v59, v45;
	[tilespmem:$0x134C0] =	vst v13  }
0xe6: {  	v34 =	vld [tilespmem:$0x12D30];
	v19 =	vsub.f32 v61, v45;
	[tilespmem:$0x134D0] =	vst v15  }
0xe7: {  	v14 =	vld [tilespmem:$0x12CA0];
	v23 =	vsub.f32 v12, v45;
	[tilespmem:$0x134E0] =	vst v17  }
0xe8: {  	v16 =	vld [tilespmem:$0x12CB0];
	v37 =	vsub.f32 v28, v26;
	[tilespmem:$0x134F0] =	vst v19  }
0xe9: {  	v18 =	vld [tilespmem:$0x12CC0];
	v39 =	vsub.f32 v30, v26;
	[tilespmem:$0x13510] =	vst v23  }
0xea: {  	v20 =	vld [tilespmem:$0x12CD0];
	v41 =	vsub.f32 v32, v26;
	[tilespmem:$0x13580] =	vst v37  }
0xeb: {  	v22 =	vld [tilespmem:$0x12CE0];
	v43 =	vsub.f32 v34, v26;
	[tilespmem:$0x13590] =	vst v39  }
0xec: {  	v24 =	vld [tilespmem:$0x12CF0];
	v25 =	vsub.f32 v14, v45;
	[tilespmem:$0x135A0] =	vst v41  }
0xed: {  	v38 =	vld [tilespmem:$0x12D50];
	v27 =	vsub.f32 v16, v45;
	[tilespmem:$0x135B0] =	vst v43  }
0xee: {  	v40 =	vld [tilespmem:$0x12D60];
	v29 =	vsub.f32 v18, v45;
	[tilespmem:$0x13520] =	vst v25  }
0xef: {  	v63 =	vld [tilespmem:$0x12C80];
	v31 =	vsub.f32 v20, v45;
	[tilespmem:$0x13530] =	vst v27  }
0xf0: {  	v36 =	vld [tilespmem:$0x12D40];
	v33 =	vsub.f32 v22, v45;
	[tilespmem:$0x13540] =	vst v29  }
0xf1: {  	v44 =	vld [tilespmem:$0x12D80];
	v35 =	vsub.f32 v24, v45;
	[tilespmem:$0x13550] =	vst v31  }
0xf2: {  	v46 =	vld [tilespmem:$0x12D90];
	v47 =	vsub.f32 v38, v26;
	[tilespmem:$0x13560] =	vst v33  }
0xf3: {  	v48 =	vld [tilespmem:$0x12DA0];
	v49 =	vsub.f32 v40, v26;
	[tilespmem:$0x13570] =	vst v35  }
0xf4: {  	v50 =	vld [tilespmem:$0x12DB0];
	[tilespmem:$0x135D0] =	vst v47;
	v21 =	vsub.f32 v63, v45  }
0xf5: {  	v52 =	vld [tilespmem:$0x12DC0];
	[tilespmem:$0x135E0] =	vst v49;
	v45 =	vsub.f32 v36, v26  }
0xf6: {  	v54 =	vld [tilespmem:$0x12DD0];
	v53 =	vsub.f32 v44, v26;
	[tilespmem:$0x13500] =	vst v21  }
0xf7: {  	v56 =	vld [tilespmem:$0x12DE0];
	v55 =	vsub.f32 v46, v26;
	[tilespmem:$0x135C0] =	vst v45  }
0xf8: {  	v42 =	vld [tilespmem:$0x12D70];
	v57 =	vsub.f32 v48, v26;
	[tilespmem:$0x13600] =	vst v53  }
0xf9: {  	v58 =	vld [tilespmem:$0x12DF0];
	v59 =	vsub.f32 v50, v26;
	[tilespmem:$0x13610] =	vst v55  }
0xfa: {  	v60 =	vsub.f32 v52, v26;
	[tilespmem:$0x13620] =	vst v57  }
0xfb: {  	v61 =	vsub.f32 v54, v26;
	[tilespmem:$0x13630] =	vst v59  }
0xfc: {  	v62 =	vsub.f32 v56, v26;
	[tilespmem:$0x13640] =	vst v60  }
0xfd: {  	v51 =	vsub.f32 v42, v26;
	[tilespmem:$0x13650] =	vst v61  }
0xfe: {  	v63 =	vsub.f32 v58, v26;
	[tilespmem:$0x13660] =	vst v62  }
0xff: {  	p1 =	sne.s32 s26, $0x1;
	[tilespmem:$0x135F0] =	vst v51  }
.Ltmp1:
0x100: {  	[tilespmem:$0x13670] =	vst v63;
	(pc) =	sbr.rel @p1 .LBB2_4-.Ltmp1, $4  }
0x101: {  	[hbm4b:s25+s3] =	stream.linear.scatter [tilespmem:s21], [sflag:$0x2], $0x800, $0x38;
	[tilespmem:$0x13680] =	vst v63  }
0x102: {  	_ =	swait.ge [sflag:s14], $0x800  }
0x103: {  	s23 =	sadd.s32 $0x80, s23;
	s26 =	sadd.s32 $0xFFFFFFFF, s26;
	[sflag:s14] =	ssyncset.done $0x0  }
0x104: {  	s24 =	sadd.s32 $0x10, s24;
	s25 =	sadd.s32 $0x100, s25;
	[sflag:s14] =	ssyncadd.s32 $0xFFFFF800  }
0x105: {  	s22 =	sadd.s32 $0x1, s22  }
0x106: {  	p1 =	sne.s32 s22, s8  }
.Ltmp2:
0x107: {  	_ = 	snop;
	(pc) =	sbr.rel @p1 .LBB2_1-.Ltmp2, $1  }
0x108: {  	_ =	sdelay $0x3  }
0x109: {  	_ =	sfence.sel $0x180000  }
0x10a: {  	[bflag:$0x0] =	sbarrier.arrive $0xFFFF  }
0x10b: {  	p0 =	sne.s32 s1, $0x0;
	_ =	strace $0x90000047  }
0x10c: {  	s0 =	sadd.s32 @!p0 $0x100000, s0;
	[bflag:$0x2] =	sbarrier.arrive $0xFFFF  }
0x10d: {  	[sflag:s0] =	ssyncadd.tile.s32 @!p0 $0x1;
	_ =	shalt  }
.Lfunc_end2:
_tile_overlayer_lowered:
.L_overlay_start_2:
0x10e: {  	(tag) =	ssettag $0x2  }
0x10f: {  	s0 =	rddreg [dreg:$0x0];
	s2 =	stileid.u32  }
0x110: {  	s1 =	rddreg [dreg:$0x1];
	p0 =	sne.s32 s2, $0x0  }
0x111: {  	s3 =	rddreg [dreg:$0x2];
	[bflag:$0x3] =	sbarrier.arrive $0xFFFF;
	s2 =	simm.s32 @!p0 $0x1C02  }
0x112: {  	[timem:s3], [sflag:s2] =	dma.local @!p0 [hbm:s0], s1  }
0x113: {  	s0 =	simm.s32 @!p0 $0x2  }
0x114: {  	_ =	swait.ge @!p0 [sflag:s0], s1  }
0x115: {  	s1 =	ssub.s32 @!p0 $0x0, s1;
	[sflag:s0] =	ssyncset.done @!p0 $0x0  }
0x116: {  	[sflag:s0] =	ssyncadd.s32 @!p0 s1  }
0x117: {  	[bflag:$0x3] =	sbarrier.arrive $0xFFFF  }
0x118: {  	_ =	shalt  }

</sc_bundles>
